<compile_context>
chip_gen: v7x
topology: tpu7x:2x2x1
jax: 0.10.2.dev20260603
libtpu: 0.0.44.dev20260713+nightly
codegen_flags: <defaults>
</compile_context>

<pallas_src>
import functools

import jax
import jax.numpy as jnp
from jax import lax
from jax.experimental import pallas as pl
from jax.experimental.pallas import tpu as pltpu
from jax.experimental.pallas import tpu_sc as plsc

N = 10000
E = 320000
D = 128

NC = 2
NS = 16
NW = NC * NS

CHUNK = 128
EPT = 10240
E_PAD = NW * EPT
KPT = EPT // CHUNK
NACC = 10240
RPT = NACC // NS
PAD_ROWS = NACC - N

_mesh = plsc.VectorSubcoreMesh(core_axis_name="c", subcore_axis_name="s")


def _zero_rows(zbuf, lanes):
    z = jnp.zeros((16,), jnp.float32)

    @pl.loop(0, 64)
    def _(i):
        for k in range(lanes // 16):
            zbuf[i, pl.ds(k * 16, 16)] = z


@functools.partial(
    pl.kernel,
    out_type=jax.ShapeDtypeStruct((NC, NACC, 16), jnp.float32),
    mesh=_mesh,
    scratch_types=[
        pltpu.VMEM((KPT, CHUNK), jnp.int32),
        pltpu.VMEM((CHUNK, 16), jnp.float32),
        pltpu.VMEM((64, 16), jnp.float32),
        pltpu.VMEM_SHARED((NACC, 16), jnp.float32),
    ],
)
def _deg_kernel(dst_hbm, out_hbm, idx_v, ones_v, zbuf, acc):
    c = lax.axis_index("c")
    s = lax.axis_index("s")
    wid = c * NS + s

    one = jnp.ones((16,), jnp.float32)

    @pl.loop(0, CHUNK)
    def _(i):
        ones_v[i, :] = one

    _zero_rows(zbuf, 16)

    @pl.loop(0, RPT // 64)
    def _(t):
        pltpu.sync_copy(zbuf, acc.at[pl.ds(s * RPT + t * 64, 64)])

    pltpu.sync_copy(dst_hbm.at[pl.ds(wid * KPT, KPT)], idx_v)
    plsc.subcore_barrier()

    @pl.loop(0, KPT)
    def _(j):
        pltpu.sync_copy(ones_v, acc.at[idx_v.at[j]], add=True)

    plsc.subcore_barrier()
    pltpu.sync_copy(acc.at[pl.ds(s * RPT, RPT)], out_hbm.at[c].at[pl.ds(s * RPT, RPT)])


NBUF = 2
HKPT = KPT // 2


@functools.partial(
    pl.kernel,
    out_type=jax.ShapeDtypeStruct((NC, NACC, D), jnp.float32),
    mesh=_mesh,
    scratch_types=[
        pltpu.VMEM((HKPT, CHUNK), jnp.int32),
        pltpu.VMEM((HKPT, CHUNK), jnp.int32),
        pltpu.VMEM((NBUF, CHUNK, D), jnp.float32),
        pltpu.VMEM_SHARED((NACC, D), jnp.float32),
        pltpu.SemaphoreType.DMA((NBUF,)),
    ],
)
def _scatter_kernel(y_hbm, src_hbm, dst_hbm, out_hbm, src_v, dst_v, rows_v,
                    acc, gsem):
    c = lax.axis_index("c")
    s = lax.axis_index("s")
    wid = c * NS + s

    z = jnp.zeros((16,), jnp.float32)

    @pl.loop(0, CHUNK)
    def _(i):
        for k in range(D // 16):
            rows_v[0, i, pl.ds(k * 16, 16)] = z

    @pl.loop(0, RPT // CHUNK)
    def _(t):
        pltpu.sync_copy(rows_v.at[0], acc.at[pl.ds(s * RPT + t * CHUNK, CHUNK)])

    plsc.subcore_barrier()

    NSUB = 4
    SUB = CHUNK // NSUB

    def gather(j, b):
        for q in range(NSUB):
            pltpu.async_copy(y_hbm.at[src_v.at[j, pl.ds(q * SUB, SUB)]],
                             rows_v.at[b, pl.ds(q * SUB, SUB)], gsem.at[b])

    def wait_g(j, b):
        for q in range(NSUB):
            pltpu.make_async_copy(y_hbm.at[src_v.at[j, pl.ds(q * SUB, SUB)]],
                                  rows_v.at[b, pl.ds(q * SUB, SUB)],
                                  gsem.at[b]).wait()

    def scatter(j, b):
        pltpu.sync_copy(rows_v.at[b], acc.at[dst_v.at[j]], add=True)

    for p in range(2):
        pltpu.sync_copy(src_hbm.at[pl.ds(wid * KPT + p * HKPT, HKPT)], src_v)
        pltpu.sync_copy(dst_hbm.at[pl.ds(wid * KPT + p * HKPT, HKPT)], dst_v)

        gather(0, 0)

        @pl.loop(0, HKPT // 2 - 1)
        def _(g):
            j0 = 2 * g
            wait_g(j0, 0); gather(j0 + 1, 1); scatter(j0, 0)
            wait_g(j0 + 1, 1); gather(j0 + 2, 0); scatter(j0 + 1, 1)

        wait_g(HKPT - 2, 0); gather(HKPT - 1, 1); scatter(HKPT - 2, 0)
        wait_g(HKPT - 1, 1); scatter(HKPT - 1, 1)

    plsc.subcore_barrier()
    pltpu.sync_copy(acc.at[pl.ds(s * RPT, RPT)], out_hbm.at[c].at[pl.ds(s * RPT, RPT)])


def _mm_body(x_ref, w_ref, o_ref):
    o_ref[...] = jnp.dot(x_ref[...], w_ref[...], preferred_element_type=jnp.float32)


def _scale_body(xw_ref, dp_ref, y_ref, disb_ref):
    deg = 1.0 + dp_ref[0, :N, 0:1] + dp_ref[1, :N, 0:1]
    disb = jnp.broadcast_to(lax.rsqrt(deg), (N, D))
    disb_ref[...] = disb
    y_ref[...] = xw_ref[...] * disb


def _bn(t, g_ref, be_ref):
    m = jnp.mean(t, axis=0, keepdims=True)
    v = jnp.mean((t - m) * (t - m), axis=0, keepdims=True)
    return (t - m) * lax.rsqrt(v + 1e-5) * g_ref[...] + be_ref[...]


def _mid_body(p_ref, y1_ref, disb_ref, b1_ref, g1_ref, be1_ref, w2_ref, y2_ref):
    disb = disb_ref[...]
    t = (p_ref[0, :N, :] + p_ref[1, :N, :] + y1_ref[...]) * disb + b1_ref[...]
    h = jnp.maximum(_bn(t, g1_ref, be1_ref), 0.0)
    y2_ref[...] = jnp.dot(h, w2_ref[...], preferred_element_type=jnp.float32) * disb


def _final_body(q_ref, y2_ref, disb_ref, b2_ref, g2_ref, be2_ref, o_ref):
    t = (q_ref[0, :N, :] + q_ref[1, :N, :] + y2_ref[...]) * disb_ref[...] + b2_ref[...]
    o_ref[...] = _bn(t, g2_ref, be2_ref)


_tc_params = pltpu.CompilerParams(vmem_limit_bytes=100 * 1024 * 1024)

_mm = pl.pallas_call(
    _mm_body,
    out_shape=jax.ShapeDtypeStruct((N, D), jnp.float32),
    compiler_params=_tc_params,
)

_scale = pl.pallas_call(
    _scale_body,
    out_shape=[jax.ShapeDtypeStruct((N, D), jnp.float32),
               jax.ShapeDtypeStruct((N, D), jnp.float32)],
    compiler_params=_tc_params,
)

_mid = pl.pallas_call(
    _mid_body,
    out_shape=jax.ShapeDtypeStruct((N, D), jnp.float32),
    compiler_params=_tc_params,
)

_final = pl.pallas_call(
    _final_body,
    out_shape=jax.ShapeDtypeStruct((N, D), jnp.float32),
    compiler_params=_tc_params,
)


def kernel(x, edge_index, W1, b1, g1, be1, W2, b2, g2, be2):
    pad = E_PAD - E
    src = jnp.concatenate(
        [edge_index[0], jnp.zeros((pad,), jnp.int32)]).reshape(E_PAD // CHUNK, CHUNK)
    dst = jnp.concatenate(
        [edge_index[1],
         N + (jnp.arange(pad, dtype=jnp.int32) % PAD_ROWS)]).reshape(E_PAD // CHUNK, CHUNK)

    xw1 = _mm(x, W1)
    degp = _deg_kernel(dst)
    y1, disb = _scale(xw1, degp)
    p = _scatter_kernel(y1, src, dst)
    y2 = _mid(p, y1, disb, b1.reshape(1, D), g1.reshape(1, D), be1.reshape(1, D), W2)
    q = _scatter_kernel(y2, src, dst)
    out = _final(q, y2, disb, b2.reshape(1, D), g2.reshape(1, D), be2.reshape(1, D))
    return out

# --- scband reference (transcript-rebuilt; emitter-appended) ---
"""Pipeline reference for scband-gcnencoder-87213605912768 (READ-ONLY COPY).

The authoritative reference and input builder live on the scoring server;
editing this copy changes nothing except your own understanding.
"""

import jax, jax.numpy as jnp
import numpy as np

N = 10000
E = 320000
D_IN = 128
D_HID = 128
D_OUT = 128


def setup_inputs(seed: int = 0) -> dict:
    key = jax.random.key(seed)
    ks = jax.random.split(key, 6)
    x = jax.random.normal(ks[0], (N, D_IN), dtype=jnp.float32)
    edge_index = jax.random.randint(ks[1], (2, E), 0, N, dtype=jnp.int32)
    s1 = 1.0 / np.sqrt(D_IN)
    s2 = 1.0 / np.sqrt(D_HID)
    W1 = jax.random.uniform(ks[2], (D_IN, D_HID), dtype=jnp.float32, minval=-s1, maxval=s1)
    b1 = jnp.zeros((D_HID,), dtype=jnp.float32)
    g1 = jnp.ones((D_HID,), dtype=jnp.float32)
    be1 = jnp.zeros((D_HID,), dtype=jnp.float32)
    W2 = jax.random.uniform(ks[3], (D_HID, D_OUT), dtype=jnp.float32, minval=-s2, maxval=s2)
    b2 = jnp.zeros((D_OUT,), dtype=jnp.float32)
    g2 = jnp.ones((D_OUT,), dtype=jnp.float32)
    be2 = jnp.zeros((D_OUT,), dtype=jnp.float32)
    return {"x": x, "edge_index": edge_index, "W1": W1, "b1": b1, "g1": g1, "be1": be1, "W2": W2, "b2": b2, "g2": g2, "be2": be2}


def _gcn_conv(x, edge_index, W, b):
    # PyG GCNConv: add self-loops, symmetric normalization, sum-aggregate, bias.
    n = x.shape[0]
    loop = jnp.arange(n, dtype=edge_index.dtype)
    src = jnp.concatenate([edge_index[0], loop])
    dst = jnp.concatenate([edge_index[1], loop])
    deg = jnp.zeros((n,), dtype=x.dtype).at[dst].add(1.0)
    dis = jnp.where(deg > 0, 1.0 / jnp.sqrt(deg), 0.0)
    norm = dis[src] * dis[dst]
    xw = x @ W
    msg = xw[src] * norm[:, None]
    out = jnp.zeros((n, W.shape[1]), dtype=x.dtype).at[dst].add(msg)
    return out + b


def _batch_norm(x, gamma, beta, eps=1e-5):
    m = jnp.mean(x, axis=0)
    v = jnp.var(x, axis=0)
    return (x - m) / jnp.sqrt(v + eps) * gamma + beta


def reference(x, edge_index, W1, b1, g1, be1, W2, b2, g2, be2):
    h = _gcn_conv(x, edge_index, W1, b1)
    h = _batch_norm(h, g1, be1)
    h = jax.nn.relu(h)
    # dropout is identity in eval mode
    out = _gcn_conv(h, edge_index, W2, b2)
    out = _batch_norm(out, g2, be2)
    return out

if __name__ == "__main__":
    import jax
    _d = setup_inputs()
    print(jax.jit(kernel)(*tuple(_d.values())))

</pallas_src>

<mosaic_0001>
#map = affine_map<(d0, d1) -> (0, 0)>
#map1 = affine_map<(d0, d1) -> (0, 0, 0)>
module attributes {stable_mosaic.version = 14 : i64} {
  func.func @_scatter_kernel(%arg0: i32, %arg1: i32, %arg2: memref<10000x128xf32, #tpu.memory_space<hbm>>, %arg3: memref<2560x128xi32, #tpu.memory_space<hbm>>, %arg4: memref<2560x128xi32, #tpu.memory_space<hbm>>, %arg5: memref<2x10240x128xf32, #tpu.memory_space<hbm>>, %arg6: memref<40x128xi32, #tpu.memory_space<vmem>>, %arg7: memref<40x128xi32, #tpu.memory_space<vmem>>, %arg8: memref<2x128x128xf32, #tpu.memory_space<vmem>>, %arg9: memref<10240x128xf32, #tpu.memory_space<vmem_shared>>, %arg10: memref<2x!tpu.dma_semaphore, #tpu.memory_space<semaphore_mem>>) attributes {dimension_semantics = [#tpu.dimension_semantics<core_parallel>, #tpu.dimension_semantics<subcore_parallel>], iteration_bounds = array<i64: 2, 16>, scalar_prefetch = 0 : i64, scratch_operands = 5 : i64, tpu.core_type = #tpu.core_type<sc_vector_subcore>, window_params = [{transform_indices = #map}, {transform_indices = #map}, {transform_indices = #map}, {transform_indices = #map1}]} {
    %mul3A = arith.constant 16 : i32
    %mul3A_0 = arith.muli %arg0, %mul3A : i32
    %add3A = arith.addi %mul3A_0, %arg1 : i32
    %broadcast_in_dim3A = arith.constant 0.000000e+00 : f32
    %broadcast_in_dim3A_1 = vector.broadcast %broadcast_in_dim3A : f32 to vector<16xf32>
    %scan3A = arith.constant 0 : i32
    %scan3A_2 = arith.constant 128 : i32
    %scan3A_3 = arith.addi %scan3A, %scan3A_2 : i32
    %scan3A_4 = arith.constant 1 : i32
    scf.for %scan3A_527 = %scan3A to %scan3A_3 step %scan3A_4  : i32 {
      %mul3A_528 = arith.constant 1 : i32
      %mul3A_529 = arith.muli %scan3A_527, %mul3A_528 : i32
      %add3A_530 = arith.constant 0 : i32
      %add3A_531 = arith.addi %add3A_530, %mul3A_529 : i32
      %swap3A = arith.constant 0 : i32
      %swap3A_532 = arith.index_cast %swap3A : i32 to index
      %swap3A_533 = arith.index_cast %add3A_531 : i32 to index
      %swap3A_534 = arith.constant 0 : index
      %swap3A_535 = tpu.vector_load %arg8[%swap3A_532, %swap3A_533, %swap3A_534] {strides = array<i32>} : memref<2x128x128xf32, #tpu.memory_space<vmem>>, vector<1x1x16xf32>,
      %swap3A_536 = vector.shape_cast %swap3A_535 : vector<1x1x16xf32> to vector<16xf32>
      %swap3A_537 = vector.shape_cast %broadcast_in_dim3A_1 : vector<16xf32> to vector<1x1x16xf32>
      tpu.vector_store %arg8[%swap3A_532, %swap3A_533, %swap3A_534], %swap3A_537 {strides = array<i32>} : memref<2x128x128xf32, #tpu.memory_space<vmem>>, vector<1x1x16xf32>,
      %swap3A_538 = arith.constant 0 : i32
      %swap3A_539 = arith.index_cast %swap3A_538 : i32 to index
      %swap3A_540 = arith.index_cast %add3A_531 : i32 to index
      %swap3A_541 = arith.constant 16 : index
      %swap3A_542 = tpu.vector_load %arg8[%swap3A_539, %swap3A_540, %swap3A_541] {strides = array<i32>} : memref<2x128x128xf32, #tpu.memory_space<vmem>>, vector<1x1x16xf32>,
      %swap3A_543 = vector.shape_cast %swap3A_542 : vector<1x1x16xf32> to vector<16xf32>
      %swap3A_544 = vector.shape_cast %broadcast_in_dim3A_1 : vector<16xf32> to vector<1x1x16xf32>
      tpu.vector_store %arg8[%swap3A_539, %swap3A_540, %swap3A_541], %swap3A_544 {strides = array<i32>} : memref<2x128x128xf32, #tpu.memory_space<vmem>>, vector<1x1x16xf32>,
      %swap3A_545 = arith.constant 0 : i32
      %swap3A_546 = arith.index_cast %swap3A_545 : i32 to index
      %swap3A_547 = arith.index_cast %add3A_531 : i32 to index
      %swap3A_548 = arith.constant 32 : index
      %swap3A_549 = tpu.vector_load %arg8[%swap3A_546, %swap3A_547, %swap3A_548] {strides = array<i32>} : memref<2x128x128xf32, #tpu.memory_space<vmem>>, vector<1x1x16xf32>,
      %swap3A_550 = vector.shape_cast %swap3A_549 : vector<1x1x16xf32> to vector<16xf32>
      %swap3A_551 = vector.shape_cast %broadcast_in_dim3A_1 : vector<16xf32> to vector<1x1x16xf32>
      tpu.vector_store %arg8[%swap3A_546, %swap3A_547, %swap3A_548], %swap3A_551 {strides = array<i32>} : memref<2x128x128xf32, #tpu.memory_space<vmem>>, vector<1x1x16xf32>,
      %swap3A_552 = arith.constant 0 : i32
      %swap3A_553 = arith.index_cast %swap3A_552 : i32 to index
      %swap3A_554 = arith.index_cast %add3A_531 : i32 to index
      %swap3A_555 = arith.constant 48 : index
      %swap3A_556 = tpu.vector_load %arg8[%swap3A_553, %swap3A_554, %swap3A_555] {strides = array<i32>} : memref<2x128x128xf32, #tpu.memory_space<vmem>>, vector<1x1x16xf32>,
      %swap3A_557 = vector.shape_cast %swap3A_556 : vector<1x1x16xf32> to vector<16xf32>
      %swap3A_558 = vector.shape_cast %broadcast_in_dim3A_1 : vector<16xf32> to vector<1x1x16xf32>
      tpu.vector_store %arg8[%swap3A_553, %swap3A_554, %swap3A_555], %swap3A_558 {strides = array<i32>} : memref<2x128x128xf32, #tpu.memory_space<vmem>>, vector<1x1x16xf32>,
      %swap3A_559 = arith.constant 0 : i32
      %swap3A_560 = arith.index_cast %swap3A_559 : i32 to index
      %swap3A_561 = arith.index_cast %add3A_531 : i32 to index
      %swap3A_562 = arith.constant 64 : index
      %swap3A_563 = tpu.vector_load %arg8[%swap3A_560, %swap3A_561, %swap3A_562] {strides = array<i32>} : memref<2x128x128xf32, #tpu.memory_space<vmem>>, vector<1x1x16xf32>,
      %swap3A_564 = vector.shape_cast %swap3A_563 : vector<1x1x16xf32> to vector<16xf32>
      %swap3A_565 = vector.shape_cast %broadcast_in_dim3A_1 : vector<16xf32> to vector<1x1x16xf32>
      tpu.vector_store %arg8[%swap3A_560, %swap3A_561, %swap3A_562], %swap3A_565 {strides = array<i32>} : memref<2x128x128xf32, #tpu.memory_space<vmem>>, vector<1x1x16xf32>,
      %swap3A_566 = arith.constant 0 : i32
      %swap3A_567 = arith.index_cast %swap3A_566 : i32 to index
      %swap3A_568 = arith.index_cast %add3A_531 : i32 to index
      %swap3A_569 = arith.constant 80 : index
      %swap3A_570 = tpu.vector_load %arg8[%swap3A_567, %swap3A_568, %swap3A_569] {strides = array<i32>} : memref<2x128x128xf32, #tpu.memory_space<vmem>>, vector<1x1x16xf32>,
      %swap3A_571 = vector.shape_cast %swap3A_570 : vector<1x1x16xf32> to vector<16xf32>
      %swap3A_572 = vector.shape_cast %broadcast_in_dim3A_1 : vector<16xf32> to vector<1x1x16xf32>
      tpu.vector_store %arg8[%swap3A_567, %swap3A_568, %swap3A_569], %swap3A_572 {strides = array<i32>} : memref<2x128x128xf32, #tpu.memory_space<vmem>>, vector<1x1x16xf32>,
      %swap3A_573 = arith.constant 0 : i32
      %swap3A_574 = arith.index_cast %swap3A_573 : i32 to index
      %swap3A_575 = arith.index_cast %add3A_531 : i32 to index
      %swap3A_576 = arith.constant 96 : index
      %swap3A_577 = tpu.vector_load %arg8[%swap3A_574, %swap3A_575, %swap3A_576] {strides = array<i32>} : memref<2x128x128xf32, #tpu.memory_space<vmem>>, vector<1x1x16xf32>,
      %swap3A_578 = vector.shape_cast %swap3A_577 : vector<1x1x16xf32> to vector<16xf32>
      %swap3A_579 = vector.shape_cast %broadcast_in_dim3A_1 : vector<16xf32> to vector<1x1x16xf32>
      tpu.vector_store %arg8[%swap3A_574, %swap3A_575, %swap3A_576], %swap3A_579 {strides = array<i32>} : memref<2x128x128xf32, #tpu.memory_space<vmem>>, vector<1x1x16xf32>,
      %swap3A_580 = arith.constant 0 : i32
      %swap3A_581 = arith.index_cast %swap3A_580 : i32 to index
      %swap3A_582 = arith.index_cast %add3A_531 : i32 to index
      %swap3A_583 = arith.constant 112 : index
      %swap3A_584 = tpu.vector_load %arg8[%swap3A_581, %swap3A_582, %swap3A_583] {strides = array<i32>} : memref<2x128x128xf32, #tpu.memory_space<vmem>>, vector<1x1x16xf32>,
      %swap3A_585 = vector.shape_cast %swap3A_584 : vector<1x1x16xf32> to vector<16xf32>
      %swap3A_586 = vector.shape_cast %broadcast_in_dim3A_1 : vector<16xf32> to vector<1x1x16xf32>
      tpu.vector_store %arg8[%swap3A_581, %swap3A_582, %swap3A_583], %swap3A_586 {strides = array<i32>} : memref<2x128x128xf32, #tpu.memory_space<vmem>>, vector<1x1x16xf32>,
    }
    %scan3A_5 = arith.constant 128 : i32
    %scan3A_6 = arith.constant 0 : i32
    %scan3A_7 = arith.constant 5 : i32
    %scan3A_8 = arith.addi %scan3A_6, %scan3A_7 : i32
    %scan3A_9 = arith.constant 1 : i32
    scf.for %scan3A_527 = %scan3A_6 to %scan3A_8 step %scan3A_9  : i32 {
      %mul3A_528 = arith.constant 1 : i32
      %mul3A_529 = arith.muli %scan3A_527, %mul3A_528 : i32
      %add3A_530 = arith.constant 0 : i32
      %add3A_531 = arith.addi %add3A_530, %mul3A_529 : i32
      %mul3A_532 = arith.constant 640 : i32
      %mul3A_533 = arith.muli %arg1, %mul3A_532 : i32
      %mul3A_534 = arith.constant 128 : i32
      %mul3A_535 = arith.muli %add3A_531, %mul3A_534 : i32
      %add3A_536 = arith.addi %mul3A_533, %mul3A_535 : i32
      %run_scoped3A_537 = arith.constant 0 : i32
      "tpu.region"() ({
        %run_scoped3A_538 = tpu.sem_alloc : memref<!tpu.dma_semaphore, #tpu.memory_space<semaphore_mem>>
        %dma_start3A_539 = arith.constant 0 : i32
        %dma_start3A_540 = arith.constant 0 : i32
        %dma_start3A_541 = tpu.memref_slice %arg8[%run_scoped3A_537, %dma_start3A_539, %dma_start3A_540] : memref<2x128x128xf32, #tpu.memory_space<vmem>> -> memref<1x128x128xf32, #tpu.memory_space<vmem>>
        %dma_start3A_542 = tpu.memref_squeeze %dma_start3A_541 : memref<1x128x128xf32, #tpu.memory_space<vmem>> -> memref<128x128xf32, #tpu.memory_space<vmem>>
        %dma_start3A_543 = arith.constant 0 : i32
        %dma_start3A_544 = tpu.memref_slice %arg9[%add3A_536, %dma_start3A_543] : memref<10240x128xf32, #tpu.memory_space<vmem_shared>> -> memref<128x128xf32, #tpu.memory_space<vmem_shared>>
        %dma_start3A_545 = arith.constant 0 : i32
        %dma_start3A_546 = tpu.memref_slice %arg9[%add3A_536, %dma_start3A_545] : memref<10240x128xf32, #tpu.memory_space<vmem_shared>> -> memref<128x128xf32, #tpu.memory_space<vmem_shared>>
        %dma_start3A_547 = arith.constant 0 : i32
        %dma_start3A_548 = arith.constant 0 : i32
        %dma_start3A_549 = tpu.memref_slice %arg8[%run_scoped3A_537, %dma_start3A_547, %dma_start3A_548] : memref<2x128x128xf32, #tpu.memory_space<vmem>> -> memref<1x128x128xf32, #tpu.memory_space<vmem>>
        %dma_start3A_550 = tpu.memref_squeeze %dma_start3A_549 : memref<1x128x128xf32, #tpu.memory_space<vmem>> -> memref<128x128xf32, #tpu.memory_space<vmem>>
        tpu.enqueue_dma source(%dma_start3A_550 : memref<128x128xf32, #tpu.memory_space<vmem>>) target(%dma_start3A_546 : memref<128x128xf32, #tpu.memory_space<vmem_shared>>) target_semaphore(%run_scoped3A_538 : memref<!tpu.dma_semaphore, #tpu.memory_space<semaphore_mem>>)
        %dma_wait3A_551 = arith.constant 0 : i32
        %dma_wait3A_552 = arith.constant 0 : i32
        %dma_wait3A_553 = tpu.memref_slice %arg8[%run_scoped3A_537, %dma_wait3A_551, %dma_wait3A_552] : memref<2x128x128xf32, #tpu.memory_space<vmem>> -> memref<1x128x128xf32, #tpu.memory_space<vmem>>
        %dma_wait3A_554 = tpu.memref_squeeze %dma_wait3A_553 : memref<1x128x128xf32, #tpu.memory_space<vmem>> -> memref<128x128xf32, #tpu.memory_space<vmem>>
        %dma_wait3A_555 = arith.constant 0 : i32
        %dma_wait3A_556 = tpu.memref_slice %arg9[%add3A_536, %dma_wait3A_555] : memref<10240x128xf32, #tpu.memory_space<vmem_shared>> -> memref<128x128xf32, #tpu.memory_space<vmem_shared>>
        %dma_wait3A_557 = arith.constant 0 : i32
        %dma_wait3A_558 = tpu.memref_slice %arg9[%add3A_536, %dma_wait3A_557] : memref<10240x128xf32, #tpu.memory_space<vmem_shared>> -> memref<128x128xf32, #tpu.memory_space<vmem_shared>>
        %dma_wait3A_559 = arith.constant 0 : i32
        %dma_wait3A_560 = arith.constant 0 : i32
        %dma_wait3A_561 = tpu.memref_slice %arg8[%run_scoped3A_537, %dma_wait3A_559, %dma_wait3A_560] : memref<2x128x128xf32, #tpu.memory_space<vmem>> -> memref<1x128x128xf32, #tpu.memory_space<vmem>>
        %dma_wait3A_562 = tpu.memref_squeeze %dma_wait3A_561 : memref<1x128x128xf32, #tpu.memory_space<vmem>> -> memref<128x128xf32, #tpu.memory_space<vmem>>
        tpu.wait_dma2 semaphore(%run_scoped3A_538 : memref<!tpu.dma_semaphore, #tpu.memory_space<semaphore_mem>>) src(%dma_wait3A_562 : memref<128x128xf32, #tpu.memory_space<vmem>>) dst(%dma_wait3A_558 : memref<128x128xf32, #tpu.memory_space<vmem_shared>>)
        tpu.yield
      }) : () -> ()
    }
    %scan3A_10 = arith.constant 5 : i32
    %barrier3A = arith.constant 0 : index
    tpu.barrier barrier_id(%barrier3A)
    %mul3A_11 = arith.constant 80 : i32
    %mul3A_12 = arith.muli %add3A, %mul3A_11 : i32
    %add3A_13 = arith.constant 0 : i32
    %add3A_14 = arith.addi %mul3A_12, %add3A_13 : i32
    "tpu.region"() ({
      %run_scoped3A_527 = tpu.sem_alloc : memref<!tpu.dma_semaphore, #tpu.memory_space<semaphore_mem>>
      %dma_start3A_528 = arith.constant 0 : i32
      %dma_start3A_529 = tpu.memref_slice %arg3[%add3A_14, %dma_start3A_528] : memref<2560x128xi32, #tpu.memory_space<hbm>> -> memref<40x128xi32, #tpu.memory_space<hbm>>
      %dma_start3A_530 = arith.constant 0 : i32
      %dma_start3A_531 = tpu.memref_slice %arg3[%add3A_14, %dma_start3A_530] : memref<2560x128xi32, #tpu.memory_space<hbm>> -> memref<40x128xi32, #tpu.memory_space<hbm>>
      tpu.enqueue_dma source(%dma_start3A_531 : memref<40x128xi32, #tpu.memory_space<hbm>>) target(%arg6 : memref<40x128xi32, #tpu.memory_space<vmem>>) target_semaphore(%run_scoped3A_527 : memref<!tpu.dma_semaphore, #tpu.memory_space<semaphore_mem>>)
      %dma_wait3A_532 = arith.constant 0 : i32
      %dma_wait3A_533 = tpu.memref_slice %arg3[%add3A_14, %dma_wait3A_532] : memref<2560x128xi32, #tpu.memory_space<hbm>> -> memref<40x128xi32, #tpu.memory_space<hbm>>
      %dma_wait3A_534 = arith.constant 0 : i32
      %dma_wait3A_535 = tpu.memref_slice %arg3[%add3A_14, %dma_wait3A_534] : memref<2560x128xi32, #tpu.memory_space<hbm>> -> memref<40x128xi32, #tpu.memory_space<hbm>>
      tpu.wait_dma2 semaphore(%run_scoped3A_527 : memref<!tpu.dma_semaphore, #tpu.memory_space<semaphore_mem>>) src(%dma_wait3A_535 : memref<40x128xi32, #tpu.memory_space<hbm>>) dst(%arg6 : memref<40x128xi32, #tpu.memory_space<vmem>>)
      tpu.yield
    }) : () -> ()
    %mul3A_15 = arith.constant 80 : i32
    %mul3A_16 = arith.muli %add3A, %mul3A_15 : i32
    %add3A_17 = arith.constant 0 : i32
    %add3A_18 = arith.addi %mul3A_16, %add3A_17 : i32
    "tpu.region"() ({
      %run_scoped3A_527 = tpu.sem_alloc : memref<!tpu.dma_semaphore, #tpu.memory_space<semaphore_mem>>
      %dma_start3A_528 = arith.constant 0 : i32
      %dma_start3A_529 = tpu.memref_slice %arg4[%add3A_18, %dma_start3A_528] : memref<2560x128xi32, #tpu.memory_space<hbm>> -> memref<40x128xi32, #tpu.memory_space<hbm>>
      %dma_start3A_530 = arith.constant 0 : i32
      %dma_start3A_531 = tpu.memref_slice %arg4[%add3A_18, %dma_start3A_530] : memref<2560x128xi32, #tpu.memory_space<hbm>> -> memref<40x128xi32, #tpu.memory_space<hbm>>
      tpu.enqueue_dma source(%dma_start3A_531 : memref<40x128xi32, #tpu.memory_space<hbm>>) target(%arg7 : memref<40x128xi32, #tpu.memory_space<vmem>>) target_semaphore(%run_scoped3A_527 : memref<!tpu.dma_semaphore, #tpu.memory_space<semaphore_mem>>)
      %dma_wait3A_532 = arith.constant 0 : i32
      %dma_wait3A_533 = tpu.memref_slice %arg4[%add3A_18, %dma_wait3A_532] : memref<2560x128xi32, #tpu.memory_space<hbm>> -> memref<40x128xi32, #tpu.memory_space<hbm>>
      %dma_wait3A_534 = arith.constant 0 : i32
      %dma_wait3A_535 = tpu.memref_slice %arg4[%add3A_18, %dma_wait3A_534] : memref<2560x128xi32, #tpu.memory_space<hbm>> -> memref<40x128xi32, #tpu.memory_space<hbm>>
      tpu.wait_dma2 semaphore(%run_scoped3A_527 : memref<!tpu.dma_semaphore, #tpu.memory_space<semaphore_mem>>) src(%dma_wait3A_535 : memref<40x128xi32, #tpu.memory_space<hbm>>) dst(%arg7 : memref<40x128xi32, #tpu.memory_space<vmem>>)
      tpu.yield
    }) : () -> ()
    %dma_start3A = arith.constant 0 : i32
    %dma_start3A_19 = arith.constant 0 : i32
    %dma_start3A_20 = arith.constant 0 : i32
    %dma_start3A_21 = arith.constant 0 : i32
    %dma_start3A_22 = arith.constant 0 : i32
    %dma_start3A_23 = tpu.memref_slice %arg8[%dma_start3A_19, %dma_start3A_21, %dma_start3A_22] : memref<2x128x128xf32, #tpu.memory_space<vmem>> -> memref<1x32x128xf32, #tpu.memory_space<vmem>>
    %dma_start3A_24 = tpu.memref_squeeze %dma_start3A_23 : memref<1x32x128xf32, #tpu.memory_space<vmem>> -> memref<32x128xf32, #tpu.memory_space<vmem>>
    %dma_start3A_25 = arith.constant 0 : i32
    %dma_start3A_26 = tpu.memref_slice %arg6[%dma_start3A, %dma_start3A_25] : memref<40x128xi32, #tpu.memory_space<vmem>> -> memref<1x32xi32, #tpu.memory_space<vmem>>
    %dma_start3A_27 = tpu.memref_squeeze %dma_start3A_26 : memref<1x32xi32, #tpu.memory_space<vmem>> -> memref<32xi32, #tpu.memory_space<vmem>>
    %dma_start3A_28 = arith.constant 0 : i32
    %dma_start3A_29 = arith.constant 0 : i32
    %dma_start3A_30 = tpu.memref_slice %arg2[%dma_start3A_28, %dma_start3A_29] : memref<10000x128xf32, #tpu.memory_space<hbm>> -> memref<10000x128xf32, #tpu.memory_space<hbm>>
    %dma_start3A_31 = tpu.memref_slice %arg10[%dma_start3A_20] : memref<2x!tpu.dma_semaphore, #tpu.memory_space<semaphore_mem>> -> memref<1x!tpu.dma_semaphore, #tpu.memory_space<semaphore_mem>>
    %dma_start3A_32 = tpu.memref_squeeze %dma_start3A_31 : memref<1x!tpu.dma_semaphore, #tpu.memory_space<semaphore_mem>> -> memref<!tpu.dma_semaphore, #tpu.memory_space<semaphore_mem>>
    tpu.enqueue_indirect_dma source(%dma_start3A_30 : memref<10000x128xf32, #tpu.memory_space<hbm>>) target(%dma_start3A_24 : memref<32x128xf32, #tpu.memory_space<vmem>>) offsets(%dma_start3A_27 : memref<32xi32, #tpu.memory_space<vmem>>) semaphore(%dma_start3A_32 : memref<!tpu.dma_semaphore, #tpu.memory_space<semaphore_mem>>)
    %dma_start3A_33 = arith.constant 0 : i32
    %dma_start3A_34 = arith.constant 0 : i32
    %dma_start3A_35 = arith.constant 0 : i32
    %dma_start3A_36 = arith.constant 32 : i32
    %dma_start3A_37 = arith.constant 0 : i32
    %dma_start3A_38 = tpu.memref_slice %arg8[%dma_start3A_34, %dma_start3A_36, %dma_start3A_37] : memref<2x128x128xf32, #tpu.memory_space<vmem>> -> memref<1x32x128xf32, #tpu.memory_space<vmem>>
    %dma_start3A_39 = tpu.memref_squeeze %dma_start3A_38 : memref<1x32x128xf32, #tpu.memory_space<vmem>> -> memref<32x128xf32, #tpu.memory_space<vmem>>
    %dma_start3A_40 = arith.constant 32 : i32
    %dma_start3A_41 = tpu.memref_slice %arg6[%dma_start3A_33, %dma_start3A_40] : memref<40x128xi32, #tpu.memory_space<vmem>> -> memref<1x32xi32, #tpu.memory_space<vmem>>
    %dma_start3A_42 = tpu.memref_squeeze %dma_start3A_41 : memref<1x32xi32, #tpu.memory_space<vmem>> -> memref<32xi32, #tpu.memory_space<vmem>>
    %dma_start3A_43 = arith.constant 0 : i32
    %dma_start3A_44 = arith.constant 0 : i32
    %dma_start3A_45 = tpu.memref_slice %arg2[%dma_start3A_43, %dma_start3A_44] : memref<10000x128xf32, #tpu.memory_space<hbm>> -> memref<10000x128xf32, #tpu.memory_space<hbm>>
    %dma_start3A_46 = tpu.memref_slice %arg10[%dma_start3A_35] : memref<2x!tpu.dma_semaphore, #tpu.memory_space<semaphore_mem>> -> memref<1x!tpu.dma_semaphore, #tpu.memory_space<semaphore_mem>>
    %dma_start3A_47 = tpu.memref_squeeze %dma_start3A_46 : memref<1x!tpu.dma_semaphore, #tpu.memory_space<semaphore_mem>> -> memref<!tpu.dma_semaphore, #tpu.memory_space<semaphore_mem>>
    tpu.enqueue_indirect_dma source(%dma_start3A_45 : memref<10000x128xf32, #tpu.memory_space<hbm>>) target(%dma_start3A_39 : memref<32x128xf32, #tpu.memory_space<vmem>>) offsets(%dma_start3A_42 : memref<32xi32, #tpu.memory_space<vmem>>) semaphore(%dma_start3A_47 : memref<!tpu.dma_semaphore, #tpu.memory_space<semaphore_mem>>)
    %dma_start3A_48 = arith.constant 0 : i32
    %dma_start3A_49 = arith.constant 0 : i32
    %dma_start3A_50 = arith.constant 0 : i32
    %dma_start3A_51 = arith.constant 64 : i32
    %dma_start3A_52 = arith.constant 0 : i32
    %dma_start3A_53 = tpu.memref_slice %arg8[%dma_start3A_49, %dma_start3A_51, %dma_start3A_52] : memref<2x128x128xf32, #tpu.memory_space<vmem>> -> memref<1x32x128xf32, #tpu.memory_space<vmem>>
    %dma_start3A_54 = tpu.memref_squeeze %dma_start3A_53 : memref<1x32x128xf32, #tpu.memory_space<vmem>> -> memref<32x128xf32, #tpu.memory_space<vmem>>
    %dma_start3A_55 = arith.constant 64 : i32
    %dma_start3A_56 = tpu.memref_slice %arg6[%dma_start3A_48, %dma_start3A_55] : memref<40x128xi32, #tpu.memory_space<vmem>> -> memref<1x32xi32, #tpu.memory_space<vmem>>
    %dma_start3A_57 = tpu.memref_squeeze %dma_start3A_56 : memref<1x32xi32, #tpu.memory_space<vmem>> -> memref<32xi32, #tpu.memory_space<vmem>>
    %dma_start3A_58 = arith.constant 0 : i32
    %dma_start3A_59 = arith.constant 0 : i32
    %dma_start3A_60 = tpu.memref_slice %arg2[%dma_start3A_58, %dma_start3A_59] : memref<10000x128xf32, #tpu.memory_space<hbm>> -> memref<10000x128xf32, #tpu.memory_space<hbm>>
    %dma_start3A_61 = tpu.memref_slice %arg10[%dma_start3A_50] : memref<2x!tpu.dma_semaphore, #tpu.memory_space<semaphore_mem>> -> memref<1x!tpu.dma_semaphore, #tpu.memory_space<semaphore_mem>>
    %dma_start3A_62 = tpu.memref_squeeze %dma_start3A_61 : memref<1x!tpu.dma_semaphore, #tpu.memory_space<semaphore_mem>> -> memref<!tpu.dma_semaphore, #tpu.memory_space<semaphore_mem>>
    tpu.enqueue_indirect_dma source(%dma_start3A_60 : memref<10000x128xf32, #tpu.memory_space<hbm>>) target(%dma_start3A_54 : memref<32x128xf32, #tpu.memory_space<vmem>>) offsets(%dma_start3A_57 : memref<32xi32, #tpu.memory_space<vmem>>) semaphore(%dma_start3A_62 : memref<!tpu.dma_semaphore, #tpu.memory_space<semaphore_mem>>)
    %dma_start3A_63 = arith.constant 0 : i32
    %dma_start3A_64 = arith.constant 0 : i32
    %dma_start3A_65 = arith.constant 0 : i32
    %dma_start3A_66 = arith.constant 96 : i32
    %dma_start3A_67 = arith.constant 0 : i32
    %dma_start3A_68 = tpu.memref_slice %arg8[%dma_start3A_64, %dma_start3A_66, %dma_start3A_67] : memref<2x128x128xf32, #tpu.memory_space<vmem>> -> memref<1x32x128xf32, #tpu.memory_space<vmem>>
    %dma_start3A_69 = tpu.memref_squeeze %dma_start3A_68 : memref<1x32x128xf32, #tpu.memory_space<vmem>> -> memref<32x128xf32, #tpu.memory_space<vmem>>
    %dma_start3A_70 = arith.constant 96 : i32
    %dma_start3A_71 = tpu.memref_slice %arg6[%dma_start3A_63, %dma_start3A_70] : memref<40x128xi32, #tpu.memory_space<vmem>> -> memref<1x32xi32, #tpu.memory_space<vmem>>
    %dma_start3A_72 = tpu.memref_squeeze %dma_start3A_71 : memref<1x32xi32, #tpu.memory_space<vmem>> -> memref<32xi32, #tpu.memory_space<vmem>>
    %dma_start3A_73 = arith.constant 0 : i32
    %dma_start3A_74 = arith.constant 0 : i32
    %dma_start3A_75 = tpu.memref_slice %arg2[%dma_start3A_73, %dma_start3A_74] : memref<10000x128xf32, #tpu.memory_space<hbm>> -> memref<10000x128xf32, #tpu.memory_space<hbm>>
    %dma_start3A_76 = tpu.memref_slice %arg10[%dma_start3A_65] : memref<2x!tpu.dma_semaphore, #tpu.memory_space<semaphore_mem>> -> memref<1x!tpu.dma_semaphore, #tpu.memory_space<semaphore_mem>>
    %dma_start3A_77 = tpu.memref_squeeze %dma_start3A_76 : memref<1x!tpu.dma_semaphore, #tpu.memory_space<semaphore_mem>> -> memref<!tpu.dma_semaphore, #tpu.memory_space<semaphore_mem>>
    tpu.enqueue_indirect_dma source(%dma_start3A_75 : memref<10000x128xf32, #tpu.memory_space<hbm>>) target(%dma_start3A_69 : memref<32x128xf32, #tpu.memory_space<vmem>>) offsets(%dma_start3A_72 : memref<32xi32, #tpu.memory_space<vmem>>) semaphore(%dma_start3A_77 : memref<!tpu.dma_semaphore, #tpu.memory_space<semaphore_mem>>)
    %scan3A_78 = arith.constant 0 : i32
    %scan3A_79 = arith.constant 19 : i32
    %scan3A_80 = arith.addi %scan3A_78, %scan3A_79 : i32
    %scan3A_81 = arith.constant 1 : i32
    scf.for %scan3A_527 = %scan3A_78 to %scan3A_80 step %scan3A_81  : i32 {
      %mul3A_528 = arith.constant 1 : i32
      %mul3A_529 = arith.muli %scan3A_527, %mul3A_528 : i32
      %add3A_530 = arith.constant 0 : i32
      %add3A_531 = arith.addi %add3A_530, %mul3A_529 : i32
      %mul3A_532 = arith.constant 2 : i32
      %mul3A_533 = arith.muli %mul3A_532, %add3A_531 : i32
      %dma_wait3A_534 = arith.constant 0 : i32
      %dma_wait3A_535 = arith.constant 0 : i32
      %dma_wait3A_536 = arith.constant 0 : i32
      %dma_wait3A_537 = arith.constant 0 : i32
      %dma_wait3A_538 = tpu.memref_slice %arg8[%dma_wait3A_534, %dma_wait3A_536, %dma_wait3A_537] : memref<2x128x128xf32, #tpu.memory_space<vmem>> -> memref<1x32x128xf32, #tpu.memory_space<vmem>>
      %dma_wait3A_539 = tpu.memref_squeeze %dma_wait3A_538 : memref<1x32x128xf32, #tpu.memory_space<vmem>> -> memref<32x128xf32, #tpu.memory_space<vmem>>
      %dma_wait3A_540 = arith.constant 0 : i32
      %dma_wait3A_541 = tpu.memref_slice %arg6[%mul3A_533, %dma_wait3A_540] : memref<40x128xi32, #tpu.memory_space<vmem>> -> memref<1x32xi32, #tpu.memory_space<vmem>>
      %dma_wait3A_542 = tpu.memref_squeeze %dma_wait3A_541 : memref<1x32xi32, #tpu.memory_space<vmem>> -> memref<32xi32, #tpu.memory_space<vmem>>
      %dma_wait3A_543 = arith.constant 0 : i32
      %dma_wait3A_544 = arith.constant 0 : i32
      %dma_wait3A_545 = tpu.memref_slice %arg2[%dma_wait3A_543, %dma_wait3A_544] : memref<10000x128xf32, #tpu.memory_space<hbm>> -> memref<10000x128xf32, #tpu.memory_space<hbm>>
      %dma_wait3A_546 = tpu.memref_slice %arg10[%dma_wait3A_535] : memref<2x!tpu.dma_semaphore, #tpu.memory_space<semaphore_mem>> -> memref<1x!tpu.dma_semaphore, #tpu.memory_space<semaphore_mem>>
      %dma_wait3A_547 = tpu.memref_squeeze %dma_wait3A_546 : memref<1x!tpu.dma_semaphore, #tpu.memory_space<semaphore_mem>> -> memref<!tpu.dma_semaphore, #tpu.memory_space<semaphore_mem>>
      tpu.wait_indirect_dma semaphore(%dma_wait3A_547 : memref<!tpu.dma_semaphore, #tpu.memory_space<semaphore_mem>>) src(%dma_wait3A_545 : memref<10000x128xf32, #tpu.memory_space<hbm>>) dst(%dma_wait3A_539 : memref<32x128xf32, #tpu.memory_space<vmem>>)
      %dma_wait3A_548 = arith.constant 0 : i32
      %dma_wait3A_549 = arith.constant 0 : i32
      %dma_wait3A_550 = arith.constant 32 : i32
      %dma_wait3A_551 = arith.constant 0 : i32
      %dma_wait3A_552 = tpu.memref_slice %arg8[%dma_wait3A_548, %dma_wait3A_550, %dma_wait3A_551] : memref<2x128x128xf32, #tpu.memory_space<vmem>> -> memref<1x32x128xf32, #tpu.memory_space<vmem>>
      %dma_wait3A_553 = tpu.memref_squeeze %dma_wait3A_552 : memref<1x32x128xf32, #tpu.memory_space<vmem>> -> memref<32x128xf32, #tpu.memory_space<vmem>>
      %dma_wait3A_554 = arith.constant 32 : i32
      %dma_wait3A_555 = tpu.memref_slice %arg6[%mul3A_533, %dma_wait3A_554] : memref<40x128xi32, #tpu.memory_space<vmem>> -> memref<1x32xi32, #tpu.memory_space<vmem>>
      %dma_wait3A_556 = tpu.memref_squeeze %dma_wait3A_555 : memref<1x32xi32, #tpu.memory_space<vmem>> -> memref<32xi32, #tpu.memory_space<vmem>>
      %dma_wait3A_557 = arith.constant 0 : i32
      %dma_wait3A_558 = arith.constant 0 : i32
      %dma_wait3A_559 = tpu.memref_slice %arg2[%dma_wait3A_557, %dma_wait3A_558] : memref<10000x128xf32, #tpu.memory_space<hbm>> -> memref<10000x128xf32, #tpu.memory_space<hbm>>
      %dma_wait3A_560 = tpu.memref_slice %arg10[%dma_wait3A_549] : memref<2x!tpu.dma_semaphore, #tpu.memory_space<semaphore_mem>> -> memref<1x!tpu.dma_semaphore, #tpu.memory_space<semaphore_mem>>
      %dma_wait3A_561 = tpu.memref_squeeze %dma_wait3A_560 : memref<1x!tpu.dma_semaphore, #tpu.memory_space<semaphore_mem>> -> memref<!tpu.dma_semaphore, #tpu.memory_space<semaphore_mem>>
      tpu.wait_indirect_dma semaphore(%dma_wait3A_561 : memref<!tpu.dma_semaphore, #tpu.memory_space<semaphore_mem>>) src(%dma_wait3A_559 : memref<10000x128xf32, #tpu.memory_space<hbm>>) dst(%dma_wait3A_553 : memref<32x128xf32, #tpu.memory_space<vmem>>)
      %dma_wait3A_562 = arith.constant 0 : i32
      %dma_wait3A_563 = arith.constant 0 : i32
      %dma_wait3A_564 = arith.constant 64 : i32
      %dma_wait3A_565 = arith.constant 0 : i32
      %dma_wait3A_566 = tpu.memref_slice %arg8[%dma_wait3A_562, %dma_wait3A_564, %dma_wait3A_565] : memref<2x128x128xf32, #tpu.memory_space<vmem>> -> memref<1x32x128xf32, #tpu.memory_space<vmem>>
      %dma_wait3A_567 = tpu.memref_squeeze %dma_wait3A_566 : memref<1x32x128xf32, #tpu.memory_space<vmem>> -> memref<32x128xf32, #tpu.memory_space<vmem>>
      %dma_wait3A_568 = arith.constant 64 : i32
      %dma_wait3A_569 = tpu.memref_slice %arg6[%mul3A_533, %dma_wait3A_568] : memref<40x128xi32, #tpu.memory_space<vmem>> -> memref<1x32xi32, #tpu.memory_space<vmem>>
      %dma_wait3A_570 = tpu.memref_squeeze %dma_wait3A_569 : memref<1x32xi32, #tpu.memory_space<vmem>> -> memref<32xi32, #tpu.memory_space<vmem>>
      %dma_wait3A_571 = arith.constant 0 : i32
      %dma_wait3A_572 = arith.constant 0 : i32
      %dma_wait3A_573 = tpu.memref_slice %arg2[%dma_wait3A_571, %dma_wait3A_572] : memref<10000x128xf32, #tpu.memory_space<hbm>> -> memref<10000x128xf32, #tpu.memory_space<hbm>>
      %dma_wait3A_574 = tpu.memref_slice %arg10[%dma_wait3A_563] : memref<2x!tpu.dma_semaphore, #tpu.memory_space<semaphore_mem>> -> memref<1x!tpu.dma_semaphore, #tpu.memory_space<semaphore_mem>>
      %dma_wait3A_575 = tpu.memref_squeeze %dma_wait3A_574 : memref<1x!tpu.dma_semaphore, #tpu.memory_space<semaphore_mem>> -> memref<!tpu.dma_semaphore, #tpu.memory_space<semaphore_mem>>
      tpu.wait_indirect_dma semaphore(%dma_wait3A_575 : memref<!tpu.dma_semaphore, #tpu.memory_space<semaphore_mem>>) src(%dma_wait3A_573 : memref<10000x128xf32, #tpu.memory_space<hbm>>) dst(%dma_wait3A_567 : memref<32x128xf32, #tpu.memory_space<vmem>>)
      %dma_wait3A_576 = arith.constant 0 : i32
      %dma_wait3A_577 = arith.constant 0 : i32
      %dma_wait3A_578 = arith.constant 96 : i32
      %dma_wait3A_579 = arith.constant 0 : i32
      %dma_wait3A_580 = tpu.memref_slice %arg8[%dma_wait3A_576, %dma_wait3A_578, %dma_wait3A_579] : memref<2x128x128xf32, #tpu.memory_space<vmem>> -> memref<1x32x128xf32, #tpu.memory_space<vmem>>
      %dma_wait3A_581 = tpu.memref_squeeze %dma_wait3A_580 : memref<1x32x128xf32, #tpu.memory_space<vmem>> -> memref<32x128xf32, #tpu.memory_space<vmem>>
      %dma_wait3A_582 = arith.constant 96 : i32
      %dma_wait3A_583 = tpu.memref_slice %arg6[%mul3A_533, %dma_wait3A_582] : memref<40x128xi32, #tpu.memory_space<vmem>> -> memref<1x32xi32, #tpu.memory_space<vmem>>
      %dma_wait3A_584 = tpu.memref_squeeze %dma_wait3A_583 : memref<1x32xi32, #tpu.memory_space<vmem>> -> memref<32xi32, #tpu.memory_space<vmem>>
      %dma_wait3A_585 = arith.constant 0 : i32
      %dma_wait3A_586 = arith.constant 0 : i32
      %dma_wait3A_587 = tpu.memref_slice %arg2[%dma_wait3A_585, %dma_wait3A_586] : memref<10000x128xf32, #tpu.memory_space<hbm>> -> memref<10000x128xf32, #tpu.memory_space<hbm>>
      %dma_wait3A_588 = tpu.memref_slice %arg10[%dma_wait3A_577] : memref<2x!tpu.dma_semaphore, #tpu.memory_space<semaphore_mem>> -> memref<1x!tpu.dma_semaphore, #tpu.memory_space<semaphore_mem>>
      %dma_wait3A_589 = tpu.memref_squeeze %dma_wait3A_588 : memref<1x!tpu.dma_semaphore, #tpu.memory_space<semaphore_mem>> -> memref<!tpu.dma_semaphore, #tpu.memory_space<semaphore_mem>>
      tpu.wait_indirect_dma semaphore(%dma_wait3A_589 : memref<!tpu.dma_semaphore, #tpu.memory_space<semaphore_mem>>) src(%dma_wait3A_587 : memref<10000x128xf32, #tpu.memory_space<hbm>>) dst(%dma_wait3A_581 : memref<32x128xf32, #tpu.memory_space<vmem>>)
      %add3A_590 = arith.constant 1 : i32
      %add3A_591 = arith.addi %mul3A_533, %add3A_590 : i32
      %dma_start3A_592 = arith.constant 1 : i32
      %dma_start3A_593 = arith.constant 1 : i32
      %dma_start3A_594 = arith.constant 0 : i32
      %dma_start3A_595 = arith.constant 0 : i32
      %dma_start3A_596 = tpu.memref_slice %arg8[%dma_start3A_592, %dma_start3A_594, %dma_start3A_595] : memref<2x128x128xf32, #tpu.memory_space<vmem>> -> memref<1x32x128xf32, #tpu.memory_space<vmem>>
      %dma_start3A_597 = tpu.memref_squeeze %dma_start3A_596 : memref<1x32x128xf32, #tpu.memory_space<vmem>> -> memref<32x128xf32, #tpu.memory_space<vmem>>
      %dma_start3A_598 = arith.constant 0 : i32
      %dma_start3A_599 = tpu.memref_slice %arg6[%add3A_591, %dma_start3A_598] : memref<40x128xi32, #tpu.memory_space<vmem>> -> memref<1x32xi32, #tpu.memory_space<vmem>>
      %dma_start3A_600 = tpu.memref_squeeze %dma_start3A_599 : memref<1x32xi32, #tpu.memory_space<vmem>> -> memref<32xi32, #tpu.memory_space<vmem>>
      %dma_start3A_601 = arith.constant 0 : i32
      %dma_start3A_602 = arith.constant 0 : i32
      %dma_start3A_603 = tpu.memref_slice %arg2[%dma_start3A_601, %dma_start3A_602] : memref<10000x128xf32, #tpu.memory_space<hbm>> -> memref<10000x128xf32, #tpu.memory_space<hbm>>
      %dma_start3A_604 = tpu.memref_slice %arg10[%dma_start3A_593] : memref<2x!tpu.dma_semaphore, #tpu.memory_space<semaphore_mem>> -> memref<1x!tpu.dma_semaphore, #tpu.memory_space<semaphore_mem>>
      %dma_start3A_605 = tpu.memref_squeeze %dma_start3A_604 : memref<1x!tpu.dma_semaphore, #tpu.memory_space<semaphore_mem>> -> memref<!tpu.dma_semaphore, #tpu.memory_space<semaphore_mem>>
      tpu.enqueue_indirect_dma source(%dma_start3A_603 : memref<10000x128xf32, #tpu.memory_space<hbm>>) target(%dma_start3A_597 : memref<32x128xf32, #tpu.memory_space<vmem>>) offsets(%dma_start3A_600 : memref<32xi32, #tpu.memory_space<vmem>>) semaphore(%dma_start3A_605 : memref<!tpu.dma_semaphore, #tpu.memory_space<semaphore_mem>>)
      %dma_start3A_606 = arith.constant 1 : i32
      %dma_start3A_607 = arith.constant 1 : i32
      %dma_start3A_608 = arith.constant 32 : i32
      %dma_start3A_609 = arith.constant 0 : i32
      %dma_start3A_610 = tpu.memref_slice %arg8[%dma_start3A_606, %dma_start3A_608, %dma_start3A_609] : memref<2x128x128xf32, #tpu.memory_space<vmem>> -> memref<1x32x128xf32, #tpu.memory_space<vmem>>
      %dma_start3A_611 = tpu.memref_squeeze %dma_start3A_610 : memref<1x32x128xf32, #tpu.memory_space<vmem>> -> memref<32x128xf32, #tpu.memory_space<vmem>>
      %dma_start3A_612 = arith.constant 32 : i32
      %dma_start3A_613 = tpu.memref_slice %arg6[%add3A_591, %dma_start3A_612] : memref<40x128xi32, #tpu.memory_space<vmem>> -> memref<1x32xi32, #tpu.memory_space<vmem>>
      %dma_start3A_614 = tpu.memref_squeeze %dma_start3A_613 : memref<1x32xi32, #tpu.memory_space<vmem>> -> memref<32xi32, #tpu.memory_space<vmem>>
      %dma_start3A_615 = arith.constant 0 : i32
      %dma_start3A_616 = arith.constant 0 : i32
      %dma_start3A_617 = tpu.memref_slice %arg2[%dma_start3A_615, %dma_start3A_616] : memref<10000x128xf32, #tpu.memory_space<hbm>> -> memref<10000x128xf32, #tpu.memory_space<hbm>>
      %dma_start3A_618 = tpu.memref_slice %arg10[%dma_start3A_607] : memref<2x!tpu.dma_semaphore, #tpu.memory_space<semaphore_mem>> -> memref<1x!tpu.dma_semaphore, #tpu.memory_space<semaphore_mem>>
      %dma_start3A_619 = tpu.memref_squeeze %dma_start3A_618 : memref<1x!tpu.dma_semaphore, #tpu.memory_space<semaphore_mem>> -> memref<!tpu.dma_semaphore, #tpu.memory_space<semaphore_mem>>
      tpu.enqueue_indirect_dma source(%dma_start3A_617 : memref<10000x128xf32, #tpu.memory_space<hbm>>) target(%dma_start3A_611 : memref<32x128xf32, #tpu.memory_space<vmem>>) offsets(%dma_start3A_614 : memref<32xi32, #tpu.memory_space<vmem>>) semaphore(%dma_start3A_619 : memref<!tpu.dma_semaphore, #tpu.memory_space<semaphore_mem>>)
      %dma_start3A_620 = arith.constant 1 : i32
      %dma_start3A_621 = arith.constant 1 : i32
      %dma_start3A_622 = arith.constant 64 : i32
      %dma_start3A_623 = arith.constant 0 : i32
      %dma_start3A_624 = tpu.memref_slice %arg8[%dma_start3A_620, %dma_start3A_622, %dma_start3A_623] : memref<2x128x128xf32, #tpu.memory_space<vmem>> -> memref<1x32x128xf32, #tpu.memory_space<vmem>>
      %dma_start3A_625 = tpu.memref_squeeze %dma_start3A_624 : memref<1x32x128xf32, #tpu.memory_space<vmem>> -> memref<32x128xf32, #tpu.memory_space<vmem>>
      %dma_start3A_626 = arith.constant 64 : i32
      %dma_start3A_627 = tpu.memref_slice %arg6[%add3A_591, %dma_start3A_626] : memref<40x128xi32, #tpu.memory_space<vmem>> -> memref<1x32xi32, #tpu.memory_space<vmem>>
      %dma_start3A_628 = tpu.memref_squeeze %dma_start3A_627 : memref<1x32xi32, #tpu.memory_space<vmem>> -> memref<32xi32, #tpu.memory_space<vmem>>
      %dma_start3A_629 = arith.constant 0 : i32
      %dma_start3A_630 = arith.constant 0 : i32
      %dma_start3A_631 = tpu.memref_slice %arg2[%dma_start3A_629, %dma_start3A_630] : memref<10000x128xf32, #tpu.memory_space<hbm>> -> memref<10000x128xf32, #tpu.memory_space<hbm>>
      %dma_start3A_632 = tpu.memref_slice %arg10[%dma_start3A_621] : memref<2x!tpu.dma_semaphore, #tpu.memory_space<semaphore_mem>> -> memref<1x!tpu.dma_semaphore, #tpu.memory_space<semaphore_mem>>
      %dma_start3A_633 = tpu.memref_squeeze %dma_start3A_632 : memref<1x!tpu.dma_semaphore, #tpu.memory_space<semaphore_mem>> -> memref<!tpu.dma_semaphore, #tpu.memory_space<semaphore_mem>>
      tpu.enqueue_indirect_dma source(%dma_start3A_631 : memref<10000x128xf32, #tpu.memory_space<hbm>>) target(%dma_start3A_625 : memref<32x128xf32, #tpu.memory_space<vmem>>) offsets(%dma_start3A_628 : memref<32xi32, #tpu.memory_space<vmem>>) semaphore(%dma_start3A_633 : memref<!tpu.dma_semaphore, #tpu.memory_space<semaphore_mem>>)
      %dma_start3A_634 = arith.constant 1 : i32
      %dma_start3A_635 = arith.constant 1 : i32
      %dma_start3A_636 = arith.constant 96 : i32
      %dma_start3A_637 = arith.constant 0 : i32
      %dma_start3A_638 = tpu.memref_slice %arg8[%dma_start3A_634, %dma_start3A_636, %dma_start3A_637] : memref<2x128x128xf32, #tpu.memory_space<vmem>> -> memref<1x32x128xf32, #tpu.memory_space<vmem>>
      %dma_start3A_639 = tpu.memref_squeeze %dma_start3A_638 : memref<1x32x128xf32, #tpu.memory_space<vmem>> -> memref<32x128xf32, #tpu.memory_space<vmem>>
      %dma_start3A_640 = arith.constant 96 : i32
      %dma_start3A_641 = tpu.memref_slice %arg6[%add3A_591, %dma_start3A_640] : memref<40x128xi32, #tpu.memory_space<vmem>> -> memref<1x32xi32, #tpu.memory_space<vmem>>
      %dma_start3A_642 = tpu.memref_squeeze %dma_start3A_641 : memref<1x32xi32, #tpu.memory_space<vmem>> -> memref<32xi32, #tpu.memory_space<vmem>>
      %dma_start3A_643 = arith.constant 0 : i32
      %dma_start3A_644 = arith.constant 0 : i32
      %dma_start3A_645 = tpu.memref_slice %arg2[%dma_start3A_643, %dma_start3A_644] : memref<10000x128xf32, #tpu.memory_space<hbm>> -> memref<10000x128xf32, #tpu.memory_space<hbm>>
      %dma_start3A_646 = tpu.memref_slice %arg10[%dma_start3A_635] : memref<2x!tpu.dma_semaphore, #tpu.memory_space<semaphore_mem>> -> memref<1x!tpu.dma_semaphore, #tpu.memory_space<semaphore_mem>>
      %dma_start3A_647 = tpu.memref_squeeze %dma_start3A_646 : memref<1x!tpu.dma_semaphore, #tpu.memory_space<semaphore_mem>> -> memref<!tpu.dma_semaphore, #tpu.memory_space<semaphore_mem>>
      tpu.enqueue_indirect_dma source(%dma_start3A_645 : memref<10000x128xf32, #tpu.memory_space<hbm>>) target(%dma_start3A_639 : memref<32x128xf32, #tpu.memory_space<vmem>>) offsets(%dma_start3A_642 : memref<32xi32, #tpu.memory_space<vmem>>) semaphore(%dma_start3A_647 : memref<!tpu.dma_semaphore, #tpu.memory_space<semaphore_mem>>)
      %run_scoped3A_648 = arith.constant 0 : i32
      "tpu.region"() ({
        %run_scoped3A_768 = tpu.sem_alloc : memref<!tpu.dma_semaphore, #tpu.memory_space<semaphore_mem>>
        %dma_start3A_769 = arith.constant 0 : i32
        %dma_start3A_770 = arith.constant 0 : i32
        %dma_start3A_771 = tpu.memref_slice %arg8[%run_scoped3A_648, %dma_start3A_769, %dma_start3A_770] : memref<2x128x128xf32, #tpu.memory_space<vmem>> -> memref<1x128x128xf32, #tpu.memory_space<vmem>>
        %dma_start3A_772 = tpu.memref_squeeze %dma_start3A_771 : memref<1x128x128xf32, #tpu.memory_space<vmem>> -> memref<128x128xf32, #tpu.memory_space<vmem>>
        %dma_start3A_773 = arith.constant 0 : i32
        %dma_start3A_774 = tpu.memref_slice %arg7[%mul3A_533, %dma_start3A_773] : memref<40x128xi32, #tpu.memory_space<vmem>> -> memref<1x128xi32, #tpu.memory_space<vmem>>
        %dma_start3A_775 = tpu.memref_squeeze %dma_start3A_774 : memref<1x128xi32, #tpu.memory_space<vmem>> -> memref<128xi32, #tpu.memory_space<vmem>>
        %dma_start3A_776 = arith.constant 0 : i32
        %dma_start3A_777 = arith.constant 0 : i32
        %dma_start3A_778 = tpu.memref_slice %arg9[%dma_start3A_776, %dma_start3A_777] : memref<10240x128xf32, #tpu.memory_space<vmem_shared>> -> memref<10240x128xf32, #tpu.memory_space<vmem_shared>>
        tpu.enqueue_indirect_dma source(%dma_start3A_772 : memref<128x128xf32, #tpu.memory_space<vmem>>) target(%dma_start3A_778 : memref<10240x128xf32, #tpu.memory_space<vmem_shared>>) offsets(%dma_start3A_775 : memref<128xi32, #tpu.memory_space<vmem>>) semaphore(%run_scoped3A_768 : memref<!tpu.dma_semaphore, #tpu.memory_space<semaphore_mem>>) {add = true}
        %dma_wait3A_779 = arith.constant 0 : i32
        %dma_wait3A_780 = arith.constant 0 : i32
        %dma_wait3A_781 = tpu.memref_slice %arg8[%run_scoped3A_648, %dma_wait3A_779, %dma_wait3A_780] : memref<2x128x128xf32, #tpu.memory_space<vmem>> -> memref<1x128x128xf32, #tpu.memory_space<vmem>>
        %dma_wait3A_782 = tpu.memref_squeeze %dma_wait3A_781 : memref<1x128x128xf32, #tpu.memory_space<vmem>> -> memref<128x128xf32, #tpu.memory_space<vmem>>
        %dma_wait3A_783 = arith.constant 0 : i32
        %dma_wait3A_784 = tpu.memref_slice %arg7[%mul3A_533, %dma_wait3A_783] : memref<40x128xi32, #tpu.memory_space<vmem>> -> memref<1x128xi32, #tpu.memory_space<vmem>>
        %dma_wait3A_785 = tpu.memref_squeeze %dma_wait3A_784 : memref<1x128xi32, #tpu.memory_space<vmem>> -> memref<128xi32, #tpu.memory_space<vmem>>
        %dma_wait3A_786 = arith.constant 0 : i32
        %dma_wait3A_787 = arith.constant 0 : i32
        %dma_wait3A_788 = tpu.memref_slice %arg9[%dma_wait3A_786, %dma_wait3A_787] : memref<10240x128xf32, #tpu.memory_space<vmem_shared>> -> memref<10240x128xf32, #tpu.memory_space<vmem_shared>>
        tpu.wait_indirect_dma semaphore(%run_scoped3A_768 : memref<!tpu.dma_semaphore, #tpu.memory_space<semaphore_mem>>) src(%dma_wait3A_782 : memref<128x128xf32, #tpu.memory_space<vmem>>) dst(%dma_wait3A_788 : memref<10240x128xf32, #tpu.memory_space<vmem_shared>>)
        tpu.yield
      }) : () -> ()
      %add3A_649 = arith.constant 1 : i32
      %add3A_650 = arith.addi %mul3A_533, %add3A_649 : i32
      %dma_wait3A_651 = arith.constant 1 : i32
      %dma_wait3A_652 = arith.constant 1 : i32
      %dma_wait3A_653 = arith.constant 0 : i32
      %dma_wait3A_654 = arith.constant 0 : i32
      %dma_wait3A_655 = tpu.memref_slice %arg8[%dma_wait3A_651, %dma_wait3A_653, %dma_wait3A_654] : memref<2x128x128xf32, #tpu.memory_space<vmem>> -> memref<1x32x128xf32, #tpu.memory_space<vmem>>
      %dma_wait3A_656 = tpu.memref_squeeze %dma_wait3A_655 : memref<1x32x128xf32, #tpu.memory_space<vmem>> -> memref<32x128xf32, #tpu.memory_space<vmem>>
      %dma_wait3A_657 = arith.constant 0 : i32
      %dma_wait3A_658 = tpu.memref_slice %arg6[%add3A_650, %dma_wait3A_657] : memref<40x128xi32, #tpu.memory_space<vmem>> -> memref<1x32xi32, #tpu.memory_space<vmem>>
      %dma_wait3A_659 = tpu.memref_squeeze %dma_wait3A_658 : memref<1x32xi32, #tpu.memory_space<vmem>> -> memref<32xi32, #tpu.memory_space<vmem>>
      %dma_wait3A_660 = arith.constant 0 : i32
      %dma_wait3A_661 = arith.constant 0 : i32
      %dma_wait3A_662 = tpu.memref_slice %arg2[%dma_wait3A_660, %dma_wait3A_661] : memref<10000x128xf32, #tpu.memory_space<hbm>> -> memref<10000x128xf32, #tpu.memory_space<hbm>>
      %dma_wait3A_663 = tpu.memref_slice %arg10[%dma_wait3A_652] : memref<2x!tpu.dma_semaphore, #tpu.memory_space<semaphore_mem>> -> memref<1x!tpu.dma_semaphore, #tpu.memory_space<semaphore_mem>>
      %dma_wait3A_664 = tpu.memref_squeeze %dma_wait3A_663 : memref<1x!tpu.dma_semaphore, #tpu.memory_space<semaphore_mem>> -> memref<!tpu.dma_semaphore, #tpu.memory_space<semaphore_mem>>
      tpu.wait_indirect_dma semaphore(%dma_wait3A_664 : memref<!tpu.dma_semaphore, #tpu.memory_space<semaphore_mem>>) src(%dma_wait3A_662 : memref<10000x128xf32, #tpu.memory_space<hbm>>) dst(%dma_wait3A_656 : memref<32x128xf32, #tpu.memory_space<vmem>>)
      %dma_wait3A_665 = arith.constant 1 : i32
      %dma_wait3A_666 = arith.constant 1 : i32
      %dma_wait3A_667 = arith.constant 32 : i32
      %dma_wait3A_668 = arith.constant 0 : i32
      %dma_wait3A_669 = tpu.memref_slice %arg8[%dma_wait3A_665, %dma_wait3A_667, %dma_wait3A_668] : memref<2x128x128xf32, #tpu.memory_space<vmem>> -> memref<1x32x128xf32, #tpu.memory_space<vmem>>
      %dma_wait3A_670 = tpu.memref_squeeze %dma_wait3A_669 : memref<1x32x128xf32, #tpu.memory_space<vmem>> -> memref<32x128xf32, #tpu.memory_space<vmem>>
      %dma_wait3A_671 = arith.constant 32 : i32
      %dma_wait3A_672 = tpu.memref_slice %arg6[%add3A_650, %dma_wait3A_671] : memref<40x128xi32, #tpu.memory_space<vmem>> -> memref<1x32xi32, #tpu.memory_space<vmem>>
      %dma_wait3A_673 = tpu.memref_squeeze %dma_wait3A_672 : memref<1x32xi32, #tpu.memory_space<vmem>> -> memref<32xi32, #tpu.memory_space<vmem>>
      %dma_wait3A_674 = arith.constant 0 : i32
      %dma_wait3A_675 = arith.constant 0 : i32
      %dma_wait3A_676 = tpu.memref_slice %arg2[%dma_wait3A_674, %dma_wait3A_675] : memref<10000x128xf32, #tpu.memory_space<hbm>> -> memref<10000x128xf32, #tpu.memory_space<hbm>>
      %dma_wait3A_677 = tpu.memref_slice %arg10[%dma_wait3A_666] : memref<2x!tpu.dma_semaphore, #tpu.memory_space<semaphore_mem>> -> memref<1x!tpu.dma_semaphore, #tpu.memory_space<semaphore_mem>>
      %dma_wait3A_678 = tpu.memref_squeeze %dma_wait3A_677 : memref<1x!tpu.dma_semaphore, #tpu.memory_space<semaphore_mem>> -> memref<!tpu.dma_semaphore, #tpu.memory_space<semaphore_mem>>
      tpu.wait_indirect_dma semaphore(%dma_wait3A_678 : memref<!tpu.dma_semaphore, #tpu.memory_space<semaphore_mem>>) src(%dma_wait3A_676 : memref<10000x128xf32, #tpu.memory_space<hbm>>) dst(%dma_wait3A_670 : memref<32x128xf32, #tpu.memory_space<vmem>>)
      %dma_wait3A_679 = arith.constant 1 : i32
      %dma_wait3A_680 = arith.constant 1 : i32
      %dma_wait3A_681 = arith.constant 64 : i32
      %dma_wait3A_682 = arith.constant 0 : i32
      %dma_wait3A_683 = tpu.memref_slice %arg8[%dma_wait3A_679, %dma_wait3A_681, %dma_wait3A_682] : memref<2x128x128xf32, #tpu.memory_space<vmem>> -> memref<1x32x128xf32, #tpu.memory_space<vmem>>
      %dma_wait3A_684 = tpu.memref_squeeze %dma_wait3A_683 : memref<1x32x128xf32, #tpu.memory_space<vmem>> -> memref<32x128xf32, #tpu.memory_space<vmem>>
      %dma_wait3A_685 = arith.constant 64 : i32
      %dma_wait3A_686 = tpu.memref_slice %arg6[%add3A_650, %dma_wait3A_685] : memref<40x128xi32, #tpu.memory_space<vmem>> -> memref<1x32xi32, #tpu.memory_space<vmem>>
      %dma_wait3A_687 = tpu.memref_squeeze %dma_wait3A_686 : memref<1x32xi32, #tpu.memory_space<vmem>> -> memref<32xi32, #tpu.memory_space<vmem>>
      %dma_wait3A_688 = arith.constant 0 : i32
      %dma_wait3A_689 = arith.constant 0 : i32
      %dma_wait3A_690 = tpu.memref_slice %arg2[%dma_wait3A_688, %dma_wait3A_689] : memref<10000x128xf32, #tpu.memory_space<hbm>> -> memref<10000x128xf32, #tpu.memory_space<hbm>>
      %dma_wait3A_691 = tpu.memref_slice %arg10[%dma_wait3A_680] : memref<2x!tpu.dma_semaphore, #tpu.memory_space<semaphore_mem>> -> memref<1x!tpu.dma_semaphore, #tpu.memory_space<semaphore_mem>>
      %dma_wait3A_692 = tpu.memref_squeeze %dma_wait3A_691 : memref<1x!tpu.dma_semaphore, #tpu.memory_space<semaphore_mem>> -> memref<!tpu.dma_semaphore, #tpu.memory_space<semaphore_mem>>
      tpu.wait_indirect_dma semaphore(%dma_wait3A_692 : memref<!tpu.dma_semaphore, #tpu.memory_space<semaphore_mem>>) src(%dma_wait3A_690 : memref<10000x128xf32, #tpu.memory_space<hbm>>) dst(%dma_wait3A_684 : memref<32x128xf32, #tpu.memory_space<vmem>>)
      %dma_wait3A_693 = arith.constant 1 : i32
      %dma_wait3A_694 = arith.constant 1 : i32
      %dma_wait3A_695 = arith.constant 96 : i32
      %dma_wait3A_696 = arith.constant 0 : i32
      %dma_wait3A_697 = tpu.memref_slice %arg8[%dma_wait3A_693, %dma_wait3A_695, %dma_wait3A_696] : memref<2x128x128xf32, #tpu.memory_space<vmem>> -> memref<1x32x128xf32, #tpu.memory_space<vmem>>
      %dma_wait3A_698 = tpu.memref_squeeze %dma_wait3A_697 : memref<1x32x128xf32, #tpu.memory_space<vmem>> -> memref<32x128xf32, #tpu.memory_space<vmem>>
      %dma_wait3A_699 = arith.constant 96 : i32
      %dma_wait3A_700 = tpu.memref_slice %arg6[%add3A_650, %dma_wait3A_699] : memref<40x128xi32, #tpu.memory_space<vmem>> -> memref<1x32xi32, #tpu.memory_space<vmem>>
      %dma_wait3A_701 = tpu.memref_squeeze %dma_wait3A_700 : memref<1x32xi32, #tpu.memory_space<vmem>> -> memref<32xi32, #tpu.memory_space<vmem>>
      %dma_wait3A_702 = arith.constant 0 : i32
      %dma_wait3A_703 = arith.constant 0 : i32
      %dma_wait3A_704 = tpu.memref_slice %arg2[%dma_wait3A_702, %dma_wait3A_703] : memref<10000x128xf32, #tpu.memory_space<hbm>> -> memref<10000x128xf32, #tpu.memory_space<hbm>>
      %dma_wait3A_705 = tpu.memref_slice %arg10[%dma_wait3A_694] : memref<2x!tpu.dma_semaphore, #tpu.memory_space<semaphore_mem>> -> memref<1x!tpu.dma_semaphore, #tpu.memory_space<semaphore_mem>>
      %dma_wait3A_706 = tpu.memref_squeeze %dma_wait3A_705 : memref<1x!tpu.dma_semaphore, #tpu.memory_space<semaphore_mem>> -> memref<!tpu.dma_semaphore, #tpu.memory_space<semaphore_mem>>
      tpu.wait_indirect_dma semaphore(%dma_wait3A_706 : memref<!tpu.dma_semaphore, #tpu.memory_space<semaphore_mem>>) src(%dma_wait3A_704 : memref<10000x128xf32, #tpu.memory_space<hbm>>) dst(%dma_wait3A_698 : memref<32x128xf32, #tpu.memory_space<vmem>>)
      %add3A_707 = arith.constant 2 : i32
      %add3A_708 = arith.addi %mul3A_533, %add3A_707 : i32
      %dma_start3A_709 = arith.constant 0 : i32
      %dma_start3A_710 = arith.constant 0 : i32
      %dma_start3A_711 = arith.constant 0 : i32
      %dma_start3A_712 = arith.constant 0 : i32
      %dma_start3A_713 = tpu.memref_slice %arg8[%dma_start3A_709, %dma_start3A_711, %dma_start3A_712] : memref<2x128x128xf32, #tpu.memory_space<vmem>> -> memref<1x32x128xf32, #tpu.memory_space<vmem>>
      %dma_start3A_714 = tpu.memref_squeeze %dma_start3A_713 : memref<1x32x128xf32, #tpu.memory_space<vmem>> -> memref<32x128xf32, #tpu.memory_space<vmem>>
      %dma_start3A_715 = arith.constant 0 : i32
      %dma_start3A_716 = tpu.memref_slice %arg6[%add3A_708, %dma_start3A_715] : memref<40x128xi32, #tpu.memory_space<vmem>> -> memref<1x32xi32, #tpu.memory_space<vmem>>
      %dma_start3A_717 = tpu.memref_squeeze %dma_start3A_716 : memref<1x32xi32, #tpu.memory_space<vmem>> -> memref<32xi32, #tpu.memory_space<vmem>>
      %dma_start3A_718 = arith.constant 0 : i32
      %dma_start3A_719 = arith.constant 0 : i32
      %dma_start3A_720 = tpu.memref_slice %arg2[%dma_start3A_718, %dma_start3A_719] : memref<10000x128xf32, #tpu.memory_space<hbm>> -> memref<10000x128xf32, #tpu.memory_space<hbm>>
      %dma_start3A_721 = tpu.memref_slice %arg10[%dma_start3A_710] : memref<2x!tpu.dma_semaphore, #tpu.memory_space<semaphore_mem>> -> memref<1x!tpu.dma_semaphore, #tpu.memory_space<semaphore_mem>>
      %dma_start3A_722 = tpu.memref_squeeze %dma_start3A_721 : memref<1x!tpu.dma_semaphore, #tpu.memory_space<semaphore_mem>> -> memref<!tpu.dma_semaphore, #tpu.memory_space<semaphore_mem>>
      tpu.enqueue_indirect_dma source(%dma_start3A_720 : memref<10000x128xf32, #tpu.memory_space<hbm>>) target(%dma_start3A_714 : memref<32x128xf32, #tpu.memory_space<vmem>>) offsets(%dma_start3A_717 : memref<32xi32, #tpu.memory_space<vmem>>) semaphore(%dma_start3A_722 : memref<!tpu.dma_semaphore, #tpu.memory_space<semaphore_mem>>)
      %dma_start3A_723 = arith.constant 0 : i32
      %dma_start3A_724 = arith.constant 0 : i32
      %dma_start3A_725 = arith.constant 32 : i32
      %dma_start3A_726 = arith.constant 0 : i32
      %dma_start3A_727 = tpu.memref_slice %arg8[%dma_start3A_723, %dma_start3A_725, %dma_start3A_726] : memref<2x128x128xf32, #tpu.memory_space<vmem>> -> memref<1x32x128xf32, #tpu.memory_space<vmem>>
      %dma_start3A_728 = tpu.memref_squeeze %dma_start3A_727 : memref<1x32x128xf32, #tpu.memory_space<vmem>> -> memref<32x128xf32, #tpu.memory_space<vmem>>
      %dma_start3A_729 = arith.constant 32 : i32
      %dma_start3A_730 = tpu.memref_slice %arg6[%add3A_708, %dma_start3A_729] : memref<40x128xi32, #tpu.memory_space<vmem>> -> memref<1x32xi32, #tpu.memory_space<vmem>>
      %dma_start3A_731 = tpu.memref_squeeze %dma_start3A_730 : memref<1x32xi32, #tpu.memory_space<vmem>> -> memref<32xi32, #tpu.memory_space<vmem>>
      %dma_start3A_732 = arith.constant 0 : i32
      %dma_start3A_733 = arith.constant 0 : i32
      %dma_start3A_734 = tpu.memref_slice %arg2[%dma_start3A_732, %dma_start3A_733] : memref<10000x128xf32, #tpu.memory_space<hbm>> -> memref<10000x128xf32, #tpu.memory_space<hbm>>
      %dma_start3A_735 = tpu.memref_slice %arg10[%dma_start3A_724] : memref<2x!tpu.dma_semaphore, #tpu.memory_space<semaphore_mem>> -> memref<1x!tpu.dma_semaphore, #tpu.memory_space<semaphore_mem>>
      %dma_start3A_736 = tpu.memref_squeeze %dma_start3A_735 : memref<1x!tpu.dma_semaphore, #tpu.memory_space<semaphore_mem>> -> memref<!tpu.dma_semaphore, #tpu.memory_space<semaphore_mem>>
      tpu.enqueue_indirect_dma source(%dma_start3A_734 : memref<10000x128xf32, #tpu.memory_space<hbm>>) target(%dma_start3A_728 : memref<32x128xf32, #tpu.memory_space<vmem>>) offsets(%dma_start3A_731 : memref<32xi32, #tpu.memory_space<vmem>>) semaphore(%dma_start3A_736 : memref<!tpu.dma_semaphore, #tpu.memory_space<semaphore_mem>>)
      %dma_start3A_737 = arith.constant 0 : i32
      %dma_start3A_738 = arith.constant 0 : i32
      %dma_start3A_739 = arith.constant 64 : i32
      %dma_start3A_740 = arith.constant 0 : i32
      %dma_start3A_741 = tpu.memref_slice %arg8[%dma_start3A_737, %dma_start3A_739, %dma_start3A_740] : memref<2x128x128xf32, #tpu.memory_space<vmem>> -> memref<1x32x128xf32, #tpu.memory_space<vmem>>
      %dma_start3A_742 = tpu.memref_squeeze %dma_start3A_741 : memref<1x32x128xf32, #tpu.memory_space<vmem>> -> memref<32x128xf32, #tpu.memory_space<vmem>>
      %dma_start3A_743 = arith.constant 64 : i32
      %dma_start3A_744 = tpu.memref_slice %arg6[%add3A_708, %dma_start3A_743] : memref<40x128xi32, #tpu.memory_space<vmem>> -> memref<1x32xi32, #tpu.memory_space<vmem>>
      %dma_start3A_745 = tpu.memref_squeeze %dma_start3A_744 : memref<1x32xi32, #tpu.memory_space<vmem>> -> memref<32xi32, #tpu.memory_space<vmem>>
      %dma_start3A_746 = arith.constant 0 : i32
      %dma_start3A_747 = arith.constant 0 : i32
      %dma_start3A_748 = tpu.memref_slice %arg2[%dma_start3A_746, %dma_start3A_747] : memref<10000x128xf32, #tpu.memory_space<hbm>> -> memref<10000x128xf32, #tpu.memory_space<hbm>>
      %dma_start3A_749 = tpu.memref_slice %arg10[%dma_start3A_738] : memref<2x!tpu.dma_semaphore, #tpu.memory_space<semaphore_mem>> -> memref<1x!tpu.dma_semaphore, #tpu.memory_space<semaphore_mem>>
      %dma_start3A_750 = tpu.memref_squeeze %dma_start3A_749 : memref<1x!tpu.dma_semaphore, #tpu.memory_space<semaphore_mem>> -> memref<!tpu.dma_semaphore, #tpu.memory_space<semaphore_mem>>
      tpu.enqueue_indirect_dma source(%dma_start3A_748 : memref<10000x128xf32, #tpu.memory_space<hbm>>) target(%dma_start3A_742 : memref<32x128xf32, #tpu.memory_space<vmem>>) offsets(%dma_start3A_745 : memref<32xi32, #tpu.memory_space<vmem>>) semaphore(%dma_start3A_750 : memref<!tpu.dma_semaphore, #tpu.memory_space<semaphore_mem>>)
      %dma_start3A_751 = arith.constant 0 : i32
      %dma_start3A_752 = arith.constant 0 : i32
      %dma_start3A_753 = arith.constant 96 : i32
      %dma_start3A_754 = arith.constant 0 : i32
      %dma_start3A_755 = tpu.memref_slice %arg8[%dma_start3A_751, %dma_start3A_753, %dma_start3A_754] : memref<2x128x128xf32, #tpu.memory_space<vmem>> -> memref<1x32x128xf32, #tpu.memory_space<vmem>>
      %dma_start3A_756 = tpu.memref_squeeze %dma_start3A_755 : memref<1x32x128xf32, #tpu.memory_space<vmem>> -> memref<32x128xf32, #tpu.memory_space<vmem>>
      %dma_start3A_757 = arith.constant 96 : i32
      %dma_start3A_758 = tpu.memref_slice %arg6[%add3A_708, %dma_start3A_757] : memref<40x128xi32, #tpu.memory_space<vmem>> -> memref<1x32xi32, #tpu.memory_space<vmem>>
      %dma_start3A_759 = tpu.memref_squeeze %dma_start3A_758 : memref<1x32xi32, #tpu.memory_space<vmem>> -> memref<32xi32, #tpu.memory_space<vmem>>
      %dma_start3A_760 = arith.constant 0 : i32
      %dma_start3A_761 = arith.constant 0 : i32
      %dma_start3A_762 = tpu.memref_slice %arg2[%dma_start3A_760, %dma_start3A_761] : memref<10000x128xf32, #tpu.memory_space<hbm>> -> memref<10000x128xf32, #tpu.memory_space<hbm>>
      %dma_start3A_763 = tpu.memref_slice %arg10[%dma_start3A_752] : memref<2x!tpu.dma_semaphore, #tpu.memory_space<semaphore_mem>> -> memref<1x!tpu.dma_semaphore, #tpu.memory_space<semaphore_mem>>
      %dma_start3A_764 = tpu.memref_squeeze %dma_start3A_763 : memref<1x!tpu.dma_semaphore, #tpu.memory_space<semaphore_mem>> -> memref<!tpu.dma_semaphore, #tpu.memory_space<semaphore_mem>>
      tpu.enqueue_indirect_dma source(%dma_start3A_762 : memref<10000x128xf32, #tpu.memory_space<hbm>>) target(%dma_start3A_756 : memref<32x128xf32, #tpu.memory_space<vmem>>) offsets(%dma_start3A_759 : memref<32xi32, #tpu.memory_space<vmem>>) semaphore(%dma_start3A_764 : memref<!tpu.dma_semaphore, #tpu.memory_space<semaphore_mem>>)
      %add3A_765 = arith.constant 1 : i32
      %add3A_766 = arith.addi %mul3A_533, %add3A_765 : i32
      %run_scoped3A_767 = arith.constant 1 : i32
      "tpu.region"() ({
        %run_scoped3A_768 = tpu.sem_alloc : memref<!tpu.dma_semaphore, #tpu.memory_space<semaphore_mem>>
        %dma_start3A_769 = arith.constant 0 : i32
        %dma_start3A_770 = arith.constant 0 : i32
        %dma_start3A_771 = tpu.memref_slice %arg8[%run_scoped3A_767, %dma_start3A_769, %dma_start3A_770] : memref<2x128x128xf32, #tpu.memory_space<vmem>> -> memref<1x128x128xf32, #tpu.memory_space<vmem>>
        %dma_start3A_772 = tpu.memref_squeeze %dma_start3A_771 : memref<1x128x128xf32, #tpu.memory_space<vmem>> -> memref<128x128xf32, #tpu.memory_space<vmem>>
        %dma_start3A_773 = arith.constant 0 : i32
        %dma_start3A_774 = tpu.memref_slice %arg7[%add3A_766, %dma_start3A_773] : memref<40x128xi32, #tpu.memory_space<vmem>> -> memref<1x128xi32, #tpu.memory_space<vmem>>
        %dma_start3A_775 = tpu.memref_squeeze %dma_start3A_774 : memref<1x128xi32, #tpu.memory_space<vmem>> -> memref<128xi32, #tpu.memory_space<vmem>>
        %dma_start3A_776 = arith.constant 0 : i32
        %dma_start3A_777 = arith.constant 0 : i32
        %dma_start3A_778 = tpu.memref_slice %arg9[%dma_start3A_776, %dma_start3A_777] : memref<10240x128xf32, #tpu.memory_space<vmem_shared>> -> memref<10240x128xf32, #tpu.memory_space<vmem_shared>>
        tpu.enqueue_indirect_dma source(%dma_start3A_772 : memref<128x128xf32, #tpu.memory_space<vmem>>) target(%dma_start3A_778 : memref<10240x128xf32, #tpu.memory_space<vmem_shared>>) offsets(%dma_start3A_775 : memref<128xi32, #tpu.memory_space<vmem>>) semaphore(%run_scoped3A_768 : memref<!tpu.dma_semaphore, #tpu.memory_space<semaphore_mem>>) {add = true}
        %dma_wait3A_779 = arith.constant 0 : i32
        %dma_wait3A_780 = arith.constant 0 : i32
        %dma_wait3A_781 = tpu.memref_slice %arg8[%run_scoped3A_767, %dma_wait3A_779, %dma_wait3A_780] : memref<2x128x128xf32, #tpu.memory_space<vmem>> -> memref<1x128x128xf32, #tpu.memory_space<vmem>>
        %dma_wait3A_782 = tpu.memref_squeeze %dma_wait3A_781 : memref<1x128x128xf32, #tpu.memory_space<vmem>> -> memref<128x128xf32, #tpu.memory_space<vmem>>
        %dma_wait3A_783 = arith.constant 0 : i32
        %dma_wait3A_784 = tpu.memref_slice %arg7[%add3A_766, %dma_wait3A_783] : memref<40x128xi32, #tpu.memory_space<vmem>> -> memref<1x128xi32, #tpu.memory_space<vmem>>
        %dma_wait3A_785 = tpu.memref_squeeze %dma_wait3A_784 : memref<1x128xi32, #tpu.memory_space<vmem>> -> memref<128xi32, #tpu.memory_space<vmem>>
        %dma_wait3A_786 = arith.constant 0 : i32
        %dma_wait3A_787 = arith.constant 0 : i32
        %dma_wait3A_788 = tpu.memref_slice %arg9[%dma_wait3A_786, %dma_wait3A_787] : memref<10240x128xf32, #tpu.memory_space<vmem_shared>> -> memref<10240x128xf32, #tpu.memory_space<vmem_shared>>
        tpu.wait_indirect_dma semaphore(%run_scoped3A_768 : memref<!tpu.dma_semaphore, #tpu.memory_space<semaphore_mem>>) src(%dma_wait3A_782 : memref<128x128xf32, #tpu.memory_space<vmem>>) dst(%dma_wait3A_788 : memref<10240x128xf32, #tpu.memory_space<vmem_shared>>)
        tpu.yield
      }) : () -> ()
    }
    %scan3A_82 = arith.constant 19 : i32
    %dma_wait3A = arith.constant 38 : i32
    %dma_wait3A_83 = arith.constant 0 : i32
    %dma_wait3A_84 = arith.constant 0 : i32
    %dma_wait3A_85 = arith.constant 0 : i32
    %dma_wait3A_86 = arith.constant 0 : i32
    %dma_wait3A_87 = tpu.memref_slice %arg8[%dma_wait3A_83, %dma_wait3A_85, %dma_wait3A_86] : memref<2x128x128xf32, #tpu.memory_space<vmem>> -> memref<1x32x128xf32, #tpu.memory_space<vmem>>
    %dma_wait3A_88 = tpu.memref_squeeze %dma_wait3A_87 : memref<1x32x128xf32, #tpu.memory_space<vmem>> -> memref<32x128xf32, #tpu.memory_space<vmem>>
    %dma_wait3A_89 = arith.constant 0 : i32
    %dma_wait3A_90 = tpu.memref_slice %arg6[%dma_wait3A, %dma_wait3A_89] : memref<40x128xi32, #tpu.memory_space<vmem>> -> memref<1x32xi32, #tpu.memory_space<vmem>>
    %dma_wait3A_91 = tpu.memref_squeeze %dma_wait3A_90 : memref<1x32xi32, #tpu.memory_space<vmem>> -> memref<32xi32, #tpu.memory_space<vmem>>
    %dma_wait3A_92 = arith.constant 0 : i32
    %dma_wait3A_93 = arith.constant 0 : i32
    %dma_wait3A_94 = tpu.memref_slice %arg2[%dma_wait3A_92, %dma_wait3A_93] : memref<10000x128xf32, #tpu.memory_space<hbm>> -> memref<10000x128xf32, #tpu.memory_space<hbm>>
    %dma_wait3A_95 = tpu.memref_slice %arg10[%dma_wait3A_84] : memref<2x!tpu.dma_semaphore, #tpu.memory_space<semaphore_mem>> -> memref<1x!tpu.dma_semaphore, #tpu.memory_space<semaphore_mem>>
    %dma_wait3A_96 = tpu.memref_squeeze %dma_wait3A_95 : memref<1x!tpu.dma_semaphore, #tpu.memory_space<semaphore_mem>> -> memref<!tpu.dma_semaphore, #tpu.memory_space<semaphore_mem>>
    tpu.wait_indirect_dma semaphore(%dma_wait3A_96 : memref<!tpu.dma_semaphore, #tpu.memory_space<semaphore_mem>>) src(%dma_wait3A_94 : memref<10000x128xf32, #tpu.memory_space<hbm>>) dst(%dma_wait3A_88 : memref<32x128xf32, #tpu.memory_space<vmem>>)
    %dma_wait3A_97 = arith.constant 38 : i32
    %dma_wait3A_98 = arith.constant 0 : i32
    %dma_wait3A_99 = arith.constant 0 : i32
    %dma_wait3A_100 = arith.constant 32 : i32
    %dma_wait3A_101 = arith.constant 0 : i32
    %dma_wait3A_102 = tpu.memref_slice %arg8[%dma_wait3A_98, %dma_wait3A_100, %dma_wait3A_101] : memref<2x128x128xf32, #tpu.memory_space<vmem>> -> memref<1x32x128xf32, #tpu.memory_space<vmem>>
    %dma_wait3A_103 = tpu.memref_squeeze %dma_wait3A_102 : memref<1x32x128xf32, #tpu.memory_space<vmem>> -> memref<32x128xf32, #tpu.memory_space<vmem>>
    %dma_wait3A_104 = arith.constant 32 : i32
    %dma_wait3A_105 = tpu.memref_slice %arg6[%dma_wait3A_97, %dma_wait3A_104] : memref<40x128xi32, #tpu.memory_space<vmem>> -> memref<1x32xi32, #tpu.memory_space<vmem>>
    %dma_wait3A_106 = tpu.memref_squeeze %dma_wait3A_105 : memref<1x32xi32, #tpu.memory_space<vmem>> -> memref<32xi32, #tpu.memory_space<vmem>>
    %dma_wait3A_107 = arith.constant 0 : i32
    %dma_wait3A_108 = arith.constant 0 : i32
    %dma_wait3A_109 = tpu.memref_slice %arg2[%dma_wait3A_107, %dma_wait3A_108] : memref<10000x128xf32, #tpu.memory_space<hbm>> -> memref<10000x128xf32, #tpu.memory_space<hbm>>
    %dma_wait3A_110 = tpu.memref_slice %arg10[%dma_wait3A_99] : memref<2x!tpu.dma_semaphore, #tpu.memory_space<semaphore_mem>> -> memref<1x!tpu.dma_semaphore, #tpu.memory_space<semaphore_mem>>
    %dma_wait3A_111 = tpu.memref_squeeze %dma_wait3A_110 : memref<1x!tpu.dma_semaphore, #tpu.memory_space<semaphore_mem>> -> memref<!tpu.dma_semaphore, #tpu.memory_space<semaphore_mem>>
    tpu.wait_indirect_dma semaphore(%dma_wait3A_111 : memref<!tpu.dma_semaphore, #tpu.memory_space<semaphore_mem>>) src(%dma_wait3A_109 : memref<10000x128xf32, #tpu.memory_space<hbm>>) dst(%dma_wait3A_103 : memref<32x128xf32, #tpu.memory_space<vmem>>)
    %dma_wait3A_112 = arith.constant 38 : i32
    %dma_wait3A_113 = arith.constant 0 : i32
    %dma_wait3A_114 = arith.constant 0 : i32
    %dma_wait3A_115 = arith.constant 64 : i32
    %dma_wait3A_116 = arith.constant 0 : i32
    %dma_wait3A_117 = tpu.memref_slice %arg8[%dma_wait3A_113, %dma_wait3A_115, %dma_wait3A_116] : memref<2x128x128xf32, #tpu.memory_space<vmem>> -> memref<1x32x128xf32, #tpu.memory_space<vmem>>
    %dma_wait3A_118 = tpu.memref_squeeze %dma_wait3A_117 : memref<1x32x128xf32, #tpu.memory_space<vmem>> -> memref<32x128xf32, #tpu.memory_space<vmem>>
    %dma_wait3A_119 = arith.constant 64 : i32
    %dma_wait3A_120 = tpu.memref_slice %arg6[%dma_wait3A_112, %dma_wait3A_119] : memref<40x128xi32, #tpu.memory_space<vmem>> -> memref<1x32xi32, #tpu.memory_space<vmem>>
    %dma_wait3A_121 = tpu.memref_squeeze %dma_wait3A_120 : memref<1x32xi32, #tpu.memory_space<vmem>> -> memref<32xi32, #tpu.memory_space<vmem>>
    %dma_wait3A_122 = arith.constant 0 : i32
    %dma_wait3A_123 = arith.constant 0 : i32
    %dma_wait3A_124 = tpu.memref_slice %arg2[%dma_wait3A_122, %dma_wait3A_123] : memref<10000x128xf32, #tpu.memory_space<hbm>> -> memref<10000x128xf32, #tpu.memory_space<hbm>>
    %dma_wait3A_125 = tpu.memref_slice %arg10[%dma_wait3A_114] : memref<2x!tpu.dma_semaphore, #tpu.memory_space<semaphore_mem>> -> memref<1x!tpu.dma_semaphore, #tpu.memory_space<semaphore_mem>>
    %dma_wait3A_126 = tpu.memref_squeeze %dma_wait3A_125 : memref<1x!tpu.dma_semaphore, #tpu.memory_space<semaphore_mem>> -> memref<!tpu.dma_semaphore, #tpu.memory_space<semaphore_mem>>
    tpu.wait_indirect_dma semaphore(%dma_wait3A_126 : memref<!tpu.dma_semaphore, #tpu.memory_space<semaphore_mem>>) src(%dma_wait3A_124 : memref<10000x128xf32, #tpu.memory_space<hbm>>) dst(%dma_wait3A_118 : memref<32x128xf32, #tpu.memory_space<vmem>>)
    %dma_wait3A_127 = arith.constant 38 : i32
    %dma_wait3A_128 = arith.constant 0 : i32
    %dma_wait3A_129 = arith.constant 0 : i32
    %dma_wait3A_130 = arith.constant 96 : i32
    %dma_wait3A_131 = arith.constant 0 : i32
    %dma_wait3A_132 = tpu.memref_slice %arg8[%dma_wait3A_128, %dma_wait3A_130, %dma_wait3A_131] : memref<2x128x128xf32, #tpu.memory_space<vmem>> -> memref<1x32x128xf32, #tpu.memory_space<vmem>>
    %dma_wait3A_133 = tpu.memref_squeeze %dma_wait3A_132 : memref<1x32x128xf32, #tpu.memory_space<vmem>> -> memref<32x128xf32, #tpu.memory_space<vmem>>
    %dma_wait3A_134 = arith.constant 96 : i32
    %dma_wait3A_135 = tpu.memref_slice %arg6[%dma_wait3A_127, %dma_wait3A_134] : memref<40x128xi32, #tpu.memory_space<vmem>> -> memref<1x32xi32, #tpu.memory_space<vmem>>
    %dma_wait3A_136 = tpu.memref_squeeze %dma_wait3A_135 : memref<1x32xi32, #tpu.memory_space<vmem>> -> memref<32xi32, #tpu.memory_space<vmem>>
    %dma_wait3A_137 = arith.constant 0 : i32
    %dma_wait3A_138 = arith.constant 0 : i32
    %dma_wait3A_139 = tpu.memref_slice %arg2[%dma_wait3A_137, %dma_wait3A_138] : memref<10000x128xf32, #tpu.memory_space<hbm>> -> memref<10000x128xf32, #tpu.memory_space<hbm>>
    %dma_wait3A_140 = tpu.memref_slice %arg10[%dma_wait3A_129] : memref<2x!tpu.dma_semaphore, #tpu.memory_space<semaphore_mem>> -> memref<1x!tpu.dma_semaphore, #tpu.memory_space<semaphore_mem>>
    %dma_wait3A_141 = tpu.memref_squeeze %dma_wait3A_140 : memref<1x!tpu.dma_semaphore, #tpu.memory_space<semaphore_mem>> -> memref<!tpu.dma_semaphore, #tpu.memory_space<semaphore_mem>>
    tpu.wait_indirect_dma semaphore(%dma_wait3A_141 : memref<!tpu.dma_semaphore, #tpu.memory_space<semaphore_mem>>) src(%dma_wait3A_139 : memref<10000x128xf32, #tpu.memory_space<hbm>>) dst(%dma_wait3A_133 : memref<32x128xf32, #tpu.memory_space<vmem>>)
    %dma_start3A_142 = arith.constant 39 : i32
    %dma_start3A_143 = arith.constant 1 : i32
    %dma_start3A_144 = arith.constant 1 : i32
    %dma_start3A_145 = arith.constant 0 : i32
    %dma_start3A_146 = arith.constant 0 : i32
    %dma_start3A_147 = tpu.memref_slice %arg8[%dma_start3A_143, %dma_start3A_145, %dma_start3A_146] : memref<2x128x128xf32, #tpu.memory_space<vmem>> -> memref<1x32x128xf32, #tpu.memory_space<vmem>>
    %dma_start3A_148 = tpu.memref_squeeze %dma_start3A_147 : memref<1x32x128xf32, #tpu.memory_space<vmem>> -> memref<32x128xf32, #tpu.memory_space<vmem>>
    %dma_start3A_149 = arith.constant 0 : i32
    %dma_start3A_150 = tpu.memref_slice %arg6[%dma_start3A_142, %dma_start3A_149] : memref<40x128xi32, #tpu.memory_space<vmem>> -> memref<1x32xi32, #tpu.memory_space<vmem>>
    %dma_start3A_151 = tpu.memref_squeeze %dma_start3A_150 : memref<1x32xi32, #tpu.memory_space<vmem>> -> memref<32xi32, #tpu.memory_space<vmem>>
    %dma_start3A_152 = arith.constant 0 : i32
    %dma_start3A_153 = arith.constant 0 : i32
    %dma_start3A_154 = tpu.memref_slice %arg2[%dma_start3A_152, %dma_start3A_153] : memref<10000x128xf32, #tpu.memory_space<hbm>> -> memref<10000x128xf32, #tpu.memory_space<hbm>>
    %dma_start3A_155 = tpu.memref_slice %arg10[%dma_start3A_144] : memref<2x!tpu.dma_semaphore, #tpu.memory_space<semaphore_mem>> -> memref<1x!tpu.dma_semaphore, #tpu.memory_space<semaphore_mem>>
    %dma_start3A_156 = tpu.memref_squeeze %dma_start3A_155 : memref<1x!tpu.dma_semaphore, #tpu.memory_space<semaphore_mem>> -> memref<!tpu.dma_semaphore, #tpu.memory_space<semaphore_mem>>
    tpu.enqueue_indirect_dma source(%dma_start3A_154 : memref<10000x128xf32, #tpu.memory_space<hbm>>) target(%dma_start3A_148 : memref<32x128xf32, #tpu.memory_space<vmem>>) offsets(%dma_start3A_151 : memref<32xi32, #tpu.memory_space<vmem>>) semaphore(%dma_start3A_156 : memref<!tpu.dma_semaphore, #tpu.memory_space<semaphore_mem>>)
    %dma_start3A_157 = arith.constant 39 : i32
    %dma_start3A_158 = arith.constant 1 : i32
    %dma_start3A_159 = arith.constant 1 : i32
    %dma_start3A_160 = arith.constant 32 : i32
    %dma_start3A_161 = arith.constant 0 : i32
    %dma_start3A_162 = tpu.memref_slice %arg8[%dma_start3A_158, %dma_start3A_160, %dma_start3A_161] : memref<2x128x128xf32, #tpu.memory_space<vmem>> -> memref<1x32x128xf32, #tpu.memory_space<vmem>>
    %dma_start3A_163 = tpu.memref_squeeze %dma_start3A_162 : memref<1x32x128xf32, #tpu.memory_space<vmem>> -> memref<32x128xf32, #tpu.memory_space<vmem>>
    %dma_start3A_164 = arith.constant 32 : i32
    %dma_start3A_165 = tpu.memref_slice %arg6[%dma_start3A_157, %dma_start3A_164] : memref<40x128xi32, #tpu.memory_space<vmem>> -> memref<1x32xi32, #tpu.memory_space<vmem>>
    %dma_start3A_166 = tpu.memref_squeeze %dma_start3A_165 : memref<1x32xi32, #tpu.memory_space<vmem>> -> memref<32xi32, #tpu.memory_space<vmem>>
    %dma_start3A_167 = arith.constant 0 : i32
    %dma_start3A_168 = arith.constant 0 : i32
    %dma_start3A_169 = tpu.memref_slice %arg2[%dma_start3A_167, %dma_start3A_168] : memref<10000x128xf32, #tpu.memory_space<hbm>> -> memref<10000x128xf32, #tpu.memory_space<hbm>>
    %dma_start3A_170 = tpu.memref_slice %arg10[%dma_start3A_159] : memref<2x!tpu.dma_semaphore, #tpu.memory_space<semaphore_mem>> -> memref<1x!tpu.dma_semaphore, #tpu.memory_space<semaphore_mem>>
    %dma_start3A_171 = tpu.memref_squeeze %dma_start3A_170 : memref<1x!tpu.dma_semaphore, #tpu.memory_space<semaphore_mem>> -> memref<!tpu.dma_semaphore, #tpu.memory_space<semaphore_mem>>
    tpu.enqueue_indirect_dma source(%dma_start3A_169 : memref<10000x128xf32, #tpu.memory_space<hbm>>) target(%dma_start3A_163 : memref<32x128xf32, #tpu.memory_space<vmem>>) offsets(%dma_start3A_166 : memref<32xi32, #tpu.memory_space<vmem>>) semaphore(%dma_start3A_171 : memref<!tpu.dma_semaphore, #tpu.memory_space<semaphore_mem>>)
    %dma_start3A_172 = arith.constant 39 : i32
    %dma_start3A_173 = arith.constant 1 : i32
    %dma_start3A_174 = arith.constant 1 : i32
    %dma_start3A_175 = arith.constant 64 : i32
    %dma_start3A_176 = arith.constant 0 : i32
    %dma_start3A_177 = tpu.memref_slice %arg8[%dma_start3A_173, %dma_start3A_175, %dma_start3A_176] : memref<2x128x128xf32, #tpu.memory_space<vmem>> -> memref<1x32x128xf32, #tpu.memory_space<vmem>>
    %dma_start3A_178 = tpu.memref_squeeze %dma_start3A_177 : memref<1x32x128xf32, #tpu.memory_space<vmem>> -> memref<32x128xf32, #tpu.memory_space<vmem>>
    %dma_start3A_179 = arith.constant 64 : i32
    %dma_start3A_180 = tpu.memref_slice %arg6[%dma_start3A_172, %dma_start3A_179] : memref<40x128xi32, #tpu.memory_space<vmem>> -> memref<1x32xi32, #tpu.memory_space<vmem>>
    %dma_start3A_181 = tpu.memref_squeeze %dma_start3A_180 : memref<1x32xi32, #tpu.memory_space<vmem>> -> memref<32xi32, #tpu.memory_space<vmem>>
    %dma_start3A_182 = arith.constant 0 : i32
    %dma_start3A_183 = arith.constant 0 : i32
    %dma_start3A_184 = tpu.memref_slice %arg2[%dma_start3A_182, %dma_start3A_183] : memref<10000x128xf32, #tpu.memory_space<hbm>> -> memref<10000x128xf32, #tpu.memory_space<hbm>>
    %dma_start3A_185 = tpu.memref_slice %arg10[%dma_start3A_174] : memref<2x!tpu.dma_semaphore, #tpu.memory_space<semaphore_mem>> -> memref<1x!tpu.dma_semaphore, #tpu.memory_space<semaphore_mem>>
    %dma_start3A_186 = tpu.memref_squeeze %dma_start3A_185 : memref<1x!tpu.dma_semaphore, #tpu.memory_space<semaphore_mem>> -> memref<!tpu.dma_semaphore, #tpu.memory_space<semaphore_mem>>
    tpu.enqueue_indirect_dma source(%dma_start3A_184 : memref<10000x128xf32, #tpu.memory_space<hbm>>) target(%dma_start3A_178 : memref<32x128xf32, #tpu.memory_space<vmem>>) offsets(%dma_start3A_181 : memref<32xi32, #tpu.memory_space<vmem>>) semaphore(%dma_start3A_186 : memref<!tpu.dma_semaphore, #tpu.memory_space<semaphore_mem>>)
    %dma_start3A_187 = arith.constant 39 : i32
    %dma_start3A_188 = arith.constant 1 : i32
    %dma_start3A_189 = arith.constant 1 : i32
    %dma_start3A_190 = arith.constant 96 : i32
    %dma_start3A_191 = arith.constant 0 : i32
    %dma_start3A_192 = tpu.memref_slice %arg8[%dma_start3A_188, %dma_start3A_190, %dma_start3A_191] : memref<2x128x128xf32, #tpu.memory_space<vmem>> -> memref<1x32x128xf32, #tpu.memory_space<vmem>>
    %dma_start3A_193 = tpu.memref_squeeze %dma_start3A_192 : memref<1x32x128xf32, #tpu.memory_space<vmem>> -> memref<32x128xf32, #tpu.memory_space<vmem>>
    %dma_start3A_194 = arith.constant 96 : i32
    %dma_start3A_195 = tpu.memref_slice %arg6[%dma_start3A_187, %dma_start3A_194] : memref<40x128xi32, #tpu.memory_space<vmem>> -> memref<1x32xi32, #tpu.memory_space<vmem>>
    %dma_start3A_196 = tpu.memref_squeeze %dma_start3A_195 : memref<1x32xi32, #tpu.memory_space<vmem>> -> memref<32xi32, #tpu.memory_space<vmem>>
    %dma_start3A_197 = arith.constant 0 : i32
    %dma_start3A_198 = arith.constant 0 : i32
    %dma_start3A_199 = tpu.memref_slice %arg2[%dma_start3A_197, %dma_start3A_198] : memref<10000x128xf32, #tpu.memory_space<hbm>> -> memref<10000x128xf32, #tpu.memory_space<hbm>>
    %dma_start3A_200 = tpu.memref_slice %arg10[%dma_start3A_189] : memref<2x!tpu.dma_semaphore, #tpu.memory_space<semaphore_mem>> -> memref<1x!tpu.dma_semaphore, #tpu.memory_space<semaphore_mem>>
    %dma_start3A_201 = tpu.memref_squeeze %dma_start3A_200 : memref<1x!tpu.dma_semaphore, #tpu.memory_space<semaphore_mem>> -> memref<!tpu.dma_semaphore, #tpu.memory_space<semaphore_mem>>
    tpu.enqueue_indirect_dma source(%dma_start3A_199 : memref<10000x128xf32, #tpu.memory_space<hbm>>) target(%dma_start3A_193 : memref<32x128xf32, #tpu.memory_space<vmem>>) offsets(%dma_start3A_196 : memref<32xi32, #tpu.memory_space<vmem>>) semaphore(%dma_start3A_201 : memref<!tpu.dma_semaphore, #tpu.memory_space<semaphore_mem>>)
    %run_scoped3A = arith.constant 0 : i32
    %run_scoped3A_202 = arith.constant 38 : i32
    "tpu.region"() ({
      %run_scoped3A_527 = tpu.sem_alloc : memref<!tpu.dma_semaphore, #tpu.memory_space<semaphore_mem>>
      %dma_start3A_528 = arith.constant 0 : i32
      %dma_start3A_529 = arith.constant 0 : i32
      %dma_start3A_530 = tpu.memref_slice %arg8[%run_scoped3A, %dma_start3A_528, %dma_start3A_529] : memref<2x128x128xf32, #tpu.memory_space<vmem>> -> memref<1x128x128xf32, #tpu.memory_space<vmem>>
      %dma_start3A_531 = tpu.memref_squeeze %dma_start3A_530 : memref<1x128x128xf32, #tpu.memory_space<vmem>> -> memref<128x128xf32, #tpu.memory_space<vmem>>
      %dma_start3A_532 = arith.constant 0 : i32
      %dma_start3A_533 = tpu.memref_slice %arg7[%run_scoped3A_202, %dma_start3A_532] : memref<40x128xi32, #tpu.memory_space<vmem>> -> memref<1x128xi32, #tpu.memory_space<vmem>>
      %dma_start3A_534 = tpu.memref_squeeze %dma_start3A_533 : memref<1x128xi32, #tpu.memory_space<vmem>> -> memref<128xi32, #tpu.memory_space<vmem>>
      %dma_start3A_535 = arith.constant 0 : i32
      %dma_start3A_536 = arith.constant 0 : i32
      %dma_start3A_537 = tpu.memref_slice %arg9[%dma_start3A_535, %dma_start3A_536] : memref<10240x128xf32, #tpu.memory_space<vmem_shared>> -> memref<10240x128xf32, #tpu.memory_space<vmem_shared>>
      tpu.enqueue_indirect_dma source(%dma_start3A_531 : memref<128x128xf32, #tpu.memory_space<vmem>>) target(%dma_start3A_537 : memref<10240x128xf32, #tpu.memory_space<vmem_shared>>) offsets(%dma_start3A_534 : memref<128xi32, #tpu.memory_space<vmem>>) semaphore(%run_scoped3A_527 : memref<!tpu.dma_semaphore, #tpu.memory_space<semaphore_mem>>) {add = true}
      %dma_wait3A_538 = arith.constant 0 : i32
      %dma_wait3A_539 = arith.constant 0 : i32
      %dma_wait3A_540 = tpu.memref_slice %arg8[%run_scoped3A, %dma_wait3A_538, %dma_wait3A_539] : memref<2x128x128xf32, #tpu.memory_space<vmem>> -> memref<1x128x128xf32, #tpu.memory_space<vmem>>
      %dma_wait3A_541 = tpu.memref_squeeze %dma_wait3A_540 : memref<1x128x128xf32, #tpu.memory_space<vmem>> -> memref<128x128xf32, #tpu.memory_space<vmem>>
      %dma_wait3A_542 = arith.constant 0 : i32
      %dma_wait3A_543 = tpu.memref_slice %arg7[%run_scoped3A_202, %dma_wait3A_542] : memref<40x128xi32, #tpu.memory_space<vmem>> -> memref<1x128xi32, #tpu.memory_space<vmem>>
      %dma_wait3A_544 = tpu.memref_squeeze %dma_wait3A_543 : memref<1x128xi32, #tpu.memory_space<vmem>> -> memref<128xi32, #tpu.memory_space<vmem>>
      %dma_wait3A_545 = arith.constant 0 : i32
      %dma_wait3A_546 = arith.constant 0 : i32
      %dma_wait3A_547 = tpu.memref_slice %arg9[%dma_wait3A_545, %dma_wait3A_546] : memref<10240x128xf32, #tpu.memory_space<vmem_shared>> -> memref<10240x128xf32, #tpu.memory_space<vmem_shared>>
      tpu.wait_indirect_dma semaphore(%run_scoped3A_527 : memref<!tpu.dma_semaphore, #tpu.memory_space<semaphore_mem>>) src(%dma_wait3A_541 : memref<128x128xf32, #tpu.memory_space<vmem>>) dst(%dma_wait3A_547 : memref<10240x128xf32, #tpu.memory_space<vmem_shared>>)
      tpu.yield
    }) : () -> ()
    %dma_wait3A_203 = arith.constant 39 : i32
    %dma_wait3A_204 = arith.constant 1 : i32
    %dma_wait3A_205 = arith.constant 1 : i32
    %dma_wait3A_206 = arith.constant 0 : i32
    %dma_wait3A_207 = arith.constant 0 : i32
    %dma_wait3A_208 = tpu.memref_slice %arg8[%dma_wait3A_204, %dma_wait3A_206, %dma_wait3A_207] : memref<2x128x128xf32, #tpu.memory_space<vmem>> -> memref<1x32x128xf32, #tpu.memory_space<vmem>>
    %dma_wait3A_209 = tpu.memref_squeeze %dma_wait3A_208 : memref<1x32x128xf32, #tpu.memory_space<vmem>> -> memref<32x128xf32, #tpu.memory_space<vmem>>
    %dma_wait3A_210 = arith.constant 0 : i32
    %dma_wait3A_211 = tpu.memref_slice %arg6[%dma_wait3A_203, %dma_wait3A_210] : memref<40x128xi32, #tpu.memory_space<vmem>> -> memref<1x32xi32, #tpu.memory_space<vmem>>
    %dma_wait3A_212 = tpu.memref_squeeze %dma_wait3A_211 : memref<1x32xi32, #tpu.memory_space<vmem>> -> memref<32xi32, #tpu.memory_space<vmem>>
    %dma_wait3A_213 = arith.constant 0 : i32
    %dma_wait3A_214 = arith.constant 0 : i32
    %dma_wait3A_215 = tpu.memref_slice %arg2[%dma_wait3A_213, %dma_wait3A_214] : memref<10000x128xf32, #tpu.memory_space<hbm>> -> memref<10000x128xf32, #tpu.memory_space<hbm>>
    %dma_wait3A_216 = tpu.memref_slice %arg10[%dma_wait3A_205] : memref<2x!tpu.dma_semaphore, #tpu.memory_space<semaphore_mem>> -> memref<1x!tpu.dma_semaphore, #tpu.memory_space<semaphore_mem>>
    %dma_wait3A_217 = tpu.memref_squeeze %dma_wait3A_216 : memref<1x!tpu.dma_semaphore, #tpu.memory_space<semaphore_mem>> -> memref<!tpu.dma_semaphore, #tpu.memory_space<semaphore_mem>>
    tpu.wait_indirect_dma semaphore(%dma_wait3A_217 : memref<!tpu.dma_semaphore, #tpu.memory_space<semaphore_mem>>) src(%dma_wait3A_215 : memref<10000x128xf32, #tpu.memory_space<hbm>>) dst(%dma_wait3A_209 : memref<32x128xf32, #tpu.memory_space<vmem>>)
    %dma_wait3A_218 = arith.constant 39 : i32
    %dma_wait3A_219 = arith.constant 1 : i32
    %dma_wait3A_220 = arith.constant 1 : i32
    %dma_wait3A_221 = arith.constant 32 : i32
    %dma_wait3A_222 = arith.constant 0 : i32
    %dma_wait3A_223 = tpu.memref_slice %arg8[%dma_wait3A_219, %dma_wait3A_221, %dma_wait3A_222] : memref<2x128x128xf32, #tpu.memory_space<vmem>> -> memref<1x32x128xf32, #tpu.memory_space<vmem>>
    %dma_wait3A_224 = tpu.memref_squeeze %dma_wait3A_223 : memref<1x32x128xf32, #tpu.memory_space<vmem>> -> memref<32x128xf32, #tpu.memory_space<vmem>>
    %dma_wait3A_225 = arith.constant 32 : i32
    %dma_wait3A_226 = tpu.memref_slice %arg6[%dma_wait3A_218, %dma_wait3A_225] : memref<40x128xi32, #tpu.memory_space<vmem>> -> memref<1x32xi32, #tpu.memory_space<vmem>>
    %dma_wait3A_227 = tpu.memref_squeeze %dma_wait3A_226 : memref<1x32xi32, #tpu.memory_space<vmem>> -> memref<32xi32, #tpu.memory_space<vmem>>
    %dma_wait3A_228 = arith.constant 0 : i32
    %dma_wait3A_229 = arith.constant 0 : i32
    %dma_wait3A_230 = tpu.memref_slice %arg2[%dma_wait3A_228, %dma_wait3A_229] : memref<10000x128xf32, #tpu.memory_space<hbm>> -> memref<10000x128xf32, #tpu.memory_space<hbm>>
    %dma_wait3A_231 = tpu.memref_slice %arg10[%dma_wait3A_220] : memref<2x!tpu.dma_semaphore, #tpu.memory_space<semaphore_mem>> -> memref<1x!tpu.dma_semaphore, #tpu.memory_space<semaphore_mem>>
    %dma_wait3A_232 = tpu.memref_squeeze %dma_wait3A_231 : memref<1x!tpu.dma_semaphore, #tpu.memory_space<semaphore_mem>> -> memref<!tpu.dma_semaphore, #tpu.memory_space<semaphore_mem>>
    tpu.wait_indirect_dma semaphore(%dma_wait3A_232 : memref<!tpu.dma_semaphore, #tpu.memory_space<semaphore_mem>>) src(%dma_wait3A_230 : memref<10000x128xf32, #tpu.memory_space<hbm>>) dst(%dma_wait3A_224 : memref<32x128xf32, #tpu.memory_space<vmem>>)
    %dma_wait3A_233 = arith.constant 39 : i32
    %dma_wait3A_234 = arith.constant 1 : i32
    %dma_wait3A_235 = arith.constant 1 : i32
    %dma_wait3A_236 = arith.constant 64 : i32
    %dma_wait3A_237 = arith.constant 0 : i32
    %dma_wait3A_238 = tpu.memref_slice %arg8[%dma_wait3A_234, %dma_wait3A_236, %dma_wait3A_237] : memref<2x128x128xf32, #tpu.memory_space<vmem>> -> memref<1x32x128xf32, #tpu.memory_space<vmem>>
    %dma_wait3A_239 = tpu.memref_squeeze %dma_wait3A_238 : memref<1x32x128xf32, #tpu.memory_space<vmem>> -> memref<32x128xf32, #tpu.memory_space<vmem>>
    %dma_wait3A_240 = arith.constant 64 : i32
    %dma_wait3A_241 = tpu.memref_slice %arg6[%dma_wait3A_233, %dma_wait3A_240] : memref<40x128xi32, #tpu.memory_space<vmem>> -> memref<1x32xi32, #tpu.memory_space<vmem>>
    %dma_wait3A_242 = tpu.memref_squeeze %dma_wait3A_241 : memref<1x32xi32, #tpu.memory_space<vmem>> -> memref<32xi32, #tpu.memory_space<vmem>>
    %dma_wait3A_243 = arith.constant 0 : i32
    %dma_wait3A_244 = arith.constant 0 : i32
    %dma_wait3A_245 = tpu.memref_slice %arg2[%dma_wait3A_243, %dma_wait3A_244] : memref<10000x128xf32, #tpu.memory_space<hbm>> -> memref<10000x128xf32, #tpu.memory_space<hbm>>
    %dma_wait3A_246 = tpu.memref_slice %arg10[%dma_wait3A_235] : memref<2x!tpu.dma_semaphore, #tpu.memory_space<semaphore_mem>> -> memref<1x!tpu.dma_semaphore, #tpu.memory_space<semaphore_mem>>
    %dma_wait3A_247 = tpu.memref_squeeze %dma_wait3A_246 : memref<1x!tpu.dma_semaphore, #tpu.memory_space<semaphore_mem>> -> memref<!tpu.dma_semaphore, #tpu.memory_space<semaphore_mem>>
    tpu.wait_indirect_dma semaphore(%dma_wait3A_247 : memref<!tpu.dma_semaphore, #tpu.memory_space<semaphore_mem>>) src(%dma_wait3A_245 : memref<10000x128xf32, #tpu.memory_space<hbm>>) dst(%dma_wait3A_239 : memref<32x128xf32, #tpu.memory_space<vmem>>)
    %dma_wait3A_248 = arith.constant 39 : i32
    %dma_wait3A_249 = arith.constant 1 : i32
    %dma_wait3A_250 = arith.constant 1 : i32
    %dma_wait3A_251 = arith.constant 96 : i32
    %dma_wait3A_252 = arith.constant 0 : i32
    %dma_wait3A_253 = tpu.memref_slice %arg8[%dma_wait3A_249, %dma_wait3A_251, %dma_wait3A_252] : memref<2x128x128xf32, #tpu.memory_space<vmem>> -> memref<1x32x128xf32, #tpu.memory_space<vmem>>
    %dma_wait3A_254 = tpu.memref_squeeze %dma_wait3A_253 : memref<1x32x128xf32, #tpu.memory_space<vmem>> -> memref<32x128xf32, #tpu.memory_space<vmem>>
    %dma_wait3A_255 = arith.constant 96 : i32
    %dma_wait3A_256 = tpu.memref_slice %arg6[%dma_wait3A_248, %dma_wait3A_255] : memref<40x128xi32, #tpu.memory_space<vmem>> -> memref<1x32xi32, #tpu.memory_space<vmem>>
    %dma_wait3A_257 = tpu.memref_squeeze %dma_wait3A_256 : memref<1x32xi32, #tpu.memory_space<vmem>> -> memref<32xi32, #tpu.memory_space<vmem>>
    %dma_wait3A_258 = arith.constant 0 : i32
    %dma_wait3A_259 = arith.constant 0 : i32
    %dma_wait3A_260 = tpu.memref_slice %arg2[%dma_wait3A_258, %dma_wait3A_259] : memref<10000x128xf32, #tpu.memory_space<hbm>> -> memref<10000x128xf32, #tpu.memory_space<hbm>>
    %dma_wait3A_261 = tpu.memref_slice %arg10[%dma_wait3A_250] : memref<2x!tpu.dma_semaphore, #tpu.memory_space<semaphore_mem>> -> memref<1x!tpu.dma_semaphore, #tpu.memory_space<semaphore_mem>>
    %dma_wait3A_262 = tpu.memref_squeeze %dma_wait3A_261 : memref<1x!tpu.dma_semaphore, #tpu.memory_space<semaphore_mem>> -> memref<!tpu.dma_semaphore, #tpu.memory_space<semaphore_mem>>
    tpu.wait_indirect_dma semaphore(%dma_wait3A_262 : memref<!tpu.dma_semaphore, #tpu.memory_space<semaphore_mem>>) src(%dma_wait3A_260 : memref<10000x128xf32, #tpu.memory_space<hbm>>) dst(%dma_wait3A_254 : memref<32x128xf32, #tpu.memory_space<vmem>>)
    %run_scoped3A_263 = arith.constant 1 : i32
    %run_scoped3A_264 = arith.constant 39 : i32
    "tpu.region"() ({
      %run_scoped3A_527 = tpu.sem_alloc : memref<!tpu.dma_semaphore, #tpu.memory_space<semaphore_mem>>
      %dma_start3A_528 = arith.constant 0 : i32
      %dma_start3A_529 = arith.constant 0 : i32
      %dma_start3A_530 = tpu.memref_slice %arg8[%run_scoped3A_263, %dma_start3A_528, %dma_start3A_529] : memref<2x128x128xf32, #tpu.memory_space<vmem>> -> memref<1x128x128xf32, #tpu.memory_space<vmem>>
      %dma_start3A_531 = tpu.memref_squeeze %dma_start3A_530 : memref<1x128x128xf32, #tpu.memory_space<vmem>> -> memref<128x128xf32, #tpu.memory_space<vmem>>
      %dma_start3A_532 = arith.constant 0 : i32
      %dma_start3A_533 = tpu.memref_slice %arg7[%run_scoped3A_264, %dma_start3A_532] : memref<40x128xi32, #tpu.memory_space<vmem>> -> memref<1x128xi32, #tpu.memory_space<vmem>>
      %dma_start3A_534 = tpu.memref_squeeze %dma_start3A_533 : memref<1x128xi32, #tpu.memory_space<vmem>> -> memref<128xi32, #tpu.memory_space<vmem>>
      %dma_start3A_535 = arith.constant 0 : i32
      %dma_start3A_536 = arith.constant 0 : i32
      %dma_start3A_537 = tpu.memref_slice %arg9[%dma_start3A_535, %dma_start3A_536] : memref<10240x128xf32, #tpu.memory_space<vmem_shared>> -> memref<10240x128xf32, #tpu.memory_space<vmem_shared>>
      tpu.enqueue_indirect_dma source(%dma_start3A_531 : memref<128x128xf32, #tpu.memory_space<vmem>>) target(%dma_start3A_537 : memref<10240x128xf32, #tpu.memory_space<vmem_shared>>) offsets(%dma_start3A_534 : memref<128xi32, #tpu.memory_space<vmem>>) semaphore(%run_scoped3A_527 : memref<!tpu.dma_semaphore, #tpu.memory_space<semaphore_mem>>) {add = true}
      %dma_wait3A_538 = arith.constant 0 : i32
      %dma_wait3A_539 = arith.constant 0 : i32
      %dma_wait3A_540 = tpu.memref_slice %arg8[%run_scoped3A_263, %dma_wait3A_538, %dma_wait3A_539] : memref<2x128x128xf32, #tpu.memory_space<vmem>> -> memref<1x128x128xf32, #tpu.memory_space<vmem>>
      %dma_wait3A_541 = tpu.memref_squeeze %dma_wait3A_540 : memref<1x128x128xf32, #tpu.memory_space<vmem>> -> memref<128x128xf32, #tpu.memory_space<vmem>>
      %dma_wait3A_542 = arith.constant 0 : i32
      %dma_wait3A_543 = tpu.memref_slice %arg7[%run_scoped3A_264, %dma_wait3A_542] : memref<40x128xi32, #tpu.memory_space<vmem>> -> memref<1x128xi32, #tpu.memory_space<vmem>>
      %dma_wait3A_544 = tpu.memref_squeeze %dma_wait3A_543 : memref<1x128xi32, #tpu.memory_space<vmem>> -> memref<128xi32, #tpu.memory_space<vmem>>
      %dma_wait3A_545 = arith.constant 0 : i32
      %dma_wait3A_546 = arith.constant 0 : i32
      %dma_wait3A_547 = tpu.memref_slice %arg9[%dma_wait3A_545, %dma_wait3A_546] : memref<10240x128xf32, #tpu.memory_space<vmem_shared>> -> memref<10240x128xf32, #tpu.memory_space<vmem_shared>>
      tpu.wait_indirect_dma semaphore(%run_scoped3A_527 : memref<!tpu.dma_semaphore, #tpu.memory_space<semaphore_mem>>) src(%dma_wait3A_541 : memref<128x128xf32, #tpu.memory_space<vmem>>) dst(%dma_wait3A_547 : memref<10240x128xf32, #tpu.memory_space<vmem_shared>>)
      tpu.yield
    }) : () -> ()
    %mul3A_265 = arith.constant 80 : i32
    %mul3A_266 = arith.muli %add3A, %mul3A_265 : i32
    %add3A_267 = arith.constant 40 : i32
    %add3A_268 = arith.addi %mul3A_266, %add3A_267 : i32
    "tpu.region"() ({
      %run_scoped3A_527 = tpu.sem_alloc : memref<!tpu.dma_semaphore, #tpu.memory_space<semaphore_mem>>
      %dma_start3A_528 = arith.constant 0 : i32
      %dma_start3A_529 = tpu.memref_slice %arg3[%add3A_268, %dma_start3A_528] : memref<2560x128xi32, #tpu.memory_space<hbm>> -> memref<40x128xi32, #tpu.memory_space<hbm>>
      %dma_start3A_530 = arith.constant 0 : i32
      %dma_start3A_531 = tpu.memref_slice %arg3[%add3A_268, %dma_start3A_530] : memref<2560x128xi32, #tpu.memory_space<hbm>> -> memref<40x128xi32, #tpu.memory_space<hbm>>
      tpu.enqueue_dma source(%dma_start3A_531 : memref<40x128xi32, #tpu.memory_space<hbm>>) target(%arg6 : memref<40x128xi32, #tpu.memory_space<vmem>>) target_semaphore(%run_scoped3A_527 : memref<!tpu.dma_semaphore, #tpu.memory_space<semaphore_mem>>)
      %dma_wait3A_532 = arith.constant 0 : i32
      %dma_wait3A_533 = tpu.memref_slice %arg3[%add3A_268, %dma_wait3A_532] : memref<2560x128xi32, #tpu.memory_space<hbm>> -> memref<40x128xi32, #tpu.memory_space<hbm>>
      %dma_wait3A_534 = arith.constant 0 : i32
      %dma_wait3A_535 = tpu.memref_slice %arg3[%add3A_268, %dma_wait3A_534] : memref<2560x128xi32, #tpu.memory_space<hbm>> -> memref<40x128xi32, #tpu.memory_space<hbm>>
      tpu.wait_dma2 semaphore(%run_scoped3A_527 : memref<!tpu.dma_semaphore, #tpu.memory_space<semaphore_mem>>) src(%dma_wait3A_535 : memref<40x128xi32, #tpu.memory_space<hbm>>) dst(%arg6 : memref<40x128xi32, #tpu.memory_space<vmem>>)
      tpu.yield
    }) : () -> ()
    %mul3A_269 = arith.constant 80 : i32
    %mul3A_270 = arith.muli %add3A, %mul3A_269 : i32
    %add3A_271 = arith.constant 40 : i32
    %add3A_272 = arith.addi %mul3A_270, %add3A_271 : i32
    "tpu.region"() ({
      %run_scoped3A_527 = tpu.sem_alloc : memref<!tpu.dma_semaphore, #tpu.memory_space<semaphore_mem>>
      %dma_start3A_528 = arith.constant 0 : i32
      %dma_start3A_529 = tpu.memref_slice %arg4[%add3A_272, %dma_start3A_528] : memref<2560x128xi32, #tpu.memory_space<hbm>> -> memref<40x128xi32, #tpu.memory_space<hbm>>
      %dma_start3A_530 = arith.constant 0 : i32
      %dma_start3A_531 = tpu.memref_slice %arg4[%add3A_272, %dma_start3A_530] : memref<2560x128xi32, #tpu.memory_space<hbm>> -> memref<40x128xi32, #tpu.memory_space<hbm>>
      tpu.enqueue_dma source(%dma_start3A_531 : memref<40x128xi32, #tpu.memory_space<hbm>>) target(%arg7 : memref<40x128xi32, #tpu.memory_space<vmem>>) target_semaphore(%run_scoped3A_527 : memref<!tpu.dma_semaphore, #tpu.memory_space<semaphore_mem>>)
      %dma_wait3A_532 = arith.constant 0 : i32
      %dma_wait3A_533 = tpu.memref_slice %arg4[%add3A_272, %dma_wait3A_532] : memref<2560x128xi32, #tpu.memory_space<hbm>> -> memref<40x128xi32, #tpu.memory_space<hbm>>
      %dma_wait3A_534 = arith.constant 0 : i32
      %dma_wait3A_535 = tpu.memref_slice %arg4[%add3A_272, %dma_wait3A_534] : memref<2560x128xi32, #tpu.memory_space<hbm>> -> memref<40x128xi32, #tpu.memory_space<hbm>>
      tpu.wait_dma2 semaphore(%run_scoped3A_527 : memref<!tpu.dma_semaphore, #tpu.memory_space<semaphore_mem>>) src(%dma_wait3A_535 : memref<40x128xi32, #tpu.memory_space<hbm>>) dst(%arg7 : memref<40x128xi32, #tpu.memory_space<vmem>>)
      tpu.yield
    }) : () -> ()
    %dma_start3A_273 = arith.constant 0 : i32
    %dma_start3A_274 = arith.constant 0 : i32
    %dma_start3A_275 = arith.constant 0 : i32
    %dma_start3A_276 = arith.constant 0 : i32
    %dma_start3A_277 = arith.constant 0 : i32
    %dma_start3A_278 = tpu.memref_slice %arg8[%dma_start3A_274, %dma_start3A_276, %dma_start3A_277] : memref<2x128x128xf32, #tpu.memory_space<vmem>> -> memref<1x32x128xf32, #tpu.memory_space<vmem>>
    %dma_start3A_279 = tpu.memref_squeeze %dma_start3A_278 : memref<1x32x128xf32, #tpu.memory_space<vmem>> -> memref<32x128xf32, #tpu.memory_space<vmem>>
    %dma_start3A_280 = arith.constant 0 : i32
    %dma_start3A_281 = tpu.memref_slice %arg6[%dma_start3A_273, %dma_start3A_280] : memref<40x128xi32, #tpu.memory_space<vmem>> -> memref<1x32xi32, #tpu.memory_space<vmem>>
    %dma_start3A_282 = tpu.memref_squeeze %dma_start3A_281 : memref<1x32xi32, #tpu.memory_space<vmem>> -> memref<32xi32, #tpu.memory_space<vmem>>
    %dma_start3A_283 = arith.constant 0 : i32
    %dma_start3A_284 = arith.constant 0 : i32
    %dma_start3A_285 = tpu.memref_slice %arg2[%dma_start3A_283, %dma_start3A_284] : memref<10000x128xf32, #tpu.memory_space<hbm>> -> memref<10000x128xf32, #tpu.memory_space<hbm>>
    %dma_start3A_286 = tpu.memref_slice %arg10[%dma_start3A_275] : memref<2x!tpu.dma_semaphore, #tpu.memory_space<semaphore_mem>> -> memref<1x!tpu.dma_semaphore, #tpu.memory_space<semaphore_mem>>
    %dma_start3A_287 = tpu.memref_squeeze %dma_start3A_286 : memref<1x!tpu.dma_semaphore, #tpu.memory_space<semaphore_mem>> -> memref<!tpu.dma_semaphore, #tpu.memory_space<semaphore_mem>>
    tpu.enqueue_indirect_dma source(%dma_start3A_285 : memref<10000x128xf32, #tpu.memory_space<hbm>>) target(%dma_start3A_279 : memref<32x128xf32, #tpu.memory_space<vmem>>) offsets(%dma_start3A_282 : memref<32xi32, #tpu.memory_space<vmem>>) semaphore(%dma_start3A_287 : memref<!tpu.dma_semaphore, #tpu.memory_space<semaphore_mem>>)
    %dma_start3A_288 = arith.constant 0 : i32
    %dma_start3A_289 = arith.constant 0 : i32
    %dma_start3A_290 = arith.constant 0 : i32
    %dma_start3A_291 = arith.constant 32 : i32
    %dma_start3A_292 = arith.constant 0 : i32
    %dma_start3A_293 = tpu.memref_slice %arg8[%dma_start3A_289, %dma_start3A_291, %dma_start3A_292] : memref<2x128x128xf32, #tpu.memory_space<vmem>> -> memref<1x32x128xf32, #tpu.memory_space<vmem>>
    %dma_start3A_294 = tpu.memref_squeeze %dma_start3A_293 : memref<1x32x128xf32, #tpu.memory_space<vmem>> -> memref<32x128xf32, #tpu.memory_space<vmem>>
    %dma_start3A_295 = arith.constant 32 : i32
    %dma_start3A_296 = tpu.memref_slice %arg6[%dma_start3A_288, %dma_start3A_295] : memref<40x128xi32, #tpu.memory_space<vmem>> -> memref<1x32xi32, #tpu.memory_space<vmem>>
    %dma_start3A_297 = tpu.memref_squeeze %dma_start3A_296 : memref<1x32xi32, #tpu.memory_space<vmem>> -> memref<32xi32, #tpu.memory_space<vmem>>
    %dma_start3A_298 = arith.constant 0 : i32
    %dma_start3A_299 = arith.constant 0 : i32
    %dma_start3A_300 = tpu.memref_slice %arg2[%dma_start3A_298, %dma_start3A_299] : memref<10000x128xf32, #tpu.memory_space<hbm>> -> memref<10000x128xf32, #tpu.memory_space<hbm>>
    %dma_start3A_301 = tpu.memref_slice %arg10[%dma_start3A_290] : memref<2x!tpu.dma_semaphore, #tpu.memory_space<semaphore_mem>> -> memref<1x!tpu.dma_semaphore, #tpu.memory_space<semaphore_mem>>
    %dma_start3A_302 = tpu.memref_squeeze %dma_start3A_301 : memref<1x!tpu.dma_semaphore, #tpu.memory_space<semaphore_mem>> -> memref<!tpu.dma_semaphore, #tpu.memory_space<semaphore_mem>>
    tpu.enqueue_indirect_dma source(%dma_start3A_300 : memref<10000x128xf32, #tpu.memory_space<hbm>>) target(%dma_start3A_294 : memref<32x128xf32, #tpu.memory_space<vmem>>) offsets(%dma_start3A_297 : memref<32xi32, #tpu.memory_space<vmem>>) semaphore(%dma_start3A_302 : memref<!tpu.dma_semaphore, #tpu.memory_space<semaphore_mem>>)
    %dma_start3A_303 = arith.constant 0 : i32
    %dma_start3A_304 = arith.constant 0 : i32
    %dma_start3A_305 = arith.constant 0 : i32
    %dma_start3A_306 = arith.constant 64 : i32
    %dma_start3A_307 = arith.constant 0 : i32
    %dma_start3A_308 = tpu.memref_slice %arg8[%dma_start3A_304, %dma_start3A_306, %dma_start3A_307] : memref<2x128x128xf32, #tpu.memory_space<vmem>> -> memref<1x32x128xf32, #tpu.memory_space<vmem>>
    %dma_start3A_309 = tpu.memref_squeeze %dma_start3A_308 : memref<1x32x128xf32, #tpu.memory_space<vmem>> -> memref<32x128xf32, #tpu.memory_space<vmem>>
    %dma_start3A_310 = arith.constant 64 : i32
    %dma_start3A_311 = tpu.memref_slice %arg6[%dma_start3A_303, %dma_start3A_310] : memref<40x128xi32, #tpu.memory_space<vmem>> -> memref<1x32xi32, #tpu.memory_space<vmem>>
    %dma_start3A_312 = tpu.memref_squeeze %dma_start3A_311 : memref<1x32xi32, #tpu.memory_space<vmem>> -> memref<32xi32, #tpu.memory_space<vmem>>
    %dma_start3A_313 = arith.constant 0 : i32
    %dma_start3A_314 = arith.constant 0 : i32
    %dma_start3A_315 = tpu.memref_slice %arg2[%dma_start3A_313, %dma_start3A_314] : memref<10000x128xf32, #tpu.memory_space<hbm>> -> memref<10000x128xf32, #tpu.memory_space<hbm>>
    %dma_start3A_316 = tpu.memref_slice %arg10[%dma_start3A_305] : memref<2x!tpu.dma_semaphore, #tpu.memory_space<semaphore_mem>> -> memref<1x!tpu.dma_semaphore, #tpu.memory_space<semaphore_mem>>
    %dma_start3A_317 = tpu.memref_squeeze %dma_start3A_316 : memref<1x!tpu.dma_semaphore, #tpu.memory_space<semaphore_mem>> -> memref<!tpu.dma_semaphore, #tpu.memory_space<semaphore_mem>>
    tpu.enqueue_indirect_dma source(%dma_start3A_315 : memref<10000x128xf32, #tpu.memory_space<hbm>>) target(%dma_start3A_309 : memref<32x128xf32, #tpu.memory_space<vmem>>) offsets(%dma_start3A_312 : memref<32xi32, #tpu.memory_space<vmem>>) semaphore(%dma_start3A_317 : memref<!tpu.dma_semaphore, #tpu.memory_space<semaphore_mem>>)
    %dma_start3A_318 = arith.constant 0 : i32
    %dma_start3A_319 = arith.constant 0 : i32
    %dma_start3A_320 = arith.constant 0 : i32
    %dma_start3A_321 = arith.constant 96 : i32
    %dma_start3A_322 = arith.constant 0 : i32
    %dma_start3A_323 = tpu.memref_slice %arg8[%dma_start3A_319, %dma_start3A_321, %dma_start3A_322] : memref<2x128x128xf32, #tpu.memory_space<vmem>> -> memref<1x32x128xf32, #tpu.memory_space<vmem>>
    %dma_start3A_324 = tpu.memref_squeeze %dma_start3A_323 : memref<1x32x128xf32, #tpu.memory_space<vmem>> -> memref<32x128xf32, #tpu.memory_space<vmem>>
    %dma_start3A_325 = arith.constant 96 : i32
    %dma_start3A_326 = tpu.memref_slice %arg6[%dma_start3A_318, %dma_start3A_325] : memref<40x128xi32, #tpu.memory_space<vmem>> -> memref<1x32xi32, #tpu.memory_space<vmem>>
    %dma_start3A_327 = tpu.memref_squeeze %dma_start3A_326 : memref<1x32xi32, #tpu.memory_space<vmem>> -> memref<32xi32, #tpu.memory_space<vmem>>
    %dma_start3A_328 = arith.constant 0 : i32
    %dma_start3A_329 = arith.constant 0 : i32
    %dma_start3A_330 = tpu.memref_slice %arg2[%dma_start3A_328, %dma_start3A_329] : memref<10000x128xf32, #tpu.memory_space<hbm>> -> memref<10000x128xf32, #tpu.memory_space<hbm>>
    %dma_start3A_331 = tpu.memref_slice %arg10[%dma_start3A_320] : memref<2x!tpu.dma_semaphore, #tpu.memory_space<semaphore_mem>> -> memref<1x!tpu.dma_semaphore, #tpu.memory_space<semaphore_mem>>
    %dma_start3A_332 = tpu.memref_squeeze %dma_start3A_331 : memref<1x!tpu.dma_semaphore, #tpu.memory_space<semaphore_mem>> -> memref<!tpu.dma_semaphore, #tpu.memory_space<semaphore_mem>>
    tpu.enqueue_indirect_dma source(%dma_start3A_330 : memref<10000x128xf32, #tpu.memory_space<hbm>>) target(%dma_start3A_324 : memref<32x128xf32, #tpu.memory_space<vmem>>) offsets(%dma_start3A_327 : memref<32xi32, #tpu.memory_space<vmem>>) semaphore(%dma_start3A_332 : memref<!tpu.dma_semaphore, #tpu.memory_space<semaphore_mem>>)
    %scan3A_333 = arith.constant 0 : i32
    %scan3A_334 = arith.constant 19 : i32
    %scan3A_335 = arith.addi %scan3A_333, %scan3A_334 : i32
    %scan3A_336 = arith.constant 1 : i32
    scf.for %scan3A_527 = %scan3A_333 to %scan3A_335 step %scan3A_336  : i32 {
      %mul3A_528 = arith.constant 1 : i32
      %mul3A_529 = arith.muli %scan3A_527, %mul3A_528 : i32
      %add3A_530 = arith.constant 0 : i32
      %add3A_531 = arith.addi %add3A_530, %mul3A_529 : i32
      %mul3A_532 = arith.constant 2 : i32
      %mul3A_533 = arith.muli %mul3A_532, %add3A_531 : i32
      %dma_wait3A_534 = arith.constant 0 : i32
      %dma_wait3A_535 = arith.constant 0 : i32
      %dma_wait3A_536 = arith.constant 0 : i32
      %dma_wait3A_537 = arith.constant 0 : i32
      %dma_wait3A_538 = tpu.memref_slice %arg8[%dma_wait3A_534, %dma_wait3A_536, %dma_wait3A_537] : memref<2x128x128xf32, #tpu.memory_space<vmem>> -> memref<1x32x128xf32, #tpu.memory_space<vmem>>
      %dma_wait3A_539 = tpu.memref_squeeze %dma_wait3A_538 : memref<1x32x128xf32, #tpu.memory_space<vmem>> -> memref<32x128xf32, #tpu.memory_space<vmem>>
      %dma_wait3A_540 = arith.constant 0 : i32
      %dma_wait3A_541 = tpu.memref_slice %arg6[%mul3A_533, %dma_wait3A_540] : memref<40x128xi32, #tpu.memory_space<vmem>> -> memref<1x32xi32, #tpu.memory_space<vmem>>
      %dma_wait3A_542 = tpu.memref_squeeze %dma_wait3A_541 : memref<1x32xi32, #tpu.memory_space<vmem>> -> memref<32xi32, #tpu.memory_space<vmem>>
      %dma_wait3A_543 = arith.constant 0 : i32
      %dma_wait3A_544 = arith.constant 0 : i32
      %dma_wait3A_545 = tpu.memref_slice %arg2[%dma_wait3A_543, %dma_wait3A_544] : memref<10000x128xf32, #tpu.memory_space<hbm>> -> memref<10000x128xf32, #tpu.memory_space<hbm>>
      %dma_wait3A_546 = tpu.memref_slice %arg10[%dma_wait3A_535] : memref<2x!tpu.dma_semaphore, #tpu.memory_space<semaphore_mem>> -> memref<1x!tpu.dma_semaphore, #tpu.memory_space<semaphore_mem>>
      %dma_wait3A_547 = tpu.memref_squeeze %dma_wait3A_546 : memref<1x!tpu.dma_semaphore, #tpu.memory_space<semaphore_mem>> -> memref<!tpu.dma_semaphore, #tpu.memory_space<semaphore_mem>>
      tpu.wait_indirect_dma semaphore(%dma_wait3A_547 : memref<!tpu.dma_semaphore, #tpu.memory_space<semaphore_mem>>) src(%dma_wait3A_545 : memref<10000x128xf32, #tpu.memory_space<hbm>>) dst(%dma_wait3A_539 : memref<32x128xf32, #tpu.memory_space<vmem>>)
      %dma_wait3A_548 = arith.constant 0 : i32
      %dma_wait3A_549 = arith.constant 0 : i32
      %dma_wait3A_550 = arith.constant 32 : i32
      %dma_wait3A_551 = arith.constant 0 : i32
      %dma_wait3A_552 = tpu.memref_slice %arg8[%dma_wait3A_548, %dma_wait3A_550, %dma_wait3A_551] : memref<2x128x128xf32, #tpu.memory_space<vmem>> -> memref<1x32x128xf32, #tpu.memory_space<vmem>>
      %dma_wait3A_553 = tpu.memref_squeeze %dma_wait3A_552 : memref<1x32x128xf32, #tpu.memory_space<vmem>> -> memref<32x128xf32, #tpu.memory_space<vmem>>
      %dma_wait3A_554 = arith.constant 32 : i32
      %dma_wait3A_555 = tpu.memref_slice %arg6[%mul3A_533, %dma_wait3A_554] : memref<40x128xi32, #tpu.memory_space<vmem>> -> memref<1x32xi32, #tpu.memory_space<vmem>>
      %dma_wait3A_556 = tpu.memref_squeeze %dma_wait3A_555 : memref<1x32xi32, #tpu.memory_space<vmem>> -> memref<32xi32, #tpu.memory_space<vmem>>
      %dma_wait3A_557 = arith.constant 0 : i32
      %dma_wait3A_558 = arith.constant 0 : i32
      %dma_wait3A_559 = tpu.memref_slice %arg2[%dma_wait3A_557, %dma_wait3A_558] : memref<10000x128xf32, #tpu.memory_space<hbm>> -> memref<10000x128xf32, #tpu.memory_space<hbm>>
      %dma_wait3A_560 = tpu.memref_slice %arg10[%dma_wait3A_549] : memref<2x!tpu.dma_semaphore, #tpu.memory_space<semaphore_mem>> -> memref<1x!tpu.dma_semaphore, #tpu.memory_space<semaphore_mem>>
      %dma_wait3A_561 = tpu.memref_squeeze %dma_wait3A_560 : memref<1x!tpu.dma_semaphore, #tpu.memory_space<semaphore_mem>> -> memref<!tpu.dma_semaphore, #tpu.memory_space<semaphore_mem>>
      tpu.wait_indirect_dma semaphore(%dma_wait3A_561 : memref<!tpu.dma_semaphore, #tpu.memory_space<semaphore_mem>>) src(%dma_wait3A_559 : memref<10000x128xf32, #tpu.memory_space<hbm>>) dst(%dma_wait3A_553 : memref<32x128xf32, #tpu.memory_space<vmem>>)
      %dma_wait3A_562 = arith.constant 0 : i32
      %dma_wait3A_563 = arith.constant 0 : i32
      %dma_wait3A_564 = arith.constant 64 : i32
      %dma_wait3A_565 = arith.constant 0 : i32
      %dma_wait3A_566 = tpu.memref_slice %arg8[%dma_wait3A_562, %dma_wait3A_564, %dma_wait3A_565] : memref<2x128x128xf32, #tpu.memory_space<vmem>> -> memref<1x32x128xf32, #tpu.memory_space<vmem>>
      %dma_wait3A_567 = tpu.memref_squeeze %dma_wait3A_566 : memref<1x32x128xf32, #tpu.memory_space<vmem>> -> memref<32x128xf32, #tpu.memory_space<vmem>>
      %dma_wait3A_568 = arith.constant 64 : i32
      %dma_wait3A_569 = tpu.memref_slice %arg6[%mul3A_533, %dma_wait3A_568] : memref<40x128xi32, #tpu.memory_space<vmem>> -> memref<1x32xi32, #tpu.memory_space<vmem>>
      %dma_wait3A_570 = tpu.memref_squeeze %dma_wait3A_569 : memref<1x32xi32, #tpu.memory_space<vmem>> -> memref<32xi32, #tpu.memory_space<vmem>>
      %dma_wait3A_571 = arith.constant 0 : i32
      %dma_wait3A_572 = arith.constant 0 : i32
      %dma_wait3A_573 = tpu.memref_slice %arg2[%dma_wait3A_571, %dma_wait3A_572] : memref<10000x128xf32, #tpu.memory_space<hbm>> -> memref<10000x128xf32, #tpu.memory_space<hbm>>
      %dma_wait3A_574 = tpu.memref_slice %arg10[%dma_wait3A_563] : memref<2x!tpu.dma_semaphore, #tpu.memory_space<semaphore_mem>> -> memref<1x!tpu.dma_semaphore, #tpu.memory_space<semaphore_mem>>
      %dma_wait3A_575 = tpu.memref_squeeze %dma_wait3A_574 : memref<1x!tpu.dma_semaphore, #tpu.memory_space<semaphore_mem>> -> memref<!tpu.dma_semaphore, #tpu.memory_space<semaphore_mem>>
      tpu.wait_indirect_dma semaphore(%dma_wait3A_575 : memref<!tpu.dma_semaphore, #tpu.memory_space<semaphore_mem>>) src(%dma_wait3A_573 : memref<10000x128xf32, #tpu.memory_space<hbm>>) dst(%dma_wait3A_567 : memref<32x128xf32, #tpu.memory_space<vmem>>)
      %dma_wait3A_576 = arith.constant 0 : i32
      %dma_wait3A_577 = arith.constant 0 : i32
      %dma_wait3A_578 = arith.constant 96 : i32
      %dma_wait3A_579 = arith.constant 0 : i32
      %dma_wait3A_580 = tpu.memref_slice %arg8[%dma_wait3A_576, %dma_wait3A_578, %dma_wait3A_579] : memref<2x128x128xf32, #tpu.memory_space<vmem>> -> memref<1x32x128xf32, #tpu.memory_space<vmem>>
      %dma_wait3A_581 = tpu.memref_squeeze %dma_wait3A_580 : memref<1x32x128xf32, #tpu.memory_space<vmem>> -> memref<32x128xf32, #tpu.memory_space<vmem>>
      %dma_wait3A_582 = arith.constant 96 : i32
      %dma_wait3A_583 = tpu.memref_slice %arg6[%mul3A_533, %dma_wait3A_582] : memref<40x128xi32, #tpu.memory_space<vmem>> -> memref<1x32xi32, #tpu.memory_space<vmem>>
      %dma_wait3A_584 = tpu.memref_squeeze %dma_wait3A_583 : memref<1x32xi32, #tpu.memory_space<vmem>> -> memref<32xi32, #tpu.memory_space<vmem>>
      %dma_wait3A_585 = arith.constant 0 : i32
      %dma_wait3A_586 = arith.constant 0 : i32
      %dma_wait3A_587 = tpu.memref_slice %arg2[%dma_wait3A_585, %dma_wait3A_586] : memref<10000x128xf32, #tpu.memory_space<hbm>> -> memref<10000x128xf32, #tpu.memory_space<hbm>>
      %dma_wait3A_588 = tpu.memref_slice %arg10[%dma_wait3A_577] : memref<2x!tpu.dma_semaphore, #tpu.memory_space<semaphore_mem>> -> memref<1x!tpu.dma_semaphore, #tpu.memory_space<semaphore_mem>>
      %dma_wait3A_589 = tpu.memref_squeeze %dma_wait3A_588 : memref<1x!tpu.dma_semaphore, #tpu.memory_space<semaphore_mem>> -> memref<!tpu.dma_semaphore, #tpu.memory_space<semaphore_mem>>
      tpu.wait_indirect_dma semaphore(%dma_wait3A_589 : memref<!tpu.dma_semaphore, #tpu.memory_space<semaphore_mem>>) src(%dma_wait3A_587 : memref<10000x128xf32, #tpu.memory_space<hbm>>) dst(%dma_wait3A_581 : memref<32x128xf32, #tpu.memory_space<vmem>>)
      %add3A_590 = arith.constant 1 : i32
      %add3A_591 = arith.addi %mul3A_533, %add3A_590 : i32
      %dma_start3A_592 = arith.constant 1 : i32
      %dma_start3A_593 = arith.constant 1 : i32
      %dma_start3A_594 = arith.constant 0 : i32
      %dma_start3A_595 = arith.constant 0 : i32
      %dma_start3A_596 = tpu.memref_slice %arg8[%dma_start3A_592, %dma_start3A_594, %dma_start3A_595] : memref<2x128x128xf32, #tpu.memory_space<vmem>> -> memref<1x32x128xf32, #tpu.memory_space<vmem>>
      %dma_start3A_597 = tpu.memref_squeeze %dma_start3A_596 : memref<1x32x128xf32, #tpu.memory_space<vmem>> -> memref<32x128xf32, #tpu.memory_space<vmem>>
      %dma_start3A_598 = arith.constant 0 : i32
      %dma_start3A_599 = tpu.memref_slice %arg6[%add3A_591, %dma_start3A_598] : memref<40x128xi32, #tpu.memory_space<vmem>> -> memref<1x32xi32, #tpu.memory_space<vmem>>
      %dma_start3A_600 = tpu.memref_squeeze %dma_start3A_599 : memref<1x32xi32, #tpu.memory_space<vmem>> -> memref<32xi32, #tpu.memory_space<vmem>>
      %dma_start3A_601 = arith.constant 0 : i32
      %dma_start3A_602 = arith.constant 0 : i32
      %dma_start3A_603 = tpu.memref_slice %arg2[%dma_start3A_601, %dma_start3A_602] : memref<10000x128xf32, #tpu.memory_space<hbm>> -> memref<10000x128xf32, #tpu.memory_space<hbm>>
      %dma_start3A_604 = tpu.memref_slice %arg10[%dma_start3A_593] : memref<2x!tpu.dma_semaphore, #tpu.memory_space<semaphore_mem>> -> memref<1x!tpu.dma_semaphore, #tpu.memory_space<semaphore_mem>>
      %dma_start3A_605 = tpu.memref_squeeze %dma_start3A_604 : memref<1x!tpu.dma_semaphore, #tpu.memory_space<semaphore_mem>> -> memref<!tpu.dma_semaphore, #tpu.memory_space<semaphore_mem>>
      tpu.enqueue_indirect_dma source(%dma_start3A_603 : memref<10000x128xf32, #tpu.memory_space<hbm>>) target(%dma_start3A_597 : memref<32x128xf32, #tpu.memory_space<vmem>>) offsets(%dma_start3A_600 : memref<32xi32, #tpu.memory_space<vmem>>) semaphore(%dma_start3A_605 : memref<!tpu.dma_semaphore, #tpu.memory_space<semaphore_mem>>)
      %dma_start3A_606 = arith.constant 1 : i32
      %dma_start3A_607 = arith.constant 1 : i32
      %dma_start3A_608 = arith.constant 32 : i32
      %dma_start3A_609 = arith.constant 0 : i32
      %dma_start3A_610 = tpu.memref_slice %arg8[%dma_start3A_606, %dma_start3A_608, %dma_start3A_609] : memref<2x128x128xf32, #tpu.memory_space<vmem>> -> memref<1x32x128xf32, #tpu.memory_space<vmem>>
      %dma_start3A_611 = tpu.memref_squeeze %dma_start3A_610 : memref<1x32x128xf32, #tpu.memory_space<vmem>> -> memref<32x128xf32, #tpu.memory_space<vmem>>
      %dma_start3A_612 = arith.constant 32 : i32
      %dma_start3A_613 = tpu.memref_slice %arg6[%add3A_591, %dma_start3A_612] : memref<40x128xi32, #tpu.memory_space<vmem>> -> memref<1x32xi32, #tpu.memory_space<vmem>>
      %dma_start3A_614 = tpu.memref_squeeze %dma_start3A_613 : memref<1x32xi32, #tpu.memory_space<vmem>> -> memref<32xi32, #tpu.memory_space<vmem>>
      %dma_start3A_615 = arith.constant 0 : i32
      %dma_start3A_616 = arith.constant 0 : i32
      %dma_start3A_617 = tpu.memref_slice %arg2[%dma_start3A_615, %dma_start3A_616] : memref<10000x128xf32, #tpu.memory_space<hbm>> -> memref<10000x128xf32, #tpu.memory_space<hbm>>
      %dma_start3A_618 = tpu.memref_slice %arg10[%dma_start3A_607] : memref<2x!tpu.dma_semaphore, #tpu.memory_space<semaphore_mem>> -> memref<1x!tpu.dma_semaphore, #tpu.memory_space<semaphore_mem>>
      %dma_start3A_619 = tpu.memref_squeeze %dma_start3A_618 : memref<1x!tpu.dma_semaphore, #tpu.memory_space<semaphore_mem>> -> memref<!tpu.dma_semaphore, #tpu.memory_space<semaphore_mem>>
      tpu.enqueue_indirect_dma source(%dma_start3A_617 : memref<10000x128xf32, #tpu.memory_space<hbm>>) target(%dma_start3A_611 : memref<32x128xf32, #tpu.memory_space<vmem>>) offsets(%dma_start3A_614 : memref<32xi32, #tpu.memory_space<vmem>>) semaphore(%dma_start3A_619 : memref<!tpu.dma_semaphore, #tpu.memory_space<semaphore_mem>>)
      %dma_start3A_620 = arith.constant 1 : i32
      %dma_start3A_621 = arith.constant 1 : i32
      %dma_start3A_622 = arith.constant 64 : i32
      %dma_start3A_623 = arith.constant 0 : i32
      %dma_start3A_624 = tpu.memref_slice %arg8[%dma_start3A_620, %dma_start3A_622, %dma_start3A_623] : memref<2x128x128xf32, #tpu.memory_space<vmem>> -> memref<1x32x128xf32, #tpu.memory_space<vmem>>
      %dma_start3A_625 = tpu.memref_squeeze %dma_start3A_624 : memref<1x32x128xf32, #tpu.memory_space<vmem>> -> memref<32x128xf32, #tpu.memory_space<vmem>>
      %dma_start3A_626 = arith.constant 64 : i32
      %dma_start3A_627 = tpu.memref_slice %arg6[%add3A_591, %dma_start3A_626] : memref<40x128xi32, #tpu.memory_space<vmem>> -> memref<1x32xi32, #tpu.memory_space<vmem>>
      %dma_start3A_628 = tpu.memref_squeeze %dma_start3A_627 : memref<1x32xi32, #tpu.memory_space<vmem>> -> memref<32xi32, #tpu.memory_space<vmem>>
      %dma_start3A_629 = arith.constant 0 : i32
      %dma_start3A_630 = arith.constant 0 : i32
      %dma_start3A_631 = tpu.memref_slice %arg2[%dma_start3A_629, %dma_start3A_630] : memref<10000x128xf32, #tpu.memory_space<hbm>> -> memref<10000x128xf32, #tpu.memory_space<hbm>>
      %dma_start3A_632 = tpu.memref_slice %arg10[%dma_start3A_621] : memref<2x!tpu.dma_semaphore, #tpu.memory_space<semaphore_mem>> -> memref<1x!tpu.dma_semaphore, #tpu.memory_space<semaphore_mem>>
      %dma_start3A_633 = tpu.memref_squeeze %dma_start3A_632 : memref<1x!tpu.dma_semaphore, #tpu.memory_space<semaphore_mem>> -> memref<!tpu.dma_semaphore, #tpu.memory_space<semaphore_mem>>
      tpu.enqueue_indirect_dma source(%dma_start3A_631 : memref<10000x128xf32, #tpu.memory_space<hbm>>) target(%dma_start3A_625 : memref<32x128xf32, #tpu.memory_space<vmem>>) offsets(%dma_start3A_628 : memref<32xi32, #tpu.memory_space<vmem>>) semaphore(%dma_start3A_633 : memref<!tpu.dma_semaphore, #tpu.memory_space<semaphore_mem>>)
      %dma_start3A_634 = arith.constant 1 : i32
      %dma_start3A_635 = arith.constant 1 : i32
      %dma_start3A_636 = arith.constant 96 : i32
      %dma_start3A_637 = arith.constant 0 : i32
      %dma_start3A_638 = tpu.memref_slice %arg8[%dma_start3A_634, %dma_start3A_636, %dma_start3A_637] : memref<2x128x128xf32, #tpu.memory_space<vmem>> -> memref<1x32x128xf32, #tpu.memory_space<vmem>>
      %dma_start3A_639 = tpu.memref_squeeze %dma_start3A_638 : memref<1x32x128xf32, #tpu.memory_space<vmem>> -> memref<32x128xf32, #tpu.memory_space<vmem>>
      %dma_start3A_640 = arith.constant 96 : i32
      %dma_start3A_641 = tpu.memref_slice %arg6[%add3A_591, %dma_start3A_640] : memref<40x128xi32, #tpu.memory_space<vmem>> -> memref<1x32xi32, #tpu.memory_space<vmem>>
      %dma_start3A_642 = tpu.memref_squeeze %dma_start3A_641 : memref<1x32xi32, #tpu.memory_space<vmem>> -> memref<32xi32, #tpu.memory_space<vmem>>
      %dma_start3A_643 = arith.constant 0 : i32
      %dma_start3A_644 = arith.constant 0 : i32
      %dma_start3A_645 = tpu.memref_slice %arg2[%dma_start3A_643, %dma_start3A_644] : memref<10000x128xf32, #tpu.memory_space<hbm>> -> memref<10000x128xf32, #tpu.memory_space<hbm>>
      %dma_start3A_646 = tpu.memref_slice %arg10[%dma_start3A_635] : memref<2x!tpu.dma_semaphore, #tpu.memory_space<semaphore_mem>> -> memref<1x!tpu.dma_semaphore, #tpu.memory_space<semaphore_mem>>
      %dma_start3A_647 = tpu.memref_squeeze %dma_start3A_646 : memref<1x!tpu.dma_semaphore, #tpu.memory_space<semaphore_mem>> -> memref<!tpu.dma_semaphore, #tpu.memory_space<semaphore_mem>>
      tpu.enqueue_indirect_dma source(%dma_start3A_645 : memref<10000x128xf32, #tpu.memory_space<hbm>>) target(%dma_start3A_639 : memref<32x128xf32, #tpu.memory_space<vmem>>) offsets(%dma_start3A_642 : memref<32xi32, #tpu.memory_space<vmem>>) semaphore(%dma_start3A_647 : memref<!tpu.dma_semaphore, #tpu.memory_space<semaphore_mem>>)
      %run_scoped3A_648 = arith.constant 0 : i32
      "tpu.region"() ({
        %run_scoped3A_768 = tpu.sem_alloc : memref<!tpu.dma_semaphore, #tpu.memory_space<semaphore_mem>>
        %dma_start3A_769 = arith.constant 0 : i32
        %dma_start3A_770 = arith.constant 0 : i32
        %dma_start3A_771 = tpu.memref_slice %arg8[%run_scoped3A_648, %dma_start3A_769, %dma_start3A_770] : memref<2x128x128xf32, #tpu.memory_space<vmem>> -> memref<1x128x128xf32, #tpu.memory_space<vmem>>
        %dma_start3A_772 = tpu.memref_squeeze %dma_start3A_771 : memref<1x128x128xf32, #tpu.memory_space<vmem>> -> memref<128x128xf32, #tpu.memory_space<vmem>>
        %dma_start3A_773 = arith.constant 0 : i32
        %dma_start3A_774 = tpu.memref_slice %arg7[%mul3A_533, %dma_start3A_773] : memref<40x128xi32, #tpu.memory_space<vmem>> -> memref<1x128xi32, #tpu.memory_space<vmem>>
        %dma_start3A_775 = tpu.memref_squeeze %dma_start3A_774 : memref<1x128xi32, #tpu.memory_space<vmem>> -> memref<128xi32, #tpu.memory_space<vmem>>
        %dma_start3A_776 = arith.constant 0 : i32
        %dma_start3A_777 = arith.constant 0 : i32
        %dma_start3A_778 = tpu.memref_slice %arg9[%dma_start3A_776, %dma_start3A_777] : memref<10240x128xf32, #tpu.memory_space<vmem_shared>> -> memref<10240x128xf32, #tpu.memory_space<vmem_shared>>
        tpu.enqueue_indirect_dma source(%dma_start3A_772 : memref<128x128xf32, #tpu.memory_space<vmem>>) target(%dma_start3A_778 : memref<10240x128xf32, #tpu.memory_space<vmem_shared>>) offsets(%dma_start3A_775 : memref<128xi32, #tpu.memory_space<vmem>>) semaphore(%run_scoped3A_768 : memref<!tpu.dma_semaphore, #tpu.memory_space<semaphore_mem>>) {add = true}
        %dma_wait3A_779 = arith.constant 0 : i32
        %dma_wait3A_780 = arith.constant 0 : i32
        %dma_wait3A_781 = tpu.memref_slice %arg8[%run_scoped3A_648, %dma_wait3A_779, %dma_wait3A_780] : memref<2x128x128xf32, #tpu.memory_space<vmem>> -> memref<1x128x128xf32, #tpu.memory_space<vmem>>
        %dma_wait3A_782 = tpu.memref_squeeze %dma_wait3A_781 : memref<1x128x128xf32, #tpu.memory_space<vmem>> -> memref<128x128xf32, #tpu.memory_space<vmem>>
        %dma_wait3A_783 = arith.constant 0 : i32
        %dma_wait3A_784 = tpu.memref_slice %arg7[%mul3A_533, %dma_wait3A_783] : memref<40x128xi32, #tpu.memory_space<vmem>> -> memref<1x128xi32, #tpu.memory_space<vmem>>
        %dma_wait3A_785 = tpu.memref_squeeze %dma_wait3A_784 : memref<1x128xi32, #tpu.memory_space<vmem>> -> memref<128xi32, #tpu.memory_space<vmem>>
        %dma_wait3A_786 = arith.constant 0 : i32
        %dma_wait3A_787 = arith.constant 0 : i32
        %dma_wait3A_788 = tpu.memref_slice %arg9[%dma_wait3A_786, %dma_wait3A_787] : memref<10240x128xf32, #tpu.memory_space<vmem_shared>> -> memref<10240x128xf32, #tpu.memory_space<vmem_shared>>
        tpu.wait_indirect_dma semaphore(%run_scoped3A_768 : memref<!tpu.dma_semaphore, #tpu.memory_space<semaphore_mem>>) src(%dma_wait3A_782 : memref<128x128xf32, #tpu.memory_space<vmem>>) dst(%dma_wait3A_788 : memref<10240x128xf32, #tpu.memory_space<vmem_shared>>)
        tpu.yield
      }) : () -> ()
      %add3A_649 = arith.constant 1 : i32
      %add3A_650 = arith.addi %mul3A_533, %add3A_649 : i32
      %dma_wait3A_651 = arith.constant 1 : i32
      %dma_wait3A_652 = arith.constant 1 : i32
      %dma_wait3A_653 = arith.constant 0 : i32
      %dma_wait3A_654 = arith.constant 0 : i32
      %dma_wait3A_655 = tpu.memref_slice %arg8[%dma_wait3A_651, %dma_wait3A_653, %dma_wait3A_654] : memref<2x128x128xf32, #tpu.memory_space<vmem>> -> memref<1x32x128xf32, #tpu.memory_space<vmem>>
      %dma_wait3A_656 = tpu.memref_squeeze %dma_wait3A_655 : memref<1x32x128xf32, #tpu.memory_space<vmem>> -> memref<32x128xf32, #tpu.memory_space<vmem>>
      %dma_wait3A_657 = arith.constant 0 : i32
      %dma_wait3A_658 = tpu.memref_slice %arg6[%add3A_650, %dma_wait3A_657] : memref<40x128xi32, #tpu.memory_space<vmem>> -> memref<1x32xi32, #tpu.memory_space<vmem>>
      %dma_wait3A_659 = tpu.memref_squeeze %dma_wait3A_658 : memref<1x32xi32, #tpu.memory_space<vmem>> -> memref<32xi32, #tpu.memory_space<vmem>>
      %dma_wait3A_660 = arith.constant 0 : i32
      %dma_wait3A_661 = arith.constant 0 : i32
      %dma_wait3A_662 = tpu.memref_slice %arg2[%dma_wait3A_660, %dma_wait3A_661] : memref<10000x128xf32, #tpu.memory_space<hbm>> -> memref<10000x128xf32, #tpu.memory_space<hbm>>
      %dma_wait3A_663 = tpu.memref_slice %arg10[%dma_wait3A_652] : memref<2x!tpu.dma_semaphore, #tpu.memory_space<semaphore_mem>> -> memref<1x!tpu.dma_semaphore, #tpu.memory_space<semaphore_mem>>
      %dma_wait3A_664 = tpu.memref_squeeze %dma_wait3A_663 : memref<1x!tpu.dma_semaphore, #tpu.memory_space<semaphore_mem>> -> memref<!tpu.dma_semaphore, #tpu.memory_space<semaphore_mem>>
      tpu.wait_indirect_dma semaphore(%dma_wait3A_664 : memref<!tpu.dma_semaphore, #tpu.memory_space<semaphore_mem>>) src(%dma_wait3A_662 : memref<10000x128xf32, #tpu.memory_space<hbm>>) dst(%dma_wait3A_656 : memref<32x128xf32, #tpu.memory_space<vmem>>)
      %dma_wait3A_665 = arith.constant 1 : i32
      %dma_wait3A_666 = arith.constant 1 : i32
      %dma_wait3A_667 = arith.constant 32 : i32
      %dma_wait3A_668 = arith.constant 0 : i32
      %dma_wait3A_669 = tpu.memref_slice %arg8[%dma_wait3A_665, %dma_wait3A_667, %dma_wait3A_668] : memref<2x128x128xf32, #tpu.memory_space<vmem>> -> memref<1x32x128xf32, #tpu.memory_space<vmem>>
      %dma_wait3A_670 = tpu.memref_squeeze %dma_wait3A_669 : memref<1x32x128xf32, #tpu.memory_space<vmem>> -> memref<32x128xf32, #tpu.memory_space<vmem>>
      %dma_wait3A_671 = arith.constant 32 : i32
      %dma_wait3A_672 = tpu.memref_slice %arg6[%add3A_650, %dma_wait3A_671] : memref<40x128xi32, #tpu.memory_space<vmem>> -> memref<1x32xi32, #tpu.memory_space<vmem>>
      %dma_wait3A_673 = tpu.memref_squeeze %dma_wait3A_672 : memref<1x32xi32, #tpu.memory_space<vmem>> -> memref<32xi32, #tpu.memory_space<vmem>>
      %dma_wait3A_674 = arith.constant 0 : i32
      %dma_wait3A_675 = arith.constant 0 : i32
      %dma_wait3A_676 = tpu.memref_slice %arg2[%dma_wait3A_674, %dma_wait3A_675] : memref<10000x128xf32, #tpu.memory_space<hbm>> -> memref<10000x128xf32, #tpu.memory_space<hbm>>
      %dma_wait3A_677 = tpu.memref_slice %arg10[%dma_wait3A_666] : memref<2x!tpu.dma_semaphore, #tpu.memory_space<semaphore_mem>> -> memref<1x!tpu.dma_semaphore, #tpu.memory_space<semaphore_mem>>
      %dma_wait3A_678 = tpu.memref_squeeze %dma_wait3A_677 : memref<1x!tpu.dma_semaphore, #tpu.memory_space<semaphore_mem>> -> memref<!tpu.dma_semaphore, #tpu.memory_space<semaphore_mem>>
      tpu.wait_indirect_dma semaphore(%dma_wait3A_678 : memref<!tpu.dma_semaphore, #tpu.memory_space<semaphore_mem>>) src(%dma_wait3A_676 : memref<10000x128xf32, #tpu.memory_space<hbm>>) dst(%dma_wait3A_670 : memref<32x128xf32, #tpu.memory_space<vmem>>)
      %dma_wait3A_679 = arith.constant 1 : i32
      %dma_wait3A_680 = arith.constant 1 : i32
      %dma_wait3A_681 = arith.constant 64 : i32
      %dma_wait3A_682 = arith.constant 0 : i32
      %dma_wait3A_683 = tpu.memref_slice %arg8[%dma_wait3A_679, %dma_wait3A_681, %dma_wait3A_682] : memref<2x128x128xf32, #tpu.memory_space<vmem>> -> memref<1x32x128xf32, #tpu.memory_space<vmem>>
      %dma_wait3A_684 = tpu.memref_squeeze %dma_wait3A_683 : memref<1x32x128xf32, #tpu.memory_space<vmem>> -> memref<32x128xf32, #tpu.memory_space<vmem>>
      %dma_wait3A_685 = arith.constant 64 : i32
      %dma_wait3A_686 = tpu.memref_slice %arg6[%add3A_650, %dma_wait3A_685] : memref<40x128xi32, #tpu.memory_space<vmem>> -> memref<1x32xi32, #tpu.memory_space<vmem>>
      %dma_wait3A_687 = tpu.memref_squeeze %dma_wait3A_686 : memref<1x32xi32, #tpu.memory_space<vmem>> -> memref<32xi32, #tpu.memory_space<vmem>>
      %dma_wait3A_688 = arith.constant 0 : i32
      %dma_wait3A_689 = arith.constant 0 : i32
      %dma_wait3A_690 = tpu.memref_slice %arg2[%dma_wait3A_688, %dma_wait3A_689] : memref<10000x128xf32, #tpu.memory_space<hbm>> -> memref<10000x128xf32, #tpu.memory_space<hbm>>
      %dma_wait3A_691 = tpu.memref_slice %arg10[%dma_wait3A_680] : memref<2x!tpu.dma_semaphore, #tpu.memory_space<semaphore_mem>> -> memref<1x!tpu.dma_semaphore, #tpu.memory_space<semaphore_mem>>
      %dma_wait3A_692 = tpu.memref_squeeze %dma_wait3A_691 : memref<1x!tpu.dma_semaphore, #tpu.memory_space<semaphore_mem>> -> memref<!tpu.dma_semaphore, #tpu.memory_space<semaphore_mem>>
      tpu.wait_indirect_dma semaphore(%dma_wait3A_692 : memref<!tpu.dma_semaphore, #tpu.memory_space<semaphore_mem>>) src(%dma_wait3A_690 : memref<10000x128xf32, #tpu.memory_space<hbm>>) dst(%dma_wait3A_684 : memref<32x128xf32, #tpu.memory_space<vmem>>)
      %dma_wait3A_693 = arith.constant 1 : i32
      %dma_wait3A_694 = arith.constant 1 : i32
      %dma_wait3A_695 = arith.constant 96 : i32
      %dma_wait3A_696 = arith.constant 0 : i32
      %dma_wait3A_697 = tpu.memref_slice %arg8[%dma_wait3A_693, %dma_wait3A_695, %dma_wait3A_696] : memref<2x128x128xf32, #tpu.memory_space<vmem>> -> memref<1x32x128xf32, #tpu.memory_space<vmem>>
      %dma_wait3A_698 = tpu.memref_squeeze %dma_wait3A_697 : memref<1x32x128xf32, #tpu.memory_space<vmem>> -> memref<32x128xf32, #tpu.memory_space<vmem>>
      %dma_wait3A_699 = arith.constant 96 : i32
      %dma_wait3A_700 = tpu.memref_slice %arg6[%add3A_650, %dma_wait3A_699] : memref<40x128xi32, #tpu.memory_space<vmem>> -> memref<1x32xi32, #tpu.memory_space<vmem>>
      %dma_wait3A_701 = tpu.memref_squeeze %dma_wait3A_700 : memref<1x32xi32, #tpu.memory_space<vmem>> -> memref<32xi32, #tpu.memory_space<vmem>>
      %dma_wait3A_702 = arith.constant 0 : i32
      %dma_wait3A_703 = arith.constant 0 : i32
      %dma_wait3A_704 = tpu.memref_slice %arg2[%dma_wait3A_702, %dma_wait3A_703] : memref<10000x128xf32, #tpu.memory_space<hbm>> -> memref<10000x128xf32, #tpu.memory_space<hbm>>
      %dma_wait3A_705 = tpu.memref_slice %arg10[%dma_wait3A_694] : memref<2x!tpu.dma_semaphore, #tpu.memory_space<semaphore_mem>> -> memref<1x!tpu.dma_semaphore, #tpu.memory_space<semaphore_mem>>
      %dma_wait3A_706 = tpu.memref_squeeze %dma_wait3A_705 : memref<1x!tpu.dma_semaphore, #tpu.memory_space<semaphore_mem>> -> memref<!tpu.dma_semaphore, #tpu.memory_space<semaphore_mem>>
      tpu.wait_indirect_dma semaphore(%dma_wait3A_706 : memref<!tpu.dma_semaphore, #tpu.memory_space<semaphore_mem>>) src(%dma_wait3A_704 : memref<10000x128xf32, #tpu.memory_space<hbm>>) dst(%dma_wait3A_698 : memref<32x128xf32, #tpu.memory_space<vmem>>)
      %add3A_707 = arith.constant 2 : i32
      %add3A_708 = arith.addi %mul3A_533, %add3A_707 : i32
      %dma_start3A_709 = arith.constant 0 : i32
      %dma_start3A_710 = arith.constant 0 : i32
      %dma_start3A_711 = arith.constant 0 : i32
      %dma_start3A_712 = arith.constant 0 : i32
      %dma_start3A_713 = tpu.memref_slice %arg8[%dma_start3A_709, %dma_start3A_711, %dma_start3A_712] : memref<2x128x128xf32, #tpu.memory_space<vmem>> -> memref<1x32x128xf32, #tpu.memory_space<vmem>>
      %dma_start3A_714 = tpu.memref_squeeze %dma_start3A_713 : memref<1x32x128xf32, #tpu.memory_space<vmem>> -> memref<32x128xf32, #tpu.memory_space<vmem>>
      %dma_start3A_715 = arith.constant 0 : i32
      %dma_start3A_716 = tpu.memref_slice %arg6[%add3A_708, %dma_start3A_715] : memref<40x128xi32, #tpu.memory_space<vmem>> -> memref<1x32xi32, #tpu.memory_space<vmem>>
      %dma_start3A_717 = tpu.memref_squeeze %dma_start3A_716 : memref<1x32xi32, #tpu.memory_space<vmem>> -> memref<32xi32, #tpu.memory_space<vmem>>
      %dma_start3A_718 = arith.constant 0 : i32
      %dma_start3A_719 = arith.constant 0 : i32
      %dma_start3A_720 = tpu.memref_slice %arg2[%dma_start3A_718, %dma_start3A_719] : memref<10000x128xf32, #tpu.memory_space<hbm>> -> memref<10000x128xf32, #tpu.memory_space<hbm>>
      %dma_start3A_721 = tpu.memref_slice %arg10[%dma_start3A_710] : memref<2x!tpu.dma_semaphore, #tpu.memory_space<semaphore_mem>> -> memref<1x!tpu.dma_semaphore, #tpu.memory_space<semaphore_mem>>
      %dma_start3A_722 = tpu.memref_squeeze %dma_start3A_721 : memref<1x!tpu.dma_semaphore, #tpu.memory_space<semaphore_mem>> -> memref<!tpu.dma_semaphore, #tpu.memory_space<semaphore_mem>>
      tpu.enqueue_indirect_dma source(%dma_start3A_720 : memref<10000x128xf32, #tpu.memory_space<hbm>>) target(%dma_start3A_714 : memref<32x128xf32, #tpu.memory_space<vmem>>) offsets(%dma_start3A_717 : memref<32xi32, #tpu.memory_space<vmem>>) semaphore(%dma_start3A_722 : memref<!tpu.dma_semaphore, #tpu.memory_space<semaphore_mem>>)
      %dma_start3A_723 = arith.constant 0 : i32
      %dma_start3A_724 = arith.constant 0 : i32
      %dma_start3A_725 = arith.constant 32 : i32
      %dma_start3A_726 = arith.constant 0 : i32
      %dma_start3A_727 = tpu.memref_slice %arg8[%dma_start3A_723, %dma_start3A_725, %dma_start3A_726] : memref<2x128x128xf32, #tpu.memory_space<vmem>> -> memref<1x32x128xf32, #tpu.memory_space<vmem>>
      %dma_start3A_728 = tpu.memref_squeeze %dma_start3A_727 : memref<1x32x128xf32, #tpu.memory_space<vmem>> -> memref<32x128xf32, #tpu.memory_space<vmem>>
      %dma_start3A_729 = arith.constant 32 : i32
      %dma_start3A_730 = tpu.memref_slice %arg6[%add3A_708, %dma_start3A_729] : memref<40x128xi32, #tpu.memory_space<vmem>> -> memref<1x32xi32, #tpu.memory_space<vmem>>
      %dma_start3A_731 = tpu.memref_squeeze %dma_start3A_730 : memref<1x32xi32, #tpu.memory_space<vmem>> -> memref<32xi32, #tpu.memory_space<vmem>>
      %dma_start3A_732 = arith.constant 0 : i32
      %dma_start3A_733 = arith.constant 0 : i32
      %dma_start3A_734 = tpu.memref_slice %arg2[%dma_start3A_732, %dma_start3A_733] : memref<10000x128xf32, #tpu.memory_space<hbm>> -> memref<10000x128xf32, #tpu.memory_space<hbm>>
      %dma_start3A_735 = tpu.memref_slice %arg10[%dma_start3A_724] : memref<2x!tpu.dma_semaphore, #tpu.memory_space<semaphore_mem>> -> memref<1x!tpu.dma_semaphore, #tpu.memory_space<semaphore_mem>>
      %dma_start3A_736 = tpu.memref_squeeze %dma_start3A_735 : memref<1x!tpu.dma_semaphore, #tpu.memory_space<semaphore_mem>> -> memref<!tpu.dma_semaphore, #tpu.memory_space<semaphore_mem>>
      tpu.enqueue_indirect_dma source(%dma_start3A_734 : memref<10000x128xf32, #tpu.memory_space<hbm>>) target(%dma_start3A_728 : memref<32x128xf32, #tpu.memory_space<vmem>>) offsets(%dma_start3A_731 : memref<32xi32, #tpu.memory_space<vmem>>) semaphore(%dma_start3A_736 : memref<!tpu.dma_semaphore, #tpu.memory_space<semaphore_mem>>)
      %dma_start3A_737 = arith.constant 0 : i32
      %dma_start3A_738 = arith.constant 0 : i32
      %dma_start3A_739 = arith.constant 64 : i32
      %dma_start3A_740 = arith.constant 0 : i32
      %dma_start3A_741 = tpu.memref_slice %arg8[%dma_start3A_737, %dma_start3A_739, %dma_start3A_740] : memref<2x128x128xf32, #tpu.memory_space<vmem>> -> memref<1x32x128xf32, #tpu.memory_space<vmem>>
      %dma_start3A_742 = tpu.memref_squeeze %dma_start3A_741 : memref<1x32x128xf32, #tpu.memory_space<vmem>> -> memref<32x128xf32, #tpu.memory_space<vmem>>
      %dma_start3A_743 = arith.constant 64 : i32
      %dma_start3A_744 = tpu.memref_slice %arg6[%add3A_708, %dma_start3A_743] : memref<40x128xi32, #tpu.memory_space<vmem>> -> memref<1x32xi32, #tpu.memory_space<vmem>>
      %dma_start3A_745 = tpu.memref_squeeze %dma_start3A_744 : memref<1x32xi32, #tpu.memory_space<vmem>> -> memref<32xi32, #tpu.memory_space<vmem>>
      %dma_start3A_746 = arith.constant 0 : i32
      %dma_start3A_747 = arith.constant 0 : i32
      %dma_start3A_748 = tpu.memref_slice %arg2[%dma_start3A_746, %dma_start3A_747] : memref<10000x128xf32, #tpu.memory_space<hbm>> -> memref<10000x128xf32, #tpu.memory_space<hbm>>
      %dma_start3A_749 = tpu.memref_slice %arg10[%dma_start3A_738] : memref<2x!tpu.dma_semaphore, #tpu.memory_space<semaphore_mem>> -> memref<1x!tpu.dma_semaphore, #tpu.memory_space<semaphore_mem>>
      %dma_start3A_750 = tpu.memref_squeeze %dma_start3A_749 : memref<1x!tpu.dma_semaphore, #tpu.memory_space<semaphore_mem>> -> memref<!tpu.dma_semaphore, #tpu.memory_space<semaphore_mem>>
      tpu.enqueue_indirect_dma source(%dma_start3A_748 : memref<10000x128xf32, #tpu.memory_space<hbm>>) target(%dma_start3A_742 : memref<32x128xf32, #tpu.memory_space<vmem>>) offsets(%dma_start3A_745 : memref<32xi32, #tpu.memory_space<vmem>>) semaphore(%dma_start3A_750 : memref<!tpu.dma_semaphore, #tpu.memory_space<semaphore_mem>>)
      %dma_start3A_751 = arith.constant 0 : i32
      %dma_start3A_752 = arith.constant 0 : i32
      %dma_start3A_753 = arith.constant 96 : i32
      %dma_start3A_754 = arith.constant 0 : i32
      %dma_start3A_755 = tpu.memref_slice %arg8[%dma_start3A_751, %dma_start3A_753, %dma_start3A_754] : memref<2x128x128xf32, #tpu.memory_space<vmem>> -> memref<1x32x128xf32, #tpu.memory_space<vmem>>
      %dma_start3A_756 = tpu.memref_squeeze %dma_start3A_755 : memref<1x32x128xf32, #tpu.memory_space<vmem>> -> memref<32x128xf32, #tpu.memory_space<vmem>>
      %dma_start3A_757 = arith.constant 96 : i32
      %dma_start3A_758 = tpu.memref_slice %arg6[%add3A_708, %dma_start3A_757] : memref<40x128xi32, #tpu.memory_space<vmem>> -> memref<1x32xi32, #tpu.memory_space<vmem>>
      %dma_start3A_759 = tpu.memref_squeeze %dma_start3A_758 : memref<1x32xi32, #tpu.memory_space<vmem>> -> memref<32xi32, #tpu.memory_space<vmem>>
      %dma_start3A_760 = arith.constant 0 : i32
      %dma_start3A_761 = arith.constant 0 : i32
      %dma_start3A_762 = tpu.memref_slice %arg2[%dma_start3A_760, %dma_start3A_761] : memref<10000x128xf32, #tpu.memory_space<hbm>> -> memref<10000x128xf32, #tpu.memory_space<hbm>>
      %dma_start3A_763 = tpu.memref_slice %arg10[%dma_start3A_752] : memref<2x!tpu.dma_semaphore, #tpu.memory_space<semaphore_mem>> -> memref<1x!tpu.dma_semaphore, #tpu.memory_space<semaphore_mem>>
      %dma_start3A_764 = tpu.memref_squeeze %dma_start3A_763 : memref<1x!tpu.dma_semaphore, #tpu.memory_space<semaphore_mem>> -> memref<!tpu.dma_semaphore, #tpu.memory_space<semaphore_mem>>
      tpu.enqueue_indirect_dma source(%dma_start3A_762 : memref<10000x128xf32, #tpu.memory_space<hbm>>) target(%dma_start3A_756 : memref<32x128xf32, #tpu.memory_space<vmem>>) offsets(%dma_start3A_759 : memref<32xi32, #tpu.memory_space<vmem>>) semaphore(%dma_start3A_764 : memref<!tpu.dma_semaphore, #tpu.memory_space<semaphore_mem>>)
      %add3A_765 = arith.constant 1 : i32
      %add3A_766 = arith.addi %mul3A_533, %add3A_765 : i32
      %run_scoped3A_767 = arith.constant 1 : i32
      "tpu.region"() ({
        %run_scoped3A_768 = tpu.sem_alloc : memref<!tpu.dma_semaphore, #tpu.memory_space<semaphore_mem>>
        %dma_start3A_769 = arith.constant 0 : i32
        %dma_start3A_770 = arith.constant 0 : i32
        %dma_start3A_771 = tpu.memref_slice %arg8[%run_scoped3A_767, %dma_start3A_769, %dma_start3A_770] : memref<2x128x128xf32, #tpu.memory_space<vmem>> -> memref<1x128x128xf32, #tpu.memory_space<vmem>>
        %dma_start3A_772 = tpu.memref_squeeze %dma_start3A_771 : memref<1x128x128xf32, #tpu.memory_space<vmem>> -> memref<128x128xf32, #tpu.memory_space<vmem>>
        %dma_start3A_773 = arith.constant 0 : i32
        %dma_start3A_774 = tpu.memref_slice %arg7[%add3A_766, %dma_start3A_773] : memref<40x128xi32, #tpu.memory_space<vmem>> -> memref<1x128xi32, #tpu.memory_space<vmem>>
        %dma_start3A_775 = tpu.memref_squeeze %dma_start3A_774 : memref<1x128xi32, #tpu.memory_space<vmem>> -> memref<128xi32, #tpu.memory_space<vmem>>
        %dma_start3A_776 = arith.constant 0 : i32
        %dma_start3A_777 = arith.constant 0 : i32
        %dma_start3A_778 = tpu.memref_slice %arg9[%dma_start3A_776, %dma_start3A_777] : memref<10240x128xf32, #tpu.memory_space<vmem_shared>> -> memref<10240x128xf32, #tpu.memory_space<vmem_shared>>
        tpu.enqueue_indirect_dma source(%dma_start3A_772 : memref<128x128xf32, #tpu.memory_space<vmem>>) target(%dma_start3A_778 : memref<10240x128xf32, #tpu.memory_space<vmem_shared>>) offsets(%dma_start3A_775 : memref<128xi32, #tpu.memory_space<vmem>>) semaphore(%run_scoped3A_768 : memref<!tpu.dma_semaphore, #tpu.memory_space<semaphore_mem>>) {add = true}
        %dma_wait3A_779 = arith.constant 0 : i32
        %dma_wait3A_780 = arith.constant 0 : i32
        %dma_wait3A_781 = tpu.memref_slice %arg8[%run_scoped3A_767, %dma_wait3A_779, %dma_wait3A_780] : memref<2x128x128xf32, #tpu.memory_space<vmem>> -> memref<1x128x128xf32, #tpu.memory_space<vmem>>
        %dma_wait3A_782 = tpu.memref_squeeze %dma_wait3A_781 : memref<1x128x128xf32, #tpu.memory_space<vmem>> -> memref<128x128xf32, #tpu.memory_space<vmem>>
        %dma_wait3A_783 = arith.constant 0 : i32
        %dma_wait3A_784 = tpu.memref_slice %arg7[%add3A_766, %dma_wait3A_783] : memref<40x128xi32, #tpu.memory_space<vmem>> -> memref<1x128xi32, #tpu.memory_space<vmem>>
        %dma_wait3A_785 = tpu.memref_squeeze %dma_wait3A_784 : memref<1x128xi32, #tpu.memory_space<vmem>> -> memref<128xi32, #tpu.memory_space<vmem>>
        %dma_wait3A_786 = arith.constant 0 : i32
        %dma_wait3A_787 = arith.constant 0 : i32
        %dma_wait3A_788 = tpu.memref_slice %arg9[%dma_wait3A_786, %dma_wait3A_787] : memref<10240x128xf32, #tpu.memory_space<vmem_shared>> -> memref<10240x128xf32, #tpu.memory_space<vmem_shared>>
        tpu.wait_indirect_dma semaphore(%run_scoped3A_768 : memref<!tpu.dma_semaphore, #tpu.memory_space<semaphore_mem>>) src(%dma_wait3A_782 : memref<128x128xf32, #tpu.memory_space<vmem>>) dst(%dma_wait3A_788 : memref<10240x128xf32, #tpu.memory_space<vmem_shared>>)
        tpu.yield
      }) : () -> ()
    }
    %scan3A_337 = arith.constant 19 : i32
    %dma_wait3A_338 = arith.constant 38 : i32
    %dma_wait3A_339 = arith.constant 0 : i32
    %dma_wait3A_340 = arith.constant 0 : i32
    %dma_wait3A_341 = arith.constant 0 : i32
    %dma_wait3A_342 = arith.constant 0 : i32
    %dma_wait3A_343 = tpu.memref_slice %arg8[%dma_wait3A_339, %dma_wait3A_341, %dma_wait3A_342] : memref<2x128x128xf32, #tpu.memory_space<vmem>> -> memref<1x32x128xf32, #tpu.memory_space<vmem>>
    %dma_wait3A_344 = tpu.memref_squeeze %dma_wait3A_343 : memref<1x32x128xf32, #tpu.memory_space<vmem>> -> memref<32x128xf32, #tpu.memory_space<vmem>>
    %dma_wait3A_345 = arith.constant 0 : i32
    %dma_wait3A_346 = tpu.memref_slice %arg6[%dma_wait3A_338, %dma_wait3A_345] : memref<40x128xi32, #tpu.memory_space<vmem>> -> memref<1x32xi32, #tpu.memory_space<vmem>>
    %dma_wait3A_347 = tpu.memref_squeeze %dma_wait3A_346 : memref<1x32xi32, #tpu.memory_space<vmem>> -> memref<32xi32, #tpu.memory_space<vmem>>
    %dma_wait3A_348 = arith.constant 0 : i32
    %dma_wait3A_349 = arith.constant 0 : i32
    %dma_wait3A_350 = tpu.memref_slice %arg2[%dma_wait3A_348, %dma_wait3A_349] : memref<10000x128xf32, #tpu.memory_space<hbm>> -> memref<10000x128xf32, #tpu.memory_space<hbm>>
    %dma_wait3A_351 = tpu.memref_slice %arg10[%dma_wait3A_340] : memref<2x!tpu.dma_semaphore, #tpu.memory_space<semaphore_mem>> -> memref<1x!tpu.dma_semaphore, #tpu.memory_space<semaphore_mem>>
    %dma_wait3A_352 = tpu.memref_squeeze %dma_wait3A_351 : memref<1x!tpu.dma_semaphore, #tpu.memory_space<semaphore_mem>> -> memref<!tpu.dma_semaphore, #tpu.memory_space<semaphore_mem>>
    tpu.wait_indirect_dma semaphore(%dma_wait3A_352 : memref<!tpu.dma_semaphore, #tpu.memory_space<semaphore_mem>>) src(%dma_wait3A_350 : memref<10000x128xf32, #tpu.memory_space<hbm>>) dst(%dma_wait3A_344 : memref<32x128xf32, #tpu.memory_space<vmem>>)
    %dma_wait3A_353 = arith.constant 38 : i32
    %dma_wait3A_354 = arith.constant 0 : i32
    %dma_wait3A_355 = arith.constant 0 : i32
    %dma_wait3A_356 = arith.constant 32 : i32
    %dma_wait3A_357 = arith.constant 0 : i32
    %dma_wait3A_358 = tpu.memref_slice %arg8[%dma_wait3A_354, %dma_wait3A_356, %dma_wait3A_357] : memref<2x128x128xf32, #tpu.memory_space<vmem>> -> memref<1x32x128xf32, #tpu.memory_space<vmem>>
    %dma_wait3A_359 = tpu.memref_squeeze %dma_wait3A_358 : memref<1x32x128xf32, #tpu.memory_space<vmem>> -> memref<32x128xf32, #tpu.memory_space<vmem>>
    %dma_wait3A_360 = arith.constant 32 : i32
    %dma_wait3A_361 = tpu.memref_slice %arg6[%dma_wait3A_353, %dma_wait3A_360] : memref<40x128xi32, #tpu.memory_space<vmem>> -> memref<1x32xi32, #tpu.memory_space<vmem>>
    %dma_wait3A_362 = tpu.memref_squeeze %dma_wait3A_361 : memref<1x32xi32, #tpu.memory_space<vmem>> -> memref<32xi32, #tpu.memory_space<vmem>>
    %dma_wait3A_363 = arith.constant 0 : i32
    %dma_wait3A_364 = arith.constant 0 : i32
    %dma_wait3A_365 = tpu.memref_slice %arg2[%dma_wait3A_363, %dma_wait3A_364] : memref<10000x128xf32, #tpu.memory_space<hbm>> -> memref<10000x128xf32, #tpu.memory_space<hbm>>
    %dma_wait3A_366 = tpu.memref_slice %arg10[%dma_wait3A_355] : memref<2x!tpu.dma_semaphore, #tpu.memory_space<semaphore_mem>> -> memref<1x!tpu.dma_semaphore, #tpu.memory_space<semaphore_mem>>
    %dma_wait3A_367 = tpu.memref_squeeze %dma_wait3A_366 : memref<1x!tpu.dma_semaphore, #tpu.memory_space<semaphore_mem>> -> memref<!tpu.dma_semaphore, #tpu.memory_space<semaphore_mem>>
    tpu.wait_indirect_dma semaphore(%dma_wait3A_367 : memref<!tpu.dma_semaphore, #tpu.memory_space<semaphore_mem>>) src(%dma_wait3A_365 : memref<10000x128xf32, #tpu.memory_space<hbm>>) dst(%dma_wait3A_359 : memref<32x128xf32, #tpu.memory_space<vmem>>)
    %dma_wait3A_368 = arith.constant 38 : i32
    %dma_wait3A_369 = arith.constant 0 : i32
    %dma_wait3A_370 = arith.constant 0 : i32
    %dma_wait3A_371 = arith.constant 64 : i32
    %dma_wait3A_372 = arith.constant 0 : i32
    %dma_wait3A_373 = tpu.memref_slice %arg8[%dma_wait3A_369, %dma_wait3A_371, %dma_wait3A_372] : memref<2x128x128xf32, #tpu.memory_space<vmem>> -> memref<1x32x128xf32, #tpu.memory_space<vmem>>
    %dma_wait3A_374 = tpu.memref_squeeze %dma_wait3A_373 : memref<1x32x128xf32, #tpu.memory_space<vmem>> -> memref<32x128xf32, #tpu.memory_space<vmem>>
    %dma_wait3A_375 = arith.constant 64 : i32
    %dma_wait3A_376 = tpu.memref_slice %arg6[%dma_wait3A_368, %dma_wait3A_375] : memref<40x128xi32, #tpu.memory_space<vmem>> -> memref<1x32xi32, #tpu.memory_space<vmem>>
    %dma_wait3A_377 = tpu.memref_squeeze %dma_wait3A_376 : memref<1x32xi32, #tpu.memory_space<vmem>> -> memref<32xi32, #tpu.memory_space<vmem>>
    %dma_wait3A_378 = arith.constant 0 : i32
    %dma_wait3A_379 = arith.constant 0 : i32
    %dma_wait3A_380 = tpu.memref_slice %arg2[%dma_wait3A_378, %dma_wait3A_379] : memref<10000x128xf32, #tpu.memory_space<hbm>> -> memref<10000x128xf32, #tpu.memory_space<hbm>>
    %dma_wait3A_381 = tpu.memref_slice %arg10[%dma_wait3A_370] : memref<2x!tpu.dma_semaphore, #tpu.memory_space<semaphore_mem>> -> memref<1x!tpu.dma_semaphore, #tpu.memory_space<semaphore_mem>>
    %dma_wait3A_382 = tpu.memref_squeeze %dma_wait3A_381 : memref<1x!tpu.dma_semaphore, #tpu.memory_space<semaphore_mem>> -> memref<!tpu.dma_semaphore, #tpu.memory_space<semaphore_mem>>
    tpu.wait_indirect_dma semaphore(%dma_wait3A_382 : memref<!tpu.dma_semaphore, #tpu.memory_space<semaphore_mem>>) src(%dma_wait3A_380 : memref<10000x128xf32, #tpu.memory_space<hbm>>) dst(%dma_wait3A_374 : memref<32x128xf32, #tpu.memory_space<vmem>>)
    %dma_wait3A_383 = arith.constant 38 : i32
    %dma_wait3A_384 = arith.constant 0 : i32
    %dma_wait3A_385 = arith.constant 0 : i32
    %dma_wait3A_386 = arith.constant 96 : i32
    %dma_wait3A_387 = arith.constant 0 : i32
    %dma_wait3A_388 = tpu.memref_slice %arg8[%dma_wait3A_384, %dma_wait3A_386, %dma_wait3A_387] : memref<2x128x128xf32, #tpu.memory_space<vmem>> -> memref<1x32x128xf32, #tpu.memory_space<vmem>>
    %dma_wait3A_389 = tpu.memref_squeeze %dma_wait3A_388 : memref<1x32x128xf32, #tpu.memory_space<vmem>> -> memref<32x128xf32, #tpu.memory_space<vmem>>
    %dma_wait3A_390 = arith.constant 96 : i32
    %dma_wait3A_391 = tpu.memref_slice %arg6[%dma_wait3A_383, %dma_wait3A_390] : memref<40x128xi32, #tpu.memory_space<vmem>> -> memref<1x32xi32, #tpu.memory_space<vmem>>
    %dma_wait3A_392 = tpu.memref_squeeze %dma_wait3A_391 : memref<1x32xi32, #tpu.memory_space<vmem>> -> memref<32xi32, #tpu.memory_space<vmem>>
    %dma_wait3A_393 = arith.constant 0 : i32
    %dma_wait3A_394 = arith.constant 0 : i32
    %dma_wait3A_395 = tpu.memref_slice %arg2[%dma_wait3A_393, %dma_wait3A_394] : memref<10000x128xf32, #tpu.memory_space<hbm>> -> memref<10000x128xf32, #tpu.memory_space<hbm>>
    %dma_wait3A_396 = tpu.memref_slice %arg10[%dma_wait3A_385] : memref<2x!tpu.dma_semaphore, #tpu.memory_space<semaphore_mem>> -> memref<1x!tpu.dma_semaphore, #tpu.memory_space<semaphore_mem>>
    %dma_wait3A_397 = tpu.memref_squeeze %dma_wait3A_396 : memref<1x!tpu.dma_semaphore, #tpu.memory_space<semaphore_mem>> -> memref<!tpu.dma_semaphore, #tpu.memory_space<semaphore_mem>>
    tpu.wait_indirect_dma semaphore(%dma_wait3A_397 : memref<!tpu.dma_semaphore, #tpu.memory_space<semaphore_mem>>) src(%dma_wait3A_395 : memref<10000x128xf32, #tpu.memory_space<hbm>>) dst(%dma_wait3A_389 : memref<32x128xf32, #tpu.memory_space<vmem>>)
    %dma_start3A_398 = arith.constant 39 : i32
    %dma_start3A_399 = arith.constant 1 : i32
    %dma_start3A_400 = arith.constant 1 : i32
    %dma_start3A_401 = arith.constant 0 : i32
    %dma_start3A_402 = arith.constant 0 : i32
    %dma_start3A_403 = tpu.memref_slice %arg8[%dma_start3A_399, %dma_start3A_401, %dma_start3A_402] : memref<2x128x128xf32, #tpu.memory_space<vmem>> -> memref<1x32x128xf32, #tpu.memory_space<vmem>>
    %dma_start3A_404 = tpu.memref_squeeze %dma_start3A_403 : memref<1x32x128xf32, #tpu.memory_space<vmem>> -> memref<32x128xf32, #tpu.memory_space<vmem>>
    %dma_start3A_405 = arith.constant 0 : i32
    %dma_start3A_406 = tpu.memref_slice %arg6[%dma_start3A_398, %dma_start3A_405] : memref<40x128xi32, #tpu.memory_space<vmem>> -> memref<1x32xi32, #tpu.memory_space<vmem>>
    %dma_start3A_407 = tpu.memref_squeeze %dma_start3A_406 : memref<1x32xi32, #tpu.memory_space<vmem>> -> memref<32xi32, #tpu.memory_space<vmem>>
    %dma_start3A_408 = arith.constant 0 : i32
    %dma_start3A_409 = arith.constant 0 : i32
    %dma_start3A_410 = tpu.memref_slice %arg2[%dma_start3A_408, %dma_start3A_409] : memref<10000x128xf32, #tpu.memory_space<hbm>> -> memref<10000x128xf32, #tpu.memory_space<hbm>>
    %dma_start3A_411 = tpu.memref_slice %arg10[%dma_start3A_400] : memref<2x!tpu.dma_semaphore, #tpu.memory_space<semaphore_mem>> -> memref<1x!tpu.dma_semaphore, #tpu.memory_space<semaphore_mem>>
    %dma_start3A_412 = tpu.memref_squeeze %dma_start3A_411 : memref<1x!tpu.dma_semaphore, #tpu.memory_space<semaphore_mem>> -> memref<!tpu.dma_semaphore, #tpu.memory_space<semaphore_mem>>
    tpu.enqueue_indirect_dma source(%dma_start3A_410 : memref<10000x128xf32, #tpu.memory_space<hbm>>) target(%dma_start3A_404 : memref<32x128xf32, #tpu.memory_space<vmem>>) offsets(%dma_start3A_407 : memref<32xi32, #tpu.memory_space<vmem>>) semaphore(%dma_start3A_412 : memref<!tpu.dma_semaphore, #tpu.memory_space<semaphore_mem>>)
    %dma_start3A_413 = arith.constant 39 : i32
    %dma_start3A_414 = arith.constant 1 : i32
    %dma_start3A_415 = arith.constant 1 : i32
    %dma_start3A_416 = arith.constant 32 : i32
    %dma_start3A_417 = arith.constant 0 : i32
    %dma_start3A_418 = tpu.memref_slice %arg8[%dma_start3A_414, %dma_start3A_416, %dma_start3A_417] : memref<2x128x128xf32, #tpu.memory_space<vmem>> -> memref<1x32x128xf32, #tpu.memory_space<vmem>>
    %dma_start3A_419 = tpu.memref_squeeze %dma_start3A_418 : memref<1x32x128xf32, #tpu.memory_space<vmem>> -> memref<32x128xf32, #tpu.memory_space<vmem>>
    %dma_start3A_420 = arith.constant 32 : i32
    %dma_start3A_421 = tpu.memref_slice %arg6[%dma_start3A_413, %dma_start3A_420] : memref<40x128xi32, #tpu.memory_space<vmem>> -> memref<1x32xi32, #tpu.memory_space<vmem>>
    %dma_start3A_422 = tpu.memref_squeeze %dma_start3A_421 : memref<1x32xi32, #tpu.memory_space<vmem>> -> memref<32xi32, #tpu.memory_space<vmem>>
    %dma_start3A_423 = arith.constant 0 : i32
    %dma_start3A_424 = arith.constant 0 : i32
    %dma_start3A_425 = tpu.memref_slice %arg2[%dma_start3A_423, %dma_start3A_424] : memref<10000x128xf32, #tpu.memory_space<hbm>> -> memref<10000x128xf32, #tpu.memory_space<hbm>>
    %dma_start3A_426 = tpu.memref_slice %arg10[%dma_start3A_415] : memref<2x!tpu.dma_semaphore, #tpu.memory_space<semaphore_mem>> -> memref<1x!tpu.dma_semaphore, #tpu.memory_space<semaphore_mem>>
    %dma_start3A_427 = tpu.memref_squeeze %dma_start3A_426 : memref<1x!tpu.dma_semaphore, #tpu.memory_space<semaphore_mem>> -> memref<!tpu.dma_semaphore, #tpu.memory_space<semaphore_mem>>
    tpu.enqueue_indirect_dma source(%dma_start3A_425 : memref<10000x128xf32, #tpu.memory_space<hbm>>) target(%dma_start3A_419 : memref<32x128xf32, #tpu.memory_space<vmem>>) offsets(%dma_start3A_422 : memref<32xi32, #tpu.memory_space<vmem>>) semaphore(%dma_start3A_427 : memref<!tpu.dma_semaphore, #tpu.memory_space<semaphore_mem>>)
    %dma_start3A_428 = arith.constant 39 : i32
    %dma_start3A_429 = arith.constant 1 : i32
    %dma_start3A_430 = arith.constant 1 : i32
    %dma_start3A_431 = arith.constant 64 : i32
    %dma_start3A_432 = arith.constant 0 : i32
    %dma_start3A_433 = tpu.memref_slice %arg8[%dma_start3A_429, %dma_start3A_431, %dma_start3A_432] : memref<2x128x128xf32, #tpu.memory_space<vmem>> -> memref<1x32x128xf32, #tpu.memory_space<vmem>>
    %dma_start3A_434 = tpu.memref_squeeze %dma_start3A_433 : memref<1x32x128xf32, #tpu.memory_space<vmem>> -> memref<32x128xf32, #tpu.memory_space<vmem>>
    %dma_start3A_435 = arith.constant 64 : i32
    %dma_start3A_436 = tpu.memref_slice %arg6[%dma_start3A_428, %dma_start3A_435] : memref<40x128xi32, #tpu.memory_space<vmem>> -> memref<1x32xi32, #tpu.memory_space<vmem>>
    %dma_start3A_437 = tpu.memref_squeeze %dma_start3A_436 : memref<1x32xi32, #tpu.memory_space<vmem>> -> memref<32xi32, #tpu.memory_space<vmem>>
    %dma_start3A_438 = arith.constant 0 : i32
    %dma_start3A_439 = arith.constant 0 : i32
    %dma_start3A_440 = tpu.memref_slice %arg2[%dma_start3A_438, %dma_start3A_439] : memref<10000x128xf32, #tpu.memory_space<hbm>> -> memref<10000x128xf32, #tpu.memory_space<hbm>>
    %dma_start3A_441 = tpu.memref_slice %arg10[%dma_start3A_430] : memref<2x!tpu.dma_semaphore, #tpu.memory_space<semaphore_mem>> -> memref<1x!tpu.dma_semaphore, #tpu.memory_space<semaphore_mem>>
    %dma_start3A_442 = tpu.memref_squeeze %dma_start3A_441 : memref<1x!tpu.dma_semaphore, #tpu.memory_space<semaphore_mem>> -> memref<!tpu.dma_semaphore, #tpu.memory_space<semaphore_mem>>
    tpu.enqueue_indirect_dma source(%dma_start3A_440 : memref<10000x128xf32, #tpu.memory_space<hbm>>) target(%dma_start3A_434 : memref<32x128xf32, #tpu.memory_space<vmem>>) offsets(%dma_start3A_437 : memref<32xi32, #tpu.memory_space<vmem>>) semaphore(%dma_start3A_442 : memref<!tpu.dma_semaphore, #tpu.memory_space<semaphore_mem>>)
    %dma_start3A_443 = arith.constant 39 : i32
    %dma_start3A_444 = arith.constant 1 : i32
    %dma_start3A_445 = arith.constant 1 : i32
    %dma_start3A_446 = arith.constant 96 : i32
    %dma_start3A_447 = arith.constant 0 : i32
    %dma_start3A_448 = tpu.memref_slice %arg8[%dma_start3A_444, %dma_start3A_446, %dma_start3A_447] : memref<2x128x128xf32, #tpu.memory_space<vmem>> -> memref<1x32x128xf32, #tpu.memory_space<vmem>>
    %dma_start3A_449 = tpu.memref_squeeze %dma_start3A_448 : memref<1x32x128xf32, #tpu.memory_space<vmem>> -> memref<32x128xf32, #tpu.memory_space<vmem>>
    %dma_start3A_450 = arith.constant 96 : i32
    %dma_start3A_451 = tpu.memref_slice %arg6[%dma_start3A_443, %dma_start3A_450] : memref<40x128xi32, #tpu.memory_space<vmem>> -> memref<1x32xi32, #tpu.memory_space<vmem>>
    %dma_start3A_452 = tpu.memref_squeeze %dma_start3A_451 : memref<1x32xi32, #tpu.memory_space<vmem>> -> memref<32xi32, #tpu.memory_space<vmem>>
    %dma_start3A_453 = arith.constant 0 : i32
    %dma_start3A_454 = arith.constant 0 : i32
    %dma_start3A_455 = tpu.memref_slice %arg2[%dma_start3A_453, %dma_start3A_454] : memref<10000x128xf32, #tpu.memory_space<hbm>> -> memref<10000x128xf32, #tpu.memory_space<hbm>>
    %dma_start3A_456 = tpu.memref_slice %arg10[%dma_start3A_445] : memref<2x!tpu.dma_semaphore, #tpu.memory_space<semaphore_mem>> -> memref<1x!tpu.dma_semaphore, #tpu.memory_space<semaphore_mem>>
    %dma_start3A_457 = tpu.memref_squeeze %dma_start3A_456 : memref<1x!tpu.dma_semaphore, #tpu.memory_space<semaphore_mem>> -> memref<!tpu.dma_semaphore, #tpu.memory_space<semaphore_mem>>
    tpu.enqueue_indirect_dma source(%dma_start3A_455 : memref<10000x128xf32, #tpu.memory_space<hbm>>) target(%dma_start3A_449 : memref<32x128xf32, #tpu.memory_space<vmem>>) offsets(%dma_start3A_452 : memref<32xi32, #tpu.memory_space<vmem>>) semaphore(%dma_start3A_457 : memref<!tpu.dma_semaphore, #tpu.memory_space<semaphore_mem>>)
    %run_scoped3A_458 = arith.constant 0 : i32
    %run_scoped3A_459 = arith.constant 38 : i32
    "tpu.region"() ({
      %run_scoped3A_527 = tpu.sem_alloc : memref<!tpu.dma_semaphore, #tpu.memory_space<semaphore_mem>>
      %dma_start3A_528 = arith.constant 0 : i32
      %dma_start3A_529 = arith.constant 0 : i32
      %dma_start3A_530 = tpu.memref_slice %arg8[%run_scoped3A_458, %dma_start3A_528, %dma_start3A_529] : memref<2x128x128xf32, #tpu.memory_space<vmem>> -> memref<1x128x128xf32, #tpu.memory_space<vmem>>
      %dma_start3A_531 = tpu.memref_squeeze %dma_start3A_530 : memref<1x128x128xf32, #tpu.memory_space<vmem>> -> memref<128x128xf32, #tpu.memory_space<vmem>>
      %dma_start3A_532 = arith.constant 0 : i32
      %dma_start3A_533 = tpu.memref_slice %arg7[%run_scoped3A_459, %dma_start3A_532] : memref<40x128xi32, #tpu.memory_space<vmem>> -> memref<1x128xi32, #tpu.memory_space<vmem>>
      %dma_start3A_534 = tpu.memref_squeeze %dma_start3A_533 : memref<1x128xi32, #tpu.memory_space<vmem>> -> memref<128xi32, #tpu.memory_space<vmem>>
      %dma_start3A_535 = arith.constant 0 : i32
      %dma_start3A_536 = arith.constant 0 : i32
      %dma_start3A_537 = tpu.memref_slice %arg9[%dma_start3A_535, %dma_start3A_536] : memref<10240x128xf32, #tpu.memory_space<vmem_shared>> -> memref<10240x128xf32, #tpu.memory_space<vmem_shared>>
      tpu.enqueue_indirect_dma source(%dma_start3A_531 : memref<128x128xf32, #tpu.memory_space<vmem>>) target(%dma_start3A_537 : memref<10240x128xf32, #tpu.memory_space<vmem_shared>>) offsets(%dma_start3A_534 : memref<128xi32, #tpu.memory_space<vmem>>) semaphore(%run_scoped3A_527 : memref<!tpu.dma_semaphore, #tpu.memory_space<semaphore_mem>>) {add = true}
      %dma_wait3A_538 = arith.constant 0 : i32
      %dma_wait3A_539 = arith.constant 0 : i32
      %dma_wait3A_540 = tpu.memref_slice %arg8[%run_scoped3A_458, %dma_wait3A_538, %dma_wait3A_539] : memref<2x128x128xf32, #tpu.memory_space<vmem>> -> memref<1x128x128xf32, #tpu.memory_space<vmem>>
      %dma_wait3A_541 = tpu.memref_squeeze %dma_wait3A_540 : memref<1x128x128xf32, #tpu.memory_space<vmem>> -> memref<128x128xf32, #tpu.memory_space<vmem>>
      %dma_wait3A_542 = arith.constant 0 : i32
      %dma_wait3A_543 = tpu.memref_slice %arg7[%run_scoped3A_459, %dma_wait3A_542] : memref<40x128xi32, #tpu.memory_space<vmem>> -> memref<1x128xi32, #tpu.memory_space<vmem>>
      %dma_wait3A_544 = tpu.memref_squeeze %dma_wait3A_543 : memref<1x128xi32, #tpu.memory_space<vmem>> -> memref<128xi32, #tpu.memory_space<vmem>>
      %dma_wait3A_545 = arith.constant 0 : i32
      %dma_wait3A_546 = arith.constant 0 : i32
      %dma_wait3A_547 = tpu.memref_slice %arg9[%dma_wait3A_545, %dma_wait3A_546] : memref<10240x128xf32, #tpu.memory_space<vmem_shared>> -> memref<10240x128xf32, #tpu.memory_space<vmem_shared>>
      tpu.wait_indirect_dma semaphore(%run_scoped3A_527 : memref<!tpu.dma_semaphore, #tpu.memory_space<semaphore_mem>>) src(%dma_wait3A_541 : memref<128x128xf32, #tpu.memory_space<vmem>>) dst(%dma_wait3A_547 : memref<10240x128xf32, #tpu.memory_space<vmem_shared>>)
      tpu.yield
    }) : () -> ()
    %dma_wait3A_460 = arith.constant 39 : i32
    %dma_wait3A_461 = arith.constant 1 : i32
    %dma_wait3A_462 = arith.constant 1 : i32
    %dma_wait3A_463 = arith.constant 0 : i32
    %dma_wait3A_464 = arith.constant 0 : i32
    %dma_wait3A_465 = tpu.memref_slice %arg8[%dma_wait3A_461, %dma_wait3A_463, %dma_wait3A_464] : memref<2x128x128xf32, #tpu.memory_space<vmem>> -> memref<1x32x128xf32, #tpu.memory_space<vmem>>
    %dma_wait3A_466 = tpu.memref_squeeze %dma_wait3A_465 : memref<1x32x128xf32, #tpu.memory_space<vmem>> -> memref<32x128xf32, #tpu.memory_space<vmem>>
    %dma_wait3A_467 = arith.constant 0 : i32
    %dma_wait3A_468 = tpu.memref_slice %arg6[%dma_wait3A_460, %dma_wait3A_467] : memref<40x128xi32, #tpu.memory_space<vmem>> -> memref<1x32xi32, #tpu.memory_space<vmem>>
    %dma_wait3A_469 = tpu.memref_squeeze %dma_wait3A_468 : memref<1x32xi32, #tpu.memory_space<vmem>> -> memref<32xi32, #tpu.memory_space<vmem>>
    %dma_wait3A_470 = arith.constant 0 : i32
    %dma_wait3A_471 = arith.constant 0 : i32
    %dma_wait3A_472 = tpu.memref_slice %arg2[%dma_wait3A_470, %dma_wait3A_471] : memref<10000x128xf32, #tpu.memory_space<hbm>> -> memref<10000x128xf32, #tpu.memory_space<hbm>>
    %dma_wait3A_473 = tpu.memref_slice %arg10[%dma_wait3A_462] : memref<2x!tpu.dma_semaphore, #tpu.memory_space<semaphore_mem>> -> memref<1x!tpu.dma_semaphore, #tpu.memory_space<semaphore_mem>>
    %dma_wait3A_474 = tpu.memref_squeeze %dma_wait3A_473 : memref<1x!tpu.dma_semaphore, #tpu.memory_space<semaphore_mem>> -> memref<!tpu.dma_semaphore, #tpu.memory_space<semaphore_mem>>
    tpu.wait_indirect_dma semaphore(%dma_wait3A_474 : memref<!tpu.dma_semaphore, #tpu.memory_space<semaphore_mem>>) src(%dma_wait3A_472 : memref<10000x128xf32, #tpu.memory_space<hbm>>) dst(%dma_wait3A_466 : memref<32x128xf32, #tpu.memory_space<vmem>>)
    %dma_wait3A_475 = arith.constant 39 : i32
    %dma_wait3A_476 = arith.constant 1 : i32
    %dma_wait3A_477 = arith.constant 1 : i32
    %dma_wait3A_478 = arith.constant 32 : i32
    %dma_wait3A_479 = arith.constant 0 : i32
    %dma_wait3A_480 = tpu.memref_slice %arg8[%dma_wait3A_476, %dma_wait3A_478, %dma_wait3A_479] : memref<2x128x128xf32, #tpu.memory_space<vmem>> -> memref<1x32x128xf32, #tpu.memory_space<vmem>>
    %dma_wait3A_481 = tpu.memref_squeeze %dma_wait3A_480 : memref<1x32x128xf32, #tpu.memory_space<vmem>> -> memref<32x128xf32, #tpu.memory_space<vmem>>
    %dma_wait3A_482 = arith.constant 32 : i32
    %dma_wait3A_483 = tpu.memref_slice %arg6[%dma_wait3A_475, %dma_wait3A_482] : memref<40x128xi32, #tpu.memory_space<vmem>> -> memref<1x32xi32, #tpu.memory_space<vmem>>
    %dma_wait3A_484 = tpu.memref_squeeze %dma_wait3A_483 : memref<1x32xi32, #tpu.memory_space<vmem>> -> memref<32xi32, #tpu.memory_space<vmem>>
    %dma_wait3A_485 = arith.constant 0 : i32
    %dma_wait3A_486 = arith.constant 0 : i32
    %dma_wait3A_487 = tpu.memref_slice %arg2[%dma_wait3A_485, %dma_wait3A_486] : memref<10000x128xf32, #tpu.memory_space<hbm>> -> memref<10000x128xf32, #tpu.memory_space<hbm>>
    %dma_wait3A_488 = tpu.memref_slice %arg10[%dma_wait3A_477] : memref<2x!tpu.dma_semaphore, #tpu.memory_space<semaphore_mem>> -> memref<1x!tpu.dma_semaphore, #tpu.memory_space<semaphore_mem>>
    %dma_wait3A_489 = tpu.memref_squeeze %dma_wait3A_488 : memref<1x!tpu.dma_semaphore, #tpu.memory_space<semaphore_mem>> -> memref<!tpu.dma_semaphore, #tpu.memory_space<semaphore_mem>>
    tpu.wait_indirect_dma semaphore(%dma_wait3A_489 : memref<!tpu.dma_semaphore, #tpu.memory_space<semaphore_mem>>) src(%dma_wait3A_487 : memref<10000x128xf32, #tpu.memory_space<hbm>>) dst(%dma_wait3A_481 : memref<32x128xf32, #tpu.memory_space<vmem>>)
    %dma_wait3A_490 = arith.constant 39 : i32
    %dma_wait3A_491 = arith.constant 1 : i32
    %dma_wait3A_492 = arith.constant 1 : i32
    %dma_wait3A_493 = arith.constant 64 : i32
    %dma_wait3A_494 = arith.constant 0 : i32
    %dma_wait3A_495 = tpu.memref_slice %arg8[%dma_wait3A_491, %dma_wait3A_493, %dma_wait3A_494] : memref<2x128x128xf32, #tpu.memory_space<vmem>> -> memref<1x32x128xf32, #tpu.memory_space<vmem>>
    %dma_wait3A_496 = tpu.memref_squeeze %dma_wait3A_495 : memref<1x32x128xf32, #tpu.memory_space<vmem>> -> memref<32x128xf32, #tpu.memory_space<vmem>>
    %dma_wait3A_497 = arith.constant 64 : i32
    %dma_wait3A_498 = tpu.memref_slice %arg6[%dma_wait3A_490, %dma_wait3A_497] : memref<40x128xi32, #tpu.memory_space<vmem>> -> memref<1x32xi32, #tpu.memory_space<vmem>>
    %dma_wait3A_499 = tpu.memref_squeeze %dma_wait3A_498 : memref<1x32xi32, #tpu.memory_space<vmem>> -> memref<32xi32, #tpu.memory_space<vmem>>
    %dma_wait3A_500 = arith.constant 0 : i32
    %dma_wait3A_501 = arith.constant 0 : i32
    %dma_wait3A_502 = tpu.memref_slice %arg2[%dma_wait3A_500, %dma_wait3A_501] : memref<10000x128xf32, #tpu.memory_space<hbm>> -> memref<10000x128xf32, #tpu.memory_space<hbm>>
    %dma_wait3A_503 = tpu.memref_slice %arg10[%dma_wait3A_492] : memref<2x!tpu.dma_semaphore, #tpu.memory_space<semaphore_mem>> -> memref<1x!tpu.dma_semaphore, #tpu.memory_space<semaphore_mem>>
    %dma_wait3A_504 = tpu.memref_squeeze %dma_wait3A_503 : memref<1x!tpu.dma_semaphore, #tpu.memory_space<semaphore_mem>> -> memref<!tpu.dma_semaphore, #tpu.memory_space<semaphore_mem>>
    tpu.wait_indirect_dma semaphore(%dma_wait3A_504 : memref<!tpu.dma_semaphore, #tpu.memory_space<semaphore_mem>>) src(%dma_wait3A_502 : memref<10000x128xf32, #tpu.memory_space<hbm>>) dst(%dma_wait3A_496 : memref<32x128xf32, #tpu.memory_space<vmem>>)
    %dma_wait3A_505 = arith.constant 39 : i32
    %dma_wait3A_506 = arith.constant 1 : i32
    %dma_wait3A_507 = arith.constant 1 : i32
    %dma_wait3A_508 = arith.constant 96 : i32
    %dma_wait3A_509 = arith.constant 0 : i32
    %dma_wait3A_510 = tpu.memref_slice %arg8[%dma_wait3A_506, %dma_wait3A_508, %dma_wait3A_509] : memref<2x128x128xf32, #tpu.memory_space<vmem>> -> memref<1x32x128xf32, #tpu.memory_space<vmem>>
    %dma_wait3A_511 = tpu.memref_squeeze %dma_wait3A_510 : memref<1x32x128xf32, #tpu.memory_space<vmem>> -> memref<32x128xf32, #tpu.memory_space<vmem>>
    %dma_wait3A_512 = arith.constant 96 : i32
    %dma_wait3A_513 = tpu.memref_slice %arg6[%dma_wait3A_505, %dma_wait3A_512] : memref<40x128xi32, #tpu.memory_space<vmem>> -> memref<1x32xi32, #tpu.memory_space<vmem>>
    %dma_wait3A_514 = tpu.memref_squeeze %dma_wait3A_513 : memref<1x32xi32, #tpu.memory_space<vmem>> -> memref<32xi32, #tpu.memory_space<vmem>>
    %dma_wait3A_515 = arith.constant 0 : i32
    %dma_wait3A_516 = arith.constant 0 : i32
    %dma_wait3A_517 = tpu.memref_slice %arg2[%dma_wait3A_515, %dma_wait3A_516] : memref<10000x128xf32, #tpu.memory_space<hbm>> -> memref<10000x128xf32, #tpu.memory_space<hbm>>
    %dma_wait3A_518 = tpu.memref_slice %arg10[%dma_wait3A_507] : memref<2x!tpu.dma_semaphore, #tpu.memory_space<semaphore_mem>> -> memref<1x!tpu.dma_semaphore, #tpu.memory_space<semaphore_mem>>
    %dma_wait3A_519 = tpu.memref_squeeze %dma_wait3A_518 : memref<1x!tpu.dma_semaphore, #tpu.memory_space<semaphore_mem>> -> memref<!tpu.dma_semaphore, #tpu.memory_space<semaphore_mem>>
    tpu.wait_indirect_dma semaphore(%dma_wait3A_519 : memref<!tpu.dma_semaphore, #tpu.memory_space<semaphore_mem>>) src(%dma_wait3A_517 : memref<10000x128xf32, #tpu.memory_space<hbm>>) dst(%dma_wait3A_511 : memref<32x128xf32, #tpu.memory_space<vmem>>)
    %run_scoped3A_520 = arith.constant 1 : i32
    %run_scoped3A_521 = arith.constant 39 : i32
    "tpu.region"() ({
      %run_scoped3A_527 = tpu.sem_alloc : memref<!tpu.dma_semaphore, #tpu.memory_space<semaphore_mem>>
      %dma_start3A_528 = arith.constant 0 : i32
      %dma_start3A_529 = arith.constant 0 : i32
      %dma_start3A_530 = tpu.memref_slice %arg8[%run_scoped3A_520, %dma_start3A_528, %dma_start3A_529] : memref<2x128x128xf32, #tpu.memory_space<vmem>> -> memref<1x128x128xf32, #tpu.memory_space<vmem>>
      %dma_start3A_531 = tpu.memref_squeeze %dma_start3A_530 : memref<1x128x128xf32, #tpu.memory_space<vmem>> -> memref<128x128xf32, #tpu.memory_space<vmem>>
      %dma_start3A_532 = arith.constant 0 : i32
      %dma_start3A_533 = tpu.memref_slice %arg7[%run_scoped3A_521, %dma_start3A_532] : memref<40x128xi32, #tpu.memory_space<vmem>> -> memref<1x128xi32, #tpu.memory_space<vmem>>
      %dma_start3A_534 = tpu.memref_squeeze %dma_start3A_533 : memref<1x128xi32, #tpu.memory_space<vmem>> -> memref<128xi32, #tpu.memory_space<vmem>>
      %dma_start3A_535 = arith.constant 0 : i32
      %dma_start3A_536 = arith.constant 0 : i32
      %dma_start3A_537 = tpu.memref_slice %arg9[%dma_start3A_535, %dma_start3A_536] : memref<10240x128xf32, #tpu.memory_space<vmem_shared>> -> memref<10240x128xf32, #tpu.memory_space<vmem_shared>>
      tpu.enqueue_indirect_dma source(%dma_start3A_531 : memref<128x128xf32, #tpu.memory_space<vmem>>) target(%dma_start3A_537 : memref<10240x128xf32, #tpu.memory_space<vmem_shared>>) offsets(%dma_start3A_534 : memref<128xi32, #tpu.memory_space<vmem>>) semaphore(%run_scoped3A_527 : memref<!tpu.dma_semaphore, #tpu.memory_space<semaphore_mem>>) {add = true}
      %dma_wait3A_538 = arith.constant 0 : i32
      %dma_wait3A_539 = arith.constant 0 : i32
      %dma_wait3A_540 = tpu.memref_slice %arg8[%run_scoped3A_520, %dma_wait3A_538, %dma_wait3A_539] : memref<2x128x128xf32, #tpu.memory_space<vmem>> -> memref<1x128x128xf32, #tpu.memory_space<vmem>>
      %dma_wait3A_541 = tpu.memref_squeeze %dma_wait3A_540 : memref<1x128x128xf32, #tpu.memory_space<vmem>> -> memref<128x128xf32, #tpu.memory_space<vmem>>
      %dma_wait3A_542 = arith.constant 0 : i32
      %dma_wait3A_543 = tpu.memref_slice %arg7[%run_scoped3A_521, %dma_wait3A_542] : memref<40x128xi32, #tpu.memory_space<vmem>> -> memref<1x128xi32, #tpu.memory_space<vmem>>
      %dma_wait3A_544 = tpu.memref_squeeze %dma_wait3A_543 : memref<1x128xi32, #tpu.memory_space<vmem>> -> memref<128xi32, #tpu.memory_space<vmem>>
      %dma_wait3A_545 = arith.constant 0 : i32
      %dma_wait3A_546 = arith.constant 0 : i32
      %dma_wait3A_547 = tpu.memref_slice %arg9[%dma_wait3A_545, %dma_wait3A_546] : memref<10240x128xf32, #tpu.memory_space<vmem_shared>> -> memref<10240x128xf32, #tpu.memory_space<vmem_shared>>
      tpu.wait_indirect_dma semaphore(%run_scoped3A_527 : memref<!tpu.dma_semaphore, #tpu.memory_space<semaphore_mem>>) src(%dma_wait3A_541 : memref<128x128xf32, #tpu.memory_space<vmem>>) dst(%dma_wait3A_547 : memref<10240x128xf32, #tpu.memory_space<vmem_shared>>)
      tpu.yield
    }) : () -> ()
    %barrier3A_522 = arith.constant 0 : index
    tpu.barrier barrier_id(%barrier3A_522)
    %mul3A_523 = arith.constant 640 : i32
    %mul3A_524 = arith.muli %arg1, %mul3A_523 : i32
    %mul3A_525 = arith.constant 640 : i32
    %mul3A_526 = arith.muli %arg1, %mul3A_525 : i32
    "tpu.region"() ({
      %run_scoped3A_527 = tpu.sem_alloc : memref<!tpu.dma_semaphore, #tpu.memory_space<semaphore_mem>>
      %dma_start3A_528 = arith.constant 0 : i32
      %dma_start3A_529 = arith.constant 0 : i32
      %dma_start3A_530 = tpu.memref_slice %arg5[%arg0, %dma_start3A_528, %dma_start3A_529] : memref<2x10240x128xf32, #tpu.memory_space<hbm>> -> memref<1x10240x128xf32, #tpu.memory_space<hbm>>
      %dma_start3A_531 = tpu.memref_squeeze %dma_start3A_530 : memref<1x10240x128xf32, #tpu.memory_space<hbm>> -> memref<10240x128xf32, #tpu.memory_space<hbm>>
      %dma_start3A_532 = arith.constant 0 : i32
      %dma_start3A_533 = tpu.memref_slice %dma_start3A_531[%mul3A_526, %dma_start3A_532] : memref<10240x128xf32, #tpu.memory_space<hbm>> -> memref<640x128xf32, #tpu.memory_space<hbm>>
      %dma_start3A_534 = arith.constant 0 : i32
      %dma_start3A_535 = tpu.memref_slice %arg9[%mul3A_524, %dma_start3A_534] : memref<10240x128xf32, #tpu.memory_space<vmem_shared>> -> memref<640x128xf32, #tpu.memory_space<vmem_shared>>
      tpu.enqueue_dma source(%dma_start3A_535 : memref<640x128xf32, #tpu.memory_space<vmem_shared>>) target(%dma_start3A_533 : memref<640x128xf32, #tpu.memory_space<hbm>>) target_semaphore(%run_scoped3A_527 : memref<!tpu.dma_semaphore, #tpu.memory_space<semaphore_mem>>)
      %dma_wait3A_536 = arith.constant 0 : i32
      %dma_wait3A_537 = arith.constant 0 : i32
      %dma_wait3A_538 = tpu.memref_slice %arg5[%arg0, %dma_wait3A_536, %dma_wait3A_537] : memref<2x10240x128xf32, #tpu.memory_space<hbm>> -> memref<1x10240x128xf32, #tpu.memory_space<hbm>>
      %dma_wait3A_539 = tpu.memref_squeeze %dma_wait3A_538 : memref<1x10240x128xf32, #tpu.memory_space<hbm>> -> memref<10240x128xf32, #tpu.memory_space<hbm>>
      %dma_wait3A_540 = arith.constant 0 : i32
      %dma_wait3A_541 = tpu.memref_slice %dma_wait3A_539[%mul3A_526, %dma_wait3A_540] : memref<10240x128xf32, #tpu.memory_space<hbm>> -> memref<640x128xf32, #tpu.memory_space<hbm>>
      %dma_wait3A_542 = arith.constant 0 : i32
      %dma_wait3A_543 = tpu.memref_slice %arg9[%mul3A_524, %dma_wait3A_542] : memref<10240x128xf32, #tpu.memory_space<vmem_shared>> -> memref<640x128xf32, #tpu.memory_space<vmem_shared>>
      tpu.wait_dma2 semaphore(%run_scoped3A_527 : memref<!tpu.dma_semaphore, #tpu.memory_space<semaphore_mem>>) src(%dma_wait3A_543 : memref<640x128xf32, #tpu.memory_space<vmem_shared>>) dst(%dma_wait3A_541 : memref<640x128xf32, #tpu.memory_space<hbm>>)
      tpu.yield
    }) : () -> ()
    return
  }
}

#map = affine_map<(d0, d1) -> (0, 0)>
#map1 = affine_map<(d0, d1) -> (0, 0, 0)>
module attributes {stable_mosaic.version = 14 : i64} {
  func.func @_deg_kernel(%arg0: i32, %arg1: i32, %arg2: memref<2560x128xi32, #tpu.memory_space<hbm>>, %arg3: memref<2x10240x16xf32, #tpu.memory_space<hbm>>, %arg4: memref<80x128xi32, #tpu.memory_space<vmem>>, %arg5: memref<128x16xf32, #tpu.memory_space<vmem>>, %arg6: memref<64x16xf32, #tpu.memory_space<vmem>>, %arg7: memref<10240x16xf32, #tpu.memory_space<vmem_shared>>) attributes {dimension_semantics = [#tpu.dimension_semantics<core_parallel>, #tpu.dimension_semantics<subcore_parallel>], iteration_bounds = array<i64: 2, 16>, scalar_prefetch = 0 : i64, scratch_operands = 4 : i64, tpu.core_type = #tpu.core_type<sc_vector_subcore>, window_params = [{transform_indices = #map}, {transform_indices = #map1}]} {
    %mul3A = arith.constant 16 : i32
    %mul3A_0 = arith.muli %arg0, %mul3A : i32
    %add3A = arith.addi %mul3A_0, %arg1 : i32
    %broadcast_in_dim3A = arith.constant 1.000000e+00 : f32
    %broadcast_in_dim3A_1 = vector.broadcast %broadcast_in_dim3A : f32 to vector<16xf32>
    %scan3A = arith.constant 0 : i32
    %scan3A_2 = arith.constant 128 : i32
    %scan3A_3 = arith.addi %scan3A, %scan3A_2 : i32
    %scan3A_4 = arith.constant 1 : i32
    scf.for %scan3A_30 = %scan3A to %scan3A_3 step %scan3A_4  : i32 {
      %mul3A_31 = arith.constant 1 : i32
      %mul3A_32 = arith.muli %scan3A_30, %mul3A_31 : i32
      %add3A_33 = arith.constant 0 : i32
      %add3A_34 = arith.addi %add3A_33, %mul3A_32 : i32
      %swap3A = arith.index_cast %add3A_34 : i32 to index
      %swap3A_35 = arith.constant 0 : index
      %swap3A_36 = tpu.vector_load %arg5[%swap3A, %swap3A_35] {strides = array<i32>} : memref<128x16xf32, #tpu.memory_space<vmem>>, vector<1x16xf32>,
      %swap3A_37 = vector.shape_cast %swap3A_36 : vector<1x16xf32> to vector<16xf32>
      %swap3A_38 = vector.shape_cast %broadcast_in_dim3A_1 : vector<16xf32> to vector<1x16xf32>
      tpu.vector_store %arg5[%swap3A, %swap3A_35], %swap3A_38 {strides = array<i32>} : memref<128x16xf32, #tpu.memory_space<vmem>>, vector<1x16xf32>,
    }
    %scan3A_5 = arith.constant 128 : i32
    %broadcast_in_dim3A_6 = arith.constant 0.000000e+00 : f32
    %broadcast_in_dim3A_7 = vector.broadcast %broadcast_in_dim3A_6 : f32 to vector<16xf32>
    %scan3A_8 = arith.constant 0 : i32
    %scan3A_9 = arith.constant 64 : i32
    %scan3A_10 = arith.addi %scan3A_8, %scan3A_9 : i32
    %scan3A_11 = arith.constant 1 : i32
    scf.for %scan3A_30 = %scan3A_8 to %scan3A_10 step %scan3A_11  : i32 {
      %mul3A_31 = arith.constant 1 : i32
      %mul3A_32 = arith.muli %scan3A_30, %mul3A_31 : i32
      %add3A_33 = arith.constant 0 : i32
      %add3A_34 = arith.addi %add3A_33, %mul3A_32 : i32
      %swap3A = arith.index_cast %add3A_34 : i32 to index
      %swap3A_35 = arith.constant 0 : index
      %swap3A_36 = tpu.vector_load %arg6[%swap3A, %swap3A_35] {strides = array<i32>} : memref<64x16xf32, #tpu.memory_space<vmem>>, vector<1x16xf32>,
      %swap3A_37 = vector.shape_cast %swap3A_36 : vector<1x16xf32> to vector<16xf32>
      %swap3A_38 = vector.shape_cast %broadcast_in_dim3A_7 : vector<16xf32> to vector<1x16xf32>
      tpu.vector_store %arg6[%swap3A, %swap3A_35], %swap3A_38 {strides = array<i32>} : memref<64x16xf32, #tpu.memory_space<vmem>>, vector<1x16xf32>,
    }
    %scan3A_12 = arith.constant 64 : i32
    %scan3A_13 = arith.constant 0 : i32
    %scan3A_14 = arith.constant 10 : i32
    %scan3A_15 = arith.addi %scan3A_13, %scan3A_14 : i32
    %scan3A_16 = arith.constant 1 : i32
    scf.for %scan3A_30 = %scan3A_13 to %scan3A_15 step %scan3A_16  : i32 {
      %mul3A_31 = arith.constant 1 : i32
      %mul3A_32 = arith.muli %scan3A_30, %mul3A_31 : i32
      %add3A_33 = arith.constant 0 : i32
      %add3A_34 = arith.addi %add3A_33, %mul3A_32 : i32
      %mul3A_35 = arith.constant 640 : i32
      %mul3A_36 = arith.muli %arg1, %mul3A_35 : i32
      %mul3A_37 = arith.constant 64 : i32
      %mul3A_38 = arith.muli %add3A_34, %mul3A_37 : i32
      %add3A_39 = arith.addi %mul3A_36, %mul3A_38 : i32
      "tpu.region"() ({
        %run_scoped3A = tpu.sem_alloc : memref<!tpu.dma_semaphore, #tpu.memory_space<semaphore_mem>>
        %dma_start3A = arith.constant 0 : i32
        %dma_start3A_40 = tpu.memref_slice %arg7[%add3A_39, %dma_start3A] : memref<10240x16xf32, #tpu.memory_space<vmem_shared>> -> memref<64x16xf32, #tpu.memory_space<vmem_shared>>
        %dma_start3A_41 = arith.constant 0 : i32
        %dma_start3A_42 = tpu.memref_slice %arg7[%add3A_39, %dma_start3A_41] : memref<10240x16xf32, #tpu.memory_space<vmem_shared>> -> memref<64x16xf32, #tpu.memory_space<vmem_shared>>
        tpu.enqueue_dma source(%arg6 : memref<64x16xf32, #tpu.memory_space<vmem>>) target(%dma_start3A_42 : memref<64x16xf32, #tpu.memory_space<vmem_shared>>) target_semaphore(%run_scoped3A : memref<!tpu.dma_semaphore, #tpu.memory_space<semaphore_mem>>)
        %dma_wait3A = arith.constant 0 : i32
        %dma_wait3A_43 = tpu.memref_slice %arg7[%add3A_39, %dma_wait3A] : memref<10240x16xf32, #tpu.memory_space<vmem_shared>> -> memref<64x16xf32, #tpu.memory_space<vmem_shared>>
        %dma_wait3A_44 = arith.constant 0 : i32
        %dma_wait3A_45 = tpu.memref_slice %arg7[%add3A_39, %dma_wait3A_44] : memref<10240x16xf32, #tpu.memory_space<vmem_shared>> -> memref<64x16xf32, #tpu.memory_space<vmem_shared>>
        tpu.wait_dma2 semaphore(%run_scoped3A : memref<!tpu.dma_semaphore, #tpu.memory_space<semaphore_mem>>) src(%arg6 : memref<64x16xf32, #tpu.memory_space<vmem>>) dst(%dma_wait3A_45 : memref<64x16xf32, #tpu.memory_space<vmem_shared>>)
        tpu.yield
      }) : () -> ()
    }
    %scan3A_17 = arith.constant 10 : i32
    %mul3A_18 = arith.constant 80 : i32
    %mul3A_19 = arith.muli %add3A, %mul3A_18 : i32
    "tpu.region"() ({
      %run_scoped3A = tpu.sem_alloc : memref<!tpu.dma_semaphore, #tpu.memory_space<semaphore_mem>>
      %dma_start3A = arith.constant 0 : i32
      %dma_start3A_30 = tpu.memref_slice %arg2[%mul3A_19, %dma_start3A] : memref<2560x128xi32, #tpu.memory_space<hbm>> -> memref<80x128xi32, #tpu.memory_space<hbm>>
      %dma_start3A_31 = arith.constant 0 : i32
      %dma_start3A_32 = tpu.memref_slice %arg2[%mul3A_19, %dma_start3A_31] : memref<2560x128xi32, #tpu.memory_space<hbm>> -> memref<80x128xi32, #tpu.memory_space<hbm>>
      tpu.enqueue_dma source(%dma_start3A_32 : memref<80x128xi32, #tpu.memory_space<hbm>>) target(%arg4 : memref<80x128xi32, #tpu.memory_space<vmem>>) target_semaphore(%run_scoped3A : memref<!tpu.dma_semaphore, #tpu.memory_space<semaphore_mem>>)
      %dma_wait3A = arith.constant 0 : i32
      %dma_wait3A_33 = tpu.memref_slice %arg2[%mul3A_19, %dma_wait3A] : memref<2560x128xi32, #tpu.memory_space<hbm>> -> memref<80x128xi32, #tpu.memory_space<hbm>>
      %dma_wait3A_34 = arith.constant 0 : i32
      %dma_wait3A_35 = tpu.memref_slice %arg2[%mul3A_19, %dma_wait3A_34] : memref<2560x128xi32, #tpu.memory_space<hbm>> -> memref<80x128xi32, #tpu.memory_space<hbm>>
      tpu.wait_dma2 semaphore(%run_scoped3A : memref<!tpu.dma_semaphore, #tpu.memory_space<semaphore_mem>>) src(%dma_wait3A_35 : memref<80x128xi32, #tpu.memory_space<hbm>>) dst(%arg4 : memref<80x128xi32, #tpu.memory_space<vmem>>)
      tpu.yield
    }) : () -> ()
    %barrier3A = arith.constant 0 : index
    tpu.barrier barrier_id(%barrier3A)
    %scan3A_20 = arith.constant 0 : i32
    %scan3A_21 = arith.constant 80 : i32
    %scan3A_22 = arith.addi %scan3A_20, %scan3A_21 : i32
    %scan3A_23 = arith.constant 1 : i32
    scf.for %scan3A_30 = %scan3A_20 to %scan3A_22 step %scan3A_23  : i32 {
      %mul3A_31 = arith.constant 1 : i32
      %mul3A_32 = arith.muli %scan3A_30, %mul3A_31 : i32
      %add3A_33 = arith.constant 0 : i32
      %add3A_34 = arith.addi %add3A_33, %mul3A_32 : i32
      "tpu.region"() ({
        %run_scoped3A = tpu.sem_alloc : memref<!tpu.dma_semaphore, #tpu.memory_space<semaphore_mem>>
        %dma_start3A = arith.constant 0 : i32
        %dma_start3A_35 = tpu.memref_slice %arg4[%add3A_34, %dma_start3A] : memref<80x128xi32, #tpu.memory_space<vmem>> -> memref<1x128xi32, #tpu.memory_space<vmem>>
        %dma_start3A_36 = tpu.memref_squeeze %dma_start3A_35 : memref<1x128xi32, #tpu.memory_space<vmem>> -> memref<128xi32, #tpu.memory_space<vmem>>
        %dma_start3A_37 = arith.constant 0 : i32
        %dma_start3A_38 = arith.constant 0 : i32
        %dma_start3A_39 = tpu.memref_slice %arg7[%dma_start3A_37, %dma_start3A_38] : memref<10240x16xf32, #tpu.memory_space<vmem_shared>> -> memref<10240x16xf32, #tpu.memory_space<vmem_shared>>
        tpu.enqueue_indirect_dma source(%arg5 : memref<128x16xf32, #tpu.memory_space<vmem>>) target(%dma_start3A_39 : memref<10240x16xf32, #tpu.memory_space<vmem_shared>>) offsets(%dma_start3A_36 : memref<128xi32, #tpu.memory_space<vmem>>) semaphore(%run_scoped3A : memref<!tpu.dma_semaphore, #tpu.memory_space<semaphore_mem>>) {add = true}
        %dma_wait3A = arith.constant 0 : i32
        %dma_wait3A_40 = tpu.memref_slice %arg4[%add3A_34, %dma_wait3A] : memref<80x128xi32, #tpu.memory_space<vmem>> -> memref<1x128xi32, #tpu.memory_space<vmem>>
        %dma_wait3A_41 = tpu.memref_squeeze %dma_wait3A_40 : memref<1x128xi32, #tpu.memory_space<vmem>> -> memref<128xi32, #tpu.memory_space<vmem>>
        %dma_wait3A_42 = arith.constant 0 : i32
        %dma_wait3A_43 = arith.constant 0 : i32
        %dma_wait3A_44 = tpu.memref_slice %arg7[%dma_wait3A_42, %dma_wait3A_43] : memref<10240x16xf32, #tpu.memory_space<vmem_shared>> -> memref<10240x16xf32, #tpu.memory_space<vmem_shared>>
        tpu.wait_indirect_dma semaphore(%run_scoped3A : memref<!tpu.dma_semaphore, #tpu.memory_space<semaphore_mem>>) src(%arg5 : memref<128x16xf32, #tpu.memory_space<vmem>>) dst(%dma_wait3A_44 : memref<10240x16xf32, #tpu.memory_space<vmem_shared>>)
        tpu.yield
      }) : () -> ()
    }
    %scan3A_24 = arith.constant 80 : i32
    %barrier3A_25 = arith.constant 0 : index
    tpu.barrier barrier_id(%barrier3A_25)
    %mul3A_26 = arith.constant 640 : i32
    %mul3A_27 = arith.muli %arg1, %mul3A_26 : i32
    %mul3A_28 = arith.constant 640 : i32
    %mul3A_29 = arith.muli %arg1, %mul3A_28 : i32
    "tpu.region"() ({
      %run_scoped3A = tpu.sem_alloc : memref<!tpu.dma_semaphore, #tpu.memory_space<semaphore_mem>>
      %dma_start3A = arith.constant 0 : i32
      %dma_start3A_30 = arith.constant 0 : i32
      %dma_start3A_31 = tpu.memref_slice %arg3[%arg0, %dma_start3A, %dma_start3A_30] : memref<2x10240x16xf32, #tpu.memory_space<hbm>> -> memref<1x10240x16xf32, #tpu.memory_space<hbm>>
      %dma_start3A_32 = tpu.memref_squeeze %dma_start3A_31 : memref<1x10240x16xf32, #tpu.memory_space<hbm>> -> memref<10240x16xf32, #tpu.memory_space<hbm>>
      %dma_start3A_33 = arith.constant 0 : i32
      %dma_start3A_34 = tpu.memref_slice %dma_start3A_32[%mul3A_29, %dma_start3A_33] : memref<10240x16xf32, #tpu.memory_space<hbm>> -> memref<640x16xf32, #tpu.memory_space<hbm>>
      %dma_start3A_35 = arith.constant 0 : i32
      %dma_start3A_36 = tpu.memref_slice %arg7[%mul3A_27, %dma_start3A_35] : memref<10240x16xf32, #tpu.memory_space<vmem_shared>> -> memref<640x16xf32, #tpu.memory_space<vmem_shared>>
      tpu.enqueue_dma source(%dma_start3A_36 : memref<640x16xf32, #tpu.memory_space<vmem_shared>>) target(%dma_start3A_34 : memref<640x16xf32, #tpu.memory_space<hbm>>) target_semaphore(%run_scoped3A : memref<!tpu.dma_semaphore, #tpu.memory_space<semaphore_mem>>)
      %dma_wait3A = arith.constant 0 : i32
      %dma_wait3A_37 = arith.constant 0 : i32
      %dma_wait3A_38 = tpu.memref_slice %arg3[%arg0, %dma_wait3A, %dma_wait3A_37] : memref<2x10240x16xf32, #tpu.memory_space<hbm>> -> memref<1x10240x16xf32, #tpu.memory_space<hbm>>
      %dma_wait3A_39 = tpu.memref_squeeze %dma_wait3A_38 : memref<1x10240x16xf32, #tpu.memory_space<hbm>> -> memref<10240x16xf32, #tpu.memory_space<hbm>>
      %dma_wait3A_40 = arith.constant 0 : i32
      %dma_wait3A_41 = tpu.memref_slice %dma_wait3A_39[%mul3A_29, %dma_wait3A_40] : memref<10240x16xf32, #tpu.memory_space<hbm>> -> memref<640x16xf32, #tpu.memory_space<hbm>>
      %dma_wait3A_42 = arith.constant 0 : i32
      %dma_wait3A_43 = tpu.memref_slice %arg7[%mul3A_27, %dma_wait3A_42] : memref<10240x16xf32, #tpu.memory_space<vmem_shared>> -> memref<640x16xf32, #tpu.memory_space<vmem_shared>>
      tpu.wait_dma2 semaphore(%run_scoped3A : memref<!tpu.dma_semaphore, #tpu.memory_space<semaphore_mem>>) src(%dma_wait3A_43 : memref<640x16xf32, #tpu.memory_space<vmem_shared>>) dst(%dma_wait3A_41 : memref<640x16xf32, #tpu.memory_space<hbm>>)
      tpu.yield
    }) : () -> ()
    return
  }
}

#map = affine_map<(d0, d1) -> (0, 0)>
#map1 = affine_map<(d0, d1) -> (0, 0, 0)>
module attributes {stable_mosaic.version = 14 : i64} {
  func.func @_scatter_kernel(%arg0: i32, %arg1: i32, %arg2: memref<10000x128xf32, #tpu.memory_space<hbm>>, %arg3: memref<2560x128xi32, #tpu.memory_space<hbm>>, %arg4: memref<2560x128xi32, #tpu.memory_space<hbm>>, %arg5: memref<2x10240x128xf32, #tpu.memory_space<hbm>>, %arg6: memref<40x128xi32, #tpu.memory_space<vmem>>, %arg7: memref<40x128xi32, #tpu.memory_space<vmem>>, %arg8: memref<2x128x128xf32, #tpu.memory_space<vmem>>, %arg9: memref<10240x128xf32, #tpu.memory_space<vmem_shared>>, %arg10: memref<2x!tpu.dma_semaphore, #tpu.memory_space<semaphore_mem>>) attributes {dimension_semantics = [#tpu.dimension_semantics<core_parallel>, #tpu.dimension_semantics<subcore_parallel>], iteration_bounds = array<i64: 2, 16>, scalar_prefetch = 0 : i64, scratch_operands = 5 : i64, tpu.core_type = #tpu.core_type<sc_vector_subcore>, window_params = [{transform_indices = #map}, {transform_indices = #map}, {transform_indices = #map}, {transform_indices = #map1}]} {
    %mul3A = arith.constant 16 : i32
    %mul3A_0 = arith.muli %arg0, %mul3A : i32
    %add3A = arith.addi %mul3A_0, %arg1 : i32
    %broadcast_in_dim3A = arith.constant 0.000000e+00 : f32
    %broadcast_in_dim3A_1 = vector.broadcast %broadcast_in_dim3A : f32 to vector<16xf32>
    %scan3A = arith.constant 0 : i32
    %scan3A_2 = arith.constant 128 : i32
    %scan3A_3 = arith.addi %scan3A, %scan3A_2 : i32
    %scan3A_4 = arith.constant 1 : i32
    scf.for %scan3A_527 = %scan3A to %scan3A_3 step %scan3A_4  : i32 {
      %mul3A_528 = arith.constant 1 : i32
      %mul3A_529 = arith.muli %scan3A_527, %mul3A_528 : i32
      %add3A_530 = arith.constant 0 : i32
      %add3A_531 = arith.addi %add3A_530, %mul3A_529 : i32
      %swap3A = arith.constant 0 : i32
      %swap3A_532 = arith.index_cast %swap3A : i32 to index
      %swap3A_533 = arith.index_cast %add3A_531 : i32 to index
      %swap3A_534 = arith.constant 0 : index
      %swap3A_535 = tpu.vector_load %arg8[%swap3A_532, %swap3A_533, %swap3A_534] {strides = array<i32>} : memref<2x128x128xf32, #tpu.memory_space<vmem>>, vector<1x1x16xf32>,
      %swap3A_536 = vector.shape_cast %swap3A_535 : vector<1x1x16xf32> to vector<16xf32>
      %swap3A_537 = vector.shape_cast %broadcast_in_dim3A_1 : vector<16xf32> to vector<1x1x16xf32>
      tpu.vector_store %arg8[%swap3A_532, %swap3A_533, %swap3A_534], %swap3A_537 {strides = array<i32>} : memref<2x128x128xf32, #tpu.memory_space<vmem>>, vector<1x1x16xf32>,
      %swap3A_538 = arith.constant 0 : i32
      %swap3A_539 = arith.index_cast %swap3A_538 : i32 to index
      %swap3A_540 = arith.index_cast %add3A_531 : i32 to index
      %swap3A_541 = arith.constant 16 : index
      %swap3A_542 = tpu.vector_load %arg8[%swap3A_539, %swap3A_540, %swap3A_541] {strides = array<i32>} : memref<2x128x128xf32, #tpu.memory_space<vmem>>, vector<1x1x16xf32>,
      %swap3A_543 = vector.shape_cast %swap3A_542 : vector<1x1x16xf32> to vector<16xf32>
      %swap3A_544 = vector.shape_cast %broadcast_in_dim3A_1 : vector<16xf32> to vector<1x1x16xf32>
      tpu.vector_store %arg8[%swap3A_539, %swap3A_540, %swap3A_541], %swap3A_544 {strides = array<i32>} : memref<2x128x128xf32, #tpu.memory_space<vmem>>, vector<1x1x16xf32>,
      %swap3A_545 = arith.constant 0 : i32
      %swap3A_546 = arith.index_cast %swap3A_545 : i32 to index
      %swap3A_547 = arith.index_cast %add3A_531 : i32 to index
      %swap3A_548 = arith.constant 32 : index
      %swap3A_549 = tpu.vector_load %arg8[%swap3A_546, %swap3A_547, %swap3A_548] {strides = array<i32>} : memref<2x128x128xf32, #tpu.memory_space<vmem>>, vector<1x1x16xf32>,
      %swap3A_550 = vector.shape_cast %swap3A_549 : vector<1x1x16xf32> to vector<16xf32>
      %swap3A_551 = vector.shape_cast %broadcast_in_dim3A_1 : vector<16xf32> to vector<1x1x16xf32>
      tpu.vector_store %arg8[%swap3A_546, %swap3A_547, %swap3A_548], %swap3A_551 {strides = array<i32>} : memref<2x128x128xf32, #tpu.memory_space<vmem>>, vector<1x1x16xf32>,
      %swap3A_552 = arith.constant 0 : i32
      %swap3A_553 = arith.index_cast %swap3A_552 : i32 to index
      %swap3A_554 = arith.index_cast %add3A_531 : i32 to index
      %swap3A_555 = arith.constant 48 : index
      %swap3A_556 = tpu.vector_load %arg8[%swap3A_553, %swap3A_554, %swap3A_555] {strides = array<i32>} : memref<2x128x128xf32, #tpu.memory_space<vmem>>, vector<1x1x16xf32>,
      %swap3A_557 = vector.shape_cast %swap3A_556 : vector<1x1x16xf32> to vector<16xf32>
      %swap3A_558 = vector.shape_cast %broadcast_in_dim3A_1 : vector<16xf32> to vector<1x1x16xf32>
      tpu.vector_store %arg8[%swap3A_553, %swap3A_554, %swap3A_555], %swap3A_558 {strides = array<i32>} : memref<2x128x128xf32, #tpu.memory_space<vmem>>, vector<1x1x16xf32>,
      %swap3A_559 = arith.constant 0 : i32
      %swap3A_560 = arith.index_cast %swap3A_559 : i32 to index
      %swap3A_561 = arith.index_cast %add3A_531 : i32 to index
      %swap3A_562 = arith.constant 64 : index
      %swap3A_563 = tpu.vector_load %arg8[%swap3A_560, %swap3A_561, %swap3A_562] {strides = array<i32>} : memref<2x128x128xf32, #tpu.memory_space<vmem>>, vector<1x1x16xf32>,
      %swap3A_564 = vector.shape_cast %swap3A_563 : vector<1x1x16xf32> to vector<16xf32>
      %swap3A_565 = vector.shape_cast %broadcast_in_dim3A_1 : vector<16xf32> to vector<1x1x16xf32>
      tpu.vector_store %arg8[%swap3A_560, %swap3A_561, %swap3A_562], %swap3A_565 {strides = array<i32>} : memref<2x128x128xf32, #tpu.memory_space<vmem>>, vector<1x1x16xf32>,
      %swap3A_566 = arith.constant 0 : i32
      %swap3A_567 = arith.index_cast %swap3A_566 : i32 to index
      %swap3A_568 = arith.index_cast %add3A_531 : i32 to index
      %swap3A_569 = arith.constant 80 : index
      %swap3A_570 = tpu.vector_load %arg8[%swap3A_567, %swap3A_568, %swap3A_569] {strides = array<i32>} : memref<2x128x128xf32, #tpu.memory_space<vmem>>, vector<1x1x16xf32>,
      %swap3A_571 = vector.shape_cast %swap3A_570 : vector<1x1x16xf32> to vector<16xf32>
      %swap3A_572 = vector.shape_cast %broadcast_in_dim3A_1 : vector<16xf32> to vector<1x1x16xf32>
      tpu.vector_store %arg8[%swap3A_567, %swap3A_568, %swap3A_569], %swap3A_572 {strides = array<i32>} : memref<2x128x128xf32, #tpu.memory_space<vmem>>, vector<1x1x16xf32>,
      %swap3A_573 = arith.constant 0 : i32
      %swap3A_574 = arith.index_cast %swap3A_573 : i32 to index
      %swap3A_575 = arith.index_cast %add3A_531 : i32 to index
      %swap3A_576 = arith.constant 96 : index
      %swap3A_577 = tpu.vector_load %arg8[%swap3A_574, %swap3A_575, %swap3A_576] {strides = array<i32>} : memref<2x128x128xf32, #tpu.memory_space<vmem>>, vector<1x1x16xf32>,
      %swap3A_578 = vector.shape_cast %swap3A_577 : vector<1x1x16xf32> to vector<16xf32>
      %swap3A_579 = vector.shape_cast %broadcast_in_dim3A_1 : vector<16xf32> to vector<1x1x16xf32>
      tpu.vector_store %arg8[%swap3A_574, %swap3A_575, %swap3A_576], %swap3A_579 {strides = array<i32>} : memref<2x128x128xf32, #tpu.memory_space<vmem>>, vector<1x1x16xf32>,
      %swap3A_580 = arith.constant 0 : i32
      %swap3A_581 = arith.index_cast %swap3A_580 : i32 to index
      %swap3A_582 = arith.index_cast %add3A_531 : i32 to index
      %swap3A_583 = arith.constant 112 : index
      %swap3A_584 = tpu.vector_load %arg8[%swap3A_581, %swap3A_582, %swap3A_583] {strides = array<i32>} : memref<2x128x128xf32, #tpu.memory_space<vmem>>, vector<1x1x16xf32>,
      %swap3A_585 = vector.shape_cast %swap3A_584 : vector<1x1x16xf32> to vector<16xf32>
      %swap3A_586 = vector.shape_cast %broadcast_in_dim3A_1 : vector<16xf32> to vector<1x1x16xf32>
      tpu.vector_store %arg8[%swap3A_581, %swap3A_582, %swap3A_583], %swap3A_586 {strides = array<i32>} : memref<2x128x128xf32, #tpu.memory_space<vmem>>, vector<1x1x16xf32>,
    }
    %scan3A_5 = arith.constant 128 : i32
    %scan3A_6 = arith.constant 0 : i32
    %scan3A_7 = arith.constant 5 : i32
    %scan3A_8 = arith.addi %scan3A_6, %scan3A_7 : i32
    %scan3A_9 = arith.constant 1 : i32
    scf.for %scan3A_527 = %scan3A_6 to %scan3A_8 step %scan3A_9  : i32 {
      %mul3A_528 = arith.constant 1 : i32
      %mul3A_529 = arith.muli %scan3A_527, %mul3A_528 : i32
      %add3A_530 = arith.constant 0 : i32
      %add3A_531 = arith.addi %add3A_530, %mul3A_529 : i32
      %mul3A_532 = arith.constant 640 : i32
      %mul3A_533 = arith.muli %arg1, %mul3A_532 : i32
      %mul3A_534 = arith.constant 128 : i32
      %mul3A_535 = arith.muli %add3A_531, %mul3A_534 : i32
      %add3A_536 = arith.addi %mul3A_533, %mul3A_535 : i32
      %run_scoped3A_537 = arith.constant 0 : i32
      "tpu.region"() ({
        %run_scoped3A_538 = tpu.sem_alloc : memref<!tpu.dma_semaphore, #tpu.memory_space<semaphore_mem>>
        %dma_start3A_539 = arith.constant 0 : i32
        %dma_start3A_540 = arith.constant 0 : i32
        %dma_start3A_541 = tpu.memref_slice %arg8[%run_scoped3A_537, %dma_start3A_539, %dma_start3A_540] : memref<2x128x128xf32, #tpu.memory_space<vmem>> -> memref<1x128x128xf32, #tpu.memory_space<vmem>>
        %dma_start3A_542 = tpu.memref_squeeze %dma_start3A_541 : memref<1x128x128xf32, #tpu.memory_space<vmem>> -> memref<128x128xf32, #tpu.memory_space<vmem>>
        %dma_start3A_543 = arith.constant 0 : i32
        %dma_start3A_544 = tpu.memref_slice %arg9[%add3A_536, %dma_start3A_543] : memref<10240x128xf32, #tpu.memory_space<vmem_shared>> -> memref<128x128xf32, #tpu.memory_space<vmem_shared>>
        %dma_start3A_545 = arith.constant 0 : i32
        %dma_start3A_546 = tpu.memref_slice %arg9[%add3A_536, %dma_start3A_545] : memref<10240x128xf32, #tpu.memory_space<vmem_shared>> -> memref<128x128xf32, #tpu.memory_space<vmem_shared>>
        %dma_start3A_547 = arith.constant 0 : i32
        %dma_start3A_548 = arith.constant 0 : i32
        %dma_start3A_549 = tpu.memref_slice %arg8[%run_scoped3A_537, %dma_start3A_547, %dma_start3A_548] : memref<2x128x128xf32, #tpu.memory_space<vmem>> -> memref<1x128x128xf32, #tpu.memory_space<vmem>>
        %dma_start3A_550 = tpu.memref_squeeze %dma_start3A_549 : memref<1x128x128xf32, #tpu.memory_space<vmem>> -> memref<128x128xf32, #tpu.memory_space<vmem>>
        tpu.enqueue_dma source(%dma_start3A_550 : memref<128x128xf32, #tpu.memory_space<vmem>>) target(%dma_start3A_546 : memref<128x128xf32, #tpu.memory_space<vmem_shared>>) target_semaphore(%run_scoped3A_538 : memref<!tpu.dma_semaphore, #tpu.memory_space<semaphore_mem>>)
        %dma_wait3A_551 = arith.constant 0 : i32
        %dma_wait3A_552 = arith.constant 0 : i32
        %dma_wait3A_553 = tpu.memref_slice %arg8[%run_scoped3A_537, %dma_wait3A_551, %dma_wait3A_552] : memref<2x128x128xf32, #tpu.memory_space<vmem>> -> memref<1x128x128xf32, #tpu.memory_space<vmem>>
        %dma_wait3A_554 = tpu.memref_squeeze %dma_wait3A_553 : memref<1x128x128xf32, #tpu.memory_space<vmem>> -> memref<128x128xf32, #tpu.memory_space<vmem>>
        %dma_wait3A_555 = arith.constant 0 : i32
        %dma_wait3A_556 = tpu.memref_slice %arg9[%add3A_536, %dma_wait3A_555] : memref<10240x128xf32, #tpu.memory_space<vmem_shared>> -> memref<128x128xf32, #tpu.memory_space<vmem_shared>>
        %dma_wait3A_557 = arith.constant 0 : i32
        %dma_wait3A_558 = tpu.memref_slice %arg9[%add3A_536, %dma_wait3A_557] : memref<10240x128xf32, #tpu.memory_space<vmem_shared>> -> memref<128x128xf32, #tpu.memory_space<vmem_shared>>
        %dma_wait3A_559 = arith.constant 0 : i32
        %dma_wait3A_560 = arith.constant 0 : i32
        %dma_wait3A_561 = tpu.memref_slice %arg8[%run_scoped3A_537, %dma_wait3A_559, %dma_wait3A_560] : memref<2x128x128xf32, #tpu.memory_space<vmem>> -> memref<1x128x128xf32, #tpu.memory_space<vmem>>
        %dma_wait3A_562 = tpu.memref_squeeze %dma_wait3A_561 : memref<1x128x128xf32, #tpu.memory_space<vmem>> -> memref<128x128xf32, #tpu.memory_space<vmem>>
        tpu.wait_dma2 semaphore(%run_scoped3A_538 : memref<!tpu.dma_semaphore, #tpu.memory_space<semaphore_mem>>) src(%dma_wait3A_562 : memref<128x128xf32, #tpu.memory_space<vmem>>) dst(%dma_wait3A_558 : memref<128x128xf32, #tpu.memory_space<vmem_shared>>)
        tpu.yield
      }) : () -> ()
    }
    %scan3A_10 = arith.constant 5 : i32
    %barrier3A = arith.constant 0 : index
    tpu.barrier barrier_id(%barrier3A)
    %mul3A_11 = arith.constant 80 : i32
    %mul3A_12 = arith.muli %add3A, %mul3A_11 : i32
    %add3A_13 = arith.constant 0 : i32
    %add3A_14 = arith.addi %mul3A_12, %add3A_13 : i32
    "tpu.region"() ({
      %run_scoped3A_527 = tpu.sem_alloc : memref<!tpu.dma_semaphore, #tpu.memory_space<semaphore_mem>>
      %dma_start3A_528 = arith.constant 0 : i32
      %dma_start3A_529 = tpu.memref_slice %arg3[%add3A_14, %dma_start3A_528] : memref<2560x128xi32, #tpu.memory_space<hbm>> -> memref<40x128xi32, #tpu.memory_space<hbm>>
      %dma_start3A_530 = arith.constant 0 : i32
      %dma_start3A_531 = tpu.memref_slice %arg3[%add3A_14, %dma_start3A_530] : memref<2560x128xi32, #tpu.memory_space<hbm>> -> memref<40x128xi32, #tpu.memory_space<hbm>>
      tpu.enqueue_dma source(%dma_start3A_531 : memref<40x128xi32, #tpu.memory_space<hbm>>) target(%arg6 : memref<40x128xi32, #tpu.memory_space<vmem>>) target_semaphore(%run_scoped3A_527 : memref<!tpu.dma_semaphore, #tpu.memory_space<semaphore_mem>>)
      %dma_wait3A_532 = arith.constant 0 : i32
      %dma_wait3A_533 = tpu.memref_slice %arg3[%add3A_14, %dma_wait3A_532] : memref<2560x128xi32, #tpu.memory_space<hbm>> -> memref<40x128xi32, #tpu.memory_space<hbm>>
      %dma_wait3A_534 = arith.constant 0 : i32
      %dma_wait3A_535 = tpu.memref_slice %arg3[%add3A_14, %dma_wait3A_534] : memref<2560x128xi32, #tpu.memory_space<hbm>> -> memref<40x128xi32, #tpu.memory_space<hbm>>
      tpu.wait_dma2 semaphore(%run_scoped3A_527 : memref<!tpu.dma_semaphore, #tpu.memory_space<semaphore_mem>>) src(%dma_wait3A_535 : memref<40x128xi32, #tpu.memory_space<hbm>>) dst(%arg6 : memref<40x128xi32, #tpu.memory_space<vmem>>)
      tpu.yield
    }) : () -> ()
    %mul3A_15 = arith.constant 80 : i32
    %mul3A_16 = arith.muli %add3A, %mul3A_15 : i32
    %add3A_17 = arith.constant 0 : i32
    %add3A_18 = arith.addi %mul3A_16, %add3A_17 : i32
    "tpu.region"() ({
      %run_scoped3A_527 = tpu.sem_alloc : memref<!tpu.dma_semaphore, #tpu.memory_space<semaphore_mem>>
      %dma_start3A_528 = arith.constant 0 : i32
      %dma_start3A_529 = tpu.memref_slice %arg4[%add3A_18, %dma_start3A_528] : memref<2560x128xi32, #tpu.memory_space<hbm>> -> memref<40x128xi32, #tpu.memory_space<hbm>>
      %dma_start3A_530 = arith.constant 0 : i32
      %dma_start3A_531 = tpu.memref_slice %arg4[%add3A_18, %dma_start3A_530] : memref<2560x128xi32, #tpu.memory_space<hbm>> -> memref<40x128xi32, #tpu.memory_space<hbm>>
      tpu.enqueue_dma source(%dma_start3A_531 : memref<40x128xi32, #tpu.memory_space<hbm>>) target(%arg7 : memref<40x128xi32, #tpu.memory_space<vmem>>) target_semaphore(%run_scoped3A_527 : memref<!tpu.dma_semaphore, #tpu.memory_space<semaphore_mem>>)
      %dma_wait3A_532 = arith.constant 0 : i32
      %dma_wait3A_533 = tpu.memref_slice %arg4[%add3A_18, %dma_wait3A_532] : memref<2560x128xi32, #tpu.memory_space<hbm>> -> memref<40x128xi32, #tpu.memory_space<hbm>>
      %dma_wait3A_534 = arith.constant 0 : i32
      %dma_wait3A_535 = tpu.memref_slice %arg4[%add3A_18, %dma_wait3A_534] : memref<2560x128xi32, #tpu.memory_space<hbm>> -> memref<40x128xi32, #tpu.memory_space<hbm>>
      tpu.wait_dma2 semaphore(%run_scoped3A_527 : memref<!tpu.dma_semaphore, #tpu.memory_space<semaphore_mem>>) src(%dma_wait3A_535 : memref<40x128xi32, #tpu.memory_space<hbm>>) dst(%arg7 : memref<40x128xi32, #tpu.memory_space<vmem>>)
      tpu.yield
    }) : () -> ()
    %dma_start3A = arith.constant 0 : i32
    %dma_start3A_19 = arith.constant 0 : i32
    %dma_start3A_20 = arith.constant 0 : i32
    %dma_start3A_21 = arith.constant 0 : i32
    %dma_start3A_22 = arith.constant 0 : i32
    %dma_start3A_23 = tpu.memref_slice %arg8[%dma_start3A_19, %dma_start3A_21, %dma_start3A_22] : memref<2x128x128xf32, #tpu.memory_space<vmem>> -> memref<1x32x128xf32, #tpu.memory_space<vmem>>
    %dma_start3A_24 = tpu.memref_squeeze %dma_start3A_23 : memref<1x32x128xf32, #tpu.memory_space<vmem>> -> memref<32x128xf32, #tpu.memory_space<vmem>>
    %dma_start3A_25 = arith.constant 0 : i32
    %dma_start3A_26 = tpu.memref_slice %arg6[%dma_start3A, %dma_start3A_25] : memref<40x128xi32, #tpu.memory_space<vmem>> -> memref<1x32xi32, #tpu.memory_space<vmem>>
    %dma_start3A_27 = tpu.memref_squeeze %dma_start3A_26 : memref<1x32xi32, #tpu.memory_space<vmem>> -> memref<32xi32, #tpu.memory_space<vmem>>
    %dma_start3A_28 = arith.constant 0 : i32
    %dma_start3A_29 = arith.constant 0 : i32
    %dma_start3A_30 = tpu.memref_slice %arg2[%dma_start3A_28, %dma_start3A_29] : memref<10000x128xf32, #tpu.memory_space<hbm>> -> memref<10000x128xf32, #tpu.memory_space<hbm>>
    %dma_start3A_31 = tpu.memref_slice %arg10[%dma_start3A_20] : memref<2x!tpu.dma_semaphore, #tpu.memory_space<semaphore_mem>> -> memref<1x!tpu.dma_semaphore, #tpu.memory_space<semaphore_mem>>
    %dma_start3A_32 = tpu.memref_squeeze %dma_start3A_31 : memref<1x!tpu.dma_semaphore, #tpu.memory_space<semaphore_mem>> -> memref<!tpu.dma_semaphore, #tpu.memory_space<semaphore_mem>>
    tpu.enqueue_indirect_dma source(%dma_start3A_30 : memref<10000x128xf32, #tpu.memory_space<hbm>>) target(%dma_start3A_24 : memref<32x128xf32, #tpu.memory_space<vmem>>) offsets(%dma_start3A_27 : memref<32xi32, #tpu.memory_space<vmem>>) semaphore(%dma_start3A_32 : memref<!tpu.dma_semaphore, #tpu.memory_space<semaphore_mem>>)
    %dma_start3A_33 = arith.constant 0 : i32
    %dma_start3A_34 = arith.constant 0 : i32
    %dma_start3A_35 = arith.constant 0 : i32
    %dma_start3A_36 = arith.constant 32 : i32
    %dma_start3A_37 = arith.constant 0 : i32
    %dma_start3A_38 = tpu.memref_slice %arg8[%dma_start3A_34, %dma_start3A_36, %dma_start3A_37] : memref<2x128x128xf32, #tpu.memory_space<vmem>> -> memref<1x32x128xf32, #tpu.memory_space<vmem>>
    %dma_start3A_39 = tpu.memref_squeeze %dma_start3A_38 : memref<1x32x128xf32, #tpu.memory_space<vmem>> -> memref<32x128xf32, #tpu.memory_space<vmem>>
    %dma_start3A_40 = arith.constant 32 : i32
    %dma_start3A_41 = tpu.memref_slice %arg6[%dma_start3A_33, %dma_start3A_40] : memref<40x128xi32, #tpu.memory_space<vmem>> -> memref<1x32xi32, #tpu.memory_space<vmem>>
    %dma_start3A_42 = tpu.memref_squeeze %dma_start3A_41 : memref<1x32xi32, #tpu.memory_space<vmem>> -> memref<32xi32, #tpu.memory_space<vmem>>
    %dma_start3A_43 = arith.constant 0 : i32
    %dma_start3A_44 = arith.constant 0 : i32
    %dma_start3A_45 = tpu.memref_slice %arg2[%dma_start3A_43, %dma_start3A_44] : memref<10000x128xf32, #tpu.memory_space<hbm>> -> memref<10000x128xf32, #tpu.memory_space<hbm>>
    %dma_start3A_46 = tpu.memref_slice %arg10[%dma_start3A_35] : memref<2x!tpu.dma_semaphore, #tpu.memory_space<semaphore_mem>> -> memref<1x!tpu.dma_semaphore, #tpu.memory_space<semaphore_mem>>
    %dma_start3A_47 = tpu.memref_squeeze %dma_start3A_46 : memref<1x!tpu.dma_semaphore, #tpu.memory_space<semaphore_mem>> -> memref<!tpu.dma_semaphore, #tpu.memory_space<semaphore_mem>>
    tpu.enqueue_indirect_dma source(%dma_start3A_45 : memref<10000x128xf32, #tpu.memory_space<hbm>>) target(%dma_start3A_39 : memref<32x128xf32, #tpu.memory_space<vmem>>) offsets(%dma_start3A_42 : memref<32xi32, #tpu.memory_space<vmem>>) semaphore(%dma_start3A_47 : memref<!tpu.dma_semaphore, #tpu.memory_space<semaphore_mem>>)
    %dma_start3A_48 = arith.constant 0 : i32
    %dma_start3A_49 = arith.constant 0 : i32
    %dma_start3A_50 = arith.constant 0 : i32
    %dma_start3A_51 = arith.constant 64 : i32
    %dma_start3A_52 = arith.constant 0 : i32
    %dma_start3A_53 = tpu.memref_slice %arg8[%dma_start3A_49, %dma_start3A_51, %dma_start3A_52] : memref<2x128x128xf32, #tpu.memory_space<vmem>> -> memref<1x32x128xf32, #tpu.memory_space<vmem>>
    %dma_start3A_54 = tpu.memref_squeeze %dma_start3A_53 : memref<1x32x128xf32, #tpu.memory_space<vmem>> -> memref<32x128xf32, #tpu.memory_space<vmem>>
    %dma_start3A_55 = arith.constant 64 : i32
    %dma_start3A_56 = tpu.memref_slice %arg6[%dma_start3A_48, %dma_start3A_55] : memref<40x128xi32, #tpu.memory_space<vmem>> -> memref<1x32xi32, #tpu.memory_space<vmem>>
    %dma_start3A_57 = tpu.memref_squeeze %dma_start3A_56 : memref<1x32xi32, #tpu.memory_space<vmem>> -> memref<32xi32, #tpu.memory_space<vmem>>
    %dma_start3A_58 = arith.constant 0 : i32
    %dma_start3A_59 = arith.constant 0 : i32
    %dma_start3A_60 = tpu.memref_slice %arg2[%dma_start3A_58, %dma_start3A_59] : memref<10000x128xf32, #tpu.memory_space<hbm>> -> memref<10000x128xf32, #tpu.memory_space<hbm>>
    %dma_start3A_61 = tpu.memref_slice %arg10[%dma_start3A_50] : memref<2x!tpu.dma_semaphore, #tpu.memory_space<semaphore_mem>> -> memref<1x!tpu.dma_semaphore, #tpu.memory_space<semaphore_mem>>
    %dma_start3A_62 = tpu.memref_squeeze %dma_start3A_61 : memref<1x!tpu.dma_semaphore, #tpu.memory_space<semaphore_mem>> -> memref<!tpu.dma_semaphore, #tpu.memory_space<semaphore_mem>>
    tpu.enqueue_indirect_dma source(%dma_start3A_60 : memref<10000x128xf32, #tpu.memory_space<hbm>>) target(%dma_start3A_54 : memref<32x128xf32, #tpu.memory_space<vmem>>) offsets(%dma_start3A_57 : memref<32xi32, #tpu.memory_space<vmem>>) semaphore(%dma_start3A_62 : memref<!tpu.dma_semaphore, #tpu.memory_space<semaphore_mem>>)
    %dma_start3A_63 = arith.constant 0 : i32
    %dma_start3A_64 = arith.constant 0 : i32
    %dma_start3A_65 = arith.constant 0 : i32
    %dma_start3A_66 = arith.constant 96 : i32
    %dma_start3A_67 = arith.constant 0 : i32
    %dma_start3A_68 = tpu.memref_slice %arg8[%dma_start3A_64, %dma_start3A_66, %dma_start3A_67] : memref<2x128x128xf32, #tpu.memory_space<vmem>> -> memref<1x32x128xf32, #tpu.memory_space<vmem>>
    %dma_start3A_69 = tpu.memref_squeeze %dma_start3A_68 : memref<1x32x128xf32, #tpu.memory_space<vmem>> -> memref<32x128xf32, #tpu.memory_space<vmem>>
    %dma_start3A_70 = arith.constant 96 : i32
    %dma_start3A_71 = tpu.memref_slice %arg6[%dma_start3A_63, %dma_start3A_70] : memref<40x128xi32, #tpu.memory_space<vmem>> -> memref<1x32xi32, #tpu.memory_space<vmem>>
    %dma_start3A_72 = tpu.memref_squeeze %dma_start3A_71 : memref<1x32xi32, #tpu.memory_space<vmem>> -> memref<32xi32, #tpu.memory_space<vmem>>
    %dma_start3A_73 = arith.constant 0 : i32
    %dma_start3A_74 = arith.constant 0 : i32
    %dma_start3A_75 = tpu.memref_slice %arg2[%dma_start3A_73, %dma_start3A_74] : memref<10000x128xf32, #tpu.memory_space<hbm>> -> memref<10000x128xf32, #tpu.memory_space<hbm>>
    %dma_start3A_76 = tpu.memref_slice %arg10[%dma_start3A_65] : memref<2x!tpu.dma_semaphore, #tpu.memory_space<semaphore_mem>> -> memref<1x!tpu.dma_semaphore, #tpu.memory_space<semaphore_mem>>
    %dma_start3A_77 = tpu.memref_squeeze %dma_start3A_76 : memref<1x!tpu.dma_semaphore, #tpu.memory_space<semaphore_mem>> -> memref<!tpu.dma_semaphore, #tpu.memory_space<semaphore_mem>>
    tpu.enqueue_indirect_dma source(%dma_start3A_75 : memref<10000x128xf32, #tpu.memory_space<hbm>>) target(%dma_start3A_69 : memref<32x128xf32, #tpu.memory_space<vmem>>) offsets(%dma_start3A_72 : memref<32xi32, #tpu.memory_space<vmem>>) semaphore(%dma_start3A_77 : memref<!tpu.dma_semaphore, #tpu.memory_space<semaphore_mem>>)
    %scan3A_78 = arith.constant 0 : i32
    %scan3A_79 = arith.constant 19 : i32
    %scan3A_80 = arith.addi %scan3A_78, %scan3A_79 : i32
    %scan3A_81 = arith.constant 1 : i32
    scf.for %scan3A_527 = %scan3A_78 to %scan3A_80 step %scan3A_81  : i32 {
      %mul3A_528 = arith.constant 1 : i32
      %mul3A_529 = arith.muli %scan3A_527, %mul3A_528 : i32
      %add3A_530 = arith.constant 0 : i32
      %add3A_531 = arith.addi %add3A_530, %mul3A_529 : i32
      %mul3A_532 = arith.constant 2 : i32
      %mul3A_533 = arith.muli %mul3A_532, %add3A_531 : i32
      %dma_wait3A_534 = arith.constant 0 : i32
      %dma_wait3A_535 = arith.constant 0 : i32
      %dma_wait3A_536 = arith.constant 0 : i32
      %dma_wait3A_537 = arith.constant 0 : i32
      %dma_wait3A_538 = tpu.memref_slice %arg8[%dma_wait3A_534, %dma_wait3A_536, %dma_wait3A_537] : memref<2x128x128xf32, #tpu.memory_space<vmem>> -> memref<1x32x128xf32, #tpu.memory_space<vmem>>
      %dma_wait3A_539 = tpu.memref_squeeze %dma_wait3A_538 : memref<1x32x128xf32, #tpu.memory_space<vmem>> -> memref<32x128xf32, #tpu.memory_space<vmem>>
      %dma_wait3A_540 = arith.constant 0 : i32
      %dma_wait3A_541 = tpu.memref_slice %arg6[%mul3A_533, %dma_wait3A_540] : memref<40x128xi32, #tpu.memory_space<vmem>> -> memref<1x32xi32, #tpu.memory_space<vmem>>
      %dma_wait3A_542 = tpu.memref_squeeze %dma_wait3A_541 : memref<1x32xi32, #tpu.memory_space<vmem>> -> memref<32xi32, #tpu.memory_space<vmem>>
      %dma_wait3A_543 = arith.constant 0 : i32
      %dma_wait3A_544 = arith.constant 0 : i32
      %dma_wait3A_545 = tpu.memref_slice %arg2[%dma_wait3A_543, %dma_wait3A_544] : memref<10000x128xf32, #tpu.memory_space<hbm>> -> memref<10000x128xf32, #tpu.memory_space<hbm>>
      %dma_wait3A_546 = tpu.memref_slice %arg10[%dma_wait3A_535] : memref<2x!tpu.dma_semaphore, #tpu.memory_space<semaphore_mem>> -> memref<1x!tpu.dma_semaphore, #tpu.memory_space<semaphore_mem>>
      %dma_wait3A_547 = tpu.memref_squeeze %dma_wait3A_546 : memref<1x!tpu.dma_semaphore, #tpu.memory_space<semaphore_mem>> -> memref<!tpu.dma_semaphore, #tpu.memory_space<semaphore_mem>>
      tpu.wait_indirect_dma semaphore(%dma_wait3A_547 : memref<!tpu.dma_semaphore, #tpu.memory_space<semaphore_mem>>) src(%dma_wait3A_545 : memref<10000x128xf32, #tpu.memory_space<hbm>>) dst(%dma_wait3A_539 : memref<32x128xf32, #tpu.memory_space<vmem>>)
      %dma_wait3A_548 = arith.constant 0 : i32
      %dma_wait3A_549 = arith.constant 0 : i32
      %dma_wait3A_550 = arith.constant 32 : i32
      %dma_wait3A_551 = arith.constant 0 : i32
      %dma_wait3A_552 = tpu.memref_slice %arg8[%dma_wait3A_548, %dma_wait3A_550, %dma_wait3A_551] : memref<2x128x128xf32, #tpu.memory_space<vmem>> -> memref<1x32x128xf32, #tpu.memory_space<vmem>>
      %dma_wait3A_553 = tpu.memref_squeeze %dma_wait3A_552 : memref<1x32x128xf32, #tpu.memory_space<vmem>> -> memref<32x128xf32, #tpu.memory_space<vmem>>
      %dma_wait3A_554 = arith.constant 32 : i32
      %dma_wait3A_555 = tpu.memref_slice %arg6[%mul3A_533, %dma_wait3A_554] : memref<40x128xi32, #tpu.memory_space<vmem>> -> memref<1x32xi32, #tpu.memory_space<vmem>>
      %dma_wait3A_556 = tpu.memref_squeeze %dma_wait3A_555 : memref<1x32xi32, #tpu.memory_space<vmem>> -> memref<32xi32, #tpu.memory_space<vmem>>
      %dma_wait3A_557 = arith.constant 0 : i32
      %dma_wait3A_558 = arith.constant 0 : i32
      %dma_wait3A_559 = tpu.memref_slice %arg2[%dma_wait3A_557, %dma_wait3A_558] : memref<10000x128xf32, #tpu.memory_space<hbm>> -> memref<10000x128xf32, #tpu.memory_space<hbm>>
      %dma_wait3A_560 = tpu.memref_slice %arg10[%dma_wait3A_549] : memref<2x!tpu.dma_semaphore, #tpu.memory_space<semaphore_mem>> -> memref<1x!tpu.dma_semaphore, #tpu.memory_space<semaphore_mem>>
      %dma_wait3A_561 = tpu.memref_squeeze %dma_wait3A_560 : memref<1x!tpu.dma_semaphore, #tpu.memory_space<semaphore_mem>> -> memref<!tpu.dma_semaphore, #tpu.memory_space<semaphore_mem>>
      tpu.wait_indirect_dma semaphore(%dma_wait3A_561 : memref<!tpu.dma_semaphore, #tpu.memory_space<semaphore_mem>>) src(%dma_wait3A_559 : memref<10000x128xf32, #tpu.memory_space<hbm>>) dst(%dma_wait3A_553 : memref<32x128xf32, #tpu.memory_space<vmem>>)
      %dma_wait3A_562 = arith.constant 0 : i32
      %dma_wait3A_563 = arith.constant 0 : i32
      %dma_wait3A_564 = arith.constant 64 : i32
      %dma_wait3A_565 = arith.constant 0 : i32
      %dma_wait3A_566 = tpu.memref_slice %arg8[%dma_wait3A_562, %dma_wait3A_564, %dma_wait3A_565] : memref<2x128x128xf32, #tpu.memory_space<vmem>> -> memref<1x32x128xf32, #tpu.memory_space<vmem>>
      %dma_wait3A_567 = tpu.memref_squeeze %dma_wait3A_566 : memref<1x32x128xf32, #tpu.memory_space<vmem>> -> memref<32x128xf32, #tpu.memory_space<vmem>>
      %dma_wait3A_568 = arith.constant 64 : i32
      %dma_wait3A_569 = tpu.memref_slice %arg6[%mul3A_533, %dma_wait3A_568] : memref<40x128xi32, #tpu.memory_space<vmem>> -> memref<1x32xi32, #tpu.memory_space<vmem>>
      %dma_wait3A_570 = tpu.memref_squeeze %dma_wait3A_569 : memref<1x32xi32, #tpu.memory_space<vmem>> -> memref<32xi32, #tpu.memory_space<vmem>>
      %dma_wait3A_571 = arith.constant 0 : i32
      %dma_wait3A_572 = arith.constant 0 : i32
      %dma_wait3A_573 = tpu.memref_slice %arg2[%dma_wait3A_571, %dma_wait3A_572] : memref<10000x128xf32, #tpu.memory_space<hbm>> -> memref<10000x128xf32, #tpu.memory_space<hbm>>
      %dma_wait3A_574 = tpu.memref_slice %arg10[%dma_wait3A_563] : memref<2x!tpu.dma_semaphore, #tpu.memory_space<semaphore_mem>> -> memref<1x!tpu.dma_semaphore, #tpu.memory_space<semaphore_mem>>
      %dma_wait3A_575 = tpu.memref_squeeze %dma_wait3A_574 : memref<1x!tpu.dma_semaphore, #tpu.memory_space<semaphore_mem>> -> memref<!tpu.dma_semaphore, #tpu.memory_space<semaphore_mem>>
      tpu.wait_indirect_dma semaphore(%dma_wait3A_575 : memref<!tpu.dma_semaphore, #tpu.memory_space<semaphore_mem>>) src(%dma_wait3A_573 : memref<10000x128xf32, #tpu.memory_space<hbm>>) dst(%dma_wait3A_567 : memref<32x128xf32, #tpu.memory_space<vmem>>)
      %dma_wait3A_576 = arith.constant 0 : i32
      %dma_wait3A_577 = arith.constant 0 : i32
      %dma_wait3A_578 = arith.constant 96 : i32
      %dma_wait3A_579 = arith.constant 0 : i32
      %dma_wait3A_580 = tpu.memref_slice %arg8[%dma_wait3A_576, %dma_wait3A_578, %dma_wait3A_579] : memref<2x128x128xf32, #tpu.memory_space<vmem>> -> memref<1x32x128xf32, #tpu.memory_space<vmem>>
      %dma_wait3A_581 = tpu.memref_squeeze %dma_wait3A_580 : memref<1x32x128xf32, #tpu.memory_space<vmem>> -> memref<32x128xf32, #tpu.memory_space<vmem>>
      %dma_wait3A_582 = arith.constant 96 : i32
      %dma_wait3A_583 = tpu.memref_slice %arg6[%mul3A_533, %dma_wait3A_582] : memref<40x128xi32, #tpu.memory_space<vmem>> -> memref<1x32xi32, #tpu.memory_space<vmem>>
      %dma_wait3A_584 = tpu.memref_squeeze %dma_wait3A_583 : memref<1x32xi32, #tpu.memory_space<vmem>> -> memref<32xi32, #tpu.memory_space<vmem>>
      %dma_wait3A_585 = arith.constant 0 : i32
      %dma_wait3A_586 = arith.constant 0 : i32
      %dma_wait3A_587 = tpu.memref_slice %arg2[%dma_wait3A_585, %dma_wait3A_586] : memref<10000x128xf32, #tpu.memory_space<hbm>> -> memref<10000x128xf32, #tpu.memory_space<hbm>>
      %dma_wait3A_588 = tpu.memref_slice %arg10[%dma_wait3A_577] : memref<2x!tpu.dma_semaphore, #tpu.memory_space<semaphore_mem>> -> memref<1x!tpu.dma_semaphore, #tpu.memory_space<semaphore_mem>>
      %dma_wait3A_589 = tpu.memref_squeeze %dma_wait3A_588 : memref<1x!tpu.dma_semaphore, #tpu.memory_space<semaphore_mem>> -> memref<!tpu.dma_semaphore, #tpu.memory_space<semaphore_mem>>
      tpu.wait_indirect_dma semaphore(%dma_wait3A_589 : memref<!tpu.dma_semaphore, #tpu.memory_space<semaphore_mem>>) src(%dma_wait3A_587 : memref<10000x128xf32, #tpu.memory_space<hbm>>) dst(%dma_wait3A_581 : memref<32x128xf32, #tpu.memory_space<vmem>>)
      %add3A_590 = arith.constant 1 : i32
      %add3A_591 = arith.addi %mul3A_533, %add3A_590 : i32
      %dma_start3A_592 = arith.constant 1 : i32
      %dma_start3A_593 = arith.constant 1 : i32
      %dma_start3A_594 = arith.constant 0 : i32
      %dma_start3A_595 = arith.constant 0 : i32
      %dma_start3A_596 = tpu.memref_slice %arg8[%dma_start3A_592, %dma_start3A_594, %dma_start3A_595] : memref<2x128x128xf32, #tpu.memory_space<vmem>> -> memref<1x32x128xf32, #tpu.memory_space<vmem>>
      %dma_start3A_597 = tpu.memref_squeeze %dma_start3A_596 : memref<1x32x128xf32, #tpu.memory_space<vmem>> -> memref<32x128xf32, #tpu.memory_space<vmem>>
      %dma_start3A_598 = arith.constant 0 : i32
      %dma_start3A_599 = tpu.memref_slice %arg6[%add3A_591, %dma_start3A_598] : memref<40x128xi32, #tpu.memory_space<vmem>> -> memref<1x32xi32, #tpu.memory_space<vmem>>
      %dma_start3A_600 = tpu.memref_squeeze %dma_start3A_599 : memref<1x32xi32, #tpu.memory_space<vmem>> -> memref<32xi32, #tpu.memory_space<vmem>>
      %dma_start3A_601 = arith.constant 0 : i32
      %dma_start3A_602 = arith.constant 0 : i32
      %dma_start3A_603 = tpu.memref_slice %arg2[%dma_start3A_601, %dma_start3A_602] : memref<10000x128xf32, #tpu.memory_space<hbm>> -> memref<10000x128xf32, #tpu.memory_space<hbm>>
      %dma_start3A_604 = tpu.memref_slice %arg10[%dma_start3A_593] : memref<2x!tpu.dma_semaphore, #tpu.memory_space<semaphore_mem>> -> memref<1x!tpu.dma_semaphore, #tpu.memory_space<semaphore_mem>>
      %dma_start3A_605 = tpu.memref_squeeze %dma_start3A_604 : memref<1x!tpu.dma_semaphore, #tpu.memory_space<semaphore_mem>> -> memref<!tpu.dma_semaphore, #tpu.memory_space<semaphore_mem>>
      tpu.enqueue_indirect_dma source(%dma_start3A_603 : memref<10000x128xf32, #tpu.memory_space<hbm>>) target(%dma_start3A_597 : memref<32x128xf32, #tpu.memory_space<vmem>>) offsets(%dma_start3A_600 : memref<32xi32, #tpu.memory_space<vmem>>) semaphore(%dma_start3A_605 : memref<!tpu.dma_semaphore, #tpu.memory_space<semaphore_mem>>)
      %dma_start3A_606 = arith.constant 1 : i32
      %dma_start3A_607 = arith.constant 1 : i32
      %dma_start3A_608 = arith.constant 32 : i32
      %dma_start3A_609 = arith.constant 0 : i32
      %dma_start3A_610 = tpu.memref_slice %arg8[%dma_start3A_606, %dma_start3A_608, %dma_start3A_609] : memref<2x128x128xf32, #tpu.memory_space<vmem>> -> memref<1x32x128xf32, #tpu.memory_space<vmem>>
      %dma_start3A_611 = tpu.memref_squeeze %dma_start3A_610 : memref<1x32x128xf32, #tpu.memory_space<vmem>> -> memref<32x128xf32, #tpu.memory_space<vmem>>
      %dma_start3A_612 = arith.constant 32 : i32
      %dma_start3A_613 = tpu.memref_slice %arg6[%add3A_591, %dma_start3A_612] : memref<40x128xi32, #tpu.memory_space<vmem>> -> memref<1x32xi32, #tpu.memory_space<vmem>>
      %dma_start3A_614 = tpu.memref_squeeze %dma_start3A_613 : memref<1x32xi32, #tpu.memory_space<vmem>> -> memref<32xi32, #tpu.memory_space<vmem>>
      %dma_start3A_615 = arith.constant 0 : i32
      %dma_start3A_616 = arith.constant 0 : i32
      %dma_start3A_617 = tpu.memref_slice %arg2[%dma_start3A_615, %dma_start3A_616] : memref<10000x128xf32, #tpu.memory_space<hbm>> -> memref<10000x128xf32, #tpu.memory_space<hbm>>
      %dma_start3A_618 = tpu.memref_slice %arg10[%dma_start3A_607] : memref<2x!tpu.dma_semaphore, #tpu.memory_space<semaphore_mem>> -> memref<1x!tpu.dma_semaphore, #tpu.memory_space<semaphore_mem>>
      %dma_start3A_619 = tpu.memref_squeeze %dma_start3A_618 : memref<1x!tpu.dma_semaphore, #tpu.memory_space<semaphore_mem>> -> memref<!tpu.dma_semaphore, #tpu.memory_space<semaphore_mem>>
      tpu.enqueue_indirect_dma source(%dma_start3A_617 : memref<10000x128xf32, #tpu.memory_space<hbm>>) target(%dma_start3A_611 : memref<32x128xf32, #tpu.memory_space<vmem>>) offsets(%dma_start3A_614 : memref<32xi32, #tpu.memory_space<vmem>>) semaphore(%dma_start3A_619 : memref<!tpu.dma_semaphore, #tpu.memory_space<semaphore_mem>>)
      %dma_start3A_620 = arith.constant 1 : i32
      %dma_start3A_621 = arith.constant 1 : i32
      %dma_start3A_622 = arith.constant 64 : i32
      %dma_start3A_623 = arith.constant 0 : i32
      %dma_start3A_624 = tpu.memref_slice %arg8[%dma_start3A_620, %dma_start3A_622, %dma_start3A_623] : memref<2x128x128xf32, #tpu.memory_space<vmem>> -> memref<1x32x128xf32, #tpu.memory_space<vmem>>
      %dma_start3A_625 = tpu.memref_squeeze %dma_start3A_624 : memref<1x32x128xf32, #tpu.memory_space<vmem>> -> memref<32x128xf32, #tpu.memory_space<vmem>>
      %dma_start3A_626 = arith.constant 64 : i32
      %dma_start3A_627 = tpu.memref_slice %arg6[%add3A_591, %dma_start3A_626] : memref<40x128xi32, #tpu.memory_space<vmem>> -> memref<1x32xi32, #tpu.memory_space<vmem>>
      %dma_start3A_628 = tpu.memref_squeeze %dma_start3A_627 : memref<1x32xi32, #tpu.memory_space<vmem>> -> memref<32xi32, #tpu.memory_space<vmem>>
      %dma_start3A_629 = arith.constant 0 : i32
      %dma_start3A_630 = arith.constant 0 : i32
      %dma_start3A_631 = tpu.memref_slice %arg2[%dma_start3A_629, %dma_start3A_630] : memref<10000x128xf32, #tpu.memory_space<hbm>> -> memref<10000x128xf32, #tpu.memory_space<hbm>>
      %dma_start3A_632 = tpu.memref_slice %arg10[%dma_start3A_621] : memref<2x!tpu.dma_semaphore, #tpu.memory_space<semaphore_mem>> -> memref<1x!tpu.dma_semaphore, #tpu.memory_space<semaphore_mem>>
      %dma_start3A_633 = tpu.memref_squeeze %dma_start3A_632 : memref<1x!tpu.dma_semaphore, #tpu.memory_space<semaphore_mem>> -> memref<!tpu.dma_semaphore, #tpu.memory_space<semaphore_mem>>
      tpu.enqueue_indirect_dma source(%dma_start3A_631 : memref<10000x128xf32, #tpu.memory_space<hbm>>) target(%dma_start3A_625 : memref<32x128xf32, #tpu.memory_space<vmem>>) offsets(%dma_start3A_628 : memref<32xi32, #tpu.memory_space<vmem>>) semaphore(%dma_start3A_633 : memref<!tpu.dma_semaphore, #tpu.memory_space<semaphore_mem>>)
      %dma_start3A_634 = arith.constant 1 : i32
      %dma_start3A_635 = arith.constant 1 : i32
      %dma_start3A_636 = arith.constant 96 : i32
      %dma_start3A_637 = arith.constant 0 : i32
      %dma_start3A_638 = tpu.memref_slice %arg8[%dma_start3A_634, %dma_start3A_636, %dma_start3A_637] : memref<2x128x128xf32, #tpu.memory_space<vmem>> -> memref<1x32x128xf32, #tpu.memory_space<vmem>>
      %dma_start3A_639 = tpu.memref_squeeze %dma_start3A_638 : memref<1x32x128xf32, #tpu.memory_space<vmem>> -> memref<32x128xf32, #tpu.memory_space<vmem>>
      %dma_start3A_640 = arith.constant 96 : i32
      %dma_start3A_641 = tpu.memref_slice %arg6[%add3A_591, %dma_start3A_640] : memref<40x128xi32, #tpu.memory_space<vmem>> -> memref<1x32xi32, #tpu.memory_space<vmem>>
      %dma_start3A_642 = tpu.memref_squeeze %dma_start3A_641 : memref<1x32xi32, #tpu.memory_space<vmem>> -> memref<32xi32, #tpu.memory_space<vmem>>
      %dma_start3A_643 = arith.constant 0 : i32
      %dma_start3A_644 = arith.constant 0 : i32
      %dma_start3A_645 = tpu.memref_slice %arg2[%dma_start3A_643, %dma_start3A_644] : memref<10000x128xf32, #tpu.memory_space<hbm>> -> memref<10000x128xf32, #tpu.memory_space<hbm>>
      %dma_start3A_646 = tpu.memref_slice %arg10[%dma_start3A_635] : memref<2x!tpu.dma_semaphore, #tpu.memory_space<semaphore_mem>> -> memref<1x!tpu.dma_semaphore, #tpu.memory_space<semaphore_mem>>
      %dma_start3A_647 = tpu.memref_squeeze %dma_start3A_646 : memref<1x!tpu.dma_semaphore, #tpu.memory_space<semaphore_mem>> -> memref<!tpu.dma_semaphore, #tpu.memory_space<semaphore_mem>>
      tpu.enqueue_indirect_dma source(%dma_start3A_645 : memref<10000x128xf32, #tpu.memory_space<hbm>>) target(%dma_start3A_639 : memref<32x128xf32, #tpu.memory_space<vmem>>) offsets(%dma_start3A_642 : memref<32xi32, #tpu.memory_space<vmem>>) semaphore(%dma_start3A_647 : memref<!tpu.dma_semaphore, #tpu.memory_space<semaphore_mem>>)
      %run_scoped3A_648 = arith.constant 0 : i32
      "tpu.region"() ({
        %run_scoped3A_768 = tpu.sem_alloc : memref<!tpu.dma_semaphore, #tpu.memory_space<semaphore_mem>>
        %dma_start3A_769 = arith.constant 0 : i32
        %dma_start3A_770 = arith.constant 0 : i32
        %dma_start3A_771 = tpu.memref_slice %arg8[%run_scoped3A_648, %dma_start3A_769, %dma_start3A_770] : memref<2x128x128xf32, #tpu.memory_space<vmem>> -> memref<1x128x128xf32, #tpu.memory_space<vmem>>
        %dma_start3A_772 = tpu.memref_squeeze %dma_start3A_771 : memref<1x128x128xf32, #tpu.memory_space<vmem>> -> memref<128x128xf32, #tpu.memory_space<vmem>>
        %dma_start3A_773 = arith.constant 0 : i32
        %dma_start3A_774 = tpu.memref_slice %arg7[%mul3A_533, %dma_start3A_773] : memref<40x128xi32, #tpu.memory_space<vmem>> -> memref<1x128xi32, #tpu.memory_space<vmem>>
        %dma_start3A_775 = tpu.memref_squeeze %dma_start3A_774 : memref<1x128xi32, #tpu.memory_space<vmem>> -> memref<128xi32, #tpu.memory_space<vmem>>
        %dma_start3A_776 = arith.constant 0 : i32
        %dma_start3A_777 = arith.constant 0 : i32
        %dma_start3A_778 = tpu.memref_slice %arg9[%dma_start3A_776, %dma_start3A_777] : memref<10240x128xf32, #tpu.memory_space<vmem_shared>> -> memref<10240x128xf32, #tpu.memory_space<vmem_shared>>
        tpu.enqueue_indirect_dma source(%dma_start3A_772 : memref<128x128xf32, #tpu.memory_space<vmem>>) target(%dma_start3A_778 : memref<10240x128xf32, #tpu.memory_space<vmem_shared>>) offsets(%dma_start3A_775 : memref<128xi32, #tpu.memory_space<vmem>>) semaphore(%run_scoped3A_768 : memref<!tpu.dma_semaphore, #tpu.memory_space<semaphore_mem>>) {add = true}
        %dma_wait3A_779 = arith.constant 0 : i32
        %dma_wait3A_780 = arith.constant 0 : i32
        %dma_wait3A_781 = tpu.memref_slice %arg8[%run_scoped3A_648, %dma_wait3A_779, %dma_wait3A_780] : memref<2x128x128xf32, #tpu.memory_space<vmem>> -> memref<1x128x128xf32, #tpu.memory_space<vmem>>
        %dma_wait3A_782 = tpu.memref_squeeze %dma_wait3A_781 : memref<1x128x128xf32, #tpu.memory_space<vmem>> -> memref<128x128xf32, #tpu.memory_space<vmem>>
        %dma_wait3A_783 = arith.constant 0 : i32
        %dma_wait3A_784 = tpu.memref_slice %arg7[%mul3A_533, %dma_wait3A_783] : memref<40x128xi32, #tpu.memory_space<vmem>> -> memref<1x128xi32, #tpu.memory_space<vmem>>
        %dma_wait3A_785 = tpu.memref_squeeze %dma_wait3A_784 : memref<1x128xi32, #tpu.memory_space<vmem>> -> memref<128xi32, #tpu.memory_space<vmem>>
        %dma_wait3A_786 = arith.constant 0 : i32
        %dma_wait3A_787 = arith.constant 0 : i32
        %dma_wait3A_788 = tpu.memref_slice %arg9[%dma_wait3A_786, %dma_wait3A_787] : memref<10240x128xf32, #tpu.memory_space<vmem_shared>> -> memref<10240x128xf32, #tpu.memory_space<vmem_shared>>
        tpu.wait_indirect_dma semaphore(%run_scoped3A_768 : memref<!tpu.dma_semaphore, #tpu.memory_space<semaphore_mem>>) src(%dma_wait3A_782 : memref<128x128xf32, #tpu.memory_space<vmem>>) dst(%dma_wait3A_788 : memref<10240x128xf32, #tpu.memory_space<vmem_shared>>)
        tpu.yield
      }) : () -> ()
      %add3A_649 = arith.constant 1 : i32
      %add3A_650 = arith.addi %mul3A_533, %add3A_649 : i32
      %dma_wait3A_651 = arith.constant 1 : i32
      %dma_wait3A_652 = arith.constant 1 : i32
      %dma_wait3A_653 = arith.constant 0 : i32
      %dma_wait3A_654 = arith.constant 0 : i32
      %dma_wait3A_655 = tpu.memref_slice %arg8[%dma_wait3A_651, %dma_wait3A_653, %dma_wait3A_654] : memref<2x128x128xf32, #tpu.memory_space<vmem>> -> memref<1x32x128xf32, #tpu.memory_space<vmem>>
      %dma_wait3A_656 = tpu.memref_squeeze %dma_wait3A_655 : memref<1x32x128xf32, #tpu.memory_space<vmem>> -> memref<32x128xf32, #tpu.memory_space<vmem>>
      %dma_wait3A_657 = arith.constant 0 : i32
      %dma_wait3A_658 = tpu.memref_slice %arg6[%add3A_650, %dma_wait3A_657] : memref<40x128xi32, #tpu.memory_space<vmem>> -> memref<1x32xi32, #tpu.memory_space<vmem>>
      %dma_wait3A_659 = tpu.memref_squeeze %dma_wait3A_658 : memref<1x32xi32, #tpu.memory_space<vmem>> -> memref<32xi32, #tpu.memory_space<vmem>>
      %dma_wait3A_660 = arith.constant 0 : i32
      %dma_wait3A_661 = arith.constant 0 : i32
      %dma_wait3A_662 = tpu.memref_slice %arg2[%dma_wait3A_660, %dma_wait3A_661] : memref<10000x128xf32, #tpu.memory_space<hbm>> -> memref<10000x128xf32, #tpu.memory_space<hbm>>
      %dma_wait3A_663 = tpu.memref_slice %arg10[%dma_wait3A_652] : memref<2x!tpu.dma_semaphore, #tpu.memory_space<semaphore_mem>> -> memref<1x!tpu.dma_semaphore, #tpu.memory_space<semaphore_mem>>
      %dma_wait3A_664 = tpu.memref_squeeze %dma_wait3A_663 : memref<1x!tpu.dma_semaphore, #tpu.memory_space<semaphore_mem>> -> memref<!tpu.dma_semaphore, #tpu.memory_space<semaphore_mem>>
      tpu.wait_indirect_dma semaphore(%dma_wait3A_664 : memref<!tpu.dma_semaphore, #tpu.memory_space<semaphore_mem>>) src(%dma_wait3A_662 : memref<10000x128xf32, #tpu.memory_space<hbm>>) dst(%dma_wait3A_656 : memref<32x128xf32, #tpu.memory_space<vmem>>)
      %dma_wait3A_665 = arith.constant 1 : i32
      %dma_wait3A_666 = arith.constant 1 : i32
      %dma_wait3A_667 = arith.constant 32 : i32
      %dma_wait3A_668 = arith.constant 0 : i32
      %dma_wait3A_669 = tpu.memref_slice %arg8[%dma_wait3A_665, %dma_wait3A_667, %dma_wait3A_668] : memref<2x128x128xf32, #tpu.memory_space<vmem>> -> memref<1x32x128xf32, #tpu.memory_space<vmem>>
      %dma_wait3A_670 = tpu.memref_squeeze %dma_wait3A_669 : memref<1x32x128xf32, #tpu.memory_space<vmem>> -> memref<32x128xf32, #tpu.memory_space<vmem>>
      %dma_wait3A_671 = arith.constant 32 : i32
      %dma_wait3A_672 = tpu.memref_slice %arg6[%add3A_650, %dma_wait3A_671] : memref<40x128xi32, #tpu.memory_space<vmem>> -> memref<1x32xi32, #tpu.memory_space<vmem>>
      %dma_wait3A_673 = tpu.memref_squeeze %dma_wait3A_672 : memref<1x32xi32, #tpu.memory_space<vmem>> -> memref<32xi32, #tpu.memory_space<vmem>>
      %dma_wait3A_674 = arith.constant 0 : i32
      %dma_wait3A_675 = arith.constant 0 : i32
      %dma_wait3A_676 = tpu.memref_slice %arg2[%dma_wait3A_674, %dma_wait3A_675] : memref<10000x128xf32, #tpu.memory_space<hbm>> -> memref<10000x128xf32, #tpu.memory_space<hbm>>
      %dma_wait3A_677 = tpu.memref_slice %arg10[%dma_wait3A_666] : memref<2x!tpu.dma_semaphore, #tpu.memory_space<semaphore_mem>> -> memref<1x!tpu.dma_semaphore, #tpu.memory_space<semaphore_mem>>
      %dma_wait3A_678 = tpu.memref_squeeze %dma_wait3A_677 : memref<1x!tpu.dma_semaphore, #tpu.memory_space<semaphore_mem>> -> memref<!tpu.dma_semaphore, #tpu.memory_space<semaphore_mem>>
      tpu.wait_indirect_dma semaphore(%dma_wait3A_678 : memref<!tpu.dma_semaphore, #tpu.memory_space<semaphore_mem>>) src(%dma_wait3A_676 : memref<10000x128xf32, #tpu.memory_space<hbm>>) dst(%dma_wait3A_670 : memref<32x128xf32, #tpu.memory_space<vmem>>)
      %dma_wait3A_679 = arith.constant 1 : i32
      %dma_wait3A_680 = arith.constant 1 : i32
      %dma_wait3A_681 = arith.constant 64 : i32
      %dma_wait3A_682 = arith.constant 0 : i32
      %dma_wait3A_683 = tpu.memref_slice %arg8[%dma_wait3A_679, %dma_wait3A_681, %dma_wait3A_682] : memref<2x128x128xf32, #tpu.memory_space<vmem>> -> memref<1x32x128xf32, #tpu.memory_space<vmem>>
      %dma_wait3A_684 = tpu.memref_squeeze %dma_wait3A_683 : memref<1x32x128xf32, #tpu.memory_space<vmem>> -> memref<32x128xf32, #tpu.memory_space<vmem>>
      %dma_wait3A_685 = arith.constant 64 : i32
      %dma_wait3A_686 = tpu.memref_slice %arg6[%add3A_650, %dma_wait3A_685] : memref<40x128xi32, #tpu.memory_space<vmem>> -> memref<1x32xi32, #tpu.memory_space<vmem>>
      %dma_wait3A_687 = tpu.memref_squeeze %dma_wait3A_686 : memref<1x32xi32, #tpu.memory_space<vmem>> -> memref<32xi32, #tpu.memory_space<vmem>>
      %dma_wait3A_688 = arith.constant 0 : i32
      %dma_wait3A_689 = arith.constant 0 : i32
      %dma_wait3A_690 = tpu.memref_slice %arg2[%dma_wait3A_688, %dma_wait3A_689] : memref<10000x128xf32, #tpu.memory_space<hbm>> -> memref<10000x128xf32, #tpu.memory_space<hbm>>
      %dma_wait3A_691 = tpu.memref_slice %arg10[%dma_wait3A_680] : memref<2x!tpu.dma_semaphore, #tpu.memory_space<semaphore_mem>> -> memref<1x!tpu.dma_semaphore, #tpu.memory_space<semaphore_mem>>
      %dma_wait3A_692 = tpu.memref_squeeze %dma_wait3A_691 : memref<1x!tpu.dma_semaphore, #tpu.memory_space<semaphore_mem>> -> memref<!tpu.dma_semaphore, #tpu.memory_space<semaphore_mem>>
      tpu.wait_indirect_dma semaphore(%dma_wait3A_692 : memref<!tpu.dma_semaphore, #tpu.memory_space<semaphore_mem>>) src(%dma_wait3A_690 : memref<10000x128xf32, #tpu.memory_space<hbm>>) dst(%dma_wait3A_684 : memref<32x128xf32, #tpu.memory_space<vmem>>)
      %dma_wait3A_693 = arith.constant 1 : i32
      %dma_wait3A_694 = arith.constant 1 : i32
      %dma_wait3A_695 = arith.constant 96 : i32
      %dma_wait3A_696 = arith.constant 0 : i32
      %dma_wait3A_697 = tpu.memref_slice %arg8[%dma_wait3A_693, %dma_wait3A_695, %dma_wait3A_696] : memref<2x128x128xf32, #tpu.memory_space<vmem>> -> memref<1x32x128xf32, #tpu.memory_space<vmem>>
      %dma_wait3A_698 = tpu.memref_squeeze %dma_wait3A_697 : memref<1x32x128xf32, #tpu.memory_space<vmem>> -> memref<32x128xf32, #tpu.memory_space<vmem>>
      %dma_wait3A_699 = arith.constant 96 : i32
      %dma_wait3A_700 = tpu.memref_slice %arg6[%add3A_650, %dma_wait3A_699] : memref<40x128xi32, #tpu.memory_space<vmem>> -> memref<1x32xi32, #tpu.memory_space<vmem>>
      %dma_wait3A_701 = tpu.memref_squeeze %dma_wait3A_700 : memref<1x32xi32, #tpu.memory_space<vmem>> -> memref<32xi32, #tpu.memory_space<vmem>>
      %dma_wait3A_702 = arith.constant 0 : i32
      %dma_wait3A_703 = arith.constant 0 : i32
      %dma_wait3A_704 = tpu.memref_slice %arg2[%dma_wait3A_702, %dma_wait3A_703] : memref<10000x128xf32, #tpu.memory_space<hbm>> -> memref<10000x128xf32, #tpu.memory_space<hbm>>
      %dma_wait3A_705 = tpu.memref_slice %arg10[%dma_wait3A_694] : memref<2x!tpu.dma_semaphore, #tpu.memory_space<semaphore_mem>> -> memref<1x!tpu.dma_semaphore, #tpu.memory_space<semaphore_mem>>
      %dma_wait3A_706 = tpu.memref_squeeze %dma_wait3A_705 : memref<1x!tpu.dma_semaphore, #tpu.memory_space<semaphore_mem>> -> memref<!tpu.dma_semaphore, #tpu.memory_space<semaphore_mem>>
      tpu.wait_indirect_dma semaphore(%dma_wait3A_706 : memref<!tpu.dma_semaphore, #tpu.memory_space<semaphore_mem>>) src(%dma_wait3A_704 : memref<10000x128xf32, #tpu.memory_space<hbm>>) dst(%dma_wait3A_698 : memref<32x128xf32, #tpu.memory_space<vmem>>)
      %add3A_707 = arith.constant 2 : i32
      %add3A_708 = arith.addi %mul3A_533, %add3A_707 : i32
      %dma_start3A_709 = arith.constant 0 : i32
      %dma_start3A_710 = arith.constant 0 : i32
      %dma_start3A_711 = arith.constant 0 : i32
      %dma_start3A_712 = arith.constant 0 : i32
      %dma_start3A_713 = tpu.memref_slice %arg8[%dma_start3A_709, %dma_start3A_711, %dma_start3A_712] : memref<2x128x128xf32, #tpu.memory_space<vmem>> -> memref<1x32x128xf32, #tpu.memory_space<vmem>>
      %dma_start3A_714 = tpu.memref_squeeze %dma_start3A_713 : memref<1x32x128xf32, #tpu.memory_space<vmem>> -> memref<32x128xf32, #tpu.memory_space<vmem>>
      %dma_start3A_715 = arith.constant 0 : i32
      %dma_start3A_716 = tpu.memref_slice %arg6[%add3A_708, %dma_start3A_715] : memref<40x128xi32, #tpu.memory_space<vmem>> -> memref<1x32xi32, #tpu.memory_space<vmem>>
      %dma_start3A_717 = tpu.memref_squeeze %dma_start3A_716 : memref<1x32xi32, #tpu.memory_space<vmem>> -> memref<32xi32, #tpu.memory_space<vmem>>
      %dma_start3A_718 = arith.constant 0 : i32
      %dma_start3A_719 = arith.constant 0 : i32
      %dma_start3A_720 = tpu.memref_slice %arg2[%dma_start3A_718, %dma_start3A_719] : memref<10000x128xf32, #tpu.memory_space<hbm>> -> memref<10000x128xf32, #tpu.memory_space<hbm>>
      %dma_start3A_721 = tpu.memref_slice %arg10[%dma_start3A_710] : memref<2x!tpu.dma_semaphore, #tpu.memory_space<semaphore_mem>> -> memref<1x!tpu.dma_semaphore, #tpu.memory_space<semaphore_mem>>
      %dma_start3A_722 = tpu.memref_squeeze %dma_start3A_721 : memref<1x!tpu.dma_semaphore, #tpu.memory_space<semaphore_mem>> -> memref<!tpu.dma_semaphore, #tpu.memory_space<semaphore_mem>>
      tpu.enqueue_indirect_dma source(%dma_start3A_720 : memref<10000x128xf32, #tpu.memory_space<hbm>>) target(%dma_start3A_714 : memref<32x128xf32, #tpu.memory_space<vmem>>) offsets(%dma_start3A_717 : memref<32xi32, #tpu.memory_space<vmem>>) semaphore(%dma_start3A_722 : memref<!tpu.dma_semaphore, #tpu.memory_space<semaphore_mem>>)
      %dma_start3A_723 = arith.constant 0 : i32
      %dma_start3A_724 = arith.constant 0 : i32
      %dma_start3A_725 = arith.constant 32 : i32
      %dma_start3A_726 = arith.constant 0 : i32
      %dma_start3A_727 = tpu.memref_slice %arg8[%dma_start3A_723, %dma_start3A_725, %dma_start3A_726] : memref<2x128x128xf32, #tpu.memory_space<vmem>> -> memref<1x32x128xf32, #tpu.memory_space<vmem>>
      %dma_start3A_728 = tpu.memref_squeeze %dma_start3A_727 : memref<1x32x128xf32, #tpu.memory_space<vmem>> -> memref<32x128xf32, #tpu.memory_space<vmem>>
      %dma_start3A_729 = arith.constant 32 : i32
      %dma_start3A_730 = tpu.memref_slice %arg6[%add3A_708, %dma_start3A_729] : memref<40x128xi32, #tpu.memory_space<vmem>> -> memref<1x32xi32, #tpu.memory_space<vmem>>
      %dma_start3A_731 = tpu.memref_squeeze %dma_start3A_730 : memref<1x32xi32, #tpu.memory_space<vmem>> -> memref<32xi32, #tpu.memory_space<vmem>>
      %dma_start3A_732 = arith.constant 0 : i32
      %dma_start3A_733 = arith.constant 0 : i32
      %dma_start3A_734 = tpu.memref_slice %arg2[%dma_start3A_732, %dma_start3A_733] : memref<10000x128xf32, #tpu.memory_space<hbm>> -> memref<10000x128xf32, #tpu.memory_space<hbm>>
      %dma_start3A_735 = tpu.memref_slice %arg10[%dma_start3A_724] : memref<2x!tpu.dma_semaphore, #tpu.memory_space<semaphore_mem>> -> memref<1x!tpu.dma_semaphore, #tpu.memory_space<semaphore_mem>>
      %dma_start3A_736 = tpu.memref_squeeze %dma_start3A_735 : memref<1x!tpu.dma_semaphore, #tpu.memory_space<semaphore_mem>> -> memref<!tpu.dma_semaphore, #tpu.memory_space<semaphore_mem>>
      tpu.enqueue_indirect_dma source(%dma_start3A_734 : memref<10000x128xf32, #tpu.memory_space<hbm>>) target(%dma_start3A_728 : memref<32x128xf32, #tpu.memory_space<vmem>>) offsets(%dma_start3A_731 : memref<32xi32, #tpu.memory_space<vmem>>) semaphore(%dma_start3A_736 : memref<!tpu.dma_semaphore, #tpu.memory_space<semaphore_mem>>)
      %dma_start3A_737 = arith.constant 0 : i32
      %dma_start3A_738 = arith.constant 0 : i32
      %dma_start3A_739 = arith.constant 64 : i32
      %dma_start3A_740 = arith.constant 0 : i32
      %dma_start3A_741 = tpu.memref_slice %arg8[%dma_start3A_737, %dma_start3A_739, %dma_start3A_740] : memref<2x128x128xf32, #tpu.memory_space<vmem>> -> memref<1x32x128xf32, #tpu.memory_space<vmem>>
      %dma_start3A_742 = tpu.memref_squeeze %dma_start3A_741 : memref<1x32x128xf32, #tpu.memory_space<vmem>> -> memref<32x128xf32, #tpu.memory_space<vmem>>
      %dma_start3A_743 = arith.constant 64 : i32
      %dma_start3A_744 = tpu.memref_slice %arg6[%add3A_708, %dma_start3A_743] : memref<40x128xi32, #tpu.memory_space<vmem>> -> memref<1x32xi32, #tpu.memory_space<vmem>>
      %dma_start3A_745 = tpu.memref_squeeze %dma_start3A_744 : memref<1x32xi32, #tpu.memory_space<vmem>> -> memref<32xi32, #tpu.memory_space<vmem>>
      %dma_start3A_746 = arith.constant 0 : i32
      %dma_start3A_747 = arith.constant 0 : i32
      %dma_start3A_748 = tpu.memref_slice %arg2[%dma_start3A_746, %dma_start3A_747] : memref<10000x128xf32, #tpu.memory_space<hbm>> -> memref<10000x128xf32, #tpu.memory_space<hbm>>
      %dma_start3A_749 = tpu.memref_slice %arg10[%dma_start3A_738] : memref<2x!tpu.dma_semaphore, #tpu.memory_space<semaphore_mem>> -> memref<1x!tpu.dma_semaphore, #tpu.memory_space<semaphore_mem>>
      %dma_start3A_750 = tpu.memref_squeeze %dma_start3A_749 : memref<1x!tpu.dma_semaphore, #tpu.memory_space<semaphore_mem>> -> memref<!tpu.dma_semaphore, #tpu.memory_space<semaphore_mem>>
      tpu.enqueue_indirect_dma source(%dma_start3A_748 : memref<10000x128xf32, #tpu.memory_space<hbm>>) target(%dma_start3A_742 : memref<32x128xf32, #tpu.memory_space<vmem>>) offsets(%dma_start3A_745 : memref<32xi32, #tpu.memory_space<vmem>>) semaphore(%dma_start3A_750 : memref<!tpu.dma_semaphore, #tpu.memory_space<semaphore_mem>>)
      %dma_start3A_751 = arith.constant 0 : i32
      %dma_start3A_752 = arith.constant 0 : i32
      %dma_start3A_753 = arith.constant 96 : i32
      %dma_start3A_754 = arith.constant 0 : i32
      %dma_start3A_755 = tpu.memref_slice %arg8[%dma_start3A_751, %dma_start3A_753, %dma_start3A_754] : memref<2x128x128xf32, #tpu.memory_space<vmem>> -> memref<1x32x128xf32, #tpu.memory_space<vmem>>
      %dma_start3A_756 = tpu.memref_squeeze %dma_start3A_755 : memref<1x32x128xf32, #tpu.memory_space<vmem>> -> memref<32x128xf32, #tpu.memory_space<vmem>>
      %dma_start3A_757 = arith.constant 96 : i32
      %dma_start3A_758 = tpu.memref_slice %arg6[%add3A_708, %dma_start3A_757] : memref<40x128xi32, #tpu.memory_space<vmem>> -> memref<1x32xi32, #tpu.memory_space<vmem>>
      %dma_start3A_759 = tpu.memref_squeeze %dma_start3A_758 : memref<1x32xi32, #tpu.memory_space<vmem>> -> memref<32xi32, #tpu.memory_space<vmem>>
      %dma_start3A_760 = arith.constant 0 : i32
      %dma_start3A_761 = arith.constant 0 : i32
      %dma_start3A_762 = tpu.memref_slice %arg2[%dma_start3A_760, %dma_start3A_761] : memref<10000x128xf32, #tpu.memory_space<hbm>> -> memref<10000x128xf32, #tpu.memory_space<hbm>>
      %dma_start3A_763 = tpu.memref_slice %arg10[%dma_start3A_752] : memref<2x!tpu.dma_semaphore, #tpu.memory_space<semaphore_mem>> -> memref<1x!tpu.dma_semaphore, #tpu.memory_space<semaphore_mem>>
      %dma_start3A_764 = tpu.memref_squeeze %dma_start3A_763 : memref<1x!tpu.dma_semaphore, #tpu.memory_space<semaphore_mem>> -> memref<!tpu.dma_semaphore, #tpu.memory_space<semaphore_mem>>
      tpu.enqueue_indirect_dma source(%dma_start3A_762 : memref<10000x128xf32, #tpu.memory_space<hbm>>) target(%dma_start3A_756 : memref<32x128xf32, #tpu.memory_space<vmem>>) offsets(%dma_start3A_759 : memref<32xi32, #tpu.memory_space<vmem>>) semaphore(%dma_start3A_764 : memref<!tpu.dma_semaphore, #tpu.memory_space<semaphore_mem>>)
      %add3A_765 = arith.constant 1 : i32
      %add3A_766 = arith.addi %mul3A_533, %add3A_765 : i32
      %run_scoped3A_767 = arith.constant 1 : i32
      "tpu.region"() ({
        %run_scoped3A_768 = tpu.sem_alloc : memref<!tpu.dma_semaphore, #tpu.memory_space<semaphore_mem>>
        %dma_start3A_769 = arith.constant 0 : i32
        %dma_start3A_770 = arith.constant 0 : i32
        %dma_start3A_771 = tpu.memref_slice %arg8[%run_scoped3A_767, %dma_start3A_769, %dma_start3A_770] : memref<2x128x128xf32, #tpu.memory_space<vmem>> -> memref<1x128x128xf32, #tpu.memory_space<vmem>>
        %dma_start3A_772 = tpu.memref_squeeze %dma_start3A_771 : memref<1x128x128xf32, #tpu.memory_space<vmem>> -> memref<128x128xf32, #tpu.memory_space<vmem>>
        %dma_start3A_773 = arith.constant 0 : i32
        %dma_start3A_774 = tpu.memref_slice %arg7[%add3A_766, %dma_start3A_773] : memref<40x128xi32, #tpu.memory_space<vmem>> -> memref<1x128xi32, #tpu.memory_space<vmem>>
        %dma_start3A_775 = tpu.memref_squeeze %dma_start3A_774 : memref<1x128xi32, #tpu.memory_space<vmem>> -> memref<128xi32, #tpu.memory_space<vmem>>
        %dma_start3A_776 = arith.constant 0 : i32
        %dma_start3A_777 = arith.constant 0 : i32
        %dma_start3A_778 = tpu.memref_slice %arg9[%dma_start3A_776, %dma_start3A_777] : memref<10240x128xf32, #tpu.memory_space<vmem_shared>> -> memref<10240x128xf32, #tpu.memory_space<vmem_shared>>
        tpu.enqueue_indirect_dma source(%dma_start3A_772 : memref<128x128xf32, #tpu.memory_space<vmem>>) target(%dma_start3A_778 : memref<10240x128xf32, #tpu.memory_space<vmem_shared>>) offsets(%dma_start3A_775 : memref<128xi32, #tpu.memory_space<vmem>>) semaphore(%run_scoped3A_768 : memref<!tpu.dma_semaphore, #tpu.memory_space<semaphore_mem>>) {add = true}
        %dma_wait3A_779 = arith.constant 0 : i32
        %dma_wait3A_780 = arith.constant 0 : i32
        %dma_wait3A_781 = tpu.memref_slice %arg8[%run_scoped3A_767, %dma_wait3A_779, %dma_wait3A_780] : memref<2x128x128xf32, #tpu.memory_space<vmem>> -> memref<1x128x128xf32, #tpu.memory_space<vmem>>
        %dma_wait3A_782 = tpu.memref_squeeze %dma_wait3A_781 : memref<1x128x128xf32, #tpu.memory_space<vmem>> -> memref<128x128xf32, #tpu.memory_space<vmem>>
        %dma_wait3A_783 = arith.constant 0 : i32
        %dma_wait3A_784 = tpu.memref_slice %arg7[%add3A_766, %dma_wait3A_783] : memref<40x128xi32, #tpu.memory_space<vmem>> -> memref<1x128xi32, #tpu.memory_space<vmem>>
        %dma_wait3A_785 = tpu.memref_squeeze %dma_wait3A_784 : memref<1x128xi32, #tpu.memory_space<vmem>> -> memref<128xi32, #tpu.memory_space<vmem>>
        %dma_wait3A_786 = arith.constant 0 : i32
        %dma_wait3A_787 = arith.constant 0 : i32
        %dma_wait3A_788 = tpu.memref_slice %arg9[%dma_wait3A_786, %dma_wait3A_787] : memref<10240x128xf32, #tpu.memory_space<vmem_shared>> -> memref<10240x128xf32, #tpu.memory_space<vmem_shared>>
        tpu.wait_indirect_dma semaphore(%run_scoped3A_768 : memref<!tpu.dma_semaphore, #tpu.memory_space<semaphore_mem>>) src(%dma_wait3A_782 : memref<128x128xf32, #tpu.memory_space<vmem>>) dst(%dma_wait3A_788 : memref<10240x128xf32, #tpu.memory_space<vmem_shared>>)
        tpu.yield
      }) : () -> ()
    }
    %scan3A_82 = arith.constant 19 : i32
    %dma_wait3A = arith.constant 38 : i32
    %dma_wait3A_83 = arith.constant 0 : i32
    %dma_wait3A_84 = arith.constant 0 : i32
    %dma_wait3A_85 = arith.constant 0 : i32
    %dma_wait3A_86 = arith.constant 0 : i32
    %dma_wait3A_87 = tpu.memref_slice %arg8[%dma_wait3A_83, %dma_wait3A_85, %dma_wait3A_86] : memref<2x128x128xf32, #tpu.memory_space<vmem>> -> memref<1x32x128xf32, #tpu.memory_space<vmem>>
    %dma_wait3A_88 = tpu.memref_squeeze %dma_wait3A_87 : memref<1x32x128xf32, #tpu.memory_space<vmem>> -> memref<32x128xf32, #tpu.memory_space<vmem>>
    %dma_wait3A_89 = arith.constant 0 : i32
    %dma_wait3A_90 = tpu.memref_slice %arg6[%dma_wait3A, %dma_wait3A_89] : memref<40x128xi32, #tpu.memory_space<vmem>> -> memref<1x32xi32, #tpu.memory_space<vmem>>
    %dma_wait3A_91 = tpu.memref_squeeze %dma_wait3A_90 : memref<1x32xi32, #tpu.memory_space<vmem>> -> memref<32xi32, #tpu.memory_space<vmem>>
    %dma_wait3A_92 = arith.constant 0 : i32
    %dma_wait3A_93 = arith.constant 0 : i32
    %dma_wait3A_94 = tpu.memref_slice %arg2[%dma_wait3A_92, %dma_wait3A_93] : memref<10000x128xf32, #tpu.memory_space<hbm>> -> memref<10000x128xf32, #tpu.memory_space<hbm>>
    %dma_wait3A_95 = tpu.memref_slice %arg10[%dma_wait3A_84] : memref<2x!tpu.dma_semaphore, #tpu.memory_space<semaphore_mem>> -> memref<1x!tpu.dma_semaphore, #tpu.memory_space<semaphore_mem>>
    %dma_wait3A_96 = tpu.memref_squeeze %dma_wait3A_95 : memref<1x!tpu.dma_semaphore, #tpu.memory_space<semaphore_mem>> -> memref<!tpu.dma_semaphore, #tpu.memory_space<semaphore_mem>>
    tpu.wait_indirect_dma semaphore(%dma_wait3A_96 : memref<!tpu.dma_semaphore, #tpu.memory_space<semaphore_mem>>) src(%dma_wait3A_94 : memref<10000x128xf32, #tpu.memory_space<hbm>>) dst(%dma_wait3A_88 : memref<32x128xf32, #tpu.memory_space<vmem>>)
    %dma_wait3A_97 = arith.constant 38 : i32
    %dma_wait3A_98 = arith.constant 0 : i32
    %dma_wait3A_99 = arith.constant 0 : i32
    %dma_wait3A_100 = arith.constant 32 : i32
    %dma_wait3A_101 = arith.constant 0 : i32
    %dma_wait3A_102 = tpu.memref_slice %arg8[%dma_wait3A_98, %dma_wait3A_100, %dma_wait3A_101] : memref<2x128x128xf32, #tpu.memory_space<vmem>> -> memref<1x32x128xf32, #tpu.memory_space<vmem>>
    %dma_wait3A_103 = tpu.memref_squeeze %dma_wait3A_102 : memref<1x32x128xf32, #tpu.memory_space<vmem>> -> memref<32x128xf32, #tpu.memory_space<vmem>>
    %dma_wait3A_104 = arith.constant 32 : i32
    %dma_wait3A_105 = tpu.memref_slice %arg6[%dma_wait3A_97, %dma_wait3A_104] : memref<40x128xi32, #tpu.memory_space<vmem>> -> memref<1x32xi32, #tpu.memory_space<vmem>>
    %dma_wait3A_106 = tpu.memref_squeeze %dma_wait3A_105 : memref<1x32xi32, #tpu.memory_space<vmem>> -> memref<32xi32, #tpu.memory_space<vmem>>
    %dma_wait3A_107 = arith.constant 0 : i32
    %dma_wait3A_108 = arith.constant 0 : i32
    %dma_wait3A_109 = tpu.memref_slice %arg2[%dma_wait3A_107, %dma_wait3A_108] : memref<10000x128xf32, #tpu.memory_space<hbm>> -> memref<10000x128xf32, #tpu.memory_space<hbm>>
    %dma_wait3A_110 = tpu.memref_slice %arg10[%dma_wait3A_99] : memref<2x!tpu.dma_semaphore, #tpu.memory_space<semaphore_mem>> -> memref<1x!tpu.dma_semaphore, #tpu.memory_space<semaphore_mem>>
    %dma_wait3A_111 = tpu.memref_squeeze %dma_wait3A_110 : memref<1x!tpu.dma_semaphore, #tpu.memory_space<semaphore_mem>> -> memref<!tpu.dma_semaphore, #tpu.memory_space<semaphore_mem>>
    tpu.wait_indirect_dma semaphore(%dma_wait3A_111 : memref<!tpu.dma_semaphore, #tpu.memory_space<semaphore_mem>>) src(%dma_wait3A_109 : memref<10000x128xf32, #tpu.memory_space<hbm>>) dst(%dma_wait3A_103 : memref<32x128xf32, #tpu.memory_space<vmem>>)
    %dma_wait3A_112 = arith.constant 38 : i32
    %dma_wait3A_113 = arith.constant 0 : i32
    %dma_wait3A_114 = arith.constant 0 : i32
    %dma_wait3A_115 = arith.constant 64 : i32
    %dma_wait3A_116 = arith.constant 0 : i32
    %dma_wait3A_117 = tpu.memref_slice %arg8[%dma_wait3A_113, %dma_wait3A_115, %dma_wait3A_116] : memref<2x128x128xf32, #tpu.memory_space<vmem>> -> memref<1x32x128xf32, #tpu.memory_space<vmem>>
    %dma_wait3A_118 = tpu.memref_squeeze %dma_wait3A_117 : memref<1x32x128xf32, #tpu.memory_space<vmem>> -> memref<32x128xf32, #tpu.memory_space<vmem>>
    %dma_wait3A_119 = arith.constant 64 : i32
    %dma_wait3A_120 = tpu.memref_slice %arg6[%dma_wait3A_112, %dma_wait3A_119] : memref<40x128xi32, #tpu.memory_space<vmem>> -> memref<1x32xi32, #tpu.memory_space<vmem>>
    %dma_wait3A_121 = tpu.memref_squeeze %dma_wait3A_120 : memref<1x32xi32, #tpu.memory_space<vmem>> -> memref<32xi32, #tpu.memory_space<vmem>>
    %dma_wait3A_122 = arith.constant 0 : i32
    %dma_wait3A_123 = arith.constant 0 : i32
    %dma_wait3A_124 = tpu.memref_slice %arg2[%dma_wait3A_122, %dma_wait3A_123] : memref<10000x128xf32, #tpu.memory_space<hbm>> -> memref<10000x128xf32, #tpu.memory_space<hbm>>
    %dma_wait3A_125 = tpu.memref_slice %arg10[%dma_wait3A_114] : memref<2x!tpu.dma_semaphore, #tpu.memory_space<semaphore_mem>> -> memref<1x!tpu.dma_semaphore, #tpu.memory_space<semaphore_mem>>
    %dma_wait3A_126 = tpu.memref_squeeze %dma_wait3A_125 : memref<1x!tpu.dma_semaphore, #tpu.memory_space<semaphore_mem>> -> memref<!tpu.dma_semaphore, #tpu.memory_space<semaphore_mem>>
    tpu.wait_indirect_dma semaphore(%dma_wait3A_126 : memref<!tpu.dma_semaphore, #tpu.memory_space<semaphore_mem>>) src(%dma_wait3A_124 : memref<10000x128xf32, #tpu.memory_space<hbm>>) dst(%dma_wait3A_118 : memref<32x128xf32, #tpu.memory_space<vmem>>)
    %dma_wait3A_127 = arith.constant 38 : i32
    %dma_wait3A_128 = arith.constant 0 : i32
    %dma_wait3A_129 = arith.constant 0 : i32
    %dma_wait3A_130 = arith.constant 96 : i32
    %dma_wait3A_131 = arith.constant 0 : i32
    %dma_wait3A_132 = tpu.memref_slice %arg8[%dma_wait3A_128, %dma_wait3A_130, %dma_wait3A_131] : memref<2x128x128xf32, #tpu.memory_space<vmem>> -> memref<1x32x128xf32, #tpu.memory_space<vmem>>
    %dma_wait3A_133 = tpu.memref_squeeze %dma_wait3A_132 : memref<1x32x128xf32, #tpu.memory_space<vmem>> -> memref<32x128xf32, #tpu.memory_space<vmem>>
    %dma_wait3A_134 = arith.constant 96 : i32
    %dma_wait3A_135 = tpu.memref_slice %arg6[%dma_wait3A_127, %dma_wait3A_134] : memref<40x128xi32, #tpu.memory_space<vmem>> -> memref<1x32xi32, #tpu.memory_space<vmem>>
    %dma_wait3A_136 = tpu.memref_squeeze %dma_wait3A_135 : memref<1x32xi32, #tpu.memory_space<vmem>> -> memref<32xi32, #tpu.memory_space<vmem>>
    %dma_wait3A_137 = arith.constant 0 : i32
    %dma_wait3A_138 = arith.constant 0 : i32
    %dma_wait3A_139 = tpu.memref_slice %arg2[%dma_wait3A_137, %dma_wait3A_138] : memref<10000x128xf32, #tpu.memory_space<hbm>> -> memref<10000x128xf32, #tpu.memory_space<hbm>>
    %dma_wait3A_140 = tpu.memref_slice %arg10[%dma_wait3A_129] : memref<2x!tpu.dma_semaphore, #tpu.memory_space<semaphore_mem>> -> memref<1x!tpu.dma_semaphore, #tpu.memory_space<semaphore_mem>>
    %dma_wait3A_141 = tpu.memref_squeeze %dma_wait3A_140 : memref<1x!tpu.dma_semaphore, #tpu.memory_space<semaphore_mem>> -> memref<!tpu.dma_semaphore, #tpu.memory_space<semaphore_mem>>
    tpu.wait_indirect_dma semaphore(%dma_wait3A_141 : memref<!tpu.dma_semaphore, #tpu.memory_space<semaphore_mem>>) src(%dma_wait3A_139 : memref<10000x128xf32, #tpu.memory_space<hbm>>) dst(%dma_wait3A_133 : memref<32x128xf32, #tpu.memory_space<vmem>>)
    %dma_start3A_142 = arith.constant 39 : i32
    %dma_start3A_143 = arith.constant 1 : i32
    %dma_start3A_144 = arith.constant 1 : i32
    %dma_start3A_145 = arith.constant 0 : i32
    %dma_start3A_146 = arith.constant 0 : i32
    %dma_start3A_147 = tpu.memref_slice %arg8[%dma_start3A_143, %dma_start3A_145, %dma_start3A_146] : memref<2x128x128xf32, #tpu.memory_space<vmem>> -> memref<1x32x128xf32, #tpu.memory_space<vmem>>
    %dma_start3A_148 = tpu.memref_squeeze %dma_start3A_147 : memref<1x32x128xf32, #tpu.memory_space<vmem>> -> memref<32x128xf32, #tpu.memory_space<vmem>>
    %dma_start3A_149 = arith.constant 0 : i32
    %dma_start3A_150 = tpu.memref_slice %arg6[%dma_start3A_142, %dma_start3A_149] : memref<40x128xi32, #tpu.memory_space<vmem>> -> memref<1x32xi32, #tpu.memory_space<vmem>>
    %dma_start3A_151 = tpu.memref_squeeze %dma_start3A_150 : memref<1x32xi32, #tpu.memory_space<vmem>> -> memref<32xi32, #tpu.memory_space<vmem>>
    %dma_start3A_152 = arith.constant 0 : i32
    %dma_start3A_153 = arith.constant 0 : i32
    %dma_start3A_154 = tpu.memref_slice %arg2[%dma_start3A_152, %dma_start3A_153] : memref<10000x128xf32, #tpu.memory_space<hbm>> -> memref<10000x128xf32, #tpu.memory_space<hbm>>
    %dma_start3A_155 = tpu.memref_slice %arg10[%dma_start3A_144] : memref<2x!tpu.dma_semaphore, #tpu.memory_space<semaphore_mem>> -> memref<1x!tpu.dma_semaphore, #tpu.memory_space<semaphore_mem>>
    %dma_start3A_156 = tpu.memref_squeeze %dma_start3A_155 : memref<1x!tpu.dma_semaphore, #tpu.memory_space<semaphore_mem>> -> memref<!tpu.dma_semaphore, #tpu.memory_space<semaphore_mem>>
    tpu.enqueue_indirect_dma source(%dma_start3A_154 : memref<10000x128xf32, #tpu.memory_space<hbm>>) target(%dma_start3A_148 : memref<32x128xf32, #tpu.memory_space<vmem>>) offsets(%dma_start3A_151 : memref<32xi32, #tpu.memory_space<vmem>>) semaphore(%dma_start3A_156 : memref<!tpu.dma_semaphore, #tpu.memory_space<semaphore_mem>>)
    %dma_start3A_157 = arith.constant 39 : i32
    %dma_start3A_158 = arith.constant 1 : i32
    %dma_start3A_159 = arith.constant 1 : i32
    %dma_start3A_160 = arith.constant 32 : i32
    %dma_start3A_161 = arith.constant 0 : i32
    %dma_start3A_162 = tpu.memref_slice %arg8[%dma_start3A_158, %dma_start3A_160, %dma_start3A_161] : memref<2x128x128xf32, #tpu.memory_space<vmem>> -> memref<1x32x128xf32, #tpu.memory_space<vmem>>
    %dma_start3A_163 = tpu.memref_squeeze %dma_start3A_162 : memref<1x32x128xf32, #tpu.memory_space<vmem>> -> memref<32x128xf32, #tpu.memory_space<vmem>>
    %dma_start3A_164 = arith.constant 32 : i32
    %dma_start3A_165 = tpu.memref_slice %arg6[%dma_start3A_157, %dma_start3A_164] : memref<40x128xi32, #tpu.memory_space<vmem>> -> memref<1x32xi32, #tpu.memory_space<vmem>>
    %dma_start3A_166 = tpu.memref_squeeze %dma_start3A_165 : memref<1x32xi32, #tpu.memory_space<vmem>> -> memref<32xi32, #tpu.memory_space<vmem>>
    %dma_start3A_167 = arith.constant 0 : i32
    %dma_start3A_168 = arith.constant 0 : i32
    %dma_start3A_169 = tpu.memref_slice %arg2[%dma_start3A_167, %dma_start3A_168] : memref<10000x128xf32, #tpu.memory_space<hbm>> -> memref<10000x128xf32, #tpu.memory_space<hbm>>
    %dma_start3A_170 = tpu.memref_slice %arg10[%dma_start3A_159] : memref<2x!tpu.dma_semaphore, #tpu.memory_space<semaphore_mem>> -> memref<1x!tpu.dma_semaphore, #tpu.memory_space<semaphore_mem>>
    %dma_start3A_171 = tpu.memref_squeeze %dma_start3A_170 : memref<1x!tpu.dma_semaphore, #tpu.memory_space<semaphore_mem>> -> memref<!tpu.dma_semaphore, #tpu.memory_space<semaphore_mem>>
    tpu.enqueue_indirect_dma source(%dma_start3A_169 : memref<10000x128xf32, #tpu.memory_space<hbm>>) target(%dma_start3A_163 : memref<32x128xf32, #tpu.memory_space<vmem>>) offsets(%dma_start3A_166 : memref<32xi32, #tpu.memory_space<vmem>>) semaphore(%dma_start3A_171 : memref<!tpu.dma_semaphore, #tpu.memory_space<semaphore_mem>>)
    %dma_start3A_172 = arith.constant 39 : i32
    %dma_start3A_173 = arith.constant 1 : i32
    %dma_start3A_174 = arith.constant 1 : i32
    %dma_start3A_175 = arith.constant 64 : i32
    %dma_start3A_176 = arith.constant 0 : i32
    %dma_start3A_177 = tpu.memref_slice %arg8[%dma_start3A_173, %dma_start3A_175, %dma_start3A_176] : memref<2x128x128xf32, #tpu.memory_space<vmem>> -> memref<1x32x128xf32, #tpu.memory_space<vmem>>
    %dma_start3A_178 = tpu.memref_squeeze %dma_start3A_177 : memref<1x32x128xf32, #tpu.memory_space<vmem>> -> memref<32x128xf32, #tpu.memory_space<vmem>>
    %dma_start3A_179 = arith.constant 64 : i32
    %dma_start3A_180 = tpu.memref_slice %arg6[%dma_start3A_172, %dma_start3A_179] : memref<40x128xi32, #tpu.memory_space<vmem>> -> memref<1x32xi32, #tpu.memory_space<vmem>>
    %dma_start3A_181 = tpu.memref_squeeze %dma_start3A_180 : memref<1x32xi32, #tpu.memory_space<vmem>> -> memref<32xi32, #tpu.memory_space<vmem>>
    %dma_start3A_182 = arith.constant 0 : i32
    %dma_start3A_183 = arith.constant 0 : i32
    %dma_start3A_184 = tpu.memref_slice %arg2[%dma_start3A_182, %dma_start3A_183] : memref<10000x128xf32, #tpu.memory_space<hbm>> -> memref<10000x128xf32, #tpu.memory_space<hbm>>
    %dma_start3A_185 = tpu.memref_slice %arg10[%dma_start3A_174] : memref<2x!tpu.dma_semaphore, #tpu.memory_space<semaphore_mem>> -> memref<1x!tpu.dma_semaphore, #tpu.memory_space<semaphore_mem>>
    %dma_start3A_186 = tpu.memref_squeeze %dma_start3A_185 : memref<1x!tpu.dma_semaphore, #tpu.memory_space<semaphore_mem>> -> memref<!tpu.dma_semaphore, #tpu.memory_space<semaphore_mem>>
    tpu.enqueue_indirect_dma source(%dma_start3A_184 : memref<10000x128xf32, #tpu.memory_space<hbm>>) target(%dma_start3A_178 : memref<32x128xf32, #tpu.memory_space<vmem>>) offsets(%dma_start3A_181 : memref<32xi32, #tpu.memory_space<vmem>>) semaphore(%dma_start3A_186 : memref<!tpu.dma_semaphore, #tpu.memory_space<semaphore_mem>>)
    %dma_start3A_187 = arith.constant 39 : i32
    %dma_start3A_188 = arith.constant 1 : i32
    %dma_start3A_189 = arith.constant 1 : i32
    %dma_start3A_190 = arith.constant 96 : i32
    %dma_start3A_191 = arith.constant 0 : i32
    %dma_start3A_192 = tpu.memref_slice %arg8[%dma_start3A_188, %dma_start3A_190, %dma_start3A_191] : memref<2x128x128xf32, #tpu.memory_space<vmem>> -> memref<1x32x128xf32, #tpu.memory_space<vmem>>
    %dma_start3A_193 = tpu.memref_squeeze %dma_start3A_192 : memref<1x32x128xf32, #tpu.memory_space<vmem>> -> memref<32x128xf32, #tpu.memory_space<vmem>>
    %dma_start3A_194 = arith.constant 96 : i32
    %dma_start3A_195 = tpu.memref_slice %arg6[%dma_start3A_187, %dma_start3A_194] : memref<40x128xi32, #tpu.memory_space<vmem>> -> memref<1x32xi32, #tpu.memory_space<vmem>>
    %dma_start3A_196 = tpu.memref_squeeze %dma_start3A_195 : memref<1x32xi32, #tpu.memory_space<vmem>> -> memref<32xi32, #tpu.memory_space<vmem>>
    %dma_start3A_197 = arith.constant 0 : i32
    %dma_start3A_198 = arith.constant 0 : i32
    %dma_start3A_199 = tpu.memref_slice %arg2[%dma_start3A_197, %dma_start3A_198] : memref<10000x128xf32, #tpu.memory_space<hbm>> -> memref<10000x128xf32, #tpu.memory_space<hbm>>
    %dma_start3A_200 = tpu.memref_slice %arg10[%dma_start3A_189] : memref<2x!tpu.dma_semaphore, #tpu.memory_space<semaphore_mem>> -> memref<1x!tpu.dma_semaphore, #tpu.memory_space<semaphore_mem>>
    %dma_start3A_201 = tpu.memref_squeeze %dma_start3A_200 : memref<1x!tpu.dma_semaphore, #tpu.memory_space<semaphore_mem>> -> memref<!tpu.dma_semaphore, #tpu.memory_space<semaphore_mem>>
    tpu.enqueue_indirect_dma source(%dma_start3A_199 : memref<10000x128xf32, #tpu.memory_space<hbm>>) target(%dma_start3A_193 : memref<32x128xf32, #tpu.memory_space<vmem>>) offsets(%dma_start3A_196 : memref<32xi32, #tpu.memory_space<vmem>>) semaphore(%dma_start3A_201 : memref<!tpu.dma_semaphore, #tpu.memory_space<semaphore_mem>>)
    %run_scoped3A = arith.constant 0 : i32
    %run_scoped3A_202 = arith.constant 38 : i32
    "tpu.region"() ({
      %run_scoped3A_527 = tpu.sem_alloc : memref<!tpu.dma_semaphore, #tpu.memory_space<semaphore_mem>>
      %dma_start3A_528 = arith.constant 0 : i32
      %dma_start3A_529 = arith.constant 0 : i32
      %dma_start3A_530 = tpu.memref_slice %arg8[%run_scoped3A, %dma_start3A_528, %dma_start3A_529] : memref<2x128x128xf32, #tpu.memory_space<vmem>> -> memref<1x128x128xf32, #tpu.memory_space<vmem>>
      %dma_start3A_531 = tpu.memref_squeeze %dma_start3A_530 : memref<1x128x128xf32, #tpu.memory_space<vmem>> -> memref<128x128xf32, #tpu.memory_space<vmem>>
      %dma_start3A_532 = arith.constant 0 : i32
      %dma_start3A_533 = tpu.memref_slice %arg7[%run_scoped3A_202, %dma_start3A_532] : memref<40x128xi32, #tpu.memory_space<vmem>> -> memref<1x128xi32, #tpu.memory_space<vmem>>
      %dma_start3A_534 = tpu.memref_squeeze %dma_start3A_533 : memref<1x128xi32, #tpu.memory_space<vmem>> -> memref<128xi32, #tpu.memory_space<vmem>>
      %dma_start3A_535 = arith.constant 0 : i32
      %dma_start3A_536 = arith.constant 0 : i32
      %dma_start3A_537 = tpu.memref_slice %arg9[%dma_start3A_535, %dma_start3A_536] : memref<10240x128xf32, #tpu.memory_space<vmem_shared>> -> memref<10240x128xf32, #tpu.memory_space<vmem_shared>>
      tpu.enqueue_indirect_dma source(%dma_start3A_531 : memref<128x128xf32, #tpu.memory_space<vmem>>) target(%dma_start3A_537 : memref<10240x128xf32, #tpu.memory_space<vmem_shared>>) offsets(%dma_start3A_534 : memref<128xi32, #tpu.memory_space<vmem>>) semaphore(%run_scoped3A_527 : memref<!tpu.dma_semaphore, #tpu.memory_space<semaphore_mem>>) {add = true}
      %dma_wait3A_538 = arith.constant 0 : i32
      %dma_wait3A_539 = arith.constant 0 : i32
      %dma_wait3A_540 = tpu.memref_slice %arg8[%run_scoped3A, %dma_wait3A_538, %dma_wait3A_539] : memref<2x128x128xf32, #tpu.memory_space<vmem>> -> memref<1x128x128xf32, #tpu.memory_space<vmem>>
      %dma_wait3A_541 = tpu.memref_squeeze %dma_wait3A_540 : memref<1x128x128xf32, #tpu.memory_space<vmem>> -> memref<128x128xf32, #tpu.memory_space<vmem>>
      %dma_wait3A_542 = arith.constant 0 : i32
      %dma_wait3A_543 = tpu.memref_slice %arg7[%run_scoped3A_202, %dma_wait3A_542] : memref<40x128xi32, #tpu.memory_space<vmem>> -> memref<1x128xi32, #tpu.memory_space<vmem>>
      %dma_wait3A_544 = tpu.memref_squeeze %dma_wait3A_543 : memref<1x128xi32, #tpu.memory_space<vmem>> -> memref<128xi32, #tpu.memory_space<vmem>>
      %dma_wait3A_545 = arith.constant 0 : i32
      %dma_wait3A_546 = arith.constant 0 : i32
      %dma_wait3A_547 = tpu.memref_slice %arg9[%dma_wait3A_545, %dma_wait3A_546] : memref<10240x128xf32, #tpu.memory_space<vmem_shared>> -> memref<10240x128xf32, #tpu.memory_space<vmem_shared>>
      tpu.wait_indirect_dma semaphore(%run_scoped3A_527 : memref<!tpu.dma_semaphore, #tpu.memory_space<semaphore_mem>>) src(%dma_wait3A_541 : memref<128x128xf32, #tpu.memory_space<vmem>>) dst(%dma_wait3A_547 : memref<10240x128xf32, #tpu.memory_space<vmem_shared>>)
      tpu.yield
    }) : () -> ()
    %dma_wait3A_203 = arith.constant 39 : i32
    %dma_wait3A_204 = arith.constant 1 : i32
    %dma_wait3A_205 = arith.constant 1 : i32
    %dma_wait3A_206 = arith.constant 0 : i32
    %dma_wait3A_207 = arith.constant 0 : i32
    %dma_wait3A_208 = tpu.memref_slice %arg8[%dma_wait3A_204, %dma_wait3A_206, %dma_wait3A_207] : memref<2x128x128xf32, #tpu.memory_space<vmem>> -> memref<1x32x128xf32, #tpu.memory_space<vmem>>
    %dma_wait3A_209 = tpu.memref_squeeze %dma_wait3A_208 : memref<1x32x128xf32, #tpu.memory_space<vmem>> -> memref<32x128xf32, #tpu.memory_space<vmem>>
    %dma_wait3A_210 = arith.constant 0 : i32
    %dma_wait3A_211 = tpu.memref_slice %arg6[%dma_wait3A_203, %dma_wait3A_210] : memref<40x128xi32, #tpu.memory_space<vmem>> -> memref<1x32xi32, #tpu.memory_space<vmem>>
    %dma_wait3A_212 = tpu.memref_squeeze %dma_wait3A_211 : memref<1x32xi32, #tpu.memory_space<vmem>> -> memref<32xi32, #tpu.memory_space<vmem>>
    %dma_wait3A_213 = arith.constant 0 : i32
    %dma_wait3A_214 = arith.constant 0 : i32
    %dma_wait3A_215 = tpu.memref_slice %arg2[%dma_wait3A_213, %dma_wait3A_214] : memref<10000x128xf32, #tpu.memory_space<hbm>> -> memref<10000x128xf32, #tpu.memory_space<hbm>>
    %dma_wait3A_216 = tpu.memref_slice %arg10[%dma_wait3A_205] : memref<2x!tpu.dma_semaphore, #tpu.memory_space<semaphore_mem>> -> memref<1x!tpu.dma_semaphore, #tpu.memory_space<semaphore_mem>>
    %dma_wait3A_217 = tpu.memref_squeeze %dma_wait3A_216 : memref<1x!tpu.dma_semaphore, #tpu.memory_space<semaphore_mem>> -> memref<!tpu.dma_semaphore, #tpu.memory_space<semaphore_mem>>
    tpu.wait_indirect_dma semaphore(%dma_wait3A_217 : memref<!tpu.dma_semaphore, #tpu.memory_space<semaphore_mem>>) src(%dma_wait3A_215 : memref<10000x128xf32, #tpu.memory_space<hbm>>) dst(%dma_wait3A_209 : memref<32x128xf32, #tpu.memory_space<vmem>>)
    %dma_wait3A_218 = arith.constant 39 : i32
    %dma_wait3A_219 = arith.constant 1 : i32
    %dma_wait3A_220 = arith.constant 1 : i32
    %dma_wait3A_221 = arith.constant 32 : i32
    %dma_wait3A_222 = arith.constant 0 : i32
    %dma_wait3A_223 = tpu.memref_slice %arg8[%dma_wait3A_219, %dma_wait3A_221, %dma_wait3A_222] : memref<2x128x128xf32, #tpu.memory_space<vmem>> -> memref<1x32x128xf32, #tpu.memory_space<vmem>>
    %dma_wait3A_224 = tpu.memref_squeeze %dma_wait3A_223 : memref<1x32x128xf32, #tpu.memory_space<vmem>> -> memref<32x128xf32, #tpu.memory_space<vmem>>
    %dma_wait3A_225 = arith.constant 32 : i32
    %dma_wait3A_226 = tpu.memref_slice %arg6[%dma_wait3A_218, %dma_wait3A_225] : memref<40x128xi32, #tpu.memory_space<vmem>> -> memref<1x32xi32, #tpu.memory_space<vmem>>
    %dma_wait3A_227 = tpu.memref_squeeze %dma_wait3A_226 : memref<1x32xi32, #tpu.memory_space<vmem>> -> memref<32xi32, #tpu.memory_space<vmem>>
    %dma_wait3A_228 = arith.constant 0 : i32
    %dma_wait3A_229 = arith.constant 0 : i32
    %dma_wait3A_230 = tpu.memref_slice %arg2[%dma_wait3A_228, %dma_wait3A_229] : memref<10000x128xf32, #tpu.memory_space<hbm>> -> memref<10000x128xf32, #tpu.memory_space<hbm>>
    %dma_wait3A_231 = tpu.memref_slice %arg10[%dma_wait3A_220] : memref<2x!tpu.dma_semaphore, #tpu.memory_space<semaphore_mem>> -> memref<1x!tpu.dma_semaphore, #tpu.memory_space<semaphore_mem>>
    %dma_wait3A_232 = tpu.memref_squeeze %dma_wait3A_231 : memref<1x!tpu.dma_semaphore, #tpu.memory_space<semaphore_mem>> -> memref<!tpu.dma_semaphore, #tpu.memory_space<semaphore_mem>>
    tpu.wait_indirect_dma semaphore(%dma_wait3A_232 : memref<!tpu.dma_semaphore, #tpu.memory_space<semaphore_mem>>) src(%dma_wait3A_230 : memref<10000x128xf32, #tpu.memory_space<hbm>>) dst(%dma_wait3A_224 : memref<32x128xf32, #tpu.memory_space<vmem>>)
    %dma_wait3A_233 = arith.constant 39 : i32
    %dma_wait3A_234 = arith.constant 1 : i32
    %dma_wait3A_235 = arith.constant 1 : i32
    %dma_wait3A_236 = arith.constant 64 : i32
    %dma_wait3A_237 = arith.constant 0 : i32
    %dma_wait3A_238 = tpu.memref_slice %arg8[%dma_wait3A_234, %dma_wait3A_236, %dma_wait3A_237] : memref<2x128x128xf32, #tpu.memory_space<vmem>> -> memref<1x32x128xf32, #tpu.memory_space<vmem>>
    %dma_wait3A_239 = tpu.memref_squeeze %dma_wait3A_238 : memref<1x32x128xf32, #tpu.memory_space<vmem>> -> memref<32x128xf32, #tpu.memory_space<vmem>>
    %dma_wait3A_240 = arith.constant 64 : i32
    %dma_wait3A_241 = tpu.memref_slice %arg6[%dma_wait3A_233, %dma_wait3A_240] : memref<40x128xi32, #tpu.memory_space<vmem>> -> memref<1x32xi32, #tpu.memory_space<vmem>>
    %dma_wait3A_242 = tpu.memref_squeeze %dma_wait3A_241 : memref<1x32xi32, #tpu.memory_space<vmem>> -> memref<32xi32, #tpu.memory_space<vmem>>
    %dma_wait3A_243 = arith.constant 0 : i32
    %dma_wait3A_244 = arith.constant 0 : i32
    %dma_wait3A_245 = tpu.memref_slice %arg2[%dma_wait3A_243, %dma_wait3A_244] : memref<10000x128xf32, #tpu.memory_space<hbm>> -> memref<10000x128xf32, #tpu.memory_space<hbm>>
    %dma_wait3A_246 = tpu.memref_slice %arg10[%dma_wait3A_235] : memref<2x!tpu.dma_semaphore, #tpu.memory_space<semaphore_mem>> -> memref<1x!tpu.dma_semaphore, #tpu.memory_space<semaphore_mem>>
    %dma_wait3A_247 = tpu.memref_squeeze %dma_wait3A_246 : memref<1x!tpu.dma_semaphore, #tpu.memory_space<semaphore_mem>> -> memref<!tpu.dma_semaphore, #tpu.memory_space<semaphore_mem>>
    tpu.wait_indirect_dma semaphore(%dma_wait3A_247 : memref<!tpu.dma_semaphore, #tpu.memory_space<semaphore_mem>>) src(%dma_wait3A_245 : memref<10000x128xf32, #tpu.memory_space<hbm>>) dst(%dma_wait3A_239 : memref<32x128xf32, #tpu.memory_space<vmem>>)
    %dma_wait3A_248 = arith.constant 39 : i32
    %dma_wait3A_249 = arith.constant 1 : i32
    %dma_wait3A_250 = arith.constant 1 : i32
    %dma_wait3A_251 = arith.constant 96 : i32
    %dma_wait3A_252 = arith.constant 0 : i32
    %dma_wait3A_253 = tpu.memref_slice %arg8[%dma_wait3A_249, %dma_wait3A_251, %dma_wait3A_252] : memref<2x128x128xf32, #tpu.memory_space<vmem>> -> memref<1x32x128xf32, #tpu.memory_space<vmem>>
    %dma_wait3A_254 = tpu.memref_squeeze %dma_wait3A_253 : memref<1x32x128xf32, #tpu.memory_space<vmem>> -> memref<32x128xf32, #tpu.memory_space<vmem>>
    %dma_wait3A_255 = arith.constant 96 : i32
    %dma_wait3A_256 = tpu.memref_slice %arg6[%dma_wait3A_248, %dma_wait3A_255] : memref<40x128xi32, #tpu.memory_space<vmem>> -> memref<1x32xi32, #tpu.memory_space<vmem>>
    %dma_wait3A_257 = tpu.memref_squeeze %dma_wait3A_256 : memref<1x32xi32, #tpu.memory_space<vmem>> -> memref<32xi32, #tpu.memory_space<vmem>>
    %dma_wait3A_258 = arith.constant 0 : i32
    %dma_wait3A_259 = arith.constant 0 : i32
    %dma_wait3A_260 = tpu.memref_slice %arg2[%dma_wait3A_258, %dma_wait3A_259] : memref<10000x128xf32, #tpu.memory_space<hbm>> -> memref<10000x128xf32, #tpu.memory_space<hbm>>
    %dma_wait3A_261 = tpu.memref_slice %arg10[%dma_wait3A_250] : memref<2x!tpu.dma_semaphore, #tpu.memory_space<semaphore_mem>> -> memref<1x!tpu.dma_semaphore, #tpu.memory_space<semaphore_mem>>
    %dma_wait3A_262 = tpu.memref_squeeze %dma_wait3A_261 : memref<1x!tpu.dma_semaphore, #tpu.memory_space<semaphore_mem>> -> memref<!tpu.dma_semaphore, #tpu.memory_space<semaphore_mem>>
    tpu.wait_indirect_dma semaphore(%dma_wait3A_262 : memref<!tpu.dma_semaphore, #tpu.memory_space<semaphore_mem>>) src(%dma_wait3A_260 : memref<10000x128xf32, #tpu.memory_space<hbm>>) dst(%dma_wait3A_254 : memref<32x128xf32, #tpu.memory_space<vmem>>)
    %run_scoped3A_263 = arith.constant 1 : i32
    %run_scoped3A_264 = arith.constant 39 : i32
    "tpu.region"() ({
      %run_scoped3A_527 = tpu.sem_alloc : memref<!tpu.dma_semaphore, #tpu.memory_space<semaphore_mem>>
      %dma_start3A_528 = arith.constant 0 : i32
      %dma_start3A_529 = arith.constant 0 : i32
      %dma_start3A_530 = tpu.memref_slice %arg8[%run_scoped3A_263, %dma_start3A_528, %dma_start3A_529] : memref<2x128x128xf32, #tpu.memory_space<vmem>> -> memref<1x128x128xf32, #tpu.memory_space<vmem>>
      %dma_start3A_531 = tpu.memref_squeeze %dma_start3A_530 : memref<1x128x128xf32, #tpu.memory_space<vmem>> -> memref<128x128xf32, #tpu.memory_space<vmem>>
      %dma_start3A_532 = arith.constant 0 : i32
      %dma_start3A_533 = tpu.memref_slice %arg7[%run_scoped3A_264, %dma_start3A_532] : memref<40x128xi32, #tpu.memory_space<vmem>> -> memref<1x128xi32, #tpu.memory_space<vmem>>
      %dma_start3A_534 = tpu.memref_squeeze %dma_start3A_533 : memref<1x128xi32, #tpu.memory_space<vmem>> -> memref<128xi32, #tpu.memory_space<vmem>>
      %dma_start3A_535 = arith.constant 0 : i32
      %dma_start3A_536 = arith.constant 0 : i32
      %dma_start3A_537 = tpu.memref_slice %arg9[%dma_start3A_535, %dma_start3A_536] : memref<10240x128xf32, #tpu.memory_space<vmem_shared>> -> memref<10240x128xf32, #tpu.memory_space<vmem_shared>>
      tpu.enqueue_indirect_dma source(%dma_start3A_531 : memref<128x128xf32, #tpu.memory_space<vmem>>) target(%dma_start3A_537 : memref<10240x128xf32, #tpu.memory_space<vmem_shared>>) offsets(%dma_start3A_534 : memref<128xi32, #tpu.memory_space<vmem>>) semaphore(%run_scoped3A_527 : memref<!tpu.dma_semaphore, #tpu.memory_space<semaphore_mem>>) {add = true}
      %dma_wait3A_538 = arith.constant 0 : i32
      %dma_wait3A_539 = arith.constant 0 : i32
      %dma_wait3A_540 = tpu.memref_slice %arg8[%run_scoped3A_263, %dma_wait3A_538, %dma_wait3A_539] : memref<2x128x128xf32, #tpu.memory_space<vmem>> -> memref<1x128x128xf32, #tpu.memory_space<vmem>>
      %dma_wait3A_541 = tpu.memref_squeeze %dma_wait3A_540 : memref<1x128x128xf32, #tpu.memory_space<vmem>> -> memref<128x128xf32, #tpu.memory_space<vmem>>
      %dma_wait3A_542 = arith.constant 0 : i32
      %dma_wait3A_543 = tpu.memref_slice %arg7[%run_scoped3A_264, %dma_wait3A_542] : memref<40x128xi32, #tpu.memory_space<vmem>> -> memref<1x128xi32, #tpu.memory_space<vmem>>
      %dma_wait3A_544 = tpu.memref_squeeze %dma_wait3A_543 : memref<1x128xi32, #tpu.memory_space<vmem>> -> memref<128xi32, #tpu.memory_space<vmem>>
      %dma_wait3A_545 = arith.constant 0 : i32
      %dma_wait3A_546 = arith.constant 0 : i32
      %dma_wait3A_547 = tpu.memref_slice %arg9[%dma_wait3A_545, %dma_wait3A_546] : memref<10240x128xf32, #tpu.memory_space<vmem_shared>> -> memref<10240x128xf32, #tpu.memory_space<vmem_shared>>
      tpu.wait_indirect_dma semaphore(%run_scoped3A_527 : memref<!tpu.dma_semaphore, #tpu.memory_space<semaphore_mem>>) src(%dma_wait3A_541 : memref<128x128xf32, #tpu.memory_space<vmem>>) dst(%dma_wait3A_547 : memref<10240x128xf32, #tpu.memory_space<vmem_shared>>)
      tpu.yield
    }) : () -> ()
    %mul3A_265 = arith.constant 80 : i32
    %mul3A_266 = arith.muli %add3A, %mul3A_265 : i32
    %add3A_267 = arith.constant 40 : i32
    %add3A_268 = arith.addi %mul3A_266, %add3A_267 : i32
    "tpu.region"() ({
      %run_scoped3A_527 = tpu.sem_alloc : memref<!tpu.dma_semaphore, #tpu.memory_space<semaphore_mem>>
      %dma_start3A_528 = arith.constant 0 : i32
      %dma_start3A_529 = tpu.memref_slice %arg3[%add3A_268, %dma_start3A_528] : memref<2560x128xi32, #tpu.memory_space<hbm>> -> memref<40x128xi32, #tpu.memory_space<hbm>>
      %dma_start3A_530 = arith.constant 0 : i32
      %dma_start3A_531 = tpu.memref_slice %arg3[%add3A_268, %dma_start3A_530] : memref<2560x128xi32, #tpu.memory_space<hbm>> -> memref<40x128xi32, #tpu.memory_space<hbm>>
      tpu.enqueue_dma source(%dma_start3A_531 : memref<40x128xi32, #tpu.memory_space<hbm>>) target(%arg6 : memref<40x128xi32, #tpu.memory_space<vmem>>) target_semaphore(%run_scoped3A_527 : memref<!tpu.dma_semaphore, #tpu.memory_space<semaphore_mem>>)
      %dma_wait3A_532 = arith.constant 0 : i32
      %dma_wait3A_533 = tpu.memref_slice %arg3[%add3A_268, %dma_wait3A_532] : memref<2560x128xi32, #tpu.memory_space<hbm>> -> memref<40x128xi32, #tpu.memory_space<hbm>>
      %dma_wait3A_534 = arith.constant 0 : i32
      %dma_wait3A_535 = tpu.memref_slice %arg3[%add3A_268, %dma_wait3A_534] : memref<2560x128xi32, #tpu.memory_space<hbm>> -> memref<40x128xi32, #tpu.memory_space<hbm>>
      tpu.wait_dma2 semaphore(%run_scoped3A_527 : memref<!tpu.dma_semaphore, #tpu.memory_space<semaphore_mem>>) src(%dma_wait3A_535 : memref<40x128xi32, #tpu.memory_space<hbm>>) dst(%arg6 : memref<40x128xi32, #tpu.memory_space<vmem>>)
      tpu.yield
    }) : () -> ()
    %mul3A_269 = arith.constant 80 : i32
    %mul3A_270 = arith.muli %add3A, %mul3A_269 : i32
    %add3A_271 = arith.constant 40 : i32
    %add3A_272 = arith.addi %mul3A_270, %add3A_271 : i32
    "tpu.region"() ({
      %run_scoped3A_527 = tpu.sem_alloc : memref<!tpu.dma_semaphore, #tpu.memory_space<semaphore_mem>>
      %dma_start3A_528 = arith.constant 0 : i32
      %dma_start3A_529 = tpu.memref_slice %arg4[%add3A_272, %dma_start3A_528] : memref<2560x128xi32, #tpu.memory_space<hbm>> -> memref<40x128xi32, #tpu.memory_space<hbm>>
      %dma_start3A_530 = arith.constant 0 : i32
      %dma_start3A_531 = tpu.memref_slice %arg4[%add3A_272, %dma_start3A_530] : memref<2560x128xi32, #tpu.memory_space<hbm>> -> memref<40x128xi32, #tpu.memory_space<hbm>>
      tpu.enqueue_dma source(%dma_start3A_531 : memref<40x128xi32, #tpu.memory_space<hbm>>) target(%arg7 : memref<40x128xi32, #tpu.memory_space<vmem>>) target_semaphore(%run_scoped3A_527 : memref<!tpu.dma_semaphore, #tpu.memory_space<semaphore_mem>>)
      %dma_wait3A_532 = arith.constant 0 : i32
      %dma_wait3A_533 = tpu.memref_slice %arg4[%add3A_272, %dma_wait3A_532] : memref<2560x128xi32, #tpu.memory_space<hbm>> -> memref<40x128xi32, #tpu.memory_space<hbm>>
      %dma_wait3A_534 = arith.constant 0 : i32
      %dma_wait3A_535 = tpu.memref_slice %arg4[%add3A_272, %dma_wait3A_534] : memref<2560x128xi32, #tpu.memory_space<hbm>> -> memref<40x128xi32, #tpu.memory_space<hbm>>
      tpu.wait_dma2 semaphore(%run_scoped3A_527 : memref<!tpu.dma_semaphore, #tpu.memory_space<semaphore_mem>>) src(%dma_wait3A_535 : memref<40x128xi32, #tpu.memory_space<hbm>>) dst(%arg7 : memref<40x128xi32, #tpu.memory_space<vmem>>)
      tpu.yield
    }) : () -> ()
    %dma_start3A_273 = arith.constant 0 : i32
    %dma_start3A_274 = arith.constant 0 : i32
    %dma_start3A_275 = arith.constant 0 : i32
    %dma_start3A_276 = arith.constant 0 : i32
    %dma_start3A_277 = arith.constant 0 : i32
    %dma_start3A_278 = tpu.memref_slice %arg8[%dma_start3A_274, %dma_start3A_276, %dma_start3A_277] : memref<2x128x128xf32, #tpu.memory_space<vmem>> -> memref<1x32x128xf32, #tpu.memory_space<vmem>>
    %dma_start3A_279 = tpu.memref_squeeze %dma_start3A_278 : memref<1x32x128xf32, #tpu.memory_space<vmem>> -> memref<32x128xf32, #tpu.memory_space<vmem>>
    %dma_start3A_280 = arith.constant 0 : i32
    %dma_start3A_281 = tpu.memref_slice %arg6[%dma_start3A_273, %dma_start3A_280] : memref<40x128xi32, #tpu.memory_space<vmem>> -> memref<1x32xi32, #tpu.memory_space<vmem>>
    %dma_start3A_282 = tpu.memref_squeeze %dma_start3A_281 : memref<1x32xi32, #tpu.memory_space<vmem>> -> memref<32xi32, #tpu.memory_space<vmem>>
    %dma_start3A_283 = arith.constant 0 : i32
    %dma_start3A_284 = arith.constant 0 : i32
    %dma_start3A_285 = tpu.memref_slice %arg2[%dma_start3A_283, %dma_start3A_284] : memref<10000x128xf32, #tpu.memory_space<hbm>> -> memref<10000x128xf32, #tpu.memory_space<hbm>>
    %dma_start3A_286 = tpu.memref_slice %arg10[%dma_start3A_275] : memref<2x!tpu.dma_semaphore, #tpu.memory_space<semaphore_mem>> -> memref<1x!tpu.dma_semaphore, #tpu.memory_space<semaphore_mem>>
    %dma_start3A_287 = tpu.memref_squeeze %dma_start3A_286 : memref<1x!tpu.dma_semaphore, #tpu.memory_space<semaphore_mem>> -> memref<!tpu.dma_semaphore, #tpu.memory_space<semaphore_mem>>
    tpu.enqueue_indirect_dma source(%dma_start3A_285 : memref<10000x128xf32, #tpu.memory_space<hbm>>) target(%dma_start3A_279 : memref<32x128xf32, #tpu.memory_space<vmem>>) offsets(%dma_start3A_282 : memref<32xi32, #tpu.memory_space<vmem>>) semaphore(%dma_start3A_287 : memref<!tpu.dma_semaphore, #tpu.memory_space<semaphore_mem>>)
    %dma_start3A_288 = arith.constant 0 : i32
    %dma_start3A_289 = arith.constant 0 : i32
    %dma_start3A_290 = arith.constant 0 : i32
    %dma_start3A_291 = arith.constant 32 : i32
    %dma_start3A_292 = arith.constant 0 : i32
    %dma_start3A_293 = tpu.memref_slice %arg8[%dma_start3A_289, %dma_start3A_291, %dma_start3A_292] : memref<2x128x128xf32, #tpu.memory_space<vmem>> -> memref<1x32x128xf32, #tpu.memory_space<vmem>>
    %dma_start3A_294 = tpu.memref_squeeze %dma_start3A_293 : memref<1x32x128xf32, #tpu.memory_space<vmem>> -> memref<32x128xf32, #tpu.memory_space<vmem>>
    %dma_start3A_295 = arith.constant 32 : i32
    %dma_start3A_296 = tpu.memref_slice %arg6[%dma_start3A_288, %dma_start3A_295] : memref<40x128xi32, #tpu.memory_space<vmem>> -> memref<1x32xi32, #tpu.memory_space<vmem>>
    %dma_start3A_297 = tpu.memref_squeeze %dma_start3A_296 : memref<1x32xi32, #tpu.memory_space<vmem>> -> memref<32xi32, #tpu.memory_space<vmem>>
    %dma_start3A_298 = arith.constant 0 : i32
    %dma_start3A_299 = arith.constant 0 : i32
    %dma_start3A_300 = tpu.memref_slice %arg2[%dma_start3A_298, %dma_start3A_299] : memref<10000x128xf32, #tpu.memory_space<hbm>> -> memref<10000x128xf32, #tpu.memory_space<hbm>>
    %dma_start3A_301 = tpu.memref_slice %arg10[%dma_start3A_290] : memref<2x!tpu.dma_semaphore, #tpu.memory_space<semaphore_mem>> -> memref<1x!tpu.dma_semaphore, #tpu.memory_space<semaphore_mem>>
    %dma_start3A_302 = tpu.memref_squeeze %dma_start3A_301 : memref<1x!tpu.dma_semaphore, #tpu.memory_space<semaphore_mem>> -> memref<!tpu.dma_semaphore, #tpu.memory_space<semaphore_mem>>
    tpu.enqueue_indirect_dma source(%dma_start3A_300 : memref<10000x128xf32, #tpu.memory_space<hbm>>) target(%dma_start3A_294 : memref<32x128xf32, #tpu.memory_space<vmem>>) offsets(%dma_start3A_297 : memref<32xi32, #tpu.memory_space<vmem>>) semaphore(%dma_start3A_302 : memref<!tpu.dma_semaphore, #tpu.memory_space<semaphore_mem>>)
    %dma_start3A_303 = arith.constant 0 : i32
    %dma_start3A_304 = arith.constant 0 : i32
    %dma_start3A_305 = arith.constant 0 : i32
    %dma_start3A_306 = arith.constant 64 : i32
    %dma_start3A_307 = arith.constant 0 : i32
    %dma_start3A_308 = tpu.memref_slice %arg8[%dma_start3A_304, %dma_start3A_306, %dma_start3A_307] : memref<2x128x128xf32, #tpu.memory_space<vmem>> -> memref<1x32x128xf32, #tpu.memory_space<vmem>>
    %dma_start3A_309 = tpu.memref_squeeze %dma_start3A_308 : memref<1x32x128xf32, #tpu.memory_space<vmem>> -> memref<32x128xf32, #tpu.memory_space<vmem>>
    %dma_start3A_310 = arith.constant 64 : i32
    %dma_start3A_311 = tpu.memref_slice %arg6[%dma_start3A_303, %dma_start3A_310] : memref<40x128xi32, #tpu.memory_space<vmem>> -> memref<1x32xi32, #tpu.memory_space<vmem>>
    %dma_start3A_312 = tpu.memref_squeeze %dma_start3A_311 : memref<1x32xi32, #tpu.memory_space<vmem>> -> memref<32xi32, #tpu.memory_space<vmem>>
    %dma_start3A_313 = arith.constant 0 : i32
    %dma_start3A_314 = arith.constant 0 : i32
    %dma_start3A_315 = tpu.memref_slice %arg2[%dma_start3A_313, %dma_start3A_314] : memref<10000x128xf32, #tpu.memory_space<hbm>> -> memref<10000x128xf32, #tpu.memory_space<hbm>>
    %dma_start3A_316 = tpu.memref_slice %arg10[%dma_start3A_305] : memref<2x!tpu.dma_semaphore, #tpu.memory_space<semaphore_mem>> -> memref<1x!tpu.dma_semaphore, #tpu.memory_space<semaphore_mem>>
    %dma_start3A_317 = tpu.memref_squeeze %dma_start3A_316 : memref<1x!tpu.dma_semaphore, #tpu.memory_space<semaphore_mem>> -> memref<!tpu.dma_semaphore, #tpu.memory_space<semaphore_mem>>
    tpu.enqueue_indirect_dma source(%dma_start3A_315 : memref<10000x128xf32, #tpu.memory_space<hbm>>) target(%dma_start3A_309 : memref<32x128xf32, #tpu.memory_space<vmem>>) offsets(%dma_start3A_312 : memref<32xi32, #tpu.memory_space<vmem>>) semaphore(%dma_start3A_317 : memref<!tpu.dma_semaphore, #tpu.memory_space<semaphore_mem>>)
    %dma_start3A_318 = arith.constant 0 : i32
    %dma_start3A_319 = arith.constant 0 : i32
    %dma_start3A_320 = arith.constant 0 : i32
    %dma_start3A_321 = arith.constant 96 : i32
    %dma_start3A_322 = arith.constant 0 : i32
    %dma_start3A_323 = tpu.memref_slice %arg8[%dma_start3A_319, %dma_start3A_321, %dma_start3A_322] : memref<2x128x128xf32, #tpu.memory_space<vmem>> -> memref<1x32x128xf32, #tpu.memory_space<vmem>>
    %dma_start3A_324 = tpu.memref_squeeze %dma_start3A_323 : memref<1x32x128xf32, #tpu.memory_space<vmem>> -> memref<32x128xf32, #tpu.memory_space<vmem>>
    %dma_start3A_325 = arith.constant 96 : i32
    %dma_start3A_326 = tpu.memref_slice %arg6[%dma_start3A_318, %dma_start3A_325] : memref<40x128xi32, #tpu.memory_space<vmem>> -> memref<1x32xi32, #tpu.memory_space<vmem>>
    %dma_start3A_327 = tpu.memref_squeeze %dma_start3A_326 : memref<1x32xi32, #tpu.memory_space<vmem>> -> memref<32xi32, #tpu.memory_space<vmem>>
    %dma_start3A_328 = arith.constant 0 : i32
    %dma_start3A_329 = arith.constant 0 : i32
    %dma_start3A_330 = tpu.memref_slice %arg2[%dma_start3A_328, %dma_start3A_329] : memref<10000x128xf32, #tpu.memory_space<hbm>> -> memref<10000x128xf32, #tpu.memory_space<hbm>>
    %dma_start3A_331 = tpu.memref_slice %arg10[%dma_start3A_320] : memref<2x!tpu.dma_semaphore, #tpu.memory_space<semaphore_mem>> -> memref<1x!tpu.dma_semaphore, #tpu.memory_space<semaphore_mem>>
    %dma_start3A_332 = tpu.memref_squeeze %dma_start3A_331 : memref<1x!tpu.dma_semaphore, #tpu.memory_space<semaphore_mem>> -> memref<!tpu.dma_semaphore, #tpu.memory_space<semaphore_mem>>
    tpu.enqueue_indirect_dma source(%dma_start3A_330 : memref<10000x128xf32, #tpu.memory_space<hbm>>) target(%dma_start3A_324 : memref<32x128xf32, #tpu.memory_space<vmem>>) offsets(%dma_start3A_327 : memref<32xi32, #tpu.memory_space<vmem>>) semaphore(%dma_start3A_332 : memref<!tpu.dma_semaphore, #tpu.memory_space<semaphore_mem>>)
    %scan3A_333 = arith.constant 0 : i32
    %scan3A_334 = arith.constant 19 : i32
    %scan3A_335 = arith.addi %scan3A_333, %scan3A_334 : i32
    %scan3A_336 = arith.constant 1 : i32
    scf.for %scan3A_527 = %scan3A_333 to %scan3A_335 step %scan3A_336  : i32 {
      %mul3A_528 = arith.constant 1 : i32
      %mul3A_529 = arith.muli %scan3A_527, %mul3A_528 : i32
      %add3A_530 = arith.constant 0 : i32
      %add3A_531 = arith.addi %add3A_530, %mul3A_529 : i32
      %mul3A_532 = arith.constant 2 : i32
      %mul3A_533 = arith.muli %mul3A_532, %add3A_531 : i32
      %dma_wait3A_534 = arith.constant 0 : i32
      %dma_wait3A_535 = arith.constant 0 : i32
      %dma_wait3A_536 = arith.constant 0 : i32
      %dma_wait3A_537 = arith.constant 0 : i32
      %dma_wait3A_538 = tpu.memref_slice %arg8[%dma_wait3A_534, %dma_wait3A_536, %dma_wait3A_537] : memref<2x128x128xf32, #tpu.memory_space<vmem>> -> memref<1x32x128xf32, #tpu.memory_space<vmem>>
      %dma_wait3A_539 = tpu.memref_squeeze %dma_wait3A_538 : memref<1x32x128xf32, #tpu.memory_space<vmem>> -> memref<32x128xf32, #tpu.memory_space<vmem>>
      %dma_wait3A_540 = arith.constant 0 : i32
      %dma_wait3A_541 = tpu.memref_slice %arg6[%mul3A_533, %dma_wait3A_540] : memref<40x128xi32, #tpu.memory_space<vmem>> -> memref<1x32xi32, #tpu.memory_space<vmem>>
      %dma_wait3A_542 = tpu.memref_squeeze %dma_wait3A_541 : memref<1x32xi32, #tpu.memory_space<vmem>> -> memref<32xi32, #tpu.memory_space<vmem>>
      %dma_wait3A_543 = arith.constant 0 : i32
      %dma_wait3A_544 = arith.constant 0 : i32
      %dma_wait3A_545 = tpu.memref_slice %arg2[%dma_wait3A_543, %dma_wait3A_544] : memref<10000x128xf32, #tpu.memory_space<hbm>> -> memref<10000x128xf32, #tpu.memory_space<hbm>>
      %dma_wait3A_546 = tpu.memref_slice %arg10[%dma_wait3A_535] : memref<2x!tpu.dma_semaphore, #tpu.memory_space<semaphore_mem>> -> memref<1x!tpu.dma_semaphore, #tpu.memory_space<semaphore_mem>>
      %dma_wait3A_547 = tpu.memref_squeeze %dma_wait3A_546 : memref<1x!tpu.dma_semaphore, #tpu.memory_space<semaphore_mem>> -> memref<!tpu.dma_semaphore, #tpu.memory_space<semaphore_mem>>
      tpu.wait_indirect_dma semaphore(%dma_wait3A_547 : memref<!tpu.dma_semaphore, #tpu.memory_space<semaphore_mem>>) src(%dma_wait3A_545 : memref<10000x128xf32, #tpu.memory_space<hbm>>) dst(%dma_wait3A_539 : memref<32x128xf32, #tpu.memory_space<vmem>>)
      %dma_wait3A_548 = arith.constant 0 : i32
      %dma_wait3A_549 = arith.constant 0 : i32
      %dma_wait3A_550 = arith.constant 32 : i32
      %dma_wait3A_551 = arith.constant 0 : i32
      %dma_wait3A_552 = tpu.memref_slice %arg8[%dma_wait3A_548, %dma_wait3A_550, %dma_wait3A_551] : memref<2x128x128xf32, #tpu.memory_space<vmem>> -> memref<1x32x128xf32, #tpu.memory_space<vmem>>
      %dma_wait3A_553 = tpu.memref_squeeze %dma_wait3A_552 : memref<1x32x128xf32, #tpu.memory_space<vmem>> -> memref<32x128xf32, #tpu.memory_space<vmem>>
      %dma_wait3A_554 = arith.constant 32 : i32
      %dma_wait3A_555 = tpu.memref_slice %arg6[%mul3A_533, %dma_wait3A_554] : memref<40x128xi32, #tpu.memory_space<vmem>> -> memref<1x32xi32, #tpu.memory_space<vmem>>
      %dma_wait3A_556 = tpu.memref_squeeze %dma_wait3A_555 : memref<1x32xi32, #tpu.memory_space<vmem>> -> memref<32xi32, #tpu.memory_space<vmem>>
      %dma_wait3A_557 = arith.constant 0 : i32
      %dma_wait3A_558 = arith.constant 0 : i32
      %dma_wait3A_559 = tpu.memref_slice %arg2[%dma_wait3A_557, %dma_wait3A_558] : memref<10000x128xf32, #tpu.memory_space<hbm>> -> memref<10000x128xf32, #tpu.memory_space<hbm>>
      %dma_wait3A_560 = tpu.memref_slice %arg10[%dma_wait3A_549] : memref<2x!tpu.dma_semaphore, #tpu.memory_space<semaphore_mem>> -> memref<1x!tpu.dma_semaphore, #tpu.memory_space<semaphore_mem>>
      %dma_wait3A_561 = tpu.memref_squeeze %dma_wait3A_560 : memref<1x!tpu.dma_semaphore, #tpu.memory_space<semaphore_mem>> -> memref<!tpu.dma_semaphore, #tpu.memory_space<semaphore_mem>>
      tpu.wait_indirect_dma semaphore(%dma_wait3A_561 : memref<!tpu.dma_semaphore, #tpu.memory_space<semaphore_mem>>) src(%dma_wait3A_559 : memref<10000x128xf32, #tpu.memory_space<hbm>>) dst(%dma_wait3A_553 : memref<32x128xf32, #tpu.memory_space<vmem>>)
      %dma_wait3A_562 = arith.constant 0 : i32
      %dma_wait3A_563 = arith.constant 0 : i32
      %dma_wait3A_564 = arith.constant 64 : i32
      %dma_wait3A_565 = arith.constant 0 : i32
      %dma_wait3A_566 = tpu.memref_slice %arg8[%dma_wait3A_562, %dma_wait3A_564, %dma_wait3A_565] : memref<2x128x128xf32, #tpu.memory_space<vmem>> -> memref<1x32x128xf32, #tpu.memory_space<vmem>>
      %dma_wait3A_567 = tpu.memref_squeeze %dma_wait3A_566 : memref<1x32x128xf32, #tpu.memory_space<vmem>> -> memref<32x128xf32, #tpu.memory_space<vmem>>
      %dma_wait3A_568 = arith.constant 64 : i32
      %dma_wait3A_569 = tpu.memref_slice %arg6[%mul3A_533, %dma_wait3A_568] : memref<40x128xi32, #tpu.memory_space<vmem>> -> memref<1x32xi32, #tpu.memory_space<vmem>>
      %dma_wait3A_570 = tpu.memref_squeeze %dma_wait3A_569 : memref<1x32xi32, #tpu.memory_space<vmem>> -> memref<32xi32, #tpu.memory_space<vmem>>
      %dma_wait3A_571 = arith.constant 0 : i32
      %dma_wait3A_572 = arith.constant 0 : i32
      %dma_wait3A_573 = tpu.memref_slice %arg2[%dma_wait3A_571, %dma_wait3A_572] : memref<10000x128xf32, #tpu.memory_space<hbm>> -> memref<10000x128xf32, #tpu.memory_space<hbm>>
      %dma_wait3A_574 = tpu.memref_slice %arg10[%dma_wait3A_563] : memref<2x!tpu.dma_semaphore, #tpu.memory_space<semaphore_mem>> -> memref<1x!tpu.dma_semaphore, #tpu.memory_space<semaphore_mem>>
      %dma_wait3A_575 = tpu.memref_squeeze %dma_wait3A_574 : memref<1x!tpu.dma_semaphore, #tpu.memory_space<semaphore_mem>> -> memref<!tpu.dma_semaphore, #tpu.memory_space<semaphore_mem>>
      tpu.wait_indirect_dma semaphore(%dma_wait3A_575 : memref<!tpu.dma_semaphore, #tpu.memory_space<semaphore_mem>>) src(%dma_wait3A_573 : memref<10000x128xf32, #tpu.memory_space<hbm>>) dst(%dma_wait3A_567 : memref<32x128xf32, #tpu.memory_space<vmem>>)
      %dma_wait3A_576 = arith.constant 0 : i32
      %dma_wait3A_577 = arith.constant 0 : i32
      %dma_wait3A_578 = arith.constant 96 : i32
      %dma_wait3A_579 = arith.constant 0 : i32
      %dma_wait3A_580 = tpu.memref_slice %arg8[%dma_wait3A_576, %dma_wait3A_578, %dma_wait3A_579] : memref<2x128x128xf32, #tpu.memory_space<vmem>> -> memref<1x32x128xf32, #tpu.memory_space<vmem>>
      %dma_wait3A_581 = tpu.memref_squeeze %dma_wait3A_580 : memref<1x32x128xf32, #tpu.memory_space<vmem>> -> memref<32x128xf32, #tpu.memory_space<vmem>>
      %dma_wait3A_582 = arith.constant 96 : i32
      %dma_wait3A_583 = tpu.memref_slice %arg6[%mul3A_533, %dma_wait3A_582] : memref<40x128xi32, #tpu.memory_space<vmem>> -> memref<1x32xi32, #tpu.memory_space<vmem>>
      %dma_wait3A_584 = tpu.memref_squeeze %dma_wait3A_583 : memref<1x32xi32, #tpu.memory_space<vmem>> -> memref<32xi32, #tpu.memory_space<vmem>>
      %dma_wait3A_585 = arith.constant 0 : i32
      %dma_wait3A_586 = arith.constant 0 : i32
      %dma_wait3A_587 = tpu.memref_slice %arg2[%dma_wait3A_585, %dma_wait3A_586] : memref<10000x128xf32, #tpu.memory_space<hbm>> -> memref<10000x128xf32, #tpu.memory_space<hbm>>
      %dma_wait3A_588 = tpu.memref_slice %arg10[%dma_wait3A_577] : memref<2x!tpu.dma_semaphore, #tpu.memory_space<semaphore_mem>> -> memref<1x!tpu.dma_semaphore, #tpu.memory_space<semaphore_mem>>
      %dma_wait3A_589 = tpu.memref_squeeze %dma_wait3A_588 : memref<1x!tpu.dma_semaphore, #tpu.memory_space<semaphore_mem>> -> memref<!tpu.dma_semaphore, #tpu.memory_space<semaphore_mem>>
      tpu.wait_indirect_dma semaphore(%dma_wait3A_589 : memref<!tpu.dma_semaphore, #tpu.memory_space<semaphore_mem>>) src(%dma_wait3A_587 : memref<10000x128xf32, #tpu.memory_space<hbm>>) dst(%dma_wait3A_581 : memref<32x128xf32, #tpu.memory_space<vmem>>)
      %add3A_590 = arith.constant 1 : i32
      %add3A_591 = arith.addi %mul3A_533, %add3A_590 : i32
      %dma_start3A_592 = arith.constant 1 : i32
      %dma_start3A_593 = arith.constant 1 : i32
      %dma_start3A_594 = arith.constant 0 : i32
      %dma_start3A_595 = arith.constant 0 : i32
      %dma_start3A_596 = tpu.memref_slice %arg8[%dma_start3A_592, %dma_start3A_594, %dma_start3A_595] : memref<2x128x128xf32, #tpu.memory_space<vmem>> -> memref<1x32x128xf32, #tpu.memory_space<vmem>>
      %dma_start3A_597 = tpu.memref_squeeze %dma_start3A_596 : memref<1x32x128xf32, #tpu.memory_space<vmem>> -> memref<32x128xf32, #tpu.memory_space<vmem>>
      %dma_start3A_598 = arith.constant 0 : i32
      %dma_start3A_599 = tpu.memref_slice %arg6[%add3A_591, %dma_start3A_598] : memref<40x128xi32, #tpu.memory_space<vmem>> -> memref<1x32xi32, #tpu.memory_space<vmem>>
      %dma_start3A_600 = tpu.memref_squeeze %dma_start3A_599 : memref<1x32xi32, #tpu.memory_space<vmem>> -> memref<32xi32, #tpu.memory_space<vmem>>
      %dma_start3A_601 = arith.constant 0 : i32
      %dma_start3A_602 = arith.constant 0 : i32
      %dma_start3A_603 = tpu.memref_slice %arg2[%dma_start3A_601, %dma_start3A_602] : memref<10000x128xf32, #tpu.memory_space<hbm>> -> memref<10000x128xf32, #tpu.memory_space<hbm>>
      %dma_start3A_604 = tpu.memref_slice %arg10[%dma_start3A_593] : memref<2x!tpu.dma_semaphore, #tpu.memory_space<semaphore_mem>> -> memref<1x!tpu.dma_semaphore, #tpu.memory_space<semaphore_mem>>
      %dma_start3A_605 = tpu.memref_squeeze %dma_start3A_604 : memref<1x!tpu.dma_semaphore, #tpu.memory_space<semaphore_mem>> -> memref<!tpu.dma_semaphore, #tpu.memory_space<semaphore_mem>>
      tpu.enqueue_indirect_dma source(%dma_start3A_603 : memref<10000x128xf32, #tpu.memory_space<hbm>>) target(%dma_start3A_597 : memref<32x128xf32, #tpu.memory_space<vmem>>) offsets(%dma_start3A_600 : memref<32xi32, #tpu.memory_space<vmem>>) semaphore(%dma_start3A_605 : memref<!tpu.dma_semaphore, #tpu.memory_space<semaphore_mem>>)
      %dma_start3A_606 = arith.constant 1 : i32
      %dma_start3A_607 = arith.constant 1 : i32
      %dma_start3A_608 = arith.constant 32 : i32
      %dma_start3A_609 = arith.constant 0 : i32
      %dma_start3A_610 = tpu.memref_slice %arg8[%dma_start3A_606, %dma_start3A_608, %dma_start3A_609] : memref<2x128x128xf32, #tpu.memory_space<vmem>> -> memref<1x32x128xf32, #tpu.memory_space<vmem>>
      %dma_start3A_611 = tpu.memref_squeeze %dma_start3A_610 : memref<1x32x128xf32, #tpu.memory_space<vmem>> -> memref<32x128xf32, #tpu.memory_space<vmem>>
      %dma_start3A_612 = arith.constant 32 : i32
      %dma_start3A_613 = tpu.memref_slice %arg6[%add3A_591, %dma_start3A_612] : memref<40x128xi32, #tpu.memory_space<vmem>> -> memref<1x32xi32, #tpu.memory_space<vmem>>
      %dma_start3A_614 = tpu.memref_squeeze %dma_start3A_613 : memref<1x32xi32, #tpu.memory_space<vmem>> -> memref<32xi32, #tpu.memory_space<vmem>>
      %dma_start3A_615 = arith.constant 0 : i32
      %dma_start3A_616 = arith.constant 0 : i32
      %dma_start3A_617 = tpu.memref_slice %arg2[%dma_start3A_615, %dma_start3A_616] : memref<10000x128xf32, #tpu.memory_space<hbm>> -> memref<10000x128xf32, #tpu.memory_space<hbm>>
      %dma_start3A_618 = tpu.memref_slice %arg10[%dma_start3A_607] : memref<2x!tpu.dma_semaphore, #tpu.memory_space<semaphore_mem>> -> memref<1x!tpu.dma_semaphore, #tpu.memory_space<semaphore_mem>>
      %dma_start3A_619 = tpu.memref_squeeze %dma_start3A_618 : memref<1x!tpu.dma_semaphore, #tpu.memory_space<semaphore_mem>> -> memref<!tpu.dma_semaphore, #tpu.memory_space<semaphore_mem>>
      tpu.enqueue_indirect_dma source(%dma_start3A_617 : memref<10000x128xf32, #tpu.memory_space<hbm>>) target(%dma_start3A_611 : memref<32x128xf32, #tpu.memory_space<vmem>>) offsets(%dma_start3A_614 : memref<32xi32, #tpu.memory_space<vmem>>) semaphore(%dma_start3A_619 : memref<!tpu.dma_semaphore, #tpu.memory_space<semaphore_mem>>)
      %dma_start3A_620 = arith.constant 1 : i32
      %dma_start3A_621 = arith.constant 1 : i32
      %dma_start3A_622 = arith.constant 64 : i32
      %dma_start3A_623 = arith.constant 0 : i32
      %dma_start3A_624 = tpu.memref_slice %arg8[%dma_start3A_620, %dma_start3A_622, %dma_start3A_623] : memref<2x128x128xf32, #tpu.memory_space<vmem>> -> memref<1x32x128xf32, #tpu.memory_space<vmem>>
      %dma_start3A_625 = tpu.memref_squeeze %dma_start3A_624 : memref<1x32x128xf32, #tpu.memory_space<vmem>> -> memref<32x128xf32, #tpu.memory_space<vmem>>
      %dma_start3A_626 = arith.constant 64 : i32
      %dma_start3A_627 = tpu.memref_slice %arg6[%add3A_591, %dma_start3A_626] : memref<40x128xi32, #tpu.memory_space<vmem>> -> memref<1x32xi32, #tpu.memory_space<vmem>>
      %dma_start3A_628 = tpu.memref_squeeze %dma_start3A_627 : memref<1x32xi32, #tpu.memory_space<vmem>> -> memref<32xi32, #tpu.memory_space<vmem>>
      %dma_start3A_629 = arith.constant 0 : i32
      %dma_start3A_630 = arith.constant 0 : i32
      %dma_start3A_631 = tpu.memref_slice %arg2[%dma_start3A_629, %dma_start3A_630] : memref<10000x128xf32, #tpu.memory_space<hbm>> -> memref<10000x128xf32, #tpu.memory_space<hbm>>
      %dma_start3A_632 = tpu.memref_slice %arg10[%dma_start3A_621] : memref<2x!tpu.dma_semaphore, #tpu.memory_space<semaphore_mem>> -> memref<1x!tpu.dma_semaphore, #tpu.memory_space<semaphore_mem>>
      %dma_start3A_633 = tpu.memref_squeeze %dma_start3A_632 : memref<1x!tpu.dma_semaphore, #tpu.memory_space<semaphore_mem>> -> memref<!tpu.dma_semaphore, #tpu.memory_space<semaphore_mem>>
      tpu.enqueue_indirect_dma source(%dma_start3A_631 : memref<10000x128xf32, #tpu.memory_space<hbm>>) target(%dma_start3A_625 : memref<32x128xf32, #tpu.memory_space<vmem>>) offsets(%dma_start3A_628 : memref<32xi32, #tpu.memory_space<vmem>>) semaphore(%dma_start3A_633 : memref<!tpu.dma_semaphore, #tpu.memory_space<semaphore_mem>>)
      %dma_start3A_634 = arith.constant 1 : i32
      %dma_start3A_635 = arith.constant 1 : i32
      %dma_start3A_636 = arith.constant 96 : i32
      %dma_start3A_637 = arith.constant 0 : i32
      %dma_start3A_638 = tpu.memref_slice %arg8[%dma_start3A_634, %dma_start3A_636, %dma_start3A_637] : memref<2x128x128xf32, #tpu.memory_space<vmem>> -> memref<1x32x128xf32, #tpu.memory_space<vmem>>
      %dma_start3A_639 = tpu.memref_squeeze %dma_start3A_638 : memref<1x32x128xf32, #tpu.memory_space<vmem>> -> memref<32x128xf32, #tpu.memory_space<vmem>>
      %dma_start3A_640 = arith.constant 96 : i32
      %dma_start3A_641 = tpu.memref_slice %arg6[%add3A_591, %dma_start3A_640] : memref<40x128xi32, #tpu.memory_space<vmem>> -> memref<1x32xi32, #tpu.memory_space<vmem>>
      %dma_start3A_642 = tpu.memref_squeeze %dma_start3A_641 : memref<1x32xi32, #tpu.memory_space<vmem>> -> memref<32xi32, #tpu.memory_space<vmem>>
      %dma_start3A_643 = arith.constant 0 : i32
      %dma_start3A_644 = arith.constant 0 : i32
      %dma_start3A_645 = tpu.memref_slice %arg2[%dma_start3A_643, %dma_start3A_644] : memref<10000x128xf32, #tpu.memory_space<hbm>> -> memref<10000x128xf32, #tpu.memory_space<hbm>>
      %dma_start3A_646 = tpu.memref_slice %arg10[%dma_start3A_635] : memref<2x!tpu.dma_semaphore, #tpu.memory_space<semaphore_mem>> -> memref<1x!tpu.dma_semaphore, #tpu.memory_space<semaphore_mem>>
      %dma_start3A_647 = tpu.memref_squeeze %dma_start3A_646 : memref<1x!tpu.dma_semaphore, #tpu.memory_space<semaphore_mem>> -> memref<!tpu.dma_semaphore, #tpu.memory_space<semaphore_mem>>
      tpu.enqueue_indirect_dma source(%dma_start3A_645 : memref<10000x128xf32, #tpu.memory_space<hbm>>) target(%dma_start3A_639 : memref<32x128xf32, #tpu.memory_space<vmem>>) offsets(%dma_start3A_642 : memref<32xi32, #tpu.memory_space<vmem>>) semaphore(%dma_start3A_647 : memref<!tpu.dma_semaphore, #tpu.memory_space<semaphore_mem>>)
      %run_scoped3A_648 = arith.constant 0 : i32
      "tpu.region"() ({
        %run_scoped3A_768 = tpu.sem_alloc : memref<!tpu.dma_semaphore, #tpu.memory_space<semaphore_mem>>
        %dma_start3A_769 = arith.constant 0 : i32
        %dma_start3A_770 = arith.constant 0 : i32
        %dma_start3A_771 = tpu.memref_slice %arg8[%run_scoped3A_648, %dma_start3A_769, %dma_start3A_770] : memref<2x128x128xf32, #tpu.memory_space<vmem>> -> memref<1x128x128xf32, #tpu.memory_space<vmem>>
        %dma_start3A_772 = tpu.memref_squeeze %dma_start3A_771 : memref<1x128x128xf32, #tpu.memory_space<vmem>> -> memref<128x128xf32, #tpu.memory_space<vmem>>
        %dma_start3A_773 = arith.constant 0 : i32
        %dma_start3A_774 = tpu.memref_slice %arg7[%mul3A_533, %dma_start3A_773] : memref<40x128xi32, #tpu.memory_space<vmem>> -> memref<1x128xi32, #tpu.memory_space<vmem>>
        %dma_start3A_775 = tpu.memref_squeeze %dma_start3A_774 : memref<1x128xi32, #tpu.memory_space<vmem>> -> memref<128xi32, #tpu.memory_space<vmem>>
        %dma_start3A_776 = arith.constant 0 : i32
        %dma_start3A_777 = arith.constant 0 : i32
        %dma_start3A_778 = tpu.memref_slice %arg9[%dma_start3A_776, %dma_start3A_777] : memref<10240x128xf32, #tpu.memory_space<vmem_shared>> -> memref<10240x128xf32, #tpu.memory_space<vmem_shared>>
        tpu.enqueue_indirect_dma source(%dma_start3A_772 : memref<128x128xf32, #tpu.memory_space<vmem>>) target(%dma_start3A_778 : memref<10240x128xf32, #tpu.memory_space<vmem_shared>>) offsets(%dma_start3A_775 : memref<128xi32, #tpu.memory_space<vmem>>) semaphore(%run_scoped3A_768 : memref<!tpu.dma_semaphore, #tpu.memory_space<semaphore_mem>>) {add = true}
        %dma_wait3A_779 = arith.constant 0 : i32
        %dma_wait3A_780 = arith.constant 0 : i32
        %dma_wait3A_781 = tpu.memref_slice %arg8[%run_scoped3A_648, %dma_wait3A_779, %dma_wait3A_780] : memref<2x128x128xf32, #tpu.memory_space<vmem>> -> memref<1x128x128xf32, #tpu.memory_space<vmem>>
        %dma_wait3A_782 = tpu.memref_squeeze %dma_wait3A_781 : memref<1x128x128xf32, #tpu.memory_space<vmem>> -> memref<128x128xf32, #tpu.memory_space<vmem>>
        %dma_wait3A_783 = arith.constant 0 : i32
        %dma_wait3A_784 = tpu.memref_slice %arg7[%mul3A_533, %dma_wait3A_783] : memref<40x128xi32, #tpu.memory_space<vmem>> -> memref<1x128xi32, #tpu.memory_space<vmem>>
        %dma_wait3A_785 = tpu.memref_squeeze %dma_wait3A_784 : memref<1x128xi32, #tpu.memory_space<vmem>> -> memref<128xi32, #tpu.memory_space<vmem>>
        %dma_wait3A_786 = arith.constant 0 : i32
        %dma_wait3A_787 = arith.constant 0 : i32
        %dma_wait3A_788 = tpu.memref_slice %arg9[%dma_wait3A_786, %dma_wait3A_787] : memref<10240x128xf32, #tpu.memory_space<vmem_shared>> -> memref<10240x128xf32, #tpu.memory_space<vmem_shared>>
        tpu.wait_indirect_dma semaphore(%run_scoped3A_768 : memref<!tpu.dma_semaphore, #tpu.memory_space<semaphore_mem>>) src(%dma_wait3A_782 : memref<128x128xf32, #tpu.memory_space<vmem>>) dst(%dma_wait3A_788 : memref<10240x128xf32, #tpu.memory_space<vmem_shared>>)
        tpu.yield
      }) : () -> ()
      %add3A_649 = arith.constant 1 : i32
      %add3A_650 = arith.addi %mul3A_533, %add3A_649 : i32
      %dma_wait3A_651 = arith.constant 1 : i32
      %dma_wait3A_652 = arith.constant 1 : i32
      %dma_wait3A_653 = arith.constant 0 : i32
      %dma_wait3A_654 = arith.constant 0 : i32
      %dma_wait3A_655 = tpu.memref_slice %arg8[%dma_wait3A_651, %dma_wait3A_653, %dma_wait3A_654] : memref<2x128x128xf32, #tpu.memory_space<vmem>> -> memref<1x32x128xf32, #tpu.memory_space<vmem>>
      %dma_wait3A_656 = tpu.memref_squeeze %dma_wait3A_655 : memref<1x32x128xf32, #tpu.memory_space<vmem>> -> memref<32x128xf32, #tpu.memory_space<vmem>>
      %dma_wait3A_657 = arith.constant 0 : i32
      %dma_wait3A_658 = tpu.memref_slice %arg6[%add3A_650, %dma_wait3A_657] : memref<40x128xi32, #tpu.memory_space<vmem>> -> memref<1x32xi32, #tpu.memory_space<vmem>>
      %dma_wait3A_659 = tpu.memref_squeeze %dma_wait3A_658 : memref<1x32xi32, #tpu.memory_space<vmem>> -> memref<32xi32, #tpu.memory_space<vmem>>
      %dma_wait3A_660 = arith.constant 0 : i32
      %dma_wait3A_661 = arith.constant 0 : i32
      %dma_wait3A_662 = tpu.memref_slice %arg2[%dma_wait3A_660, %dma_wait3A_661] : memref<10000x128xf32, #tpu.memory_space<hbm>> -> memref<10000x128xf32, #tpu.memory_space<hbm>>
      %dma_wait3A_663 = tpu.memref_slice %arg10[%dma_wait3A_652] : memref<2x!tpu.dma_semaphore, #tpu.memory_space<semaphore_mem>> -> memref<1x!tpu.dma_semaphore, #tpu.memory_space<semaphore_mem>>
      %dma_wait3A_664 = tpu.memref_squeeze %dma_wait3A_663 : memref<1x!tpu.dma_semaphore, #tpu.memory_space<semaphore_mem>> -> memref<!tpu.dma_semaphore, #tpu.memory_space<semaphore_mem>>
      tpu.wait_indirect_dma semaphore(%dma_wait3A_664 : memref<!tpu.dma_semaphore, #tpu.memory_space<semaphore_mem>>) src(%dma_wait3A_662 : memref<10000x128xf32, #tpu.memory_space<hbm>>) dst(%dma_wait3A_656 : memref<32x128xf32, #tpu.memory_space<vmem>>)
      %dma_wait3A_665 = arith.constant 1 : i32
      %dma_wait3A_666 = arith.constant 1 : i32
      %dma_wait3A_667 = arith.constant 32 : i32
      %dma_wait3A_668 = arith.constant 0 : i32
      %dma_wait3A_669 = tpu.memref_slice %arg8[%dma_wait3A_665, %dma_wait3A_667, %dma_wait3A_668] : memref<2x128x128xf32, #tpu.memory_space<vmem>> -> memref<1x32x128xf32, #tpu.memory_space<vmem>>
      %dma_wait3A_670 = tpu.memref_squeeze %dma_wait3A_669 : memref<1x32x128xf32, #tpu.memory_space<vmem>> -> memref<32x128xf32, #tpu.memory_space<vmem>>
      %dma_wait3A_671 = arith.constant 32 : i32
      %dma_wait3A_672 = tpu.memref_slice %arg6[%add3A_650, %dma_wait3A_671] : memref<40x128xi32, #tpu.memory_space<vmem>> -> memref<1x32xi32, #tpu.memory_space<vmem>>
      %dma_wait3A_673 = tpu.memref_squeeze %dma_wait3A_672 : memref<1x32xi32, #tpu.memory_space<vmem>> -> memref<32xi32, #tpu.memory_space<vmem>>
      %dma_wait3A_674 = arith.constant 0 : i32
      %dma_wait3A_675 = arith.constant 0 : i32
      %dma_wait3A_676 = tpu.memref_slice %arg2[%dma_wait3A_674, %dma_wait3A_675] : memref<10000x128xf32, #tpu.memory_space<hbm>> -> memref<10000x128xf32, #tpu.memory_space<hbm>>
      %dma_wait3A_677 = tpu.memref_slice %arg10[%dma_wait3A_666] : memref<2x!tpu.dma_semaphore, #tpu.memory_space<semaphore_mem>> -> memref<1x!tpu.dma_semaphore, #tpu.memory_space<semaphore_mem>>
      %dma_wait3A_678 = tpu.memref_squeeze %dma_wait3A_677 : memref<1x!tpu.dma_semaphore, #tpu.memory_space<semaphore_mem>> -> memref<!tpu.dma_semaphore, #tpu.memory_space<semaphore_mem>>
      tpu.wait_indirect_dma semaphore(%dma_wait3A_678 : memref<!tpu.dma_semaphore, #tpu.memory_space<semaphore_mem>>) src(%dma_wait3A_676 : memref<10000x128xf32, #tpu.memory_space<hbm>>) dst(%dma_wait3A_670 : memref<32x128xf32, #tpu.memory_space<vmem>>)
      %dma_wait3A_679 = arith.constant 1 : i32
      %dma_wait3A_680 = arith.constant 1 : i32
      %dma_wait3A_681 = arith.constant 64 : i32
      %dma_wait3A_682 = arith.constant 0 : i32
      %dma_wait3A_683 = tpu.memref_slice %arg8[%dma_wait3A_679, %dma_wait3A_681, %dma_wait3A_682] : memref<2x128x128xf32, #tpu.memory_space<vmem>> -> memref<1x32x128xf32, #tpu.memory_space<vmem>>
      %dma_wait3A_684 = tpu.memref_squeeze %dma_wait3A_683 : memref<1x32x128xf32, #tpu.memory_space<vmem>> -> memref<32x128xf32, #tpu.memory_space<vmem>>
      %dma_wait3A_685 = arith.constant 64 : i32
      %dma_wait3A_686 = tpu.memref_slice %arg6[%add3A_650, %dma_wait3A_685] : memref<40x128xi32, #tpu.memory_space<vmem>> -> memref<1x32xi32, #tpu.memory_space<vmem>>
      %dma_wait3A_687 = tpu.memref_squeeze %dma_wait3A_686 : memref<1x32xi32, #tpu.memory_space<vmem>> -> memref<32xi32, #tpu.memory_space<vmem>>
      %dma_wait3A_688 = arith.constant 0 : i32
      %dma_wait3A_689 = arith.constant 0 : i32
      %dma_wait3A_690 = tpu.memref_slice %arg2[%dma_wait3A_688, %dma_wait3A_689] : memref<10000x128xf32, #tpu.memory_space<hbm>> -> memref<10000x128xf32, #tpu.memory_space<hbm>>
      %dma_wait3A_691 = tpu.memref_slice %arg10[%dma_wait3A_680] : memref<2x!tpu.dma_semaphore, #tpu.memory_space<semaphore_mem>> -> memref<1x!tpu.dma_semaphore, #tpu.memory_space<semaphore_mem>>
      %dma_wait3A_692 = tpu.memref_squeeze %dma_wait3A_691 : memref<1x!tpu.dma_semaphore, #tpu.memory_space<semaphore_mem>> -> memref<!tpu.dma_semaphore, #tpu.memory_space<semaphore_mem>>
      tpu.wait_indirect_dma semaphore(%dma_wait3A_692 : memref<!tpu.dma_semaphore, #tpu.memory_space<semaphore_mem>>) src(%dma_wait3A_690 : memref<10000x128xf32, #tpu.memory_space<hbm>>) dst(%dma_wait3A_684 : memref<32x128xf32, #tpu.memory_space<vmem>>)
      %dma_wait3A_693 = arith.constant 1 : i32
      %dma_wait3A_694 = arith.constant 1 : i32
      %dma_wait3A_695 = arith.constant 96 : i32
      %dma_wait3A_696 = arith.constant 0 : i32
      %dma_wait3A_697 = tpu.memref_slice %arg8[%dma_wait3A_693, %dma_wait3A_695, %dma_wait3A_696] : memref<2x128x128xf32, #tpu.memory_space<vmem>> -> memref<1x32x128xf32, #tpu.memory_space<vmem>>
      %dma_wait3A_698 = tpu.memref_squeeze %dma_wait3A_697 : memref<1x32x128xf32, #tpu.memory_space<vmem>> -> memref<32x128xf32, #tpu.memory_space<vmem>>
      %dma_wait3A_699 = arith.constant 96 : i32
      %dma_wait3A_700 = tpu.memref_slice %arg6[%add3A_650, %dma_wait3A_699] : memref<40x128xi32, #tpu.memory_space<vmem>> -> memref<1x32xi32, #tpu.memory_space<vmem>>
      %dma_wait3A_701 = tpu.memref_squeeze %dma_wait3A_700 : memref<1x32xi32, #tpu.memory_space<vmem>> -> memref<32xi32, #tpu.memory_space<vmem>>
      %dma_wait3A_702 = arith.constant 0 : i32
      %dma_wait3A_703 = arith.constant 0 : i32
      %dma_wait3A_704 = tpu.memref_slice %arg2[%dma_wait3A_702, %dma_wait3A_703] : memref<10000x128xf32, #tpu.memory_space<hbm>> -> memref<10000x128xf32, #tpu.memory_space<hbm>>
      %dma_wait3A_705 = tpu.memref_slice %arg10[%dma_wait3A_694] : memref<2x!tpu.dma_semaphore, #tpu.memory_space<semaphore_mem>> -> memref<1x!tpu.dma_semaphore, #tpu.memory_space<semaphore_mem>>
      %dma_wait3A_706 = tpu.memref_squeeze %dma_wait3A_705 : memref<1x!tpu.dma_semaphore, #tpu.memory_space<semaphore_mem>> -> memref<!tpu.dma_semaphore, #tpu.memory_space<semaphore_mem>>
      tpu.wait_indirect_dma semaphore(%dma_wait3A_706 : memref<!tpu.dma_semaphore, #tpu.memory_space<semaphore_mem>>) src(%dma_wait3A_704 : memref<10000x128xf32, #tpu.memory_space<hbm>>) dst(%dma_wait3A_698 : memref<32x128xf32, #tpu.memory_space<vmem>>)
      %add3A_707 = arith.constant 2 : i32
      %add3A_708 = arith.addi %mul3A_533, %add3A_707 : i32
      %dma_start3A_709 = arith.constant 0 : i32
      %dma_start3A_710 = arith.constant 0 : i32
      %dma_start3A_711 = arith.constant 0 : i32
      %dma_start3A_712 = arith.constant 0 : i32
      %dma_start3A_713 = tpu.memref_slice %arg8[%dma_start3A_709, %dma_start3A_711, %dma_start3A_712] : memref<2x128x128xf32, #tpu.memory_space<vmem>> -> memref<1x32x128xf32, #tpu.memory_space<vmem>>
      %dma_start3A_714 = tpu.memref_squeeze %dma_start3A_713 : memref<1x32x128xf32, #tpu.memory_space<vmem>> -> memref<32x128xf32, #tpu.memory_space<vmem>>
      %dma_start3A_715 = arith.constant 0 : i32
      %dma_start3A_716 = tpu.memref_slice %arg6[%add3A_708, %dma_start3A_715] : memref<40x128xi32, #tpu.memory_space<vmem>> -> memref<1x32xi32, #tpu.memory_space<vmem>>
      %dma_start3A_717 = tpu.memref_squeeze %dma_start3A_716 : memref<1x32xi32, #tpu.memory_space<vmem>> -> memref<32xi32, #tpu.memory_space<vmem>>
      %dma_start3A_718 = arith.constant 0 : i32
      %dma_start3A_719 = arith.constant 0 : i32
      %dma_start3A_720 = tpu.memref_slice %arg2[%dma_start3A_718, %dma_start3A_719] : memref<10000x128xf32, #tpu.memory_space<hbm>> -> memref<10000x128xf32, #tpu.memory_space<hbm>>
      %dma_start3A_721 = tpu.memref_slice %arg10[%dma_start3A_710] : memref<2x!tpu.dma_semaphore, #tpu.memory_space<semaphore_mem>> -> memref<1x!tpu.dma_semaphore, #tpu.memory_space<semaphore_mem>>
      %dma_start3A_722 = tpu.memref_squeeze %dma_start3A_721 : memref<1x!tpu.dma_semaphore, #tpu.memory_space<semaphore_mem>> -> memref<!tpu.dma_semaphore, #tpu.memory_space<semaphore_mem>>
      tpu.enqueue_indirect_dma source(%dma_start3A_720 : memref<10000x128xf32, #tpu.memory_space<hbm>>) target(%dma_start3A_714 : memref<32x128xf32, #tpu.memory_space<vmem>>) offsets(%dma_start3A_717 : memref<32xi32, #tpu.memory_space<vmem>>) semaphore(%dma_start3A_722 : memref<!tpu.dma_semaphore, #tpu.memory_space<semaphore_mem>>)
      %dma_start3A_723 = arith.constant 0 : i32
      %dma_start3A_724 = arith.constant 0 : i32
      %dma_start3A_725 = arith.constant 32 : i32
      %dma_start3A_726 = arith.constant 0 : i32
      %dma_start3A_727 = tpu.memref_slice %arg8[%dma_start3A_723, %dma_start3A_725, %dma_start3A_726] : memref<2x128x128xf32, #tpu.memory_space<vmem>> -> memref<1x32x128xf32, #tpu.memory_space<vmem>>
      %dma_start3A_728 = tpu.memref_squeeze %dma_start3A_727 : memref<1x32x128xf32, #tpu.memory_space<vmem>> -> memref<32x128xf32, #tpu.memory_space<vmem>>
      %dma_start3A_729 = arith.constant 32 : i32
      %dma_start3A_730 = tpu.memref_slice %arg6[%add3A_708, %dma_start3A_729] : memref<40x128xi32, #tpu.memory_space<vmem>> -> memref<1x32xi32, #tpu.memory_space<vmem>>
      %dma_start3A_731 = tpu.memref_squeeze %dma_start3A_730 : memref<1x32xi32, #tpu.memory_space<vmem>> -> memref<32xi32, #tpu.memory_space<vmem>>
      %dma_start3A_732 = arith.constant 0 : i32
      %dma_start3A_733 = arith.constant 0 : i32
      %dma_start3A_734 = tpu.memref_slice %arg2[%dma_start3A_732, %dma_start3A_733] : memref<10000x128xf32, #tpu.memory_space<hbm>> -> memref<10000x128xf32, #tpu.memory_space<hbm>>
      %dma_start3A_735 = tpu.memref_slice %arg10[%dma_start3A_724] : memref<2x!tpu.dma_semaphore, #tpu.memory_space<semaphore_mem>> -> memref<1x!tpu.dma_semaphore, #tpu.memory_space<semaphore_mem>>
      %dma_start3A_736 = tpu.memref_squeeze %dma_start3A_735 : memref<1x!tpu.dma_semaphore, #tpu.memory_space<semaphore_mem>> -> memref<!tpu.dma_semaphore, #tpu.memory_space<semaphore_mem>>
      tpu.enqueue_indirect_dma source(%dma_start3A_734 : memref<10000x128xf32, #tpu.memory_space<hbm>>) target(%dma_start3A_728 : memref<32x128xf32, #tpu.memory_space<vmem>>) offsets(%dma_start3A_731 : memref<32xi32, #tpu.memory_space<vmem>>) semaphore(%dma_start3A_736 : memref<!tpu.dma_semaphore, #tpu.memory_space<semaphore_mem>>)
      %dma_start3A_737 = arith.constant 0 : i32
      %dma_start3A_738 = arith.constant 0 : i32
      %dma_start3A_739 = arith.constant 64 : i32
      %dma_start3A_740 = arith.constant 0 : i32
      %dma_start3A_741 = tpu.memref_slice %arg8[%dma_start3A_737, %dma_start3A_739, %dma_start3A_740] : memref<2x128x128xf32, #tpu.memory_space<vmem>> -> memref<1x32x128xf32, #tpu.memory_space<vmem>>
      %dma_start3A_742 = tpu.memref_squeeze %dma_start3A_741 : memref<1x32x128xf32, #tpu.memory_space<vmem>> -> memref<32x128xf32, #tpu.memory_space<vmem>>
      %dma_start3A_743 = arith.constant 64 : i32
      %dma_start3A_744 = tpu.memref_slice %arg6[%add3A_708, %dma_start3A_743] : memref<40x128xi32, #tpu.memory_space<vmem>> -> memref<1x32xi32, #tpu.memory_space<vmem>>
      %dma_start3A_745 = tpu.memref_squeeze %dma_start3A_744 : memref<1x32xi32, #tpu.memory_space<vmem>> -> memref<32xi32, #tpu.memory_space<vmem>>
      %dma_start3A_746 = arith.constant 0 : i32
      %dma_start3A_747 = arith.constant 0 : i32
      %dma_start3A_748 = tpu.memref_slice %arg2[%dma_start3A_746, %dma_start3A_747] : memref<10000x128xf32, #tpu.memory_space<hbm>> -> memref<10000x128xf32, #tpu.memory_space<hbm>>
      %dma_start3A_749 = tpu.memref_slice %arg10[%dma_start3A_738] : memref<2x!tpu.dma_semaphore, #tpu.memory_space<semaphore_mem>> -> memref<1x!tpu.dma_semaphore, #tpu.memory_space<semaphore_mem>>
      %dma_start3A_750 = tpu.memref_squeeze %dma_start3A_749 : memref<1x!tpu.dma_semaphore, #tpu.memory_space<semaphore_mem>> -> memref<!tpu.dma_semaphore, #tpu.memory_space<semaphore_mem>>
      tpu.enqueue_indirect_dma source(%dma_start3A_748 : memref<10000x128xf32, #tpu.memory_space<hbm>>) target(%dma_start3A_742 : memref<32x128xf32, #tpu.memory_space<vmem>>) offsets(%dma_start3A_745 : memref<32xi32, #tpu.memory_space<vmem>>) semaphore(%dma_start3A_750 : memref<!tpu.dma_semaphore, #tpu.memory_space<semaphore_mem>>)
      %dma_start3A_751 = arith.constant 0 : i32
      %dma_start3A_752 = arith.constant 0 : i32
      %dma_start3A_753 = arith.constant 96 : i32
      %dma_start3A_754 = arith.constant 0 : i32
      %dma_start3A_755 = tpu.memref_slice %arg8[%dma_start3A_751, %dma_start3A_753, %dma_start3A_754] : memref<2x128x128xf32, #tpu.memory_space<vmem>> -> memref<1x32x128xf32, #tpu.memory_space<vmem>>
      %dma_start3A_756 = tpu.memref_squeeze %dma_start3A_755 : memref<1x32x128xf32, #tpu.memory_space<vmem>> -> memref<32x128xf32, #tpu.memory_space<vmem>>
      %dma_start3A_757 = arith.constant 96 : i32
      %dma_start3A_758 = tpu.memref_slice %arg6[%add3A_708, %dma_start3A_757] : memref<40x128xi32, #tpu.memory_space<vmem>> -> memref<1x32xi32, #tpu.memory_space<vmem>>
      %dma_start3A_759 = tpu.memref_squeeze %dma_start3A_758 : memref<1x32xi32, #tpu.memory_space<vmem>> -> memref<32xi32, #tpu.memory_space<vmem>>
      %dma_start3A_760 = arith.constant 0 : i32
      %dma_start3A_761 = arith.constant 0 : i32
      %dma_start3A_762 = tpu.memref_slice %arg2[%dma_start3A_760, %dma_start3A_761] : memref<10000x128xf32, #tpu.memory_space<hbm>> -> memref<10000x128xf32, #tpu.memory_space<hbm>>
      %dma_start3A_763 = tpu.memref_slice %arg10[%dma_start3A_752] : memref<2x!tpu.dma_semaphore, #tpu.memory_space<semaphore_mem>> -> memref<1x!tpu.dma_semaphore, #tpu.memory_space<semaphore_mem>>
      %dma_start3A_764 = tpu.memref_squeeze %dma_start3A_763 : memref<1x!tpu.dma_semaphore, #tpu.memory_space<semaphore_mem>> -> memref<!tpu.dma_semaphore, #tpu.memory_space<semaphore_mem>>
      tpu.enqueue_indirect_dma source(%dma_start3A_762 : memref<10000x128xf32, #tpu.memory_space<hbm>>) target(%dma_start3A_756 : memref<32x128xf32, #tpu.memory_space<vmem>>) offsets(%dma_start3A_759 : memref<32xi32, #tpu.memory_space<vmem>>) semaphore(%dma_start3A_764 : memref<!tpu.dma_semaphore, #tpu.memory_space<semaphore_mem>>)
      %add3A_765 = arith.constant 1 : i32
      %add3A_766 = arith.addi %mul3A_533, %add3A_765 : i32
      %run_scoped3A_767 = arith.constant 1 : i32
      "tpu.region"() ({
        %run_scoped3A_768 = tpu.sem_alloc : memref<!tpu.dma_semaphore, #tpu.memory_space<semaphore_mem>>
        %dma_start3A_769 = arith.constant 0 : i32
        %dma_start3A_770 = arith.constant 0 : i32
        %dma_start3A_771 = tpu.memref_slice %arg8[%run_scoped3A_767, %dma_start3A_769, %dma_start3A_770] : memref<2x128x128xf32, #tpu.memory_space<vmem>> -> memref<1x128x128xf32, #tpu.memory_space<vmem>>
        %dma_start3A_772 = tpu.memref_squeeze %dma_start3A_771 : memref<1x128x128xf32, #tpu.memory_space<vmem>> -> memref<128x128xf32, #tpu.memory_space<vmem>>
        %dma_start3A_773 = arith.constant 0 : i32
        %dma_start3A_774 = tpu.memref_slice %arg7[%add3A_766, %dma_start3A_773] : memref<40x128xi32, #tpu.memory_space<vmem>> -> memref<1x128xi32, #tpu.memory_space<vmem>>
        %dma_start3A_775 = tpu.memref_squeeze %dma_start3A_774 : memref<1x128xi32, #tpu.memory_space<vmem>> -> memref<128xi32, #tpu.memory_space<vmem>>
        %dma_start3A_776 = arith.constant 0 : i32
        %dma_start3A_777 = arith.constant 0 : i32
        %dma_start3A_778 = tpu.memref_slice %arg9[%dma_start3A_776, %dma_start3A_777] : memref<10240x128xf32, #tpu.memory_space<vmem_shared>> -> memref<10240x128xf32, #tpu.memory_space<vmem_shared>>
        tpu.enqueue_indirect_dma source(%dma_start3A_772 : memref<128x128xf32, #tpu.memory_space<vmem>>) target(%dma_start3A_778 : memref<10240x128xf32, #tpu.memory_space<vmem_shared>>) offsets(%dma_start3A_775 : memref<128xi32, #tpu.memory_space<vmem>>) semaphore(%run_scoped3A_768 : memref<!tpu.dma_semaphore, #tpu.memory_space<semaphore_mem>>) {add = true}
        %dma_wait3A_779 = arith.constant 0 : i32
        %dma_wait3A_780 = arith.constant 0 : i32
        %dma_wait3A_781 = tpu.memref_slice %arg8[%run_scoped3A_767, %dma_wait3A_779, %dma_wait3A_780] : memref<2x128x128xf32, #tpu.memory_space<vmem>> -> memref<1x128x128xf32, #tpu.memory_space<vmem>>
        %dma_wait3A_782 = tpu.memref_squeeze %dma_wait3A_781 : memref<1x128x128xf32, #tpu.memory_space<vmem>> -> memref<128x128xf32, #tpu.memory_space<vmem>>
        %dma_wait3A_783 = arith.constant 0 : i32
        %dma_wait3A_784 = tpu.memref_slice %arg7[%add3A_766, %dma_wait3A_783] : memref<40x128xi32, #tpu.memory_space<vmem>> -> memref<1x128xi32, #tpu.memory_space<vmem>>
        %dma_wait3A_785 = tpu.memref_squeeze %dma_wait3A_784 : memref<1x128xi32, #tpu.memory_space<vmem>> -> memref<128xi32, #tpu.memory_space<vmem>>
        %dma_wait3A_786 = arith.constant 0 : i32
        %dma_wait3A_787 = arith.constant 0 : i32
        %dma_wait3A_788 = tpu.memref_slice %arg9[%dma_wait3A_786, %dma_wait3A_787] : memref<10240x128xf32, #tpu.memory_space<vmem_shared>> -> memref<10240x128xf32, #tpu.memory_space<vmem_shared>>
        tpu.wait_indirect_dma semaphore(%run_scoped3A_768 : memref<!tpu.dma_semaphore, #tpu.memory_space<semaphore_mem>>) src(%dma_wait3A_782 : memref<128x128xf32, #tpu.memory_space<vmem>>) dst(%dma_wait3A_788 : memref<10240x128xf32, #tpu.memory_space<vmem_shared>>)
        tpu.yield
      }) : () -> ()
    }
    %scan3A_337 = arith.constant 19 : i32
    %dma_wait3A_338 = arith.constant 38 : i32
    %dma_wait3A_339 = arith.constant 0 : i32
    %dma_wait3A_340 = arith.constant 0 : i32
    %dma_wait3A_341 = arith.constant 0 : i32
    %dma_wait3A_342 = arith.constant 0 : i32
    %dma_wait3A_343 = tpu.memref_slice %arg8[%dma_wait3A_339, %dma_wait3A_341, %dma_wait3A_342] : memref<2x128x128xf32, #tpu.memory_space<vmem>> -> memref<1x32x128xf32, #tpu.memory_space<vmem>>
    %dma_wait3A_344 = tpu.memref_squeeze %dma_wait3A_343 : memref<1x32x128xf32, #tpu.memory_space<vmem>> -> memref<32x128xf32, #tpu.memory_space<vmem>>
    %dma_wait3A_345 = arith.constant 0 : i32
    %dma_wait3A_346 = tpu.memref_slice %arg6[%dma_wait3A_338, %dma_wait3A_345] : memref<40x128xi32, #tpu.memory_space<vmem>> -> memref<1x32xi32, #tpu.memory_space<vmem>>
    %dma_wait3A_347 = tpu.memref_squeeze %dma_wait3A_346 : memref<1x32xi32, #tpu.memory_space<vmem>> -> memref<32xi32, #tpu.memory_space<vmem>>
    %dma_wait3A_348 = arith.constant 0 : i32
    %dma_wait3A_349 = arith.constant 0 : i32
    %dma_wait3A_350 = tpu.memref_slice %arg2[%dma_wait3A_348, %dma_wait3A_349] : memref<10000x128xf32, #tpu.memory_space<hbm>> -> memref<10000x128xf32, #tpu.memory_space<hbm>>
    %dma_wait3A_351 = tpu.memref_slice %arg10[%dma_wait3A_340] : memref<2x!tpu.dma_semaphore, #tpu.memory_space<semaphore_mem>> -> memref<1x!tpu.dma_semaphore, #tpu.memory_space<semaphore_mem>>
    %dma_wait3A_352 = tpu.memref_squeeze %dma_wait3A_351 : memref<1x!tpu.dma_semaphore, #tpu.memory_space<semaphore_mem>> -> memref<!tpu.dma_semaphore, #tpu.memory_space<semaphore_mem>>
    tpu.wait_indirect_dma semaphore(%dma_wait3A_352 : memref<!tpu.dma_semaphore, #tpu.memory_space<semaphore_mem>>) src(%dma_wait3A_350 : memref<10000x128xf32, #tpu.memory_space<hbm>>) dst(%dma_wait3A_344 : memref<32x128xf32, #tpu.memory_space<vmem>>)
    %dma_wait3A_353 = arith.constant 38 : i32
    %dma_wait3A_354 = arith.constant 0 : i32
    %dma_wait3A_355 = arith.constant 0 : i32
    %dma_wait3A_356 = arith.constant 32 : i32
    %dma_wait3A_357 = arith.constant 0 : i32
    %dma_wait3A_358 = tpu.memref_slice %arg8[%dma_wait3A_354, %dma_wait3A_356, %dma_wait3A_357] : memref<2x128x128xf32, #tpu.memory_space<vmem>> -> memref<1x32x128xf32, #tpu.memory_space<vmem>>
    %dma_wait3A_359 = tpu.memref_squeeze %dma_wait3A_358 : memref<1x32x128xf32, #tpu.memory_space<vmem>> -> memref<32x128xf32, #tpu.memory_space<vmem>>
    %dma_wait3A_360 = arith.constant 32 : i32
    %dma_wait3A_361 = tpu.memref_slice %arg6[%dma_wait3A_353, %dma_wait3A_360] : memref<40x128xi32, #tpu.memory_space<vmem>> -> memref<1x32xi32, #tpu.memory_space<vmem>>
    %dma_wait3A_362 = tpu.memref_squeeze %dma_wait3A_361 : memref<1x32xi32, #tpu.memory_space<vmem>> -> memref<32xi32, #tpu.memory_space<vmem>>
    %dma_wait3A_363 = arith.constant 0 : i32
    %dma_wait3A_364 = arith.constant 0 : i32
    %dma_wait3A_365 = tpu.memref_slice %arg2[%dma_wait3A_363, %dma_wait3A_364] : memref<10000x128xf32, #tpu.memory_space<hbm>> -> memref<10000x128xf32, #tpu.memory_space<hbm>>
    %dma_wait3A_366 = tpu.memref_slice %arg10[%dma_wait3A_355] : memref<2x!tpu.dma_semaphore, #tpu.memory_space<semaphore_mem>> -> memref<1x!tpu.dma_semaphore, #tpu.memory_space<semaphore_mem>>
    %dma_wait3A_367 = tpu.memref_squeeze %dma_wait3A_366 : memref<1x!tpu.dma_semaphore, #tpu.memory_space<semaphore_mem>> -> memref<!tpu.dma_semaphore, #tpu.memory_space<semaphore_mem>>
    tpu.wait_indirect_dma semaphore(%dma_wait3A_367 : memref<!tpu.dma_semaphore, #tpu.memory_space<semaphore_mem>>) src(%dma_wait3A_365 : memref<10000x128xf32, #tpu.memory_space<hbm>>) dst(%dma_wait3A_359 : memref<32x128xf32, #tpu.memory_space<vmem>>)
    %dma_wait3A_368 = arith.constant 38 : i32
    %dma_wait3A_369 = arith.constant 0 : i32
    %dma_wait3A_370 = arith.constant 0 : i32
    %dma_wait3A_371 = arith.constant 64 : i32
    %dma_wait3A_372 = arith.constant 0 : i32
    %dma_wait3A_373 = tpu.memref_slice %arg8[%dma_wait3A_369, %dma_wait3A_371, %dma_wait3A_372] : memref<2x128x128xf32, #tpu.memory_space<vmem>> -> memref<1x32x128xf32, #tpu.memory_space<vmem>>
    %dma_wait3A_374 = tpu.memref_squeeze %dma_wait3A_373 : memref<1x32x128xf32, #tpu.memory_space<vmem>> -> memref<32x128xf32, #tpu.memory_space<vmem>>
    %dma_wait3A_375 = arith.constant 64 : i32
    %dma_wait3A_376 = tpu.memref_slice %arg6[%dma_wait3A_368, %dma_wait3A_375] : memref<40x128xi32, #tpu.memory_space<vmem>> -> memref<1x32xi32, #tpu.memory_space<vmem>>
    %dma_wait3A_377 = tpu.memref_squeeze %dma_wait3A_376 : memref<1x32xi32, #tpu.memory_space<vmem>> -> memref<32xi32, #tpu.memory_space<vmem>>
    %dma_wait3A_378 = arith.constant 0 : i32
    %dma_wait3A_379 = arith.constant 0 : i32
    %dma_wait3A_380 = tpu.memref_slice %arg2[%dma_wait3A_378, %dma_wait3A_379] : memref<10000x128xf32, #tpu.memory_space<hbm>> -> memref<10000x128xf32, #tpu.memory_space<hbm>>
    %dma_wait3A_381 = tpu.memref_slice %arg10[%dma_wait3A_370] : memref<2x!tpu.dma_semaphore, #tpu.memory_space<semaphore_mem>> -> memref<1x!tpu.dma_semaphore, #tpu.memory_space<semaphore_mem>>
    %dma_wait3A_382 = tpu.memref_squeeze %dma_wait3A_381 : memref<1x!tpu.dma_semaphore, #tpu.memory_space<semaphore_mem>> -> memref<!tpu.dma_semaphore, #tpu.memory_space<semaphore_mem>>
    tpu.wait_indirect_dma semaphore(%dma_wait3A_382 : memref<!tpu.dma_semaphore, #tpu.memory_space<semaphore_mem>>) src(%dma_wait3A_380 : memref<10000x128xf32, #tpu.memory_space<hbm>>) dst(%dma_wait3A_374 : memref<32x128xf32, #tpu.memory_space<vmem>>)
    %dma_wait3A_383 = arith.constant 38 : i32
    %dma_wait3A_384 = arith.constant 0 : i32
    %dma_wait3A_385 = arith.constant 0 : i32
    %dma_wait3A_386 = arith.constant 96 : i32
    %dma_wait3A_387 = arith.constant 0 : i32
    %dma_wait3A_388 = tpu.memref_slice %arg8[%dma_wait3A_384, %dma_wait3A_386, %dma_wait3A_387] : memref<2x128x128xf32, #tpu.memory_space<vmem>> -> memref<1x32x128xf32, #tpu.memory_space<vmem>>
    %dma_wait3A_389 = tpu.memref_squeeze %dma_wait3A_388 : memref<1x32x128xf32, #tpu.memory_space<vmem>> -> memref<32x128xf32, #tpu.memory_space<vmem>>
    %dma_wait3A_390 = arith.constant 96 : i32
    %dma_wait3A_391 = tpu.memref_slice %arg6[%dma_wait3A_383, %dma_wait3A_390] : memref<40x128xi32, #tpu.memory_space<vmem>> -> memref<1x32xi32, #tpu.memory_space<vmem>>
    %dma_wait3A_392 = tpu.memref_squeeze %dma_wait3A_391 : memref<1x32xi32, #tpu.memory_space<vmem>> -> memref<32xi32, #tpu.memory_space<vmem>>
    %dma_wait3A_393 = arith.constant 0 : i32
    %dma_wait3A_394 = arith.constant 0 : i32
    %dma_wait3A_395 = tpu.memref_slice %arg2[%dma_wait3A_393, %dma_wait3A_394] : memref<10000x128xf32, #tpu.memory_space<hbm>> -> memref<10000x128xf32, #tpu.memory_space<hbm>>
    %dma_wait3A_396 = tpu.memref_slice %arg10[%dma_wait3A_385] : memref<2x!tpu.dma_semaphore, #tpu.memory_space<semaphore_mem>> -> memref<1x!tpu.dma_semaphore, #tpu.memory_space<semaphore_mem>>
    %dma_wait3A_397 = tpu.memref_squeeze %dma_wait3A_396 : memref<1x!tpu.dma_semaphore, #tpu.memory_space<semaphore_mem>> -> memref<!tpu.dma_semaphore, #tpu.memory_space<semaphore_mem>>
    tpu.wait_indirect_dma semaphore(%dma_wait3A_397 : memref<!tpu.dma_semaphore, #tpu.memory_space<semaphore_mem>>) src(%dma_wait3A_395 : memref<10000x128xf32, #tpu.memory_space<hbm>>) dst(%dma_wait3A_389 : memref<32x128xf32, #tpu.memory_space<vmem>>)
    %dma_start3A_398 = arith.constant 39 : i32
    %dma_start3A_399 = arith.constant 1 : i32
    %dma_start3A_400 = arith.constant 1 : i32
    %dma_start3A_401 = arith.constant 0 : i32
    %dma_start3A_402 = arith.constant 0 : i32
    %dma_start3A_403 = tpu.memref_slice %arg8[%dma_start3A_399, %dma_start3A_401, %dma_start3A_402] : memref<2x128x128xf32, #tpu.memory_space<vmem>> -> memref<1x32x128xf32, #tpu.memory_space<vmem>>
    %dma_start3A_404 = tpu.memref_squeeze %dma_start3A_403 : memref<1x32x128xf32, #tpu.memory_space<vmem>> -> memref<32x128xf32, #tpu.memory_space<vmem>>
    %dma_start3A_405 = arith.constant 0 : i32
    %dma_start3A_406 = tpu.memref_slice %arg6[%dma_start3A_398, %dma_start3A_405] : memref<40x128xi32, #tpu.memory_space<vmem>> -> memref<1x32xi32, #tpu.memory_space<vmem>>
    %dma_start3A_407 = tpu.memref_squeeze %dma_start3A_406 : memref<1x32xi32, #tpu.memory_space<vmem>> -> memref<32xi32, #tpu.memory_space<vmem>>
    %dma_start3A_408 = arith.constant 0 : i32
    %dma_start3A_409 = arith.constant 0 : i32
    %dma_start3A_410 = tpu.memref_slice %arg2[%dma_start3A_408, %dma_start3A_409] : memref<10000x128xf32, #tpu.memory_space<hbm>> -> memref<10000x128xf32, #tpu.memory_space<hbm>>
    %dma_start3A_411 = tpu.memref_slice %arg10[%dma_start3A_400] : memref<2x!tpu.dma_semaphore, #tpu.memory_space<semaphore_mem>> -> memref<1x!tpu.dma_semaphore, #tpu.memory_space<semaphore_mem>>
    %dma_start3A_412 = tpu.memref_squeeze %dma_start3A_411 : memref<1x!tpu.dma_semaphore, #tpu.memory_space<semaphore_mem>> -> memref<!tpu.dma_semaphore, #tpu.memory_space<semaphore_mem>>
    tpu.enqueue_indirect_dma source(%dma_start3A_410 : memref<10000x128xf32, #tpu.memory_space<hbm>>) target(%dma_start3A_404 : memref<32x128xf32, #tpu.memory_space<vmem>>) offsets(%dma_start3A_407 : memref<32xi32, #tpu.memory_space<vmem>>) semaphore(%dma_start3A_412 : memref<!tpu.dma_semaphore, #tpu.memory_space<semaphore_mem>>)
    %dma_start3A_413 = arith.constant 39 : i32
    %dma_start3A_414 = arith.constant 1 : i32
    %dma_start3A_415 = arith.constant 1 : i32
    %dma_start3A_416 = arith.constant 32 : i32
    %dma_start3A_417 = arith.constant 0 : i32
    %dma_start3A_418 = tpu.memref_slice %arg8[%dma_start3A_414, %dma_start3A_416, %dma_start3A_417] : memref<2x128x128xf32, #tpu.memory_space<vmem>> -> memref<1x32x128xf32, #tpu.memory_space<vmem>>
    %dma_start3A_419 = tpu.memref_squeeze %dma_start3A_418 : memref<1x32x128xf32, #tpu.memory_space<vmem>> -> memref<32x128xf32, #tpu.memory_space<vmem>>
    %dma_start3A_420 = arith.constant 32 : i32
    %dma_start3A_421 = tpu.memref_slice %arg6[%dma_start3A_413, %dma_start3A_420] : memref<40x128xi32, #tpu.memory_space<vmem>> -> memref<1x32xi32, #tpu.memory_space<vmem>>
    %dma_start3A_422 = tpu.memref_squeeze %dma_start3A_421 : memref<1x32xi32, #tpu.memory_space<vmem>> -> memref<32xi32, #tpu.memory_space<vmem>>
    %dma_start3A_423 = arith.constant 0 : i32
    %dma_start3A_424 = arith.constant 0 : i32
    %dma_start3A_425 = tpu.memref_slice %arg2[%dma_start3A_423, %dma_start3A_424] : memref<10000x128xf32, #tpu.memory_space<hbm>> -> memref<10000x128xf32, #tpu.memory_space<hbm>>
    %dma_start3A_426 = tpu.memref_slice %arg10[%dma_start3A_415] : memref<2x!tpu.dma_semaphore, #tpu.memory_space<semaphore_mem>> -> memref<1x!tpu.dma_semaphore, #tpu.memory_space<semaphore_mem>>
    %dma_start3A_427 = tpu.memref_squeeze %dma_start3A_426 : memref<1x!tpu.dma_semaphore, #tpu.memory_space<semaphore_mem>> -> memref<!tpu.dma_semaphore, #tpu.memory_space<semaphore_mem>>
    tpu.enqueue_indirect_dma source(%dma_start3A_425 : memref<10000x128xf32, #tpu.memory_space<hbm>>) target(%dma_start3A_419 : memref<32x128xf32, #tpu.memory_space<vmem>>) offsets(%dma_start3A_422 : memref<32xi32, #tpu.memory_space<vmem>>) semaphore(%dma_start3A_427 : memref<!tpu.dma_semaphore, #tpu.memory_space<semaphore_mem>>)
    %dma_start3A_428 = arith.constant 39 : i32
    %dma_start3A_429 = arith.constant 1 : i32
    %dma_start3A_430 = arith.constant 1 : i32
    %dma_start3A_431 = arith.constant 64 : i32
    %dma_start3A_432 = arith.constant 0 : i32
    %dma_start3A_433 = tpu.memref_slice %arg8[%dma_start3A_429, %dma_start3A_431, %dma_start3A_432] : memref<2x128x128xf32, #tpu.memory_space<vmem>> -> memref<1x32x128xf32, #tpu.memory_space<vmem>>
    %dma_start3A_434 = tpu.memref_squeeze %dma_start3A_433 : memref<1x32x128xf32, #tpu.memory_space<vmem>> -> memref<32x128xf32, #tpu.memory_space<vmem>>
    %dma_start3A_435 = arith.constant 64 : i32
    %dma_start3A_436 = tpu.memref_slice %arg6[%dma_start3A_428, %dma_start3A_435] : memref<40x128xi32, #tpu.memory_space<vmem>> -> memref<1x32xi32, #tpu.memory_space<vmem>>
    %dma_start3A_437 = tpu.memref_squeeze %dma_start3A_436 : memref<1x32xi32, #tpu.memory_space<vmem>> -> memref<32xi32, #tpu.memory_space<vmem>>
    %dma_start3A_438 = arith.constant 0 : i32
    %dma_start3A_439 = arith.constant 0 : i32
    %dma_start3A_440 = tpu.memref_slice %arg2[%dma_start3A_438, %dma_start3A_439] : memref<10000x128xf32, #tpu.memory_space<hbm>> -> memref<10000x128xf32, #tpu.memory_space<hbm>>
    %dma_start3A_441 = tpu.memref_slice %arg10[%dma_start3A_430] : memref<2x!tpu.dma_semaphore, #tpu.memory_space<semaphore_mem>> -> memref<1x!tpu.dma_semaphore, #tpu.memory_space<semaphore_mem>>
    %dma_start3A_442 = tpu.memref_squeeze %dma_start3A_441 : memref<1x!tpu.dma_semaphore, #tpu.memory_space<semaphore_mem>> -> memref<!tpu.dma_semaphore, #tpu.memory_space<semaphore_mem>>
    tpu.enqueue_indirect_dma source(%dma_start3A_440 : memref<10000x128xf32, #tpu.memory_space<hbm>>) target(%dma_start3A_434 : memref<32x128xf32, #tpu.memory_space<vmem>>) offsets(%dma_start3A_437 : memref<32xi32, #tpu.memory_space<vmem>>) semaphore(%dma_start3A_442 : memref<!tpu.dma_semaphore, #tpu.memory_space<semaphore_mem>>)
    %dma_start3A_443 = arith.constant 39 : i32
    %dma_start3A_444 = arith.constant 1 : i32
    %dma_start3A_445 = arith.constant 1 : i32
    %dma_start3A_446 = arith.constant 96 : i32
    %dma_start3A_447 = arith.constant 0 : i32
    %dma_start3A_448 = tpu.memref_slice %arg8[%dma_start3A_444, %dma_start3A_446, %dma_start3A_447] : memref<2x128x128xf32, #tpu.memory_space<vmem>> -> memref<1x32x128xf32, #tpu.memory_space<vmem>>
    %dma_start3A_449 = tpu.memref_squeeze %dma_start3A_448 : memref<1x32x128xf32, #tpu.memory_space<vmem>> -> memref<32x128xf32, #tpu.memory_space<vmem>>
    %dma_start3A_450 = arith.constant 96 : i32
    %dma_start3A_451 = tpu.memref_slice %arg6[%dma_start3A_443, %dma_start3A_450] : memref<40x128xi32, #tpu.memory_space<vmem>> -> memref<1x32xi32, #tpu.memory_space<vmem>>
    %dma_start3A_452 = tpu.memref_squeeze %dma_start3A_451 : memref<1x32xi32, #tpu.memory_space<vmem>> -> memref<32xi32, #tpu.memory_space<vmem>>
    %dma_start3A_453 = arith.constant 0 : i32
    %dma_start3A_454 = arith.constant 0 : i32
    %dma_start3A_455 = tpu.memref_slice %arg2[%dma_start3A_453, %dma_start3A_454] : memref<10000x128xf32, #tpu.memory_space<hbm>> -> memref<10000x128xf32, #tpu.memory_space<hbm>>
    %dma_start3A_456 = tpu.memref_slice %arg10[%dma_start3A_445] : memref<2x!tpu.dma_semaphore, #tpu.memory_space<semaphore_mem>> -> memref<1x!tpu.dma_semaphore, #tpu.memory_space<semaphore_mem>>
    %dma_start3A_457 = tpu.memref_squeeze %dma_start3A_456 : memref<1x!tpu.dma_semaphore, #tpu.memory_space<semaphore_mem>> -> memref<!tpu.dma_semaphore, #tpu.memory_space<semaphore_mem>>
    tpu.enqueue_indirect_dma source(%dma_start3A_455 : memref<10000x128xf32, #tpu.memory_space<hbm>>) target(%dma_start3A_449 : memref<32x128xf32, #tpu.memory_space<vmem>>) offsets(%dma_start3A_452 : memref<32xi32, #tpu.memory_space<vmem>>) semaphore(%dma_start3A_457 : memref<!tpu.dma_semaphore, #tpu.memory_space<semaphore_mem>>)
    %run_scoped3A_458 = arith.constant 0 : i32
    %run_scoped3A_459 = arith.constant 38 : i32
    "tpu.region"() ({
      %run_scoped3A_527 = tpu.sem_alloc : memref<!tpu.dma_semaphore, #tpu.memory_space<semaphore_mem>>
      %dma_start3A_528 = arith.constant 0 : i32
      %dma_start3A_529 = arith.constant 0 : i32
      %dma_start3A_530 = tpu.memref_slice %arg8[%run_scoped3A_458, %dma_start3A_528, %dma_start3A_529] : memref<2x128x128xf32, #tpu.memory_space<vmem>> -> memref<1x128x128xf32, #tpu.memory_space<vmem>>
      %dma_start3A_531 = tpu.memref_squeeze %dma_start3A_530 : memref<1x128x128xf32, #tpu.memory_space<vmem>> -> memref<128x128xf32, #tpu.memory_space<vmem>>
      %dma_start3A_532 = arith.constant 0 : i32
      %dma_start3A_533 = tpu.memref_slice %arg7[%run_scoped3A_459, %dma_start3A_532] : memref<40x128xi32, #tpu.memory_space<vmem>> -> memref<1x128xi32, #tpu.memory_space<vmem>>
      %dma_start3A_534 = tpu.memref_squeeze %dma_start3A_533 : memref<1x128xi32, #tpu.memory_space<vmem>> -> memref<128xi32, #tpu.memory_space<vmem>>
      %dma_start3A_535 = arith.constant 0 : i32
      %dma_start3A_536 = arith.constant 0 : i32
      %dma_start3A_537 = tpu.memref_slice %arg9[%dma_start3A_535, %dma_start3A_536] : memref<10240x128xf32, #tpu.memory_space<vmem_shared>> -> memref<10240x128xf32, #tpu.memory_space<vmem_shared>>
      tpu.enqueue_indirect_dma source(%dma_start3A_531 : memref<128x128xf32, #tpu.memory_space<vmem>>) target(%dma_start3A_537 : memref<10240x128xf32, #tpu.memory_space<vmem_shared>>) offsets(%dma_start3A_534 : memref<128xi32, #tpu.memory_space<vmem>>) semaphore(%run_scoped3A_527 : memref<!tpu.dma_semaphore, #tpu.memory_space<semaphore_mem>>) {add = true}
      %dma_wait3A_538 = arith.constant 0 : i32
      %dma_wait3A_539 = arith.constant 0 : i32
      %dma_wait3A_540 = tpu.memref_slice %arg8[%run_scoped3A_458, %dma_wait3A_538, %dma_wait3A_539] : memref<2x128x128xf32, #tpu.memory_space<vmem>> -> memref<1x128x128xf32, #tpu.memory_space<vmem>>
      %dma_wait3A_541 = tpu.memref_squeeze %dma_wait3A_540 : memref<1x128x128xf32, #tpu.memory_space<vmem>> -> memref<128x128xf32, #tpu.memory_space<vmem>>
      %dma_wait3A_542 = arith.constant 0 : i32
      %dma_wait3A_543 = tpu.memref_slice %arg7[%run_scoped3A_459, %dma_wait3A_542] : memref<40x128xi32, #tpu.memory_space<vmem>> -> memref<1x128xi32, #tpu.memory_space<vmem>>
      %dma_wait3A_544 = tpu.memref_squeeze %dma_wait3A_543 : memref<1x128xi32, #tpu.memory_space<vmem>> -> memref<128xi32, #tpu.memory_space<vmem>>
      %dma_wait3A_545 = arith.constant 0 : i32
      %dma_wait3A_546 = arith.constant 0 : i32
      %dma_wait3A_547 = tpu.memref_slice %arg9[%dma_wait3A_545, %dma_wait3A_546] : memref<10240x128xf32, #tpu.memory_space<vmem_shared>> -> memref<10240x128xf32, #tpu.memory_space<vmem_shared>>
      tpu.wait_indirect_dma semaphore(%run_scoped3A_527 : memref<!tpu.dma_semaphore, #tpu.memory_space<semaphore_mem>>) src(%dma_wait3A_541 : memref<128x128xf32, #tpu.memory_space<vmem>>) dst(%dma_wait3A_547 : memref<10240x128xf32, #tpu.memory_space<vmem_shared>>)
      tpu.yield
    }) : () -> ()
    %dma_wait3A_460 = arith.constant 39 : i32
    %dma_wait3A_461 = arith.constant 1 : i32
    %dma_wait3A_462 = arith.constant 1 : i32
    %dma_wait3A_463 = arith.constant 0 : i32
    %dma_wait3A_464 = arith.constant 0 : i32
    %dma_wait3A_465 = tpu.memref_slice %arg8[%dma_wait3A_461, %dma_wait3A_463, %dma_wait3A_464] : memref<2x128x128xf32, #tpu.memory_space<vmem>> -> memref<1x32x128xf32, #tpu.memory_space<vmem>>
    %dma_wait3A_466 = tpu.memref_squeeze %dma_wait3A_465 : memref<1x32x128xf32, #tpu.memory_space<vmem>> -> memref<32x128xf32, #tpu.memory_space<vmem>>
    %dma_wait3A_467 = arith.constant 0 : i32
    %dma_wait3A_468 = tpu.memref_slice %arg6[%dma_wait3A_460, %dma_wait3A_467] : memref<40x128xi32, #tpu.memory_space<vmem>> -> memref<1x32xi32, #tpu.memory_space<vmem>>
    %dma_wait3A_469 = tpu.memref_squeeze %dma_wait3A_468 : memref<1x32xi32, #tpu.memory_space<vmem>> -> memref<32xi32, #tpu.memory_space<vmem>>
    %dma_wait3A_470 = arith.constant 0 : i32
    %dma_wait3A_471 = arith.constant 0 : i32
    %dma_wait3A_472 = tpu.memref_slice %arg2[%dma_wait3A_470, %dma_wait3A_471] : memref<10000x128xf32, #tpu.memory_space<hbm>> -> memref<10000x128xf32, #tpu.memory_space<hbm>>
    %dma_wait3A_473 = tpu.memref_slice %arg10[%dma_wait3A_462] : memref<2x!tpu.dma_semaphore, #tpu.memory_space<semaphore_mem>> -> memref<1x!tpu.dma_semaphore, #tpu.memory_space<semaphore_mem>>
    %dma_wait3A_474 = tpu.memref_squeeze %dma_wait3A_473 : memref<1x!tpu.dma_semaphore, #tpu.memory_space<semaphore_mem>> -> memref<!tpu.dma_semaphore, #tpu.memory_space<semaphore_mem>>
    tpu.wait_indirect_dma semaphore(%dma_wait3A_474 : memref<!tpu.dma_semaphore, #tpu.memory_space<semaphore_mem>>) src(%dma_wait3A_472 : memref<10000x128xf32, #tpu.memory_space<hbm>>) dst(%dma_wait3A_466 : memref<32x128xf32, #tpu.memory_space<vmem>>)
    %dma_wait3A_475 = arith.constant 39 : i32
    %dma_wait3A_476 = arith.constant 1 : i32
    %dma_wait3A_477 = arith.constant 1 : i32
    %dma_wait3A_478 = arith.constant 32 : i32
    %dma_wait3A_479 = arith.constant 0 : i32
    %dma_wait3A_480 = tpu.memref_slice %arg8[%dma_wait3A_476, %dma_wait3A_478, %dma_wait3A_479] : memref<2x128x128xf32, #tpu.memory_space<vmem>> -> memref<1x32x128xf32, #tpu.memory_space<vmem>>
    %dma_wait3A_481 = tpu.memref_squeeze %dma_wait3A_480 : memref<1x32x128xf32, #tpu.memory_space<vmem>> -> memref<32x128xf32, #tpu.memory_space<vmem>>
    %dma_wait3A_482 = arith.constant 32 : i32
    %dma_wait3A_483 = tpu.memref_slice %arg6[%dma_wait3A_475, %dma_wait3A_482] : memref<40x128xi32, #tpu.memory_space<vmem>> -> memref<1x32xi32, #tpu.memory_space<vmem>>
    %dma_wait3A_484 = tpu.memref_squeeze %dma_wait3A_483 : memref<1x32xi32, #tpu.memory_space<vmem>> -> memref<32xi32, #tpu.memory_space<vmem>>
    %dma_wait3A_485 = arith.constant 0 : i32
    %dma_wait3A_486 = arith.constant 0 : i32
    %dma_wait3A_487 = tpu.memref_slice %arg2[%dma_wait3A_485, %dma_wait3A_486] : memref<10000x128xf32, #tpu.memory_space<hbm>> -> memref<10000x128xf32, #tpu.memory_space<hbm>>
    %dma_wait3A_488 = tpu.memref_slice %arg10[%dma_wait3A_477] : memref<2x!tpu.dma_semaphore, #tpu.memory_space<semaphore_mem>> -> memref<1x!tpu.dma_semaphore, #tpu.memory_space<semaphore_mem>>
    %dma_wait3A_489 = tpu.memref_squeeze %dma_wait3A_488 : memref<1x!tpu.dma_semaphore, #tpu.memory_space<semaphore_mem>> -> memref<!tpu.dma_semaphore, #tpu.memory_space<semaphore_mem>>
    tpu.wait_indirect_dma semaphore(%dma_wait3A_489 : memref<!tpu.dma_semaphore, #tpu.memory_space<semaphore_mem>>) src(%dma_wait3A_487 : memref<10000x128xf32, #tpu.memory_space<hbm>>) dst(%dma_wait3A_481 : memref<32x128xf32, #tpu.memory_space<vmem>>)
    %dma_wait3A_490 = arith.constant 39 : i32
    %dma_wait3A_491 = arith.constant 1 : i32
    %dma_wait3A_492 = arith.constant 1 : i32
    %dma_wait3A_493 = arith.constant 64 : i32
    %dma_wait3A_494 = arith.constant 0 : i32
    %dma_wait3A_495 = tpu.memref_slice %arg8[%dma_wait3A_491, %dma_wait3A_493, %dma_wait3A_494] : memref<2x128x128xf32, #tpu.memory_space<vmem>> -> memref<1x32x128xf32, #tpu.memory_space<vmem>>
    %dma_wait3A_496 = tpu.memref_squeeze %dma_wait3A_495 : memref<1x32x128xf32, #tpu.memory_space<vmem>> -> memref<32x128xf32, #tpu.memory_space<vmem>>
    %dma_wait3A_497 = arith.constant 64 : i32
    %dma_wait3A_498 = tpu.memref_slice %arg6[%dma_wait3A_490, %dma_wait3A_497] : memref<40x128xi32, #tpu.memory_space<vmem>> -> memref<1x32xi32, #tpu.memory_space<vmem>>
    %dma_wait3A_499 = tpu.memref_squeeze %dma_wait3A_498 : memref<1x32xi32, #tpu.memory_space<vmem>> -> memref<32xi32, #tpu.memory_space<vmem>>
    %dma_wait3A_500 = arith.constant 0 : i32
    %dma_wait3A_501 = arith.constant 0 : i32
    %dma_wait3A_502 = tpu.memref_slice %arg2[%dma_wait3A_500, %dma_wait3A_501] : memref<10000x128xf32, #tpu.memory_space<hbm>> -> memref<10000x128xf32, #tpu.memory_space<hbm>>
    %dma_wait3A_503 = tpu.memref_slice %arg10[%dma_wait3A_492] : memref<2x!tpu.dma_semaphore, #tpu.memory_space<semaphore_mem>> -> memref<1x!tpu.dma_semaphore, #tpu.memory_space<semaphore_mem>>
    %dma_wait3A_504 = tpu.memref_squeeze %dma_wait3A_503 : memref<1x!tpu.dma_semaphore, #tpu.memory_space<semaphore_mem>> -> memref<!tpu.dma_semaphore, #tpu.memory_space<semaphore_mem>>
    tpu.wait_indirect_dma semaphore(%dma_wait3A_504 : memref<!tpu.dma_semaphore, #tpu.memory_space<semaphore_mem>>) src(%dma_wait3A_502 : memref<10000x128xf32, #tpu.memory_space<hbm>>) dst(%dma_wait3A_496 : memref<32x128xf32, #tpu.memory_space<vmem>>)
    %dma_wait3A_505 = arith.constant 39 : i32
    %dma_wait3A_506 = arith.constant 1 : i32
    %dma_wait3A_507 = arith.constant 1 : i32
    %dma_wait3A_508 = arith.constant 96 : i32
    %dma_wait3A_509 = arith.constant 0 : i32
    %dma_wait3A_510 = tpu.memref_slice %arg8[%dma_wait3A_506, %dma_wait3A_508, %dma_wait3A_509] : memref<2x128x128xf32, #tpu.memory_space<vmem>> -> memref<1x32x128xf32, #tpu.memory_space<vmem>>
    %dma_wait3A_511 = tpu.memref_squeeze %dma_wait3A_510 : memref<1x32x128xf32, #tpu.memory_space<vmem>> -> memref<32x128xf32, #tpu.memory_space<vmem>>
    %dma_wait3A_512 = arith.constant 96 : i32
    %dma_wait3A_513 = tpu.memref_slice %arg6[%dma_wait3A_505, %dma_wait3A_512] : memref<40x128xi32, #tpu.memory_space<vmem>> -> memref<1x32xi32, #tpu.memory_space<vmem>>
    %dma_wait3A_514 = tpu.memref_squeeze %dma_wait3A_513 : memref<1x32xi32, #tpu.memory_space<vmem>> -> memref<32xi32, #tpu.memory_space<vmem>>
    %dma_wait3A_515 = arith.constant 0 : i32
    %dma_wait3A_516 = arith.constant 0 : i32
    %dma_wait3A_517 = tpu.memref_slice %arg2[%dma_wait3A_515, %dma_wait3A_516] : memref<10000x128xf32, #tpu.memory_space<hbm>> -> memref<10000x128xf32, #tpu.memory_space<hbm>>
    %dma_wait3A_518 = tpu.memref_slice %arg10[%dma_wait3A_507] : memref<2x!tpu.dma_semaphore, #tpu.memory_space<semaphore_mem>> -> memref<1x!tpu.dma_semaphore, #tpu.memory_space<semaphore_mem>>
    %dma_wait3A_519 = tpu.memref_squeeze %dma_wait3A_518 : memref<1x!tpu.dma_semaphore, #tpu.memory_space<semaphore_mem>> -> memref<!tpu.dma_semaphore, #tpu.memory_space<semaphore_mem>>
    tpu.wait_indirect_dma semaphore(%dma_wait3A_519 : memref<!tpu.dma_semaphore, #tpu.memory_space<semaphore_mem>>) src(%dma_wait3A_517 : memref<10000x128xf32, #tpu.memory_space<hbm>>) dst(%dma_wait3A_511 : memref<32x128xf32, #tpu.memory_space<vmem>>)
    %run_scoped3A_520 = arith.constant 1 : i32
    %run_scoped3A_521 = arith.constant 39 : i32
    "tpu.region"() ({
      %run_scoped3A_527 = tpu.sem_alloc : memref<!tpu.dma_semaphore, #tpu.memory_space<semaphore_mem>>
      %dma_start3A_528 = arith.constant 0 : i32
      %dma_start3A_529 = arith.constant 0 : i32
      %dma_start3A_530 = tpu.memref_slice %arg8[%run_scoped3A_520, %dma_start3A_528, %dma_start3A_529] : memref<2x128x128xf32, #tpu.memory_space<vmem>> -> memref<1x128x128xf32, #tpu.memory_space<vmem>>
      %dma_start3A_531 = tpu.memref_squeeze %dma_start3A_530 : memref<1x128x128xf32, #tpu.memory_space<vmem>> -> memref<128x128xf32, #tpu.memory_space<vmem>>
      %dma_start3A_532 = arith.constant 0 : i32
      %dma_start3A_533 = tpu.memref_slice %arg7[%run_scoped3A_521, %dma_start3A_532] : memref<40x128xi32, #tpu.memory_space<vmem>> -> memref<1x128xi32, #tpu.memory_space<vmem>>
      %dma_start3A_534 = tpu.memref_squeeze %dma_start3A_533 : memref<1x128xi32, #tpu.memory_space<vmem>> -> memref<128xi32, #tpu.memory_space<vmem>>
      %dma_start3A_535 = arith.constant 0 : i32
      %dma_start3A_536 = arith.constant 0 : i32
      %dma_start3A_537 = tpu.memref_slice %arg9[%dma_start3A_535, %dma_start3A_536] : memref<10240x128xf32, #tpu.memory_space<vmem_shared>> -> memref<10240x128xf32, #tpu.memory_space<vmem_shared>>
      tpu.enqueue_indirect_dma source(%dma_start3A_531 : memref<128x128xf32, #tpu.memory_space<vmem>>) target(%dma_start3A_537 : memref<10240x128xf32, #tpu.memory_space<vmem_shared>>) offsets(%dma_start3A_534 : memref<128xi32, #tpu.memory_space<vmem>>) semaphore(%run_scoped3A_527 : memref<!tpu.dma_semaphore, #tpu.memory_space<semaphore_mem>>) {add = true}
      %dma_wait3A_538 = arith.constant 0 : i32
      %dma_wait3A_539 = arith.constant 0 : i32
      %dma_wait3A_540 = tpu.memref_slice %arg8[%run_scoped3A_520, %dma_wait3A_538, %dma_wait3A_539] : memref<2x128x128xf32, #tpu.memory_space<vmem>> -> memref<1x128x128xf32, #tpu.memory_space<vmem>>
      %dma_wait3A_541 = tpu.memref_squeeze %dma_wait3A_540 : memref<1x128x128xf32, #tpu.memory_space<vmem>> -> memref<128x128xf32, #tpu.memory_space<vmem>>
      %dma_wait3A_542 = arith.constant 0 : i32
      %dma_wait3A_543 = tpu.memref_slice %arg7[%run_scoped3A_521, %dma_wait3A_542] : memref<40x128xi32, #tpu.memory_space<vmem>> -> memref<1x128xi32, #tpu.memory_space<vmem>>
      %dma_wait3A_544 = tpu.memref_squeeze %dma_wait3A_543 : memref<1x128xi32, #tpu.memory_space<vmem>> -> memref<128xi32, #tpu.memory_space<vmem>>
      %dma_wait3A_545 = arith.constant 0 : i32
      %dma_wait3A_546 = arith.constant 0 : i32
      %dma_wait3A_547 = tpu.memref_slice %arg9[%dma_wait3A_545, %dma_wait3A_546] : memref<10240x128xf32, #tpu.memory_space<vmem_shared>> -> memref<10240x128xf32, #tpu.memory_space<vmem_shared>>
      tpu.wait_indirect_dma semaphore(%run_scoped3A_527 : memref<!tpu.dma_semaphore, #tpu.memory_space<semaphore_mem>>) src(%dma_wait3A_541 : memref<128x128xf32, #tpu.memory_space<vmem>>) dst(%dma_wait3A_547 : memref<10240x128xf32, #tpu.memory_space<vmem_shared>>)
      tpu.yield
    }) : () -> ()
    %barrier3A_522 = arith.constant 0 : index
    tpu.barrier barrier_id(%barrier3A_522)
    %mul3A_523 = arith.constant 640 : i32
    %mul3A_524 = arith.muli %arg1, %mul3A_523 : i32
    %mul3A_525 = arith.constant 640 : i32
    %mul3A_526 = arith.muli %arg1, %mul3A_525 : i32
    "tpu.region"() ({
      %run_scoped3A_527 = tpu.sem_alloc : memref<!tpu.dma_semaphore, #tpu.memory_space<semaphore_mem>>
      %dma_start3A_528 = arith.constant 0 : i32
      %dma_start3A_529 = arith.constant 0 : i32
      %dma_start3A_530 = tpu.memref_slice %arg5[%arg0, %dma_start3A_528, %dma_start3A_529] : memref<2x10240x128xf32, #tpu.memory_space<hbm>> -> memref<1x10240x128xf32, #tpu.memory_space<hbm>>
      %dma_start3A_531 = tpu.memref_squeeze %dma_start3A_530 : memref<1x10240x128xf32, #tpu.memory_space<hbm>> -> memref<10240x128xf32, #tpu.memory_space<hbm>>
      %dma_start3A_532 = arith.constant 0 : i32
      %dma_start3A_533 = tpu.memref_slice %dma_start3A_531[%mul3A_526, %dma_start3A_532] : memref<10240x128xf32, #tpu.memory_space<hbm>> -> memref<640x128xf32, #tpu.memory_space<hbm>>
      %dma_start3A_534 = arith.constant 0 : i32
      %dma_start3A_535 = tpu.memref_slice %arg9[%mul3A_524, %dma_start3A_534] : memref<10240x128xf32, #tpu.memory_space<vmem_shared>> -> memref<640x128xf32, #tpu.memory_space<vmem_shared>>
      tpu.enqueue_dma source(%dma_start3A_535 : memref<640x128xf32, #tpu.memory_space<vmem_shared>>) target(%dma_start3A_533 : memref<640x128xf32, #tpu.memory_space<hbm>>) target_semaphore(%run_scoped3A_527 : memref<!tpu.dma_semaphore, #tpu.memory_space<semaphore_mem>>)
      %dma_wait3A_536 = arith.constant 0 : i32
      %dma_wait3A_537 = arith.constant 0 : i32
      %dma_wait3A_538 = tpu.memref_slice %arg5[%arg0, %dma_wait3A_536, %dma_wait3A_537] : memref<2x10240x128xf32, #tpu.memory_space<hbm>> -> memref<1x10240x128xf32, #tpu.memory_space<hbm>>
      %dma_wait3A_539 = tpu.memref_squeeze %dma_wait3A_538 : memref<1x10240x128xf32, #tpu.memory_space<hbm>> -> memref<10240x128xf32, #tpu.memory_space<hbm>>
      %dma_wait3A_540 = arith.constant 0 : i32
      %dma_wait3A_541 = tpu.memref_slice %dma_wait3A_539[%mul3A_526, %dma_wait3A_540] : memref<10240x128xf32, #tpu.memory_space<hbm>> -> memref<640x128xf32, #tpu.memory_space<hbm>>
      %dma_wait3A_542 = arith.constant 0 : i32
      %dma_wait3A_543 = tpu.memref_slice %arg9[%mul3A_524, %dma_wait3A_542] : memref<10240x128xf32, #tpu.memory_space<vmem_shared>> -> memref<640x128xf32, #tpu.memory_space<vmem_shared>>
      tpu.wait_dma2 semaphore(%run_scoped3A_527 : memref<!tpu.dma_semaphore, #tpu.memory_space<semaphore_mem>>) src(%dma_wait3A_543 : memref<640x128xf32, #tpu.memory_space<vmem_shared>>) dst(%dma_wait3A_541 : memref<640x128xf32, #tpu.memory_space<hbm>>)
      tpu.yield
    }) : () -> ()
    return
  }
}

module attributes {stable_mosaic.version = 14 : i64} {
  func.func @_mm_body(%arg0: memref<10000x128xf32, #tpu.memory_space<vmem>>, %arg1: memref<128x128xf32, #tpu.memory_space<vmem>>, %arg2: memref<10000x128xf32, #tpu.memory_space<vmem>>) attributes {dimension_semantics = [], scalar_prefetch = 0 : i64, scratch_operands = 0 : i64, tpu.core_type = #tpu.core_type<tc>} {
    %get3A = arith.constant 0 : index
    %get3A_0 = arith.constant 0 : index
    %get3A_1 = vector.load %arg0[%get3A, %get3A_0] : memref<10000x128xf32, #tpu.memory_space<vmem>>, vector<10000x128xf32>
    %get3A_2 = arith.constant 0 : index
    %get3A_3 = arith.constant 0 : index
    %get3A_4 = vector.load %arg1[%get3A_2, %get3A_3] : memref<128x128xf32, #tpu.memory_space<vmem>>, vector<128x128xf32>
    %dot_general3A = arith.constant dense<0.000000e+00> : vector<10000x128xf32>
    %dot_general3A_5 = tpu.matmul %get3A_1, %get3A_4, %dot_general3A {dimension_numbers = #tpu.dot_dimension_numbers<[1], [0], [0], [1], [0, 0, 1, 1], [], []>, transpose_lhs_hint = false} : vector<10000x128xf32>, vector<128x128xf32>, vector<10000x128xf32> -> vector<10000x128xf32>
    %swap3A = arith.constant 0 : index
    %swap3A_6 = arith.constant 0 : index
    %swap3A_7 = vector.load %arg2[%swap3A, %swap3A_6] : memref<10000x128xf32, #tpu.memory_space<vmem>>, vector<10000x128xf32>
    tpu.vector_store %arg2[%swap3A, %swap3A_6], %dot_general3A_5 {strides = array<i32>} : memref<10000x128xf32, #tpu.memory_space<vmem>>, vector<10000x128xf32>,
    return
  }
}

module attributes {stable_mosaic.version = 14 : i64} {
  func.func @_scale_body(%arg0: memref<10000x128xf32, #tpu.memory_space<vmem>>, %arg1: memref<2x10240x16xf32, #tpu.memory_space<vmem>>, %arg2: memref<10000x128xf32, #tpu.memory_space<vmem>>, %arg3: memref<10000x128xf32, #tpu.memory_space<vmem>>) attributes {dimension_semantics = [], scalar_prefetch = 0 : i64, scratch_operands = 0 : i64, tpu.core_type = #tpu.core_type<tc>} {
    %get3A = arith.constant 0 : index
    %get3A_0 = arith.constant 0 : index
    %get3A_1 = arith.constant 0 : index
    %get3A_2 = vector.load %arg1[%get3A, %get3A_0, %get3A_1] : memref<2x10240x16xf32, #tpu.memory_space<vmem>>, vector<1x10000x1xf32>
    %get3A_3 = vector.shape_cast %get3A_2 : vector<1x10000x1xf32> to vector<10000x1xf32>
    %add3A = arith.constant 1.000000e+00 : f32
    %add3A_4 = vector.broadcast %add3A : f32 to vector<10000x1xf32>
    %add3A_5 = arith.addf %add3A_4, %get3A_3 : vector<10000x1xf32>
    %get3A_6 = arith.constant 1 : index
    %get3A_7 = arith.constant 0 : index
    %get3A_8 = arith.constant 0 : index
    %get3A_9 = vector.load %arg1[%get3A_6, %get3A_7, %get3A_8] : memref<2x10240x16xf32, #tpu.memory_space<vmem>>, vector<1x10000x1xf32>
    %get3A_10 = vector.shape_cast %get3A_9 : vector<1x10000x1xf32> to vector<10000x1xf32>
    %add3A_11 = arith.addf %add3A_5, %get3A_10 : vector<10000x1xf32>
    %rsqrt3A = math.rsqrt %add3A_11 : vector<10000x1xf32>
    %broadcast_in_dim3A = vector.shape_cast %rsqrt3A : vector<10000x1xf32> to vector<10000x1xf32>
    %broadcast_in_dim3A_12 = vector.broadcast %broadcast_in_dim3A : vector<10000x1xf32> to vector<10000x128xf32>
    %swap3A = arith.constant 0 : index
    %swap3A_13 = arith.constant 0 : index
    %swap3A_14 = vector.load %arg3[%swap3A, %swap3A_13] : memref<10000x128xf32, #tpu.memory_space<vmem>>, vector<10000x128xf32>
    tpu.vector_store %arg3[%swap3A, %swap3A_13], %broadcast_in_dim3A_12 {strides = array<i32>} : memref<10000x128xf32, #tpu.memory_space<vmem>>, vector<10000x128xf32>,
    %get3A_15 = arith.constant 0 : index
    %get3A_16 = arith.constant 0 : index
    %get3A_17 = vector.load %arg0[%get3A_15, %get3A_16] : memref<10000x128xf32, #tpu.memory_space<vmem>>, vector<10000x128xf32>
    %mul3A = arith.mulf %get3A_17, %broadcast_in_dim3A_12 : vector<10000x128xf32>
    %swap3A_18 = arith.constant 0 : index
    %swap3A_19 = arith.constant 0 : index
    %swap3A_20 = vector.load %arg2[%swap3A_18, %swap3A_19] : memref<10000x128xf32, #tpu.memory_space<vmem>>, vector<10000x128xf32>
    tpu.vector_store %arg2[%swap3A_18, %swap3A_19], %mul3A {strides = array<i32>} : memref<10000x128xf32, #tpu.memory_space<vmem>>, vector<10000x128xf32>,
    return
  }
}

module attributes {stable_mosaic.version = 14 : i64} {
  func.func @_mid_body(%arg0: memref<2x10240x128xf32, #tpu.memory_space<vmem>>, %arg1: memref<10000x128xf32, #tpu.memory_space<vmem>>, %arg2: memref<10000x128xf32, #tpu.memory_space<vmem>>, %arg3: memref<1x128xf32, #tpu.memory_space<vmem>>, %arg4: memref<1x128xf32, #tpu.memory_space<vmem>>, %arg5: memref<1x128xf32, #tpu.memory_space<vmem>>, %arg6: memref<128x128xf32, #tpu.memory_space<vmem>>, %arg7: memref<10000x128xf32, #tpu.memory_space<vmem>>) attributes {dimension_semantics = [], scalar_prefetch = 0 : i64, scratch_operands = 0 : i64, tpu.core_type = #tpu.core_type<tc>} {
    %get3A = arith.constant 0 : index
    %get3A_0 = arith.constant 0 : index
    %get3A_1 = vector.load %arg2[%get3A, %get3A_0] : memref<10000x128xf32, #tpu.memory_space<vmem>>, vector<10000x128xf32>
    %get3A_2 = arith.constant 0 : index
    %get3A_3 = arith.constant 0 : index
    %get3A_4 = arith.constant 0 : index
    %get3A_5 = vector.load %arg0[%get3A_2, %get3A_3, %get3A_4] : memref<2x10240x128xf32, #tpu.memory_space<vmem>>, vector<1x10000x128xf32>
    %get3A_6 = vector.shape_cast %get3A_5 : vector<1x10000x128xf32> to vector<10000x128xf32>
    %get3A_7 = arith.constant 1 : index
    %get3A_8 = arith.constant 0 : index
    %get3A_9 = arith.constant 0 : index
    %get3A_10 = vector.load %arg0[%get3A_7, %get3A_8, %get3A_9] : memref<2x10240x128xf32, #tpu.memory_space<vmem>>, vector<1x10000x128xf32>
    %get3A_11 = vector.shape_cast %get3A_10 : vector<1x10000x128xf32> to vector<10000x128xf32>
    %add3A = arith.addf %get3A_6, %get3A_11 : vector<10000x128xf32>
    %get3A_12 = arith.constant 0 : index
    %get3A_13 = arith.constant 0 : index
    %get3A_14 = vector.load %arg1[%get3A_12, %get3A_13] : memref<10000x128xf32, #tpu.memory_space<vmem>>, vector<10000x128xf32>
    %add3A_15 = arith.addf %add3A, %get3A_14 : vector<10000x128xf32>
    %mul3A = arith.mulf %add3A_15, %get3A_1 : vector<10000x128xf32>
    %get3A_16 = arith.constant 0 : index
    %get3A_17 = arith.constant 0 : index
    %get3A_18 = vector.load %arg3[%get3A_16, %get3A_17] : memref<1x128xf32, #tpu.memory_space<vmem>>, vector<1x128xf32>
    %add3A_19 = vector.broadcast %get3A_18 : vector<1x128xf32> to vector<10000x128xf32>
    %add3A_20 = arith.addf %mul3A, %add3A_19 : vector<10000x128xf32>
    %reduce_sum3A = arith.constant dense<0.000000e+00> : vector<128xf32>
    %reduce_sum3A_21 = vector.multi_reduction <add>, %add3A_20, %reduce_sum3A [0] : vector<10000x128xf32> to vector<128xf32>
    %broadcast_in_dim3A = vector.shape_cast %reduce_sum3A_21 : vector<128xf32> to vector<1x128xf32>
    %div3A = arith.constant 1.000000e+04 : f32
    %div3A_22 = vector.broadcast %div3A : f32 to vector<1x128xf32>
    %div3A_23 = arith.divf %broadcast_in_dim3A, %div3A_22 : vector<1x128xf32>
    %sub3A = vector.broadcast %div3A_23 : vector<1x128xf32> to vector<10000x128xf32>
    %sub3A_24 = arith.subf %add3A_20, %sub3A : vector<10000x128xf32>
    %sub3A_25 = vector.broadcast %div3A_23 : vector<1x128xf32> to vector<10000x128xf32>
    %sub3A_26 = arith.subf %add3A_20, %sub3A_25 : vector<10000x128xf32>
    %mul3A_27 = arith.mulf %sub3A_24, %sub3A_26 : vector<10000x128xf32>
    %reduce_sum3A_28 = arith.constant dense<0.000000e+00> : vector<128xf32>
    %reduce_sum3A_29 = vector.multi_reduction <add>, %mul3A_27, %reduce_sum3A_28 [0] : vector<10000x128xf32> to vector<128xf32>
    %broadcast_in_dim3A_30 = vector.shape_cast %reduce_sum3A_29 : vector<128xf32> to vector<1x128xf32>
    %div3A_31 = arith.constant 1.000000e+04 : f32
    %div3A_32 = vector.broadcast %div3A_31 : f32 to vector<1x128xf32>
    %div3A_33 = arith.divf %broadcast_in_dim3A_30, %div3A_32 : vector<1x128xf32>
    %sub3A_34 = vector.broadcast %div3A_23 : vector<1x128xf32> to vector<10000x128xf32>
    %sub3A_35 = arith.subf %add3A_20, %sub3A_34 : vector<10000x128xf32>
    %add3A_36 = arith.constant 9.99999974E-6 : f32
    %add3A_37 = vector.broadcast %add3A_36 : f32 to vector<1x128xf32>
    %add3A_38 = arith.addf %div3A_33, %add3A_37 : vector<1x128xf32>
    %rsqrt3A = math.rsqrt %add3A_38 : vector<1x128xf32>
    %mul3A_39 = vector.broadcast %rsqrt3A : vector<1x128xf32> to vector<10000x128xf32>
    %mul3A_40 = arith.mulf %sub3A_35, %mul3A_39 : vector<10000x128xf32>
    %get3A_41 = arith.constant 0 : index
    %get3A_42 = arith.constant 0 : index
    %get3A_43 = vector.load %arg4[%get3A_41, %get3A_42] : memref<1x128xf32, #tpu.memory_space<vmem>>, vector<1x128xf32>
    %mul3A_44 = vector.broadcast %get3A_43 : vector<1x128xf32> to vector<10000x128xf32>
    %mul3A_45 = arith.mulf %mul3A_40, %mul3A_44 : vector<10000x128xf32>
    %get3A_46 = arith.constant 0 : index
    %get3A_47 = arith.constant 0 : index
    %get3A_48 = vector.load %arg5[%get3A_46, %get3A_47] : memref<1x128xf32, #tpu.memory_space<vmem>>, vector<1x128xf32>
    %add3A_49 = vector.broadcast %get3A_48 : vector<1x128xf32> to vector<10000x128xf32>
    %add3A_50 = arith.addf %mul3A_45, %add3A_49 : vector<10000x128xf32>
    %max3A = arith.constant 0.000000e+00 : f32
    %max3A_51 = vector.broadcast %max3A : f32 to vector<10000x128xf32>
    %max3A_52 = arith.maximumf %add3A_50, %max3A_51 : vector<10000x128xf32>
    %get3A_53 = arith.constant 0 : index
    %get3A_54 = arith.constant 0 : index
    %get3A_55 = vector.load %arg6[%get3A_53, %get3A_54] : memref<128x128xf32, #tpu.memory_space<vmem>>, vector<128x128xf32>
    %dot_general3A = arith.constant dense<0.000000e+00> : vector<10000x128xf32>
    %dot_general3A_56 = tpu.matmul %max3A_52, %get3A_55, %dot_general3A {dimension_numbers = #tpu.dot_dimension_numbers<[1], [0], [0], [1], [0, 0, 1, 1], [], []>, transpose_lhs_hint = false} : vector<10000x128xf32>, vector<128x128xf32>, vector<10000x128xf32> -> vector<10000x128xf32>
    %mul3A_57 = arith.mulf %dot_general3A_56, %get3A_1 : vector<10000x128xf32>
    %swap3A = arith.constant 0 : index
    %swap3A_58 = arith.constant 0 : index
    %swap3A_59 = vector.load %arg7[%swap3A, %swap3A_58] : memref<10000x128xf32, #tpu.memory_space<vmem>>, vector<10000x128xf32>
    tpu.vector_store %arg7[%swap3A, %swap3A_58], %mul3A_57 {strides = array<i32>} : memref<10000x128xf32, #tpu.memory_space<vmem>>, vector<10000x128xf32>,
    return
  }
}

module attributes {stable_mosaic.version = 14 : i64} {
  func.func @_final_body(%arg0: memref<2x10240x128xf32, #tpu.memory_space<vmem>>, %arg1: memref<10000x128xf32, #tpu.memory_space<vmem>>, %arg2: memref<10000x128xf32, #tpu.memory_space<vmem>>, %arg3: memref<1x128xf32, #tpu.memory_space<vmem>>, %arg4: memref<1x128xf32, #tpu.memory_space<vmem>>, %arg5: memref<1x128xf32, #tpu.memory_space<vmem>>, %arg6: memref<10000x128xf32, #tpu.memory_space<vmem>>) attributes {dimension_semantics = [], scalar_prefetch = 0 : i64, scratch_operands = 0 : i64, tpu.core_type = #tpu.core_type<tc>} {
    %get3A = arith.constant 0 : index
    %get3A_0 = arith.constant 0 : index
    %get3A_1 = arith.constant 0 : index
    %get3A_2 = vector.load %arg0[%get3A, %get3A_0, %get3A_1] : memref<2x10240x128xf32, #tpu.memory_space<vmem>>, vector<1x10000x128xf32>
    %get3A_3 = vector.shape_cast %get3A_2 : vector<1x10000x128xf32> to vector<10000x128xf32>
    %get3A_4 = arith.constant 1 : index
    %get3A_5 = arith.constant 0 : index
    %get3A_6 = arith.constant 0 : index
    %get3A_7 = vector.load %arg0[%get3A_4, %get3A_5, %get3A_6] : memref<2x10240x128xf32, #tpu.memory_space<vmem>>, vector<1x10000x128xf32>
    %get3A_8 = vector.shape_cast %get3A_7 : vector<1x10000x128xf32> to vector<10000x128xf32>
    %add3A = arith.addf %get3A_3, %get3A_8 : vector<10000x128xf32>
    %get3A_9 = arith.constant 0 : index
    %get3A_10 = arith.constant 0 : index
    %get3A_11 = vector.load %arg1[%get3A_9, %get3A_10] : memref<10000x128xf32, #tpu.memory_space<vmem>>, vector<10000x128xf32>
    %add3A_12 = arith.addf %add3A, %get3A_11 : vector<10000x128xf32>
    %get3A_13 = arith.constant 0 : index
    %get3A_14 = arith.constant 0 : index
    %get3A_15 = vector.load %arg2[%get3A_13, %get3A_14] : memref<10000x128xf32, #tpu.memory_space<vmem>>, vector<10000x128xf32>
    %mul3A = arith.mulf %add3A_12, %get3A_15 : vector<10000x128xf32>
    %get3A_16 = arith.constant 0 : index
    %get3A_17 = arith.constant 0 : index
    %get3A_18 = vector.load %arg3[%get3A_16, %get3A_17] : memref<1x128xf32, #tpu.memory_space<vmem>>, vector<1x128xf32>
    %add3A_19 = vector.broadcast %get3A_18 : vector<1x128xf32> to vector<10000x128xf32>
    %add3A_20 = arith.addf %mul3A, %add3A_19 : vector<10000x128xf32>
    %reduce_sum3A = arith.constant dense<0.000000e+00> : vector<128xf32>
    %reduce_sum3A_21 = vector.multi_reduction <add>, %add3A_20, %reduce_sum3A [0] : vector<10000x128xf32> to vector<128xf32>
    %broadcast_in_dim3A = vector.shape_cast %reduce_sum3A_21 : vector<128xf32> to vector<1x128xf32>
    %div3A = arith.constant 1.000000e+04 : f32
    %div3A_22 = vector.broadcast %div3A : f32 to vector<1x128xf32>
    %div3A_23 = arith.divf %broadcast_in_dim3A, %div3A_22 : vector<1x128xf32>
    %sub3A = vector.broadcast %div3A_23 : vector<1x128xf32> to vector<10000x128xf32>
    %sub3A_24 = arith.subf %add3A_20, %sub3A : vector<10000x128xf32>
    %sub3A_25 = vector.broadcast %div3A_23 : vector<1x128xf32> to vector<10000x128xf32>
    %sub3A_26 = arith.subf %add3A_20, %sub3A_25 : vector<10000x128xf32>
    %mul3A_27 = arith.mulf %sub3A_24, %sub3A_26 : vector<10000x128xf32>
    %reduce_sum3A_28 = arith.constant dense<0.000000e+00> : vector<128xf32>
    %reduce_sum3A_29 = vector.multi_reduction <add>, %mul3A_27, %reduce_sum3A_28 [0] : vector<10000x128xf32> to vector<128xf32>
    %broadcast_in_dim3A_30 = vector.shape_cast %reduce_sum3A_29 : vector<128xf32> to vector<1x128xf32>
    %div3A_31 = arith.constant 1.000000e+04 : f32
    %div3A_32 = vector.broadcast %div3A_31 : f32 to vector<1x128xf32>
    %div3A_33 = arith.divf %broadcast_in_dim3A_30, %div3A_32 : vector<1x128xf32>
    %sub3A_34 = vector.broadcast %div3A_23 : vector<1x128xf32> to vector<10000x128xf32>
    %sub3A_35 = arith.subf %add3A_20, %sub3A_34 : vector<10000x128xf32>
    %add3A_36 = arith.constant 9.99999974E-6 : f32
    %add3A_37 = vector.broadcast %add3A_36 : f32 to vector<1x128xf32>
    %add3A_38 = arith.addf %div3A_33, %add3A_37 : vector<1x128xf32>
    %rsqrt3A = math.rsqrt %add3A_38 : vector<1x128xf32>
    %mul3A_39 = vector.broadcast %rsqrt3A : vector<1x128xf32> to vector<10000x128xf32>
    %mul3A_40 = arith.mulf %sub3A_35, %mul3A_39 : vector<10000x128xf32>
    %get3A_41 = arith.constant 0 : index
    %get3A_42 = arith.constant 0 : index
    %get3A_43 = vector.load %arg4[%get3A_41, %get3A_42] : memref<1x128xf32, #tpu.memory_space<vmem>>, vector<1x128xf32>
    %mul3A_44 = vector.broadcast %get3A_43 : vector<1x128xf32> to vector<10000x128xf32>
    %mul3A_45 = arith.mulf %mul3A_40, %mul3A_44 : vector<10000x128xf32>
    %get3A_46 = arith.constant 0 : index
    %get3A_47 = arith.constant 0 : index
    %get3A_48 = vector.load %arg5[%get3A_46, %get3A_47] : memref<1x128xf32, #tpu.memory_space<vmem>>, vector<1x128xf32>
    %add3A_49 = vector.broadcast %get3A_48 : vector<1x128xf32> to vector<10000x128xf32>
    %add3A_50 = arith.addf %mul3A_45, %add3A_49 : vector<10000x128xf32>
    %swap3A = arith.constant 0 : index
    %swap3A_51 = arith.constant 0 : index
    %swap3A_52 = vector.load %arg6[%swap3A, %swap3A_51] : memref<10000x128xf32, #tpu.memory_space<vmem>>, vector<10000x128xf32>
    tpu.vector_store %arg6[%swap3A, %swap3A_51], %add3A_50 {strides = array<i32>} : memref<10000x128xf32, #tpu.memory_space<vmem>>, vector<10000x128xf32>,
    return
  }
}

</mosaic_0001>

<sc_bundles>
// kernel: kernel.12.cloned.1.call-start
scs
__scs_entry_jumppad:
0x0: {  	(pc) =	sbr.rel $0x88, $3  }
0x1: {  	(tag) =	ssettag $0x0;
	lr =	simm.s32 $0x1  }
0x2: {  	[smem:$0x3F97] =	sst lr;
	_ =	strace $0xD0000000  }
0x3: {  	_ = 	snop  }
0x4: {  	_ = 	snop  }
0x5: {  	_ = 	snop  }
0x6: {  	_ = 	snop  }
0x7: {  	_ = 	snop  }
__scs_overlays_trampoline_lowered:
0x8: {  	[smem:$0x3FA6] =	sst s0  }
0x9: {  	[smem:$0x3FA7] =	sst s1  }
0xa: {  	[smem:$0x3FA8] =	sst s2  }
0xb: {  	[smem:$0x3FA9] =	sst s3  }
0xc: {  	[smem:$0x3FAA] =	sst s4  }
0xd: {  	[smem:$0x3FAB] =	sst s5  }
0xe: {  	[smem:$0x3FAC] =	sst s6  }
0xf: {  	[smem:$0x3FAD] =	sst s7  }
0x10: {  	[smem:$0x3FAE] =	sst s8  }
0x11: {  	[smem:$0x3FAF] =	sst s9;
	s0 =	simm.s32 @!p0 $0x0  }
0x12: {  	s1 =	sld [smem:$0x3F95];
	s0 =	simm.s32 @p0 $0x1  }
0x13: {  	[smem:$0x3FB0] =	sst s0;
	s0 =	simm.s32 @!p1 $0x0  }
0x14: {  	s2 =	sld [smem:$0x3F94];
	s0 =	simm.s32 @p1 $0x1  }
0x15: {  	[smem:$0x3FB1] =	sst s0;
	s0 =	simm.s32 @!p2 $0x0  }
0x16: {  	s3 =	sld [smem:$0x3FDB];
	s0 =	simm.s32 @p2 $0x1  }
0x17: {  	s4 =	simm.s32 $0x1BF5;
	[smem:$0x3FB3] =	sst s0  }
0x18: {  	s0 =	sld [smem:$0x3F96];
	_ =	swait.ge [sflag:s4], $0x0  }
0x19: {  	s7 =	sld [smem:$0x3F97]  }
0x1a: {  	s8 =	sadd.s32 $0xFFFFE003, lr  }
0x1b: {  	s9 =	sadd.s32 $0xFFFFFEF7, lr;
	s5 =	simm.s32 $0xFFFFFFFF;
	p2 =	slt.u32 s8, $0xFFFFF086  }
0x1c: {  	p1 =	slt.u32 s9, $0xF7A;
	s5 =	simm.s32 @!p2 $0x0  }
0x1d: {  	s5 =	simm.s32 @p1 $0x1;
	p0 =	seq.s32 s7, s2  }
0x1e: {  	s7 =	smul.u32 @!p0 $0xF7A, s2;
	p2 =	seq.s32 @!p0 s5, $0x0  }
0x1f: {  	s9 =	smul.u32 $0xF7A, s1;
	s8 =	simm.s32 @!p0 $0x1BF5;
	p2 =	por !p2, p0  }
0x20: {  	[sflag:s8] =	ssyncset.s32 @!p0 $0xFFFFF086;
	s6 =	sadd.s32 @!p0 s3, s7;
	s7 =	simm.s32 @!p0 $0x108  }
0x21: {  	s3 =	sadd.s32 s3, s9;
	s6 =	sadd.s32 @!p0 $0x88, s6;
	s7 =	simm.s32 @p2 $0x1082  }
0x22: {  	[simem:s7], [sflag:s8] =	dma.local @!p0 [hbm:s6], $0xF7A  }
0x23: {  	s9 =	sor.u32 $0xD0000000, s2;
	s6 =	simm.s32 $0x108;
	_ =	swait.ge @!p0 [sflag:s8], $0x0  }
0x24: {  	s3 =	sadd.s32 $0x88, s3;
	s6 =	simm.s32 @!p1 $0x1082;
	[sflag:s4] =	ssyncset.s32 $0xFFFFF086  }
0x25: {  	[simem:s6], [sflag:s4] =	dma.local [hbm:s3], $0xF7A  }
0x26: {  	[smem:$0x3F97] =	sst s1;
	(tag) =	ssettag s2;
	_ =	strace s9  }
0x27: {  	s1 =	sld [smem:$0x3FA7]  }
0x28: {  	s2 =	sld [smem:$0x3FA8]  }
0x29: {  	s4 =	sld [smem:$0x3FAA]  }
0x2a: {  	p0 =	seq.s32 s5, $0x0;
	s5 =	sld [smem:$0x3FAB]  }
0x2b: {  	s6 =	sld [smem:$0x3FAC]  }
0x2c: {  	s7 =	sld [smem:$0x3FAD]  }
0x2d: {  	s3 =	simm.s32 $0x108;
	s8 =	sld [smem:$0x3FAE]  }
0x2e: {  	s3 =	simm.s32 @!p0 $0x1082;
	s9 =	sld [smem:$0x3FAF]  }
0x2f: {  	lr =	sadd.s32 s0, s3;
	s0 =	sld [smem:$0x3FA6]  }
0x30: {  	s3 =	sld [smem:$0x3FA9]  }
0x31: {  	[smem:$0x3FB2] =	sst s10  }
0x32: {  	s10 =	sld [smem:$0x3FB0];
	_ =	sdelay $0x3  }
0x33: {  	p0 =	seq.s32 s10, $0x1;
	s10 =	sld [smem:$0x3FB2];
	_ =	sdelay $0x3  }
0x34: {  	[smem:$0x3FB2] =	sst s10  }
0x35: {  	s10 =	sld [smem:$0x3FB1];
	_ =	sdelay $0x3  }
0x36: {  	p1 =	seq.s32 s10, $0x1;
	s10 =	sld [smem:$0x3FB2];
	_ =	sdelay $0x3  }
0x37: {  	[smem:$0x3FB2] =	sst s10  }
0x38: {  	s10 =	sld [smem:$0x3FB3]  }
0x39: {  	_ = 	snop;
	(pc) =	sbr.ind lr, $3  }
0x3a: {  	_ = 	snop  }
0x3b: {  	_ = 	snop  }
0x3c: {  	p2 =	seq.s32 s10, $0x1;
	s10 =	sld [smem:$0x3FB2]  }
0x3d: {  	_ =	shalt  }
0x3e: {  	_ =	shalt  }
0x3f: {  	_ =	shalt  }
0x40: {  	_ =	shalt  }
0x41: {  	_ =	shalt  }
0x42: {  	_ =	shalt  }
0x43: {  	_ =	shalt  }
0x44: {  	_ =	shalt  }
0x45: {  	_ =	shalt  }
0x46: {  	_ =	shalt  }
0x47: {  	_ =	shalt  }
0x48: {  	_ =	shalt  }
0x49: {  	_ =	shalt  }
0x4a: {  	_ =	shalt  }
0x4b: {  	_ =	shalt  }
0x4c: {  	_ =	shalt  }
0x4d: {  	_ =	shalt  }
0x4e: {  	_ =	shalt  }
0x4f: {  	_ =	shalt  }
0x50: {  	_ =	shalt  }
0x51: {  	_ =	shalt  }
0x52: {  	_ =	shalt  }
0x53: {  	_ =	shalt  }
0x54: {  	_ =	shalt  }
0x55: {  	_ =	shalt  }
0x56: {  	_ =	shalt  }
0x57: {  	_ =	shalt  }
0x58: {  	_ =	shalt  }
0x59: {  	_ =	shalt  }
0x5a: {  	_ =	shalt  }
0x5b: {  	_ =	shalt  }
0x5c: {  	_ =	shalt  }
0x5d: {  	_ =	shalt  }
0x5e: {  	_ =	shalt  }
0x5f: {  	_ =	shalt  }
0x60: {  	_ =	shalt  }
0x61: {  	_ =	shalt  }
0x62: {  	_ =	shalt  }
0x63: {  	_ =	shalt  }
0x64: {  	_ =	shalt  }
0x65: {  	_ =	shalt  }
0x66: {  	_ =	shalt  }
0x67: {  	_ =	shalt  }
0x68: {  	_ =	shalt  }
0x69: {  	_ =	shalt  }
0x6a: {  	_ =	shalt  }
0x6b: {  	_ =	shalt  }
0x6c: {  	_ =	shalt  }
0x6d: {  	_ =	shalt  }
0x6e: {  	_ =	shalt  }
0x6f: {  	_ =	shalt  }
0x70: {  	_ =	shalt  }
0x71: {  	_ =	shalt  }
0x72: {  	_ =	shalt  }
0x73: {  	_ =	shalt  }
0x74: {  	_ =	shalt  }
0x75: {  	_ =	shalt  }
0x76: {  	_ =	shalt  }
0x77: {  	_ =	shalt  }
0x78: {  	_ =	shalt  }
0x79: {  	_ =	shalt  }
0x7a: {  	_ =	shalt  }
0x7b: {  	_ =	shalt  }
0x7c: {  	_ =	shalt  }
0x7d: {  	_ =	shalt  }
0x7e: {  	_ =	shalt  }
0x7f: {  	_ =	shalt  }
0x80: {  	_ =	shalt  }
0x81: {  	_ =	shalt  }
0x82: {  	_ =	shalt  }
0x83: {  	_ =	shalt  }
0x84: {  	_ =	shalt  }
0x85: {  	_ =	shalt  }
0x86: {  	_ =	shalt  }
0x87: {  	_ =	shalt  }
.Lfunc_end0:
.L_simem_size_0:
called_computation.1_lowered:
.L_overlay_start_0:
0x88: {  	s2 =	sld [smem:$0x3FD9]  }
0x89: {  	s3 =	sld [smem:$0x3FFE];
	_ =	sdelay $0x1  }
0x8a: {  	s1 =	srdreg.scid  }
0x8b: {  	s0 =	sand.u32 $0x1, s1  }
0x8c: {  	s16 =	sshll.u32 s0, $0xA;
	s2 =	sadd.s32 s3, s2  }
0x8d: {  	s2 =	sadd.s32 s2, s16  }
0x8e: {  	[smem:$0x3FBE] =	sst s2  }
0x8f: {  	_ = 	snop  }
0x90: {  	(tm) =	ssettm $0x1  }
0x91: {  	s17 =	sld [smem:$0x3FFB];
	_ =	sdelay $0x3  }
0x92: {  	_ =	strace s17  }
0x93: {  	s2 =	sld [smem:$0x3FFC];
	_ =	sdelay $0x3  }
0x94: {  	_ =	strace s2  }
0x95: {  	s2 =	sld [smem:$0x3FFD];
	_ =	sdelay $0x3  }
0x96: {  	_ =	strace s2  }
0x97: {  	_ =	strace $0x8FFFFFFF  }
0x98: {  	s18 =	sld [smem:$0x3FDB];
	_ =	sdelay $0x1  }
0x99: {  	s19 =	simm.s32 $_scs_section_size  }
0x9a: {  	s4 =	simm.s32 $_size__tile_overlayer_lowered;
	s5 =	simm.s32 $_tile_overlayer_lowered  }
0x9b: {  	s22 =	simm.s32 $0x1BFF;
	s21 =	sshll.u32 s5, $0x1;
	s2 =	sadd.s32 s19, s18  }
0x9c: {  	s6 =	simm.s32 $0x0;
	s20 =	sshll.u32 s4, $0x1;
	s4 =	sadd.s32 s21, s2  }
0x9d: {  	[timem:s6], [sflag:s22] =	dma.local [hbm:s4], s20  }
0x9e: {  	_ =	swait.ge [sflag:s22], s20  }
0x9f: {  	s3 =	ssub.s32 $0x0, s20;
	[sflag:s22] =	ssyncset.done $0x0  }
0xa0: {  	[sflag:s22] =	ssyncadd.s32 s3;
	_ =	sdelay $0x1  }
0xa1: {  	s23 =	simm.s32 $0x1B8B  }
0xa2: {  	_ =	swait.ge [sflag:s23], $0x1  }
0xa3: {  	[sflag:s23] =	ssyncset.done $0x0  }
0xa4: {  	s25 =	simm.s32 $0x1B8E;
	s24 =	sld [smem:$0x3FFE];
	[sflag:s23] =	ssyncadd.s32 $0xFFFFFFFF  }
0xa5: {  	s26 =	simm.s32 $execute0_lowered;
	[smem:$0x3FD2] =	sst s25  }
0xa6: {  	s4 =	sshll.u32 s26, $0x1;
	_ =	strace $0x80000049;
	[dreg:$0x1] =	wrdreg $0xFFFFFFFF  }
0xa7: {  	s28 =	simm.s32 $_size_execute0_lowered;
	s2 =	sadd.s32 s2, s4;
	[dreg:$0x0] =	wrdreg $0x0  }
0xa8: {  	s4 =	sshll.u32 s28, $0x1;
	[dreg:$0x2] =	wrdreg s2  }
0xa9: {  	[dreg:$0x3] =	wrdreg s4  }
0xaa: {  	[dreg:$0x4] =	wrdreg $0xC0  }
0xab: {  	_ =	task [dreg:s6], $0x5FFFF  }
0xac: {  	[dreg:$0x1] =	wrdreg $0xFFFFFFFF  }
0xad: {  	[dreg:$0x0] =	wrdreg $0x60  }
0xae: {  	[dreg:$0x2] =	wrdreg s24  }
0xaf: {  	[dreg:$0x3] =	wrdreg $0xA8000  }
0xb0: {  	[dreg:$0x4] =	wrdreg $0x9  }
0xb1: {  	_ =	task.clear_ibuf [dreg:s6], $0x5FFFF;
	_ =	strace $0x90000049  }
0xb2: {  	s29 =	simm.s32 $0x9;
	_ =	strace $0x8000004B  }
0xb3: {  	_ =	swait.ge [sflag:s29], $0x1  }
0xb4: {  	[sflag:s29] =	ssyncadd.s32 $0xFFFFFFFF  }
0xb5: {  	_ =	strace $0x9000004B  }
0xb6: {  	_ =	sfence  }
0xb7: {  	s30 =	sld [smem:$0x0];
	_ =	sdelay $0x2  }
0xb8: {  	s31 =	sshll.u32 s1, $0xD;
	s1 =	sshrl.u32 s1, $0x2  }
0xb9: {  	s3 =	sand.u32 $0x4000, s31;
	s1 =	sadd.s32 s1, s30  }
0xba: {  	s0 =	sor.u32 s3, s0;
	s1 =	sshll.u32 s1, $0x11  }
0xbb: {  	s0 =	sor.u32 s1, s0  }
0xbc: {  	s0 =	sadd.s32 $0x8F2B, s0  }
0xbd: {  	[sflag:s0] =	ssyncadd.remote.s32 $0x1  }
0xbe: {  	_ =	sfence.sel $0xFFFF  }
0xbf: {  	[dreg:$0x0] =	wrdreg $0xFFFFFFFF;
	(pc) =	sbr.abs _section_cstart, $3  }
0xc0: {  	[dreg:$0x1] =	wrdreg $0xFFFFFFFF  }
0xc1: {  	_ =	task.clear_ibuf [dreg:s6], $0x2FFFF;
	_ =	strace $0x9FFFFFFF  }
0xc2: {  	(tm) =	ssettm $0x7FFFFFFF  }
0xc3: {  	_ =	shalt  }
tec
execute0_lowered:
.L_overlay_start_1:
0x0: {  	(tag) =	ssettag $0x1  }
0x1: {  	s0 =	rddreg [dreg:$0x0]  }
0x2: {  	s1 =	rddreg [dreg:$0x1];
	s2 =	simm.s32 $0x0  }
0x3: {  	s3 =	srdreg.scid;
	s11 =	stileid.u32;
	s15 =	simm.s32 $0x2800  }
0x4: {  	s16 =	simm.s32 $0x3;
	s18 =	simm.s32 $0x20;
	s28 =	simm.s32 $0x7800  }
0x5: {  	s29 =	simm.s32 $0x8800;
	s30 =	simm.s32 $0x9800;
	s31 =	simm.s32 $0x80  }
0x6: {  	s17 =	simm.s32 $0x2780;
	[smem:$0x7FF] =	sst s2;
	s4 =	sadd.s32 $0x64800, s0  }
0x7: {  	s3 =	sand.u32 $0x1, s3;
	s7 =	sadd.s32 $0xA800, s0;
	s8 =	smul.u32 $0x50000, s11  }
0x8: {  	s9 =	sadd.s32 $0x800, s0;
	s25 =	smul.u32 $0x2800, s11;
	s6 =	sshll.u32 s3, $0x4  }
0x9: {  	s5 =	smul.u32 $0x28000, s3;
	s3 =	ssub.s32 $0x2, s3;
	s6 =	sor.u32 s11, s6  }
0xa: {  	_ =	strace $0x8000004A;
	s19 =	sshrl.u32 s3, $0x1;
	s10 =	smul.u32 $0x2800, s6  }
0xb: {  	s20 =	sshrl.u32 s8, $0x2;
	s0 =	sadd.s32 s5, s0;
	s6 =	smul.u32 $0x500, s6  }
0xc: {  	s3 =	ssub.s32 s3, s19;
	s5 =	sadd.s32 s20, s1;
	s19 =	simm.s32 $0x3800  }
0xd: {  	s0 =	sadd.s32 $0x14800, s0;
	s3 =	smax.u32 s3, $0x1;
	s26 =	sadd.s32 $0x4000, s5  }
0xe: {  	s12 =	sadd.s32 $0x8000, s5;
	s13 =	sadd.s32 $0xC000, s5;
	s14 =	sadd.s32 $0x10000, s5  }
0xf: {  	s21 =	sshrl.u32 s10, $0x3;
	s22 =	sadd.s32 s7, s6;
	[dreg:$0x7] =	wrdreg s3  }
0x10: {  	s6 =	sadd.s32 s9, s6;
	[dreg:$0x8] =	wrdreg s26;
	s26 =	simm.s32 $0x6800  }
0x11: {  	s3 =	simm.s32 $0x1380;
	[dreg:$0x3] =	wrdreg s22;
	s8 =	sadd.s32 $0x280, s21  }
0x12: {  	[dreg:$0x4] =	wrdreg s6;
	s21 =	simm.s32 $0x4800;
	s22 =	simm.s32 $0x60  }
0x13: {  	s6 =	simm.s32 $0x13A0;
	s23 =	sadd.s32 s7, s8;
	s24 =	sadd.s32 s9, s8  }
0x14: {  	s7 =	simm.s32 $0x13C0;
	s8 =	simm.s32 $0x13E0;
	[dreg:$0x5] =	wrdreg s23  }
0x15: {  	s9 =	simm.s32 $0x2700;
	[dreg:$0x6] =	wrdreg s24;
	s23 =	simm.s32 $0x5800  }
0x16: {  	v0 =	vimm.f32 $0.0e+00;
	s24 =	sadd.s32 s25, s0;
	s25 =	simm.s32 $0x1;
	s0 =	simm.s32 $0x2  }
.LBB2_1:
0x17: {  	s10 =	simm.s32 $0x0;
	s11 =	simm.s32 $0x200  }
.LBB2_2:
0x18: {  	p0 =	sne.s32 s11, $0xFE00;
	[tilespmem:s10+$0x2870] =	vst v0  }
0x19: {  	[tilespmem:s10+$0x2800] =	vst v0  }
0x1a: {  	[tilespmem:s10+$0x2810] =	vst v0  }
.Ltmp0:
0x1b: {  	[tilespmem:s10+$0x2820] =	vst v0;
	(pc) =	sbr.rel @p0 .LBB2_2-.Ltmp0, $4  }
0x1c: {  	[tilespmem:s10+$0x2830] =	vst v0  }
0x1d: {  	[tilespmem:s10+$0x2840] =	vst v0  }
0x1e: {  	[tilespmem:s10+$0x2850] =	vst v0  }
0x1f: {  	[tilespmem:s10+$0x2860] =	vst v0;
	s10 =	sshra.s32 s11, $0x2;
	s11 =	sadd.s32 $0x200, s11  }
0x20: {  	[tilespmem:s10+$0x2870] =	vst v0  }
0x21: {  	[tilespmem:s10+$0x2800] =	vst v0  }
0x22: {  	[tilespmem:s10+$0x2810] =	vst v0  }
0x23: {  	[tilespmem:s10+$0x2820] =	vst v0  }
0x24: {  	[tilespmem:s10+$0x2830] =	vst v0  }
0x25: {  	[tilespmem:s10+$0x2840] =	vst v0  }
0x26: {  	[tilespmem:s10+$0x2850] =	vst v0  }
0x27: {  	[tilespmem:s10+$0x2860] =	vst v0  }
0x28: {  	[spmem:s5] =	stream.linear.scatter [tilespmem:s15], [sflag:$0x3], $0x4000, $0x38;
	[tilespmem:$0x1E800] =	vst v63  }
0x29: {  	_ =	swait.ge [sflag:s16], $0x4000  }
0x2a: {  	[sflag:s16] =	ssyncset.done $0x0  }
0x2b: {  	s11 =	rddreg [dreg:$0x8];
	[sflag:s16] =	ssyncadd.s32 $0xFFFFC000  }
0x2c: {  	[spmem:s11] =	stream.linear.scatter [tilespmem:s15], [sflag:$0x3], $0x4000, $0x38;
	[tilespmem:$0x1E800] =	vst v63  }
0x2d: {  	_ =	swait.ge [sflag:s16], $0x4000  }
0x2e: {  	[sflag:s16] =	ssyncset.done $0x0  }
0x2f: {  	[sflag:s16] =	ssyncadd.s32 $0xFFFFC000  }
0x30: {  	[spmem:s12] =	stream.linear.scatter [tilespmem:s15], [sflag:$0x3], $0x4000, $0x38;
	[tilespmem:$0x1E800] =	vst v63  }
0x31: {  	_ =	swait.ge [sflag:s16], $0x4000  }
0x32: {  	[sflag:s16] =	ssyncset.done $0x0  }
0x33: {  	[sflag:s16] =	ssyncadd.s32 $0xFFFFC000  }
0x34: {  	[spmem:s13] =	stream.linear.scatter [tilespmem:s15], [sflag:$0x3], $0x4000, $0x38;
	[tilespmem:$0x1E800] =	vst v63  }
0x35: {  	_ =	swait.ge [sflag:s16], $0x4000  }
0x36: {  	[sflag:s16] =	ssyncset.done $0x0  }
0x37: {  	[sflag:s16] =	ssyncadd.s32 $0xFFFFC000  }
0x38: {  	[spmem:s14] =	stream.linear.scatter [tilespmem:s15], [sflag:$0x3], $0x4000, $0x38;
	[tilespmem:$0x1E800] =	vst v63  }
0x39: {  	_ =	swait.ge [sflag:s16], $0x4000  }
0x3a: {  	[sflag:s16] =	ssyncset.done $0x0  }
0x3b: {  	[sflag:s16] =	ssyncadd.s32 $0xFFFFC000  }
0x3c: {  	[bflag:$0x0] =	sbarrier.arrive $0xFFFF  }
0x3d: {  	s10 =	simm.s32 $0x0;
	s11 =	rddreg [dreg:$0x3]  }
0x3e: {  	[tilespmem:s10], [sflag:$0x3] =	stream.linear.gather [hbm4b:s11+s10], $0x1400, $0x38;
	[tilespmem:$0x1E800] =	vst v63  }
0x3f: {  	_ =	swait.ge [sflag:s16], $0x1400  }
0x40: {  	[sflag:s16] =	ssyncset.done $0x0  }
0x41: {  	s20 =	simm.s32 $0x1400;
	s11 =	rddreg [dreg:$0x4];
	[sflag:s16] =	ssyncadd.s32 $0xFFFFEC00  }
0x42: {  	[tilespmem:s20], [sflag:$0x3] =	stream.linear.gather [hbm4b:s11+s10], $0x1400, $0x38;
	[tilespmem:$0x1E800] =	vst v63  }
0x43: {  	_ =	swait.ge [sflag:s16], $0x1400  }
0x44: {  	[sflag:s16] =	ssyncset.done $0x0  }
0x45: {  	[sflag:s16] =	ssyncadd.s32 $0xFFFFEC00  }
0x46: {  	[tilespmem:s15], [sflag:$0x1] =	stream.indirect.gather [hbm4b:s4+s18], $0x80, s10, s18, $0xb8;
	[tilespmem:$0x1E800] =	vst v63  }
0x47: {  	_ = 	snop  }
0x48: {  	[tilespmem:s19], [sflag:$0x1] =	stream.indirect.gather [hbm4b:s4+s18], $0x80, s18, s18, $0xb8;
	[tilespmem:$0x1E800] =	vst v63  }
0x49: {  	s20 =	simm.s32 $0x40  }
0x4a: {  	[tilespmem:s21], [sflag:$0x1] =	stream.indirect.gather [hbm4b:s4+s18], $0x80, s20, s18, $0xb8;
	[tilespmem:$0x1E800] =	vst v63  }
0x4b: {  	_ = 	snop  }
0x4c: {  	[tilespmem:s23], [sflag:$0x1] =	stream.indirect.gather [hbm4b:s4+s18], $0x80, s22, s18, $0xb8;
	[tilespmem:$0x1E800] =	vst v63  }
0x4d: {  	_ =	swait.ge [sflag:s25], $0x1000  }
0x4e: {  	[sflag:s25] =	ssyncset.done $0x0  }
0x4f: {  	[sflag:s25] =	ssyncadd.s32 $0xFFFFF000  }
0x50: {  	_ =	swait.ge [sflag:s25], $0x1000  }
0x51: {  	[sflag:s25] =	ssyncset.done $0x0  }
0x52: {  	[sflag:s25] =	ssyncadd.s32 $0xFFFFF000  }
0x53: {  	_ =	swait.ge [sflag:s25], $0x1000  }
0x54: {  	[sflag:s25] =	ssyncset.done $0x0  }
0x55: {  	[sflag:s25] =	ssyncadd.s32 $0xFFFFF000  }
0x56: {  	_ =	swait.ge [sflag:s25], $0x1000  }
0x57: {  	[sflag:s25] =	ssyncset.done $0x0  }
0x58: {  	s11 =	simm.s32 $0x80;
	[sflag:s25] =	ssyncadd.s32 $0xFFFFF000  }
0x59: {  	[tilespmem:s26], [sflag:$0x2] =	stream.indirect.gather [hbm4b:s4+s18], $0x80, s11, s18, $0xb8;
	[tilespmem:$0x1E800] =	vst v63  }
0x5a: {  	s20 =	simm.s32 $0xA0  }
0x5b: {  	[tilespmem:s28], [sflag:$0x2] =	stream.indirect.gather [hbm4b:s4+s18], $0x80, s20, s18, $0xb8;
	[tilespmem:$0x1E800] =	vst v63  }
0x5c: {  	s11 =	simm.s32 $0xC0  }
0x5d: {  	[tilespmem:s29], [sflag:$0x2] =	stream.indirect.gather [hbm4b:s4+s18], $0x80, s11, s18, $0xb8;
	[tilespmem:$0x1E800] =	vst v63  }
0x5e: {  	s20 =	simm.s32 $0xE0  }
0x5f: {  	[tilespmem:s30], [sflag:$0x2] =	stream.indirect.gather [hbm4b:s4+s18], $0x80, s20, s18, $0xb8;
	[tilespmem:$0x1E800] =	vst v63  }
0x60: {  	s11 =	simm.s32 $0x1400  }
0x61: {  	[spmem:s1] =	stream.indirect.scatter.add.f32 [tilespmem:s15], [sflag:$0x3], $0x80, s11, s31, $0xb8;
	[tilespmem:$0x1E800] =	vst v63  }
0x62: {  	_ =	swait.ge [sflag:s16], $0x4000  }
0x63: {  	[sflag:s16] =	ssyncset.done $0x0  }
0x64: {  	[sflag:s16] =	ssyncadd.s32 $0xFFFFC000  }
0x65: {  	_ =	swait.ge [sflag:s0], $0x1000  }
0x66: {  	[sflag:s0] =	ssyncset.done $0x0  }
0x67: {  	[sflag:s0] =	ssyncadd.s32 $0xFFFFF000  }
0x68: {  	_ =	swait.ge [sflag:s0], $0x1000  }
0x69: {  	[sflag:s0] =	ssyncset.done $0x0  }
0x6a: {  	[sflag:s0] =	ssyncadd.s32 $0xFFFFF000  }
0x6b: {  	_ =	swait.ge [sflag:s0], $0x1000  }
0x6c: {  	[sflag:s0] =	ssyncset.done $0x0  }
0x6d: {  	[sflag:s0] =	ssyncadd.s32 $0xFFFFF000  }
0x6e: {  	_ =	swait.ge [sflag:s0], $0x1000  }
0x6f: {  	[sflag:s0] =	ssyncset.done $0x0  }
0x70: {  	s20 =	simm.s32 $0x100;
	[sflag:s0] =	ssyncadd.s32 $0xFFFFF000  }
0x71: {  	[tilespmem:s15], [sflag:$0x1] =	stream.indirect.gather [hbm4b:s4+s18], $0x80, s20, s18, $0xb8;
	[tilespmem:$0x1E800] =	vst v63  }
0x72: {  	s11 =	simm.s32 $0x120  }
0x73: {  	[tilespmem:s19], [sflag:$0x1] =	stream.indirect.gather [hbm4b:s4+s18], $0x80, s11, s18, $0xb8;
	[tilespmem:$0x1E800] =	vst v63  }
0x74: {  	s20 =	simm.s32 $0x140  }
0x75: {  	[tilespmem:s21], [sflag:$0x1] =	stream.indirect.gather [hbm4b:s4+s18], $0x80, s20, s18, $0xb8;
	[tilespmem:$0x1E800] =	vst v63  }
0x76: {  	s11 =	simm.s32 $0x160  }
0x77: {  	[tilespmem:s23], [sflag:$0x1] =	stream.indirect.gather [hbm4b:s4+s18], $0x80, s11, s18, $0xb8;
	[tilespmem:$0x1E800] =	vst v63  }
0x78: {  	s20 =	simm.s32 $0x1480  }
0x79: {  	[spmem:s1] =	stream.indirect.scatter.add.f32 [tilespmem:s26], [sflag:$0x3], $0x80, s20, s31, $0xb8;
	[tilespmem:$0x1E800] =	vst v63  }
0x7a: {  	_ =	swait.ge [sflag:s16], $0x4000  }
0x7b: {  	s10 =	simm.s32 $0x400;
	[sflag:s16] =	ssyncset.done $0x0  }
.LBB2_4:
0x7c: {  	p0 =	sne.s32 s10, $0x4800  }
0x7d: {  	[sflag:s16] =	ssyncadd.s32 $0xFFFFC000;
	s11 =	smov.u32 s10;
	s10 =	sadd.s32 $0x400, s10  }
0x7e: {  	_ = 	snop  }
0x7f: {  	_ =	swait.ge [sflag:s25], $0x1000  }
0x80: {  	[sflag:s25] =	ssyncset.done $0x0  }
0x81: {  	[sflag:s25] =	ssyncadd.s32 $0xFFFFF000  }
0x82: {  	_ =	swait.ge [sflag:s25], $0x1000  }
0x83: {  	[sflag:s25] =	ssyncset.done $0x0  }
0x84: {  	[sflag:s25] =	ssyncadd.s32 $0xFFFFF000  }
0x85: {  	_ =	swait.ge [sflag:s25], $0x1000  }
0x86: {  	[sflag:s25] =	ssyncset.done $0x0  }
0x87: {  	[sflag:s25] =	ssyncadd.s32 $0xFFFFF000  }
0x88: {  	_ =	swait.ge [sflag:s25], $0x1000  }
0x89: {  	s11 =	sshra.s32 s11, $0x2;
	[sflag:s25] =	ssyncset.done $0x0  }
0x8a: {  	s20 =	sadd.s32 $0x80, s11;
	[sflag:s25] =	ssyncadd.s32 $0xFFFFF000  }
0x8b: {  	[tilespmem:s26], [sflag:$0x2] =	stream.indirect.gather [hbm4b:s4+s18], $0x80, s20, s18, $0xb8;
	[tilespmem:$0x1E800] =	vst v63  }
0x8c: {  	s20 =	sadd.s32 $0xA0, s11  }
0x8d: {  	[tilespmem:s28], [sflag:$0x2] =	stream.indirect.gather [hbm4b:s4+s18], $0x80, s20, s18, $0xb8;
	[tilespmem:$0x1E800] =	vst v63  }
0x8e: {  	s20 =	sadd.s32 $0xC0, s11  }
0x8f: {  	[tilespmem:s29], [sflag:$0x2] =	stream.indirect.gather [hbm4b:s4+s18], $0x80, s20, s18, $0xb8;
	[tilespmem:$0x1E800] =	vst v63  }
0x90: {  	s20 =	sadd.s32 $0xE0, s11  }
0x91: {  	[tilespmem:s30], [sflag:$0x2] =	stream.indirect.gather [hbm4b:s4+s18], $0x80, s20, s18, $0xb8;
	[tilespmem:$0x1E800] =	vst v63  }
0x92: {  	s20 =	sadd.s32 $0x1400, s11  }
0x93: {  	[spmem:s1] =	stream.indirect.scatter.add.f32 [tilespmem:s15], [sflag:$0x3], $0x80, s20, s31, $0xb8;
	[tilespmem:$0x1E800] =	vst v63  }
0x94: {  	_ =	swait.ge [sflag:s16], $0x4000  }
0x95: {  	[sflag:s16] =	ssyncset.done $0x0  }
0x96: {  	[sflag:s16] =	ssyncadd.s32 $0xFFFFC000  }
0x97: {  	_ =	swait.ge [sflag:s0], $0x1000  }
0x98: {  	[sflag:s0] =	ssyncset.done $0x0  }
0x99: {  	[sflag:s0] =	ssyncadd.s32 $0xFFFFF000  }
0x9a: {  	_ =	swait.ge [sflag:s0], $0x1000  }
0x9b: {  	[sflag:s0] =	ssyncset.done $0x0  }
0x9c: {  	[sflag:s0] =	ssyncadd.s32 $0xFFFFF000  }
0x9d: {  	_ =	swait.ge [sflag:s0], $0x1000  }
0x9e: {  	[sflag:s0] =	ssyncset.done $0x0  }
0x9f: {  	[sflag:s0] =	ssyncadd.s32 $0xFFFFF000  }
0xa0: {  	_ =	swait.ge [sflag:s0], $0x1000  }
0xa1: {  	[sflag:s0] =	ssyncset.done $0x0  }
0xa2: {  	s20 =	sadd.s32 $0x100, s11;
	[sflag:s0] =	ssyncadd.s32 $0xFFFFF000  }
0xa3: {  	[tilespmem:s15], [sflag:$0x1] =	stream.indirect.gather [hbm4b:s4+s18], $0x80, s20, s18, $0xb8;
	[tilespmem:$0x1E800] =	vst v63  }
0xa4: {  	s20 =	sadd.s32 $0x120, s11  }
0xa5: {  	[tilespmem:s19], [sflag:$0x1] =	stream.indirect.gather [hbm4b:s4+s18], $0x80, s20, s18, $0xb8;
	[tilespmem:$0x1E800] =	vst v63  }
0xa6: {  	s20 =	sadd.s32 $0x140, s11  }
0xa7: {  	[tilespmem:s21], [sflag:$0x1] =	stream.indirect.gather [hbm4b:s4+s18], $0x80, s20, s18, $0xb8;
	[tilespmem:$0x1E800] =	vst v63  }
0xa8: {  	s20 =	sadd.s32 $0x160, s11  }
0xa9: {  	[tilespmem:s23], [sflag:$0x1] =	stream.indirect.gather [hbm4b:s4+s18], $0x80, s20, s18, $0xb8;
	[tilespmem:$0x1E800] =	vst v63  }
.Ltmp1:
0xaa: {  	_ = 	snop;
	(pc) =	sbr.rel @p0 .LBB2_4-.Ltmp1, $4  }
0xab: {  	s11 =	sadd.s32 $0x1480, s11  }
0xac: {  	[spmem:s1] =	stream.indirect.scatter.add.f32 [tilespmem:s26], [sflag:$0x3], $0x80, s11, s31, $0xb8;
	[tilespmem:$0x1E800] =	vst v63  }
0xad: {  	_ =	swait.ge [sflag:s16], $0x4000  }
0xae: {  	[sflag:s16] =	ssyncset.done $0x0  }
0xaf: {  	[sflag:s16] =	ssyncadd.s32 $0xFFFFC000  }
0xb0: {  	_ =	swait.ge [sflag:s25], $0x1000  }
0xb1: {  	[sflag:s25] =	ssyncset.done $0x0  }
0xb2: {  	[sflag:s25] =	ssyncadd.s32 $0xFFFFF000  }
0xb3: {  	_ =	swait.ge [sflag:s25], $0x1000  }
0xb4: {  	[sflag:s25] =	ssyncset.done $0x0  }
0xb5: {  	[sflag:s25] =	ssyncadd.s32 $0xFFFFF000  }
0xb6: {  	_ =	swait.ge [sflag:s25], $0x1000  }
0xb7: {  	[sflag:s25] =	ssyncset.done $0x0  }
0xb8: {  	[sflag:s25] =	ssyncadd.s32 $0xFFFFF000  }
0xb9: {  	_ =	swait.ge [sflag:s25], $0x1000  }
0xba: {  	[sflag:s25] =	ssyncset.done $0x0  }
0xbb: {  	[sflag:s25] =	ssyncadd.s32 $0xFFFFF000  }
0xbc: {  	[tilespmem:s26], [sflag:$0x2] =	stream.indirect.gather [hbm4b:s4+s18], $0x80, s3, s18, $0xb8;
	[tilespmem:$0x1E800] =	vst v63  }
0xbd: {  	_ = 	snop  }
0xbe: {  	[tilespmem:s28], [sflag:$0x2] =	stream.indirect.gather [hbm4b:s4+s18], $0x80, s6, s18, $0xb8;
	[tilespmem:$0x1E800] =	vst v63  }
0xbf: {  	_ = 	snop  }
0xc0: {  	[tilespmem:s29], [sflag:$0x2] =	stream.indirect.gather [hbm4b:s4+s18], $0x80, s7, s18, $0xb8;
	[tilespmem:$0x1E800] =	vst v63  }
0xc1: {  	_ = 	snop  }
0xc2: {  	[tilespmem:s30], [sflag:$0x2] =	stream.indirect.gather [hbm4b:s4+s18], $0x80, s8, s18, $0xb8;
	[tilespmem:$0x1E800] =	vst v63  }
0xc3: {  	_ = 	snop  }
0xc4: {  	[spmem:s1] =	stream.indirect.scatter.add.f32 [tilespmem:s15], [sflag:$0x3], $0x80, s9, s31, $0xb8;
	[tilespmem:$0x1E800] =	vst v63  }
0xc5: {  	_ =	swait.ge [sflag:s16], $0x4000  }
0xc6: {  	[sflag:s16] =	ssyncset.done $0x0  }
0xc7: {  	[sflag:s16] =	ssyncadd.s32 $0xFFFFC000  }
0xc8: {  	_ =	swait.ge [sflag:s0], $0x1000  }
0xc9: {  	[sflag:s0] =	ssyncset.done $0x0  }
0xca: {  	[sflag:s0] =	ssyncadd.s32 $0xFFFFF000  }
0xcb: {  	_ =	swait.ge [sflag:s0], $0x1000  }
0xcc: {  	[sflag:s0] =	ssyncset.done $0x0  }
0xcd: {  	[sflag:s0] =	ssyncadd.s32 $0xFFFFF000  }
0xce: {  	_ =	swait.ge [sflag:s0], $0x1000  }
0xcf: {  	[sflag:s0] =	ssyncset.done $0x0  }
0xd0: {  	[sflag:s0] =	ssyncadd.s32 $0xFFFFF000  }
0xd1: {  	_ =	swait.ge [sflag:s0], $0x1000  }
0xd2: {  	[sflag:s0] =	ssyncset.done $0x0  }
0xd3: {  	[sflag:s0] =	ssyncadd.s32 $0xFFFFF000  }
0xd4: {  	[spmem:s1] =	stream.indirect.scatter.add.f32 [tilespmem:s26], [sflag:$0x3], $0x80, s17, s31, $0xb8;
	[tilespmem:$0x1E800] =	vst v63  }
0xd5: {  	_ =	swait.ge [sflag:s16], $0x4000  }
0xd6: {  	[sflag:s16] =	ssyncset.done $0x0  }
0xd7: {  	s10 =	simm.s32 $0x0;
	s11 =	rddreg [dreg:$0x5];
	[sflag:s16] =	ssyncadd.s32 $0xFFFFC000  }
0xd8: {  	[tilespmem:s10], [sflag:$0x3] =	stream.linear.gather [hbm4b:s11+s10], $0x1400, $0x38;
	[tilespmem:$0x1E800] =	vst v63  }
0xd9: {  	_ =	swait.ge [sflag:s16], $0x1400  }
0xda: {  	[sflag:s16] =	ssyncset.done $0x0  }
0xdb: {  	s20 =	simm.s32 $0x1400;
	s11 =	rddreg [dreg:$0x6];
	[sflag:s16] =	ssyncadd.s32 $0xFFFFEC00  }
0xdc: {  	[tilespmem:s20], [sflag:$0x3] =	stream.linear.gather [hbm4b:s11+s10], $0x1400, $0x38;
	[tilespmem:$0x1E800] =	vst v63  }
0xdd: {  	_ =	swait.ge [sflag:s16], $0x1400  }
0xde: {  	[sflag:s16] =	ssyncset.done $0x0  }
0xdf: {  	[sflag:s16] =	ssyncadd.s32 $0xFFFFEC00  }
0xe0: {  	[tilespmem:s15], [sflag:$0x1] =	stream.indirect.gather [hbm4b:s4+s18], $0x80, s10, s18, $0xb8;
	[tilespmem:$0x1E800] =	vst v63  }
0xe1: {  	_ = 	snop  }
0xe2: {  	[tilespmem:s19], [sflag:$0x1] =	stream.indirect.gather [hbm4b:s4+s18], $0x80, s18, s18, $0xb8;
	[tilespmem:$0x1E800] =	vst v63  }
0xe3: {  	s20 =	simm.s32 $0x40  }
0xe4: {  	[tilespmem:s21], [sflag:$0x1] =	stream.indirect.gather [hbm4b:s4+s18], $0x80, s20, s18, $0xb8;
	[tilespmem:$0x1E800] =	vst v63  }
0xe5: {  	_ = 	snop  }
0xe6: {  	[tilespmem:s23], [sflag:$0x1] =	stream.indirect.gather [hbm4b:s4+s18], $0x80, s22, s18, $0xb8;
	[tilespmem:$0x1E800] =	vst v63  }
0xe7: {  	_ =	swait.ge [sflag:s25], $0x1000  }
0xe8: {  	[sflag:s25] =	ssyncset.done $0x0  }
0xe9: {  	[sflag:s25] =	ssyncadd.s32 $0xFFFFF000  }
0xea: {  	_ =	swait.ge [sflag:s25], $0x1000  }
0xeb: {  	[sflag:s25] =	ssyncset.done $0x0  }
0xec: {  	[sflag:s25] =	ssyncadd.s32 $0xFFFFF000  }
0xed: {  	_ =	swait.ge [sflag:s25], $0x1000  }
0xee: {  	[sflag:s25] =	ssyncset.done $0x0  }
0xef: {  	[sflag:s25] =	ssyncadd.s32 $0xFFFFF000  }
0xf0: {  	_ =	swait.ge [sflag:s25], $0x1000  }
0xf1: {  	[sflag:s25] =	ssyncset.done $0x0  }
0xf2: {  	s11 =	simm.s32 $0x80;
	[sflag:s25] =	ssyncadd.s32 $0xFFFFF000  }
0xf3: {  	[tilespmem:s26], [sflag:$0x2] =	stream.indirect.gather [hbm4b:s4+s18], $0x80, s11, s18, $0xb8;
	[tilespmem:$0x1E800] =	vst v63  }
0xf4: {  	s20 =	simm.s32 $0xA0  }
0xf5: {  	[tilespmem:s28], [sflag:$0x2] =	stream.indirect.gather [hbm4b:s4+s18], $0x80, s20, s18, $0xb8;
	[tilespmem:$0x1E800] =	vst v63  }
0xf6: {  	s11 =	simm.s32 $0xC0  }
0xf7: {  	[tilespmem:s29], [sflag:$0x2] =	stream.indirect.gather [hbm4b:s4+s18], $0x80, s11, s18, $0xb8;
	[tilespmem:$0x1E800] =	vst v63  }
0xf8: {  	s20 =	simm.s32 $0xE0  }
0xf9: {  	[tilespmem:s30], [sflag:$0x2] =	stream.indirect.gather [hbm4b:s4+s18], $0x80, s20, s18, $0xb8;
	[tilespmem:$0x1E800] =	vst v63  }
0xfa: {  	s11 =	simm.s32 $0x1400  }
0xfb: {  	[spmem:s1] =	stream.indirect.scatter.add.f32 [tilespmem:s15], [sflag:$0x3], $0x80, s11, s31, $0xb8;
	[tilespmem:$0x1E800] =	vst v63  }
0xfc: {  	_ =	swait.ge [sflag:s16], $0x4000  }
0xfd: {  	[sflag:s16] =	ssyncset.done $0x0  }
0xfe: {  	[sflag:s16] =	ssyncadd.s32 $0xFFFFC000  }
0xff: {  	_ =	swait.ge [sflag:s0], $0x1000  }
0x100: {  	[sflag:s0] =	ssyncset.done $0x0  }
0x101: {  	[sflag:s0] =	ssyncadd.s32 $0xFFFFF000  }
0x102: {  	_ =	swait.ge [sflag:s0], $0x1000  }
0x103: {  	[sflag:s0] =	ssyncset.done $0x0  }
0x104: {  	[sflag:s0] =	ssyncadd.s32 $0xFFFFF000  }
0x105: {  	_ =	swait.ge [sflag:s0], $0x1000  }
0x106: {  	[sflag:s0] =	ssyncset.done $0x0  }
0x107: {  	[sflag:s0] =	ssyncadd.s32 $0xFFFFF000  }
0x108: {  	_ =	swait.ge [sflag:s0], $0x1000  }
0x109: {  	[sflag:s0] =	ssyncset.done $0x0  }
0x10a: {  	s20 =	simm.s32 $0x100;
	[sflag:s0] =	ssyncadd.s32 $0xFFFFF000  }
0x10b: {  	[tilespmem:s15], [sflag:$0x1] =	stream.indirect.gather [hbm4b:s4+s18], $0x80, s20, s18, $0xb8;
	[tilespmem:$0x1E800] =	vst v63  }
0x10c: {  	s11 =	simm.s32 $0x120  }
0x10d: {  	[tilespmem:s19], [sflag:$0x1] =	stream.indirect.gather [hbm4b:s4+s18], $0x80, s11, s18, $0xb8;
	[tilespmem:$0x1E800] =	vst v63  }
0x10e: {  	s20 =	simm.s32 $0x140  }
0x10f: {  	[tilespmem:s21], [sflag:$0x1] =	stream.indirect.gather [hbm4b:s4+s18], $0x80, s20, s18, $0xb8;
	[tilespmem:$0x1E800] =	vst v63  }
0x110: {  	s11 =	simm.s32 $0x160  }
0x111: {  	[tilespmem:s23], [sflag:$0x1] =	stream.indirect.gather [hbm4b:s4+s18], $0x80, s11, s18, $0xb8;
	[tilespmem:$0x1E800] =	vst v63  }
0x112: {  	s20 =	simm.s32 $0x1480  }
0x113: {  	[spmem:s1] =	stream.indirect.scatter.add.f32 [tilespmem:s26], [sflag:$0x3], $0x80, s20, s31, $0xb8;
	[tilespmem:$0x1E800] =	vst v63  }
0x114: {  	_ =	swait.ge [sflag:s16], $0x4000  }
0x115: {  	s10 =	simm.s32 $0x400;
	[sflag:s16] =	ssyncset.done $0x0  }
.LBB2_6:
0x116: {  	p0 =	sne.s32 s10, $0x4800  }
0x117: {  	[sflag:s16] =	ssyncadd.s32 $0xFFFFC000;
	s11 =	smov.u32 s10;
	s10 =	sadd.s32 $0x400, s10  }
0x118: {  	_ = 	snop  }
0x119: {  	_ =	swait.ge [sflag:s25], $0x1000  }
0x11a: {  	[sflag:s25] =	ssyncset.done $0x0  }
0x11b: {  	[sflag:s25] =	ssyncadd.s32 $0xFFFFF000  }
0x11c: {  	_ =	swait.ge [sflag:s25], $0x1000  }
0x11d: {  	[sflag:s25] =	ssyncset.done $0x0  }
0x11e: {  	[sflag:s25] =	ssyncadd.s32 $0xFFFFF000  }
0x11f: {  	_ =	swait.ge [sflag:s25], $0x1000  }
0x120: {  	[sflag:s25] =	ssyncset.done $0x0  }
0x121: {  	[sflag:s25] =	ssyncadd.s32 $0xFFFFF000  }
0x122: {  	_ =	swait.ge [sflag:s25], $0x1000  }
0x123: {  	s11 =	sshra.s32 s11, $0x2;
	[sflag:s25] =	ssyncset.done $0x0  }
0x124: {  	s20 =	sadd.s32 $0x80, s11;
	[sflag:s25] =	ssyncadd.s32 $0xFFFFF000  }
0x125: {  	[tilespmem:s26], [sflag:$0x2] =	stream.indirect.gather [hbm4b:s4+s18], $0x80, s20, s18, $0xb8;
	[tilespmem:$0x1E800] =	vst v63  }
0x126: {  	s20 =	sadd.s32 $0xA0, s11  }
0x127: {  	[tilespmem:s28], [sflag:$0x2] =	stream.indirect.gather [hbm4b:s4+s18], $0x80, s20, s18, $0xb8;
	[tilespmem:$0x1E800] =	vst v63  }
0x128: {  	s20 =	sadd.s32 $0xC0, s11  }
0x129: {  	[tilespmem:s29], [sflag:$0x2] =	stream.indirect.gather [hbm4b:s4+s18], $0x80, s20, s18, $0xb8;
	[tilespmem:$0x1E800] =	vst v63  }
0x12a: {  	s20 =	sadd.s32 $0xE0, s11  }
0x12b: {  	[tilespmem:s30], [sflag:$0x2] =	stream.indirect.gather [hbm4b:s4+s18], $0x80, s20, s18, $0xb8;
	[tilespmem:$0x1E800] =	vst v63  }
0x12c: {  	s20 =	sadd.s32 $0x1400, s11  }
0x12d: {  	[spmem:s1] =	stream.indirect.scatter.add.f32 [tilespmem:s15], [sflag:$0x3], $0x80, s20, s31, $0xb8;
	[tilespmem:$0x1E800] =	vst v63  }
0x12e: {  	_ =	swait.ge [sflag:s16], $0x4000  }
0x12f: {  	[sflag:s16] =	ssyncset.done $0x0  }
0x130: {  	[sflag:s16] =	ssyncadd.s32 $0xFFFFC000  }
0x131: {  	_ =	swait.ge [sflag:s0], $0x1000  }
0x132: {  	[sflag:s0] =	ssyncset.done $0x0  }
0x133: {  	[sflag:s0] =	ssyncadd.s32 $0xFFFFF000  }
0x134: {  	_ =	swait.ge [sflag:s0], $0x1000  }
0x135: {  	[sflag:s0] =	ssyncset.done $0x0  }
0x136: {  	[sflag:s0] =	ssyncadd.s32 $0xFFFFF000  }
0x137: {  	_ =	swait.ge [sflag:s0], $0x1000  }
0x138: {  	[sflag:s0] =	ssyncset.done $0x0  }
0x139: {  	[sflag:s0] =	ssyncadd.s32 $0xFFFFF000  }
0x13a: {  	_ =	swait.ge [sflag:s0], $0x1000  }
0x13b: {  	[sflag:s0] =	ssyncset.done $0x0  }
0x13c: {  	s20 =	sadd.s32 $0x100, s11;
	[sflag:s0] =	ssyncadd.s32 $0xFFFFF000  }
0x13d: {  	[tilespmem:s15], [sflag:$0x1] =	stream.indirect.gather [hbm4b:s4+s18], $0x80, s20, s18, $0xb8;
	[tilespmem:$0x1E800] =	vst v63  }
0x13e: {  	s20 =	sadd.s32 $0x120, s11  }
0x13f: {  	[tilespmem:s19], [sflag:$0x1] =	stream.indirect.gather [hbm4b:s4+s18], $0x80, s20, s18, $0xb8;
	[tilespmem:$0x1E800] =	vst v63  }
0x140: {  	s20 =	sadd.s32 $0x140, s11  }
0x141: {  	[tilespmem:s21], [sflag:$0x1] =	stream.indirect.gather [hbm4b:s4+s18], $0x80, s20, s18, $0xb8;
	[tilespmem:$0x1E800] =	vst v63  }
0x142: {  	s20 =	sadd.s32 $0x160, s11  }
0x143: {  	[tilespmem:s23], [sflag:$0x1] =	stream.indirect.gather [hbm4b:s4+s18], $0x80, s20, s18, $0xb8;
	[tilespmem:$0x1E800] =	vst v63  }
.Ltmp2:
0x144: {  	_ = 	snop;
	(pc) =	sbr.rel @p0 .LBB2_6-.Ltmp2, $4  }
0x145: {  	s11 =	sadd.s32 $0x1480, s11  }
0x146: {  	[spmem:s1] =	stream.indirect.scatter.add.f32 [tilespmem:s26], [sflag:$0x3], $0x80, s11, s31, $0xb8;
	[tilespmem:$0x1E800] =	vst v63  }
0x147: {  	_ =	swait.ge [sflag:s16], $0x4000  }
0x148: {  	[sflag:s16] =	ssyncset.done $0x0  }
0x149: {  	[sflag:s16] =	ssyncadd.s32 $0xFFFFC000  }
0x14a: {  	_ =	swait.ge [sflag:s25], $0x1000  }
0x14b: {  	[sflag:s25] =	ssyncset.done $0x0  }
0x14c: {  	[sflag:s25] =	ssyncadd.s32 $0xFFFFF000  }
0x14d: {  	_ =	swait.ge [sflag:s25], $0x1000  }
0x14e: {  	[sflag:s25] =	ssyncset.done $0x0  }
0x14f: {  	[sflag:s25] =	ssyncadd.s32 $0xFFFFF000  }
0x150: {  	_ =	swait.ge [sflag:s25], $0x1000  }
0x151: {  	[sflag:s25] =	ssyncset.done $0x0  }
0x152: {  	[sflag:s25] =	ssyncadd.s32 $0xFFFFF000  }
0x153: {  	_ =	swait.ge [sflag:s25], $0x1000  }
0x154: {  	[sflag:s25] =	ssyncset.done $0x0  }
0x155: {  	[sflag:s25] =	ssyncadd.s32 $0xFFFFF000  }
0x156: {  	[tilespmem:s26], [sflag:$0x2] =	stream.indirect.gather [hbm4b:s4+s18], $0x80, s3, s18, $0xb8;
	[tilespmem:$0x1E800] =	vst v63  }
0x157: {  	_ = 	snop  }
0x158: {  	[tilespmem:s28], [sflag:$0x2] =	stream.indirect.gather [hbm4b:s4+s18], $0x80, s6, s18, $0xb8;
	[tilespmem:$0x1E800] =	vst v63  }
0x159: {  	_ = 	snop  }
0x15a: {  	[tilespmem:s29], [sflag:$0x2] =	stream.indirect.gather [hbm4b:s4+s18], $0x80, s7, s18, $0xb8;
	[tilespmem:$0x1E800] =	vst v63  }
0x15b: {  	_ = 	snop  }
0x15c: {  	[tilespmem:s30], [sflag:$0x2] =	stream.indirect.gather [hbm4b:s4+s18], $0x80, s8, s18, $0xb8;
	[tilespmem:$0x1E800] =	vst v63  }
0x15d: {  	_ = 	snop  }
0x15e: {  	[spmem:s1] =	stream.indirect.scatter.add.f32 [tilespmem:s15], [sflag:$0x3], $0x80, s9, s31, $0xb8;
	[tilespmem:$0x1E800] =	vst v63  }
0x15f: {  	_ =	swait.ge [sflag:s16], $0x4000  }
0x160: {  	[sflag:s16] =	ssyncset.done $0x0  }
0x161: {  	[sflag:s16] =	ssyncadd.s32 $0xFFFFC000  }
0x162: {  	_ =	swait.ge [sflag:s0], $0x1000  }
0x163: {  	[sflag:s0] =	ssyncset.done $0x0  }
0x164: {  	[sflag:s0] =	ssyncadd.s32 $0xFFFFF000  }
0x165: {  	_ =	swait.ge [sflag:s0], $0x1000  }
0x166: {  	[sflag:s0] =	ssyncset.done $0x0  }
0x167: {  	[sflag:s0] =	ssyncadd.s32 $0xFFFFF000  }
0x168: {  	_ =	swait.ge [sflag:s0], $0x1000  }
0x169: {  	[sflag:s0] =	ssyncset.done $0x0  }
0x16a: {  	[sflag:s0] =	ssyncadd.s32 $0xFFFFF000  }
0x16b: {  	_ =	swait.ge [sflag:s0], $0x1000  }
0x16c: {  	[sflag:s0] =	ssyncset.done $0x0  }
0x16d: {  	[sflag:s0] =	ssyncadd.s32 $0xFFFFF000  }
0x16e: {  	[spmem:s1] =	stream.indirect.scatter.add.f32 [tilespmem:s26], [sflag:$0x3], $0x80, s17, s31, $0xb8;
	[tilespmem:$0x1E800] =	vst v63  }
0x16f: {  	_ =	swait.ge [sflag:s16], $0x4000  }
0x170: {  	s10 =	stileid.u32;
	[sflag:s16] =	ssyncset.done $0x0  }
0x171: {  	s10 =	sshll.u32 s10, $0x6;
	[sflag:s16] =	ssyncadd.s32 $0xFFFFC000  }
0x172: {  	s11 =	sshrl.u32 s5, $0x3;
	s10 =	sor.u32 $0x1C03, s10;
	[bflag:$0x0] =	sbarrier.arrive $0xFFFF  }
0x173: {  	[hbm:s24], [sflag:s10] =	dma.local [spmem:s11], $0x2800  }
0x174: {  	_ =	swait.ge [sflag:s16], $0x2800  }
0x175: {  	s2 =	sadd.s32 $0x1, s2;
	s20 =	rddreg [dreg:$0x7]  }
0x176: {  	p0 =	sne.s32 s2, s20  }
.Ltmp3:
0x177: {  	_ = 	snop;
	(pc) =	sbr.rel @p0 .LBB2_1-.Ltmp3, $3  }
0x178: {  	_ =	sdelay $0x1  }
0x179: {  	[sflag:s16] =	ssyncset.done $0x0  }
0x17a: {  	[sflag:s16] =	ssyncadd.s32 $0xFFFFD800  }
0x17b: {  	_ =	sfence.sel $0x180000  }
0x17c: {  	[bflag:$0x0] =	sbarrier.arrive $0xFFFF  }
0x17d: {  	_ =	strace $0x9000004A  }
0x17e: {  	s0 =	stileid.u32;
	[bflag:$0x2] =	sbarrier.arrive $0xFFFF  }
0x17f: {  	p0 =	sne.s32 s0, $0x0;
	s0 =	rddreg [dreg:$0x2]  }
0x180: {  	s0 =	sadd.s32 @!p0 $0x100000, s0  }
0x181: {  	[sflag:s0] =	ssyncadd.tile.s32 @!p0 $0x1;
	_ =	shalt  }
.Lfunc_end2:
_tile_overlayer_lowered:
.L_overlay_start_2:
0x182: {  	(tag) =	ssettag $0x2  }
0x183: {  	s0 =	rddreg [dreg:$0x0];
	s2 =	stileid.u32  }
0x184: {  	s1 =	rddreg [dreg:$0x1];
	p0 =	sne.s32 s2, $0x0  }
0x185: {  	s3 =	rddreg [dreg:$0x2];
	[bflag:$0x3] =	sbarrier.arrive $0xFFFF;
	s2 =	simm.s32 @!p0 $0x1C03  }
0x186: {  	[timem:s3], [sflag:s2] =	dma.local @!p0 [hbm:s0], s1  }
0x187: {  	s0 =	simm.s32 @!p0 $0x3  }
0x188: {  	_ =	swait.ge @!p0 [sflag:s0], s1  }
0x189: {  	s1 =	ssub.s32 @!p0 $0x0, s1;
	[sflag:s0] =	ssyncset.done @!p0 $0x0  }
0x18a: {  	[sflag:s0] =	ssyncadd.s32 @!p0 s1  }
0x18b: {  	[bflag:$0x3] =	sbarrier.arrive $0xFFFF  }
0x18c: {  	_ =	shalt  }

// kernel: kernel.15.cloned.1.call-start
scs
__scs_entry_jumppad:
0x0: {  	(pc) =	sbr.rel $0x88, $3  }
0x1: {  	(tag) =	ssettag $0x0;
	lr =	simm.s32 $0x1  }
0x2: {  	[smem:$0x3F97] =	sst lr;
	_ =	strace $0xD0000000  }
0x3: {  	_ = 	snop  }
0x4: {  	_ = 	snop  }
0x5: {  	_ = 	snop  }
0x6: {  	_ = 	snop  }
0x7: {  	_ = 	snop  }
__scs_overlays_trampoline_lowered:
0x8: {  	[smem:$0x3FA6] =	sst s0  }
0x9: {  	[smem:$0x3FA7] =	sst s1  }
0xa: {  	[smem:$0x3FA8] =	sst s2  }
0xb: {  	[smem:$0x3FA9] =	sst s3  }
0xc: {  	[smem:$0x3FAA] =	sst s4  }
0xd: {  	[smem:$0x3FAB] =	sst s5  }
0xe: {  	[smem:$0x3FAC] =	sst s6  }
0xf: {  	[smem:$0x3FAD] =	sst s7  }
0x10: {  	[smem:$0x3FAE] =	sst s8  }
0x11: {  	[smem:$0x3FAF] =	sst s9;
	s0 =	simm.s32 @!p0 $0x0  }
0x12: {  	s1 =	sld [smem:$0x3F95];
	s0 =	simm.s32 @p0 $0x1  }
0x13: {  	[smem:$0x3FB0] =	sst s0;
	s0 =	simm.s32 @!p1 $0x0  }
0x14: {  	s2 =	sld [smem:$0x3F94];
	s0 =	simm.s32 @p1 $0x1  }
0x15: {  	[smem:$0x3FB1] =	sst s0;
	s0 =	simm.s32 @!p2 $0x0  }
0x16: {  	s3 =	sld [smem:$0x3FDB];
	s0 =	simm.s32 @p2 $0x1  }
0x17: {  	s4 =	simm.s32 $0x1BF5;
	[smem:$0x3FB3] =	sst s0  }
0x18: {  	s0 =	sld [smem:$0x3F96];
	_ =	swait.ge [sflag:s4], $0x0  }
0x19: {  	s7 =	sld [smem:$0x3F97]  }
0x1a: {  	s8 =	sadd.s32 $0xFFFFE003, lr  }
0x1b: {  	s9 =	sadd.s32 $0xFFFFFEF7, lr;
	s5 =	simm.s32 $0xFFFFFFFF;
	p2 =	slt.u32 s8, $0xFFFFF086  }
0x1c: {  	p1 =	slt.u32 s9, $0xF7A;
	s5 =	simm.s32 @!p2 $0x0  }
0x1d: {  	s5 =	simm.s32 @p1 $0x1;
	p0 =	seq.s32 s7, s2  }
0x1e: {  	s7 =	smul.u32 @!p0 $0xF7A, s2;
	p2 =	seq.s32 @!p0 s5, $0x0  }
0x1f: {  	s9 =	smul.u32 $0xF7A, s1;
	s8 =	simm.s32 @!p0 $0x1BF5;
	p2 =	por !p2, p0  }
0x20: {  	[sflag:s8] =	ssyncset.s32 @!p0 $0xFFFFF086;
	s6 =	sadd.s32 @!p0 s3, s7;
	s7 =	simm.s32 @!p0 $0x108  }
0x21: {  	s3 =	sadd.s32 s3, s9;
	s6 =	sadd.s32 @!p0 $0x88, s6;
	s7 =	simm.s32 @p2 $0x1082  }
0x22: {  	[simem:s7], [sflag:s8] =	dma.local @!p0 [hbm:s6], $0xF7A  }
0x23: {  	s9 =	sor.u32 $0xD0000000, s2;
	s6 =	simm.s32 $0x108;
	_ =	swait.ge @!p0 [sflag:s8], $0x0  }
0x24: {  	s3 =	sadd.s32 $0x88, s3;
	s6 =	simm.s32 @!p1 $0x1082;
	[sflag:s4] =	ssyncset.s32 $0xFFFFF086  }
0x25: {  	[simem:s6], [sflag:s4] =	dma.local [hbm:s3], $0xF7A  }
0x26: {  	[smem:$0x3F97] =	sst s1;
	(tag) =	ssettag s2;
	_ =	strace s9  }
0x27: {  	s1 =	sld [smem:$0x3FA7]  }
0x28: {  	s2 =	sld [smem:$0x3FA8]  }
0x29: {  	s4 =	sld [smem:$0x3FAA]  }
0x2a: {  	p0 =	seq.s32 s5, $0x0;
	s5 =	sld [smem:$0x3FAB]  }
0x2b: {  	s6 =	sld [smem:$0x3FAC]  }
0x2c: {  	s7 =	sld [smem:$0x3FAD]  }
0x2d: {  	s3 =	simm.s32 $0x108;
	s8 =	sld [smem:$0x3FAE]  }
0x2e: {  	s3 =	simm.s32 @!p0 $0x1082;
	s9 =	sld [smem:$0x3FAF]  }
0x2f: {  	lr =	sadd.s32 s0, s3;
	s0 =	sld [smem:$0x3FA6]  }
0x30: {  	s3 =	sld [smem:$0x3FA9]  }
0x31: {  	[smem:$0x3FB2] =	sst s10  }
0x32: {  	s10 =	sld [smem:$0x3FB0];
	_ =	sdelay $0x3  }
0x33: {  	p0 =	seq.s32 s10, $0x1;
	s10 =	sld [smem:$0x3FB2];
	_ =	sdelay $0x3  }
0x34: {  	[smem:$0x3FB2] =	sst s10  }
0x35: {  	s10 =	sld [smem:$0x3FB1];
	_ =	sdelay $0x3  }
0x36: {  	p1 =	seq.s32 s10, $0x1;
	s10 =	sld [smem:$0x3FB2];
	_ =	sdelay $0x3  }
0x37: {  	[smem:$0x3FB2] =	sst s10  }
0x38: {  	s10 =	sld [smem:$0x3FB3]  }
0x39: {  	_ = 	snop;
	(pc) =	sbr.ind lr, $3  }
0x3a: {  	_ = 	snop  }
0x3b: {  	_ = 	snop  }
0x3c: {  	p2 =	seq.s32 s10, $0x1;
	s10 =	sld [smem:$0x3FB2]  }
0x3d: {  	_ =	shalt  }
0x3e: {  	_ =	shalt  }
0x3f: {  	_ =	shalt  }
0x40: {  	_ =	shalt  }
0x41: {  	_ =	shalt  }
0x42: {  	_ =	shalt  }
0x43: {  	_ =	shalt  }
0x44: {  	_ =	shalt  }
0x45: {  	_ =	shalt  }
0x46: {  	_ =	shalt  }
0x47: {  	_ =	shalt  }
0x48: {  	_ =	shalt  }
0x49: {  	_ =	shalt  }
0x4a: {  	_ =	shalt  }
0x4b: {  	_ =	shalt  }
0x4c: {  	_ =	shalt  }
0x4d: {  	_ =	shalt  }
0x4e: {  	_ =	shalt  }
0x4f: {  	_ =	shalt  }
0x50: {  	_ =	shalt  }
0x51: {  	_ =	shalt  }
0x52: {  	_ =	shalt  }
0x53: {  	_ =	shalt  }
0x54: {  	_ =	shalt  }
0x55: {  	_ =	shalt  }
0x56: {  	_ =	shalt  }
0x57: {  	_ =	shalt  }
0x58: {  	_ =	shalt  }
0x59: {  	_ =	shalt  }
0x5a: {  	_ =	shalt  }
0x5b: {  	_ =	shalt  }
0x5c: {  	_ =	shalt  }
0x5d: {  	_ =	shalt  }
0x5e: {  	_ =	shalt  }
0x5f: {  	_ =	shalt  }
0x60: {  	_ =	shalt  }
0x61: {  	_ =	shalt  }
0x62: {  	_ =	shalt  }
0x63: {  	_ =	shalt  }
0x64: {  	_ =	shalt  }
0x65: {  	_ =	shalt  }
0x66: {  	_ =	shalt  }
0x67: {  	_ =	shalt  }
0x68: {  	_ =	shalt  }
0x69: {  	_ =	shalt  }
0x6a: {  	_ =	shalt  }
0x6b: {  	_ =	shalt  }
0x6c: {  	_ =	shalt  }
0x6d: {  	_ =	shalt  }
0x6e: {  	_ =	shalt  }
0x6f: {  	_ =	shalt  }
0x70: {  	_ =	shalt  }
0x71: {  	_ =	shalt  }
0x72: {  	_ =	shalt  }
0x73: {  	_ =	shalt  }
0x74: {  	_ =	shalt  }
0x75: {  	_ =	shalt  }
0x76: {  	_ =	shalt  }
0x77: {  	_ =	shalt  }
0x78: {  	_ =	shalt  }
0x79: {  	_ =	shalt  }
0x7a: {  	_ =	shalt  }
0x7b: {  	_ =	shalt  }
0x7c: {  	_ =	shalt  }
0x7d: {  	_ =	shalt  }
0x7e: {  	_ =	shalt  }
0x7f: {  	_ =	shalt  }
0x80: {  	_ =	shalt  }
0x81: {  	_ =	shalt  }
0x82: {  	_ =	shalt  }
0x83: {  	_ =	shalt  }
0x84: {  	_ =	shalt  }
0x85: {  	_ =	shalt  }
0x86: {  	_ =	shalt  }
0x87: {  	_ =	shalt  }
.Lfunc_end0:
.L_simem_size_0:
called_computation.2_lowered:
.L_overlay_start_0:
0x88: {  	s2 =	sld [smem:$0x3FD9]  }
0x89: {  	s3 =	sld [smem:$0x3FFE];
	_ =	sdelay $0x1  }
0x8a: {  	s1 =	srdreg.scid  }
0x8b: {  	s0 =	sand.u32 $0x1, s1  }
0x8c: {  	s16 =	sshll.u32 s0, $0xA;
	s2 =	sadd.s32 s3, s2  }
0x8d: {  	s2 =	sadd.s32 s2, s16  }
0x8e: {  	[smem:$0x3FBE] =	sst s2  }
0x8f: {  	_ = 	snop  }
0x90: {  	(tm) =	ssettm $0x1  }
0x91: {  	s17 =	sld [smem:$0x3FFB];
	_ =	sdelay $0x3  }
0x92: {  	_ =	strace s17  }
0x93: {  	s2 =	sld [smem:$0x3FFC];
	_ =	sdelay $0x3  }
0x94: {  	_ =	strace s2  }
0x95: {  	s2 =	sld [smem:$0x3FFD];
	_ =	sdelay $0x3  }
0x96: {  	_ =	strace s2  }
0x97: {  	_ =	strace $0x8FFFFFFF  }
0x98: {  	s18 =	sld [smem:$0x3FDB];
	_ =	sdelay $0x1  }
0x99: {  	s19 =	simm.s32 $_scs_section_size  }
0x9a: {  	s4 =	simm.s32 $_size__tile_overlayer_lowered;
	s5 =	simm.s32 $_tile_overlayer_lowered  }
0x9b: {  	s22 =	simm.s32 $0x1BFF;
	s21 =	sshll.u32 s5, $0x1;
	s2 =	sadd.s32 s19, s18  }
0x9c: {  	s6 =	simm.s32 $0x0;
	s20 =	sshll.u32 s4, $0x1;
	s4 =	sadd.s32 s21, s2  }
0x9d: {  	[timem:s6], [sflag:s22] =	dma.local [hbm:s4], s20  }
0x9e: {  	_ =	swait.ge [sflag:s22], s20  }
0x9f: {  	s3 =	ssub.s32 $0x0, s20;
	[sflag:s22] =	ssyncset.done $0x0  }
0xa0: {  	[sflag:s22] =	ssyncadd.s32 s3;
	_ =	sdelay $0x1  }
0xa1: {  	s23 =	simm.s32 $0x1B8B  }
0xa2: {  	_ =	swait.ge [sflag:s23], $0x1  }
0xa3: {  	[sflag:s23] =	ssyncset.done $0x0  }
0xa4: {  	s25 =	simm.s32 $0x1B8E;
	s24 =	sld [smem:$0x3FFE];
	[sflag:s23] =	ssyncadd.s32 $0xFFFFFFFF  }
0xa5: {  	s26 =	simm.s32 $execute0_lowered;
	[smem:$0x3FD2] =	sst s25  }
0xa6: {  	s4 =	sshll.u32 s26, $0x1;
	_ =	strace $0x8000004C;
	[dreg:$0x1] =	wrdreg $0xFFFFFFFF  }
0xa7: {  	s28 =	simm.s32 $_size_execute0_lowered;
	s2 =	sadd.s32 s2, s4;
	[dreg:$0x0] =	wrdreg $0x0  }
0xa8: {  	s4 =	sshll.u32 s28, $0x1;
	[dreg:$0x2] =	wrdreg s2  }
0xa9: {  	[dreg:$0x3] =	wrdreg s4  }
0xaa: {  	[dreg:$0x4] =	wrdreg $0xC0  }
0xab: {  	_ =	task [dreg:s6], $0x5FFFF  }
0xac: {  	[dreg:$0x1] =	wrdreg $0xFFFFFFFF  }
0xad: {  	[dreg:$0x0] =	wrdreg $0x60  }
0xae: {  	[dreg:$0x2] =	wrdreg s24  }
0xaf: {  	[dreg:$0x3] =	wrdreg $0xA8000  }
0xb0: {  	[dreg:$0x4] =	wrdreg $0x9  }
0xb1: {  	_ =	task.clear_ibuf [dreg:s6], $0x5FFFF;
	_ =	strace $0x9000004C  }
0xb2: {  	s29 =	simm.s32 $0x9;
	_ =	strace $0x8000004E  }
0xb3: {  	_ =	swait.ge [sflag:s29], $0x1  }
0xb4: {  	[sflag:s29] =	ssyncadd.s32 $0xFFFFFFFF  }
0xb5: {  	_ =	strace $0x9000004E  }
0xb6: {  	_ =	sfence  }
0xb7: {  	s30 =	sld [smem:$0x0];
	_ =	sdelay $0x2  }
0xb8: {  	s31 =	sshll.u32 s1, $0xD;
	s1 =	sshrl.u32 s1, $0x2  }
0xb9: {  	s3 =	sand.u32 $0x4000, s31;
	s1 =	sadd.s32 s1, s30  }
0xba: {  	s0 =	sor.u32 s3, s0;
	s1 =	sshll.u32 s1, $0x11  }
0xbb: {  	s0 =	sor.u32 s1, s0  }
0xbc: {  	s0 =	sadd.s32 $0x8F2B, s0  }
0xbd: {  	[sflag:s0] =	ssyncadd.remote.s32 $0x1  }
0xbe: {  	_ =	sfence.sel $0xFFFF  }
0xbf: {  	[dreg:$0x0] =	wrdreg $0xFFFFFFFF;
	(pc) =	sbr.abs _section_cstart, $3  }
0xc0: {  	[dreg:$0x1] =	wrdreg $0xFFFFFFFF  }
0xc1: {  	_ =	task.clear_ibuf [dreg:s6], $0x2FFFF;
	_ =	strace $0x9FFFFFFF  }
0xc2: {  	(tm) =	ssettm $0x7FFFFFFF  }
0xc3: {  	_ =	shalt  }
tec
execute0_lowered:
.L_overlay_start_1:
0x0: {  	(tag) =	ssettag $0x1  }
0x1: {  	s0 =	rddreg [dreg:$0x0]  }
0x2: {  	s1 =	rddreg [dreg:$0x1];
	s2 =	simm.s32 $0x0  }
0x3: {  	s3 =	srdreg.scid;
	s11 =	stileid.u32;
	s15 =	simm.s32 $0x2800  }
0x4: {  	s16 =	simm.s32 $0x3;
	s18 =	simm.s32 $0x20;
	s28 =	simm.s32 $0x7800  }
0x5: {  	s29 =	simm.s32 $0x8800;
	s30 =	simm.s32 $0x9800;
	s31 =	simm.s32 $0x80  }
0x6: {  	s17 =	simm.s32 $0x2780;
	[smem:$0x7FF] =	sst s2;
	s4 =	sadd.s32 $0xB2C00, s0  }
0x7: {  	s3 =	sand.u32 $0x1, s3;
	s7 =	sadd.s32 $0xA800, s0;
	s8 =	smul.u32 $0x50000, s11  }
0x8: {  	s9 =	sadd.s32 $0x800, s0;
	s25 =	smul.u32 $0x2800, s11;
	s6 =	sshll.u32 s3, $0x4  }
0x9: {  	s5 =	smul.u32 $0x28000, s3;
	s3 =	ssub.s32 $0x2, s3;
	s6 =	sor.u32 s11, s6  }
0xa: {  	_ =	strace $0x8000004D;
	s19 =	sshrl.u32 s3, $0x1;
	s10 =	smul.u32 $0x2800, s6  }
0xb: {  	s20 =	sshrl.u32 s8, $0x2;
	s0 =	sadd.s32 s5, s0;
	s6 =	smul.u32 $0x500, s6  }
0xc: {  	s3 =	ssub.s32 s3, s19;
	s5 =	sadd.s32 s20, s1;
	s19 =	simm.s32 $0x3800  }
0xd: {  	s0 =	sadd.s32 $0x14800, s0;
	s3 =	smax.u32 s3, $0x1;
	s26 =	sadd.s32 $0x4000, s5  }
0xe: {  	s12 =	sadd.s32 $0x8000, s5;
	s13 =	sadd.s32 $0xC000, s5;
	s14 =	sadd.s32 $0x10000, s5  }
0xf: {  	s21 =	sshrl.u32 s10, $0x3;
	s22 =	sadd.s32 s7, s6;
	[dreg:$0x7] =	wrdreg s3  }
0x10: {  	s6 =	sadd.s32 s9, s6;
	[dreg:$0x8] =	wrdreg s26;
	s26 =	simm.s32 $0x6800  }
0x11: {  	s3 =	simm.s32 $0x1380;
	[dreg:$0x3] =	wrdreg s22;
	s8 =	sadd.s32 $0x280, s21  }
0x12: {  	[dreg:$0x4] =	wrdreg s6;
	s21 =	simm.s32 $0x4800;
	s22 =	simm.s32 $0x60  }
0x13: {  	s6 =	simm.s32 $0x13A0;
	s23 =	sadd.s32 s7, s8;
	s24 =	sadd.s32 s9, s8  }
0x14: {  	s7 =	simm.s32 $0x13C0;
	s8 =	simm.s32 $0x13E0;
	[dreg:$0x5] =	wrdreg s23  }
0x15: {  	s9 =	simm.s32 $0x2700;
	[dreg:$0x6] =	wrdreg s24;
	s23 =	simm.s32 $0x5800  }
0x16: {  	v0 =	vimm.f32 $0.0e+00;
	s24 =	sadd.s32 s25, s0;
	s25 =	simm.s32 $0x1;
	s0 =	simm.s32 $0x2  }
.LBB2_1:
0x17: {  	s10 =	simm.s32 $0x0;
	s11 =	simm.s32 $0x200  }
.LBB2_2:
0x18: {  	p0 =	sne.s32 s11, $0xFE00;
	[tilespmem:s10+$0x2870] =	vst v0  }
0x19: {  	[tilespmem:s10+$0x2800] =	vst v0  }
0x1a: {  	[tilespmem:s10+$0x2810] =	vst v0  }
.Ltmp0:
0x1b: {  	[tilespmem:s10+$0x2820] =	vst v0;
	(pc) =	sbr.rel @p0 .LBB2_2-.Ltmp0, $4  }
0x1c: {  	[tilespmem:s10+$0x2830] =	vst v0  }
0x1d: {  	[tilespmem:s10+$0x2840] =	vst v0  }
0x1e: {  	[tilespmem:s10+$0x2850] =	vst v0  }
0x1f: {  	[tilespmem:s10+$0x2860] =	vst v0;
	s10 =	sshra.s32 s11, $0x2;
	s11 =	sadd.s32 $0x200, s11  }
0x20: {  	[tilespmem:s10+$0x2870] =	vst v0  }
0x21: {  	[tilespmem:s10+$0x2800] =	vst v0  }
0x22: {  	[tilespmem:s10+$0x2810] =	vst v0  }
0x23: {  	[tilespmem:s10+$0x2820] =	vst v0  }
0x24: {  	[tilespmem:s10+$0x2830] =	vst v0  }
0x25: {  	[tilespmem:s10+$0x2840] =	vst v0  }
0x26: {  	[tilespmem:s10+$0x2850] =	vst v0  }
0x27: {  	[tilespmem:s10+$0x2860] =	vst v0  }
0x28: {  	[spmem:s5] =	stream.linear.scatter [tilespmem:s15], [sflag:$0x3], $0x4000, $0x38;
	[tilespmem:$0x1E800] =	vst v63  }
0x29: {  	_ =	swait.ge [sflag:s16], $0x4000  }
0x2a: {  	[sflag:s16] =	ssyncset.done $0x0  }
0x2b: {  	s11 =	rddreg [dreg:$0x8];
	[sflag:s16] =	ssyncadd.s32 $0xFFFFC000  }
0x2c: {  	[spmem:s11] =	stream.linear.scatter [tilespmem:s15], [sflag:$0x3], $0x4000, $0x38;
	[tilespmem:$0x1E800] =	vst v63  }
0x2d: {  	_ =	swait.ge [sflag:s16], $0x4000  }
0x2e: {  	[sflag:s16] =	ssyncset.done $0x0  }
0x2f: {  	[sflag:s16] =	ssyncadd.s32 $0xFFFFC000  }
0x30: {  	[spmem:s12] =	stream.linear.scatter [tilespmem:s15], [sflag:$0x3], $0x4000, $0x38;
	[tilespmem:$0x1E800] =	vst v63  }
0x31: {  	_ =	swait.ge [sflag:s16], $0x4000  }
0x32: {  	[sflag:s16] =	ssyncset.done $0x0  }
0x33: {  	[sflag:s16] =	ssyncadd.s32 $0xFFFFC000  }
0x34: {  	[spmem:s13] =	stream.linear.scatter [tilespmem:s15], [sflag:$0x3], $0x4000, $0x38;
	[tilespmem:$0x1E800] =	vst v63  }
0x35: {  	_ =	swait.ge [sflag:s16], $0x4000  }
0x36: {  	[sflag:s16] =	ssyncset.done $0x0  }
0x37: {  	[sflag:s16] =	ssyncadd.s32 $0xFFFFC000  }
0x38: {  	[spmem:s14] =	stream.linear.scatter [tilespmem:s15], [sflag:$0x3], $0x4000, $0x38;
	[tilespmem:$0x1E800] =	vst v63  }
0x39: {  	_ =	swait.ge [sflag:s16], $0x4000  }
0x3a: {  	[sflag:s16] =	ssyncset.done $0x0  }
0x3b: {  	[sflag:s16] =	ssyncadd.s32 $0xFFFFC000  }
0x3c: {  	[bflag:$0x0] =	sbarrier.arrive $0xFFFF  }
0x3d: {  	s10 =	simm.s32 $0x0;
	s11 =	rddreg [dreg:$0x3]  }
0x3e: {  	[tilespmem:s10], [sflag:$0x3] =	stream.linear.gather [hbm4b:s11+s10], $0x1400, $0x38;
	[tilespmem:$0x1E800] =	vst v63  }
0x3f: {  	_ =	swait.ge [sflag:s16], $0x1400  }
0x40: {  	[sflag:s16] =	ssyncset.done $0x0  }
0x41: {  	s20 =	simm.s32 $0x1400;
	s11 =	rddreg [dreg:$0x4];
	[sflag:s16] =	ssyncadd.s32 $0xFFFFEC00  }
0x42: {  	[tilespmem:s20], [sflag:$0x3] =	stream.linear.gather [hbm4b:s11+s10], $0x1400, $0x38;
	[tilespmem:$0x1E800] =	vst v63  }
0x43: {  	_ =	swait.ge [sflag:s16], $0x1400  }
0x44: {  	[sflag:s16] =	ssyncset.done $0x0  }
0x45: {  	[sflag:s16] =	ssyncadd.s32 $0xFFFFEC00  }
0x46: {  	[tilespmem:s15], [sflag:$0x1] =	stream.indirect.gather [hbm4b:s4+s18], $0x80, s10, s18, $0xb8;
	[tilespmem:$0x1E800] =	vst v63  }
0x47: {  	_ = 	snop  }
0x48: {  	[tilespmem:s19], [sflag:$0x1] =	stream.indirect.gather [hbm4b:s4+s18], $0x80, s18, s18, $0xb8;
	[tilespmem:$0x1E800] =	vst v63  }
0x49: {  	s20 =	simm.s32 $0x40  }
0x4a: {  	[tilespmem:s21], [sflag:$0x1] =	stream.indirect.gather [hbm4b:s4+s18], $0x80, s20, s18, $0xb8;
	[tilespmem:$0x1E800] =	vst v63  }
0x4b: {  	_ = 	snop  }
0x4c: {  	[tilespmem:s23], [sflag:$0x1] =	stream.indirect.gather [hbm4b:s4+s18], $0x80, s22, s18, $0xb8;
	[tilespmem:$0x1E800] =	vst v63  }
0x4d: {  	_ =	swait.ge [sflag:s25], $0x1000  }
0x4e: {  	[sflag:s25] =	ssyncset.done $0x0  }
0x4f: {  	[sflag:s25] =	ssyncadd.s32 $0xFFFFF000  }
0x50: {  	_ =	swait.ge [sflag:s25], $0x1000  }
0x51: {  	[sflag:s25] =	ssyncset.done $0x0  }
0x52: {  	[sflag:s25] =	ssyncadd.s32 $0xFFFFF000  }
0x53: {  	_ =	swait.ge [sflag:s25], $0x1000  }
0x54: {  	[sflag:s25] =	ssyncset.done $0x0  }
0x55: {  	[sflag:s25] =	ssyncadd.s32 $0xFFFFF000  }
0x56: {  	_ =	swait.ge [sflag:s25], $0x1000  }
0x57: {  	[sflag:s25] =	ssyncset.done $0x0  }
0x58: {  	s11 =	simm.s32 $0x80;
	[sflag:s25] =	ssyncadd.s32 $0xFFFFF000  }
0x59: {  	[tilespmem:s26], [sflag:$0x2] =	stream.indirect.gather [hbm4b:s4+s18], $0x80, s11, s18, $0xb8;
	[tilespmem:$0x1E800] =	vst v63  }
0x5a: {  	s20 =	simm.s32 $0xA0  }
0x5b: {  	[tilespmem:s28], [sflag:$0x2] =	stream.indirect.gather [hbm4b:s4+s18], $0x80, s20, s18, $0xb8;
	[tilespmem:$0x1E800] =	vst v63  }
0x5c: {  	s11 =	simm.s32 $0xC0  }
0x5d: {  	[tilespmem:s29], [sflag:$0x2] =	stream.indirect.gather [hbm4b:s4+s18], $0x80, s11, s18, $0xb8;
	[tilespmem:$0x1E800] =	vst v63  }
0x5e: {  	s20 =	simm.s32 $0xE0  }
0x5f: {  	[tilespmem:s30], [sflag:$0x2] =	stream.indirect.gather [hbm4b:s4+s18], $0x80, s20, s18, $0xb8;
	[tilespmem:$0x1E800] =	vst v63  }
0x60: {  	s11 =	simm.s32 $0x1400  }
0x61: {  	[spmem:s1] =	stream.indirect.scatter.add.f32 [tilespmem:s15], [sflag:$0x3], $0x80, s11, s31, $0xb8;
	[tilespmem:$0x1E800] =	vst v63  }
0x62: {  	_ =	swait.ge [sflag:s16], $0x4000  }
0x63: {  	[sflag:s16] =	ssyncset.done $0x0  }
0x64: {  	[sflag:s16] =	ssyncadd.s32 $0xFFFFC000  }
0x65: {  	_ =	swait.ge [sflag:s0], $0x1000  }
0x66: {  	[sflag:s0] =	ssyncset.done $0x0  }
0x67: {  	[sflag:s0] =	ssyncadd.s32 $0xFFFFF000  }
0x68: {  	_ =	swait.ge [sflag:s0], $0x1000  }
0x69: {  	[sflag:s0] =	ssyncset.done $0x0  }
0x6a: {  	[sflag:s0] =	ssyncadd.s32 $0xFFFFF000  }
0x6b: {  	_ =	swait.ge [sflag:s0], $0x1000  }
0x6c: {  	[sflag:s0] =	ssyncset.done $0x0  }
0x6d: {  	[sflag:s0] =	ssyncadd.s32 $0xFFFFF000  }
0x6e: {  	_ =	swait.ge [sflag:s0], $0x1000  }
0x6f: {  	[sflag:s0] =	ssyncset.done $0x0  }
0x70: {  	s20 =	simm.s32 $0x100;
	[sflag:s0] =	ssyncadd.s32 $0xFFFFF000  }
0x71: {  	[tilespmem:s15], [sflag:$0x1] =	stream.indirect.gather [hbm4b:s4+s18], $0x80, s20, s18, $0xb8;
	[tilespmem:$0x1E800] =	vst v63  }
0x72: {  	s11 =	simm.s32 $0x120  }
0x73: {  	[tilespmem:s19], [sflag:$0x1] =	stream.indirect.gather [hbm4b:s4+s18], $0x80, s11, s18, $0xb8;
	[tilespmem:$0x1E800] =	vst v63  }
0x74: {  	s20 =	simm.s32 $0x140  }
0x75: {  	[tilespmem:s21], [sflag:$0x1] =	stream.indirect.gather [hbm4b:s4+s18], $0x80, s20, s18, $0xb8;
	[tilespmem:$0x1E800] =	vst v63  }
0x76: {  	s11 =	simm.s32 $0x160  }
0x77: {  	[tilespmem:s23], [sflag:$0x1] =	stream.indirect.gather [hbm4b:s4+s18], $0x80, s11, s18, $0xb8;
	[tilespmem:$0x1E800] =	vst v63  }
0x78: {  	s20 =	simm.s32 $0x1480  }
0x79: {  	[spmem:s1] =	stream.indirect.scatter.add.f32 [tilespmem:s26], [sflag:$0x3], $0x80, s20, s31, $0xb8;
	[tilespmem:$0x1E800] =	vst v63  }
0x7a: {  	_ =	swait.ge [sflag:s16], $0x4000  }
0x7b: {  	s10 =	simm.s32 $0x400;
	[sflag:s16] =	ssyncset.done $0x0  }
.LBB2_4:
0x7c: {  	p0 =	sne.s32 s10, $0x4800  }
0x7d: {  	[sflag:s16] =	ssyncadd.s32 $0xFFFFC000;
	s11 =	smov.u32 s10;
	s10 =	sadd.s32 $0x400, s10  }
0x7e: {  	_ = 	snop  }
0x7f: {  	_ =	swait.ge [sflag:s25], $0x1000  }
0x80: {  	[sflag:s25] =	ssyncset.done $0x0  }
0x81: {  	[sflag:s25] =	ssyncadd.s32 $0xFFFFF000  }
0x82: {  	_ =	swait.ge [sflag:s25], $0x1000  }
0x83: {  	[sflag:s25] =	ssyncset.done $0x0  }
0x84: {  	[sflag:s25] =	ssyncadd.s32 $0xFFFFF000  }
0x85: {  	_ =	swait.ge [sflag:s25], $0x1000  }
0x86: {  	[sflag:s25] =	ssyncset.done $0x0  }
0x87: {  	[sflag:s25] =	ssyncadd.s32 $0xFFFFF000  }
0x88: {  	_ =	swait.ge [sflag:s25], $0x1000  }
0x89: {  	s11 =	sshra.s32 s11, $0x2;
	[sflag:s25] =	ssyncset.done $0x0  }
0x8a: {  	s20 =	sadd.s32 $0x80, s11;
	[sflag:s25] =	ssyncadd.s32 $0xFFFFF000  }
0x8b: {  	[tilespmem:s26], [sflag:$0x2] =	stream.indirect.gather [hbm4b:s4+s18], $0x80, s20, s18, $0xb8;
	[tilespmem:$0x1E800] =	vst v63  }
0x8c: {  	s20 =	sadd.s32 $0xA0, s11  }
0x8d: {  	[tilespmem:s28], [sflag:$0x2] =	stream.indirect.gather [hbm4b:s4+s18], $0x80, s20, s18, $0xb8;
	[tilespmem:$0x1E800] =	vst v63  }
0x8e: {  	s20 =	sadd.s32 $0xC0, s11  }
0x8f: {  	[tilespmem:s29], [sflag:$0x2] =	stream.indirect.gather [hbm4b:s4+s18], $0x80, s20, s18, $0xb8;
	[tilespmem:$0x1E800] =	vst v63  }
0x90: {  	s20 =	sadd.s32 $0xE0, s11  }
0x91: {  	[tilespmem:s30], [sflag:$0x2] =	stream.indirect.gather [hbm4b:s4+s18], $0x80, s20, s18, $0xb8;
	[tilespmem:$0x1E800] =	vst v63  }
0x92: {  	s20 =	sadd.s32 $0x1400, s11  }
0x93: {  	[spmem:s1] =	stream.indirect.scatter.add.f32 [tilespmem:s15], [sflag:$0x3], $0x80, s20, s31, $0xb8;
	[tilespmem:$0x1E800] =	vst v63  }
0x94: {  	_ =	swait.ge [sflag:s16], $0x4000  }
0x95: {  	[sflag:s16] =	ssyncset.done $0x0  }
0x96: {  	[sflag:s16] =	ssyncadd.s32 $0xFFFFC000  }
0x97: {  	_ =	swait.ge [sflag:s0], $0x1000  }
0x98: {  	[sflag:s0] =	ssyncset.done $0x0  }
0x99: {  	[sflag:s0] =	ssyncadd.s32 $0xFFFFF000  }
0x9a: {  	_ =	swait.ge [sflag:s0], $0x1000  }
0x9b: {  	[sflag:s0] =	ssyncset.done $0x0  }
0x9c: {  	[sflag:s0] =	ssyncadd.s32 $0xFFFFF000  }
0x9d: {  	_ =	swait.ge [sflag:s0], $0x1000  }
0x9e: {  	[sflag:s0] =	ssyncset.done $0x0  }
0x9f: {  	[sflag:s0] =	ssyncadd.s32 $0xFFFFF000  }
0xa0: {  	_ =	swait.ge [sflag:s0], $0x1000  }
0xa1: {  	[sflag:s0] =	ssyncset.done $0x0  }
0xa2: {  	s20 =	sadd.s32 $0x100, s11;
	[sflag:s0] =	ssyncadd.s32 $0xFFFFF000  }
0xa3: {  	[tilespmem:s15], [sflag:$0x1] =	stream.indirect.gather [hbm4b:s4+s18], $0x80, s20, s18, $0xb8;
	[tilespmem:$0x1E800] =	vst v63  }
0xa4: {  	s20 =	sadd.s32 $0x120, s11  }
0xa5: {  	[tilespmem:s19], [sflag:$0x1] =	stream.indirect.gather [hbm4b:s4+s18], $0x80, s20, s18, $0xb8;
	[tilespmem:$0x1E800] =	vst v63  }
0xa6: {  	s20 =	sadd.s32 $0x140, s11  }
0xa7: {  	[tilespmem:s21], [sflag:$0x1] =	stream.indirect.gather [hbm4b:s4+s18], $0x80, s20, s18, $0xb8;
	[tilespmem:$0x1E800] =	vst v63  }
0xa8: {  	s20 =	sadd.s32 $0x160, s11  }
0xa9: {  	[tilespmem:s23], [sflag:$0x1] =	stream.indirect.gather [hbm4b:s4+s18], $0x80, s20, s18, $0xb8;
	[tilespmem:$0x1E800] =	vst v63  }
.Ltmp1:
0xaa: {  	_ = 	snop;
	(pc) =	sbr.rel @p0 .LBB2_4-.Ltmp1, $4  }
0xab: {  	s11 =	sadd.s32 $0x1480, s11  }
0xac: {  	[spmem:s1] =	stream.indirect.scatter.add.f32 [tilespmem:s26], [sflag:$0x3], $0x80, s11, s31, $0xb8;
	[tilespmem:$0x1E800] =	vst v63  }
0xad: {  	_ =	swait.ge [sflag:s16], $0x4000  }
0xae: {  	[sflag:s16] =	ssyncset.done $0x0  }
0xaf: {  	[sflag:s16] =	ssyncadd.s32 $0xFFFFC000  }
0xb0: {  	_ =	swait.ge [sflag:s25], $0x1000  }
0xb1: {  	[sflag:s25] =	ssyncset.done $0x0  }
0xb2: {  	[sflag:s25] =	ssyncadd.s32 $0xFFFFF000  }
0xb3: {  	_ =	swait.ge [sflag:s25], $0x1000  }
0xb4: {  	[sflag:s25] =	ssyncset.done $0x0  }
0xb5: {  	[sflag:s25] =	ssyncadd.s32 $0xFFFFF000  }
0xb6: {  	_ =	swait.ge [sflag:s25], $0x1000  }
0xb7: {  	[sflag:s25] =	ssyncset.done $0x0  }
0xb8: {  	[sflag:s25] =	ssyncadd.s32 $0xFFFFF000  }
0xb9: {  	_ =	swait.ge [sflag:s25], $0x1000  }
0xba: {  	[sflag:s25] =	ssyncset.done $0x0  }
0xbb: {  	[sflag:s25] =	ssyncadd.s32 $0xFFFFF000  }
0xbc: {  	[tilespmem:s26], [sflag:$0x2] =	stream.indirect.gather [hbm4b:s4+s18], $0x80, s3, s18, $0xb8;
	[tilespmem:$0x1E800] =	vst v63  }
0xbd: {  	_ = 	snop  }
0xbe: {  	[tilespmem:s28], [sflag:$0x2] =	stream.indirect.gather [hbm4b:s4+s18], $0x80, s6, s18, $0xb8;
	[tilespmem:$0x1E800] =	vst v63  }
0xbf: {  	_ = 	snop  }
0xc0: {  	[tilespmem:s29], [sflag:$0x2] =	stream.indirect.gather [hbm4b:s4+s18], $0x80, s7, s18, $0xb8;
	[tilespmem:$0x1E800] =	vst v63  }
0xc1: {  	_ = 	snop  }
0xc2: {  	[tilespmem:s30], [sflag:$0x2] =	stream.indirect.gather [hbm4b:s4+s18], $0x80, s8, s18, $0xb8;
	[tilespmem:$0x1E800] =	vst v63  }
0xc3: {  	_ = 	snop  }
0xc4: {  	[spmem:s1] =	stream.indirect.scatter.add.f32 [tilespmem:s15], [sflag:$0x3], $0x80, s9, s31, $0xb8;
	[tilespmem:$0x1E800] =	vst v63  }
0xc5: {  	_ =	swait.ge [sflag:s16], $0x4000  }
0xc6: {  	[sflag:s16] =	ssyncset.done $0x0  }
0xc7: {  	[sflag:s16] =	ssyncadd.s32 $0xFFFFC000  }
0xc8: {  	_ =	swait.ge [sflag:s0], $0x1000  }
0xc9: {  	[sflag:s0] =	ssyncset.done $0x0  }
0xca: {  	[sflag:s0] =	ssyncadd.s32 $0xFFFFF000  }
0xcb: {  	_ =	swait.ge [sflag:s0], $0x1000  }
0xcc: {  	[sflag:s0] =	ssyncset.done $0x0  }
0xcd: {  	[sflag:s0] =	ssyncadd.s32 $0xFFFFF000  }
0xce: {  	_ =	swait.ge [sflag:s0], $0x1000  }
0xcf: {  	[sflag:s0] =	ssyncset.done $0x0  }
0xd0: {  	[sflag:s0] =	ssyncadd.s32 $0xFFFFF000  }
0xd1: {  	_ =	swait.ge [sflag:s0], $0x1000  }
0xd2: {  	[sflag:s0] =	ssyncset.done $0x0  }
0xd3: {  	[sflag:s0] =	ssyncadd.s32 $0xFFFFF000  }
0xd4: {  	[spmem:s1] =	stream.indirect.scatter.add.f32 [tilespmem:s26], [sflag:$0x3], $0x80, s17, s31, $0xb8;
	[tilespmem:$0x1E800] =	vst v63  }
0xd5: {  	_ =	swait.ge [sflag:s16], $0x4000  }
0xd6: {  	[sflag:s16] =	ssyncset.done $0x0  }
0xd7: {  	s10 =	simm.s32 $0x0;
	s11 =	rddreg [dreg:$0x5];
	[sflag:s16] =	ssyncadd.s32 $0xFFFFC000  }
0xd8: {  	[tilespmem:s10], [sflag:$0x3] =	stream.linear.gather [hbm4b:s11+s10], $0x1400, $0x38;
	[tilespmem:$0x1E800] =	vst v63  }
0xd9: {  	_ =	swait.ge [sflag:s16], $0x1400  }
0xda: {  	[sflag:s16] =	ssyncset.done $0x0  }
0xdb: {  	s20 =	simm.s32 $0x1400;
	s11 =	rddreg [dreg:$0x6];
	[sflag:s16] =	ssyncadd.s32 $0xFFFFEC00  }
0xdc: {  	[tilespmem:s20], [sflag:$0x3] =	stream.linear.gather [hbm4b:s11+s10], $0x1400, $0x38;
	[tilespmem:$0x1E800] =	vst v63  }
0xdd: {  	_ =	swait.ge [sflag:s16], $0x1400  }
0xde: {  	[sflag:s16] =	ssyncset.done $0x0  }
0xdf: {  	[sflag:s16] =	ssyncadd.s32 $0xFFFFEC00  }
0xe0: {  	[tilespmem:s15], [sflag:$0x1] =	stream.indirect.gather [hbm4b:s4+s18], $0x80, s10, s18, $0xb8;
	[tilespmem:$0x1E800] =	vst v63  }
0xe1: {  	_ = 	snop  }
0xe2: {  	[tilespmem:s19], [sflag:$0x1] =	stream.indirect.gather [hbm4b:s4+s18], $0x80, s18, s18, $0xb8;
	[tilespmem:$0x1E800] =	vst v63  }
0xe3: {  	s20 =	simm.s32 $0x40  }
0xe4: {  	[tilespmem:s21], [sflag:$0x1] =	stream.indirect.gather [hbm4b:s4+s18], $0x80, s20, s18, $0xb8;
	[tilespmem:$0x1E800] =	vst v63  }
0xe5: {  	_ = 	snop  }
0xe6: {  	[tilespmem:s23], [sflag:$0x1] =	stream.indirect.gather [hbm4b:s4+s18], $0x80, s22, s18, $0xb8;
	[tilespmem:$0x1E800] =	vst v63  }
0xe7: {  	_ =	swait.ge [sflag:s25], $0x1000  }
0xe8: {  	[sflag:s25] =	ssyncset.done $0x0  }
0xe9: {  	[sflag:s25] =	ssyncadd.s32 $0xFFFFF000  }
0xea: {  	_ =	swait.ge [sflag:s25], $0x1000  }
0xeb: {  	[sflag:s25] =	ssyncset.done $0x0  }
0xec: {  	[sflag:s25] =	ssyncadd.s32 $0xFFFFF000  }
0xed: {  	_ =	swait.ge [sflag:s25], $0x1000  }
0xee: {  	[sflag:s25] =	ssyncset.done $0x0  }
0xef: {  	[sflag:s25] =	ssyncadd.s32 $0xFFFFF000  }
0xf0: {  	_ =	swait.ge [sflag:s25], $0x1000  }
0xf1: {  	[sflag:s25] =	ssyncset.done $0x0  }
0xf2: {  	s11 =	simm.s32 $0x80;
	[sflag:s25] =	ssyncadd.s32 $0xFFFFF000  }
0xf3: {  	[tilespmem:s26], [sflag:$0x2] =	stream.indirect.gather [hbm4b:s4+s18], $0x80, s11, s18, $0xb8;
	[tilespmem:$0x1E800] =	vst v63  }
0xf4: {  	s20 =	simm.s32 $0xA0  }
0xf5: {  	[tilespmem:s28], [sflag:$0x2] =	stream.indirect.gather [hbm4b:s4+s18], $0x80, s20, s18, $0xb8;
	[tilespmem:$0x1E800] =	vst v63  }
0xf6: {  	s11 =	simm.s32 $0xC0  }
0xf7: {  	[tilespmem:s29], [sflag:$0x2] =	stream.indirect.gather [hbm4b:s4+s18], $0x80, s11, s18, $0xb8;
	[tilespmem:$0x1E800] =	vst v63  }
0xf8: {  	s20 =	simm.s32 $0xE0  }
0xf9: {  	[tilespmem:s30], [sflag:$0x2] =	stream.indirect.gather [hbm4b:s4+s18], $0x80, s20, s18, $0xb8;
	[tilespmem:$0x1E800] =	vst v63  }
0xfa: {  	s11 =	simm.s32 $0x1400  }
0xfb: {  	[spmem:s1] =	stream.indirect.scatter.add.f32 [tilespmem:s15], [sflag:$0x3], $0x80, s11, s31, $0xb8;
	[tilespmem:$0x1E800] =	vst v63  }
0xfc: {  	_ =	swait.ge [sflag:s16], $0x4000  }
0xfd: {  	[sflag:s16] =	ssyncset.done $0x0  }
0xfe: {  	[sflag:s16] =	ssyncadd.s32 $0xFFFFC000  }
0xff: {  	_ =	swait.ge [sflag:s0], $0x1000  }
0x100: {  	[sflag:s0] =	ssyncset.done $0x0  }
0x101: {  	[sflag:s0] =	ssyncadd.s32 $0xFFFFF000  }
0x102: {  	_ =	swait.ge [sflag:s0], $0x1000  }
0x103: {  	[sflag:s0] =	ssyncset.done $0x0  }
0x104: {  	[sflag:s0] =	ssyncadd.s32 $0xFFFFF000  }
0x105: {  	_ =	swait.ge [sflag:s0], $0x1000  }
0x106: {  	[sflag:s0] =	ssyncset.done $0x0  }
0x107: {  	[sflag:s0] =	ssyncadd.s32 $0xFFFFF000  }
0x108: {  	_ =	swait.ge [sflag:s0], $0x1000  }
0x109: {  	[sflag:s0] =	ssyncset.done $0x0  }
0x10a: {  	s20 =	simm.s32 $0x100;
	[sflag:s0] =	ssyncadd.s32 $0xFFFFF000  }
0x10b: {  	[tilespmem:s15], [sflag:$0x1] =	stream.indirect.gather [hbm4b:s4+s18], $0x80, s20, s18, $0xb8;
	[tilespmem:$0x1E800] =	vst v63  }
0x10c: {  	s11 =	simm.s32 $0x120  }
0x10d: {  	[tilespmem:s19], [sflag:$0x1] =	stream.indirect.gather [hbm4b:s4+s18], $0x80, s11, s18, $0xb8;
	[tilespmem:$0x1E800] =	vst v63  }
0x10e: {  	s20 =	simm.s32 $0x140  }
0x10f: {  	[tilespmem:s21], [sflag:$0x1] =	stream.indirect.gather [hbm4b:s4+s18], $0x80, s20, s18, $0xb8;
	[tilespmem:$0x1E800] =	vst v63  }
0x110: {  	s11 =	simm.s32 $0x160  }
0x111: {  	[tilespmem:s23], [sflag:$0x1] =	stream.indirect.gather [hbm4b:s4+s18], $0x80, s11, s18, $0xb8;
	[tilespmem:$0x1E800] =	vst v63  }
0x112: {  	s20 =	simm.s32 $0x1480  }
0x113: {  	[spmem:s1] =	stream.indirect.scatter.add.f32 [tilespmem:s26], [sflag:$0x3], $0x80, s20, s31, $0xb8;
	[tilespmem:$0x1E800] =	vst v63  }
0x114: {  	_ =	swait.ge [sflag:s16], $0x4000  }
0x115: {  	s10 =	simm.s32 $0x400;
	[sflag:s16] =	ssyncset.done $0x0  }
.LBB2_6:
0x116: {  	p0 =	sne.s32 s10, $0x4800  }
0x117: {  	[sflag:s16] =	ssyncadd.s32 $0xFFFFC000;
	s11 =	smov.u32 s10;
	s10 =	sadd.s32 $0x400, s10  }
0x118: {  	_ = 	snop  }
0x119: {  	_ =	swait.ge [sflag:s25], $0x1000  }
0x11a: {  	[sflag:s25] =	ssyncset.done $0x0  }
0x11b: {  	[sflag:s25] =	ssyncadd.s32 $0xFFFFF000  }
0x11c: {  	_ =	swait.ge [sflag:s25], $0x1000  }
0x11d: {  	[sflag:s25] =	ssyncset.done $0x0  }
0x11e: {  	[sflag:s25] =	ssyncadd.s32 $0xFFFFF000  }
0x11f: {  	_ =	swait.ge [sflag:s25], $0x1000  }
0x120: {  	[sflag:s25] =	ssyncset.done $0x0  }
0x121: {  	[sflag:s25] =	ssyncadd.s32 $0xFFFFF000  }
0x122: {  	_ =	swait.ge [sflag:s25], $0x1000  }
0x123: {  	s11 =	sshra.s32 s11, $0x2;
	[sflag:s25] =	ssyncset.done $0x0  }
0x124: {  	s20 =	sadd.s32 $0x80, s11;
	[sflag:s25] =	ssyncadd.s32 $0xFFFFF000  }
0x125: {  	[tilespmem:s26], [sflag:$0x2] =	stream.indirect.gather [hbm4b:s4+s18], $0x80, s20, s18, $0xb8;
	[tilespmem:$0x1E800] =	vst v63  }
0x126: {  	s20 =	sadd.s32 $0xA0, s11  }
0x127: {  	[tilespmem:s28], [sflag:$0x2] =	stream.indirect.gather [hbm4b:s4+s18], $0x80, s20, s18, $0xb8;
	[tilespmem:$0x1E800] =	vst v63  }
0x128: {  	s20 =	sadd.s32 $0xC0, s11  }
0x129: {  	[tilespmem:s29], [sflag:$0x2] =	stream.indirect.gather [hbm4b:s4+s18], $0x80, s20, s18, $0xb8;
	[tilespmem:$0x1E800] =	vst v63  }
0x12a: {  	s20 =	sadd.s32 $0xE0, s11  }
0x12b: {  	[tilespmem:s30], [sflag:$0x2] =	stream.indirect.gather [hbm4b:s4+s18], $0x80, s20, s18, $0xb8;
	[tilespmem:$0x1E800] =	vst v63  }
0x12c: {  	s20 =	sadd.s32 $0x1400, s11  }
0x12d: {  	[spmem:s1] =	stream.indirect.scatter.add.f32 [tilespmem:s15], [sflag:$0x3], $0x80, s20, s31, $0xb8;
	[tilespmem:$0x1E800] =	vst v63  }
0x12e: {  	_ =	swait.ge [sflag:s16], $0x4000  }
0x12f: {  	[sflag:s16] =	ssyncset.done $0x0  }
0x130: {  	[sflag:s16] =	ssyncadd.s32 $0xFFFFC000  }
0x131: {  	_ =	swait.ge [sflag:s0], $0x1000  }
0x132: {  	[sflag:s0] =	ssyncset.done $0x0  }
0x133: {  	[sflag:s0] =	ssyncadd.s32 $0xFFFFF000  }
0x134: {  	_ =	swait.ge [sflag:s0], $0x1000  }
0x135: {  	[sflag:s0] =	ssyncset.done $0x0  }
0x136: {  	[sflag:s0] =	ssyncadd.s32 $0xFFFFF000  }
0x137: {  	_ =	swait.ge [sflag:s0], $0x1000  }
0x138: {  	[sflag:s0] =	ssyncset.done $0x0  }
0x139: {  	[sflag:s0] =	ssyncadd.s32 $0xFFFFF000  }
0x13a: {  	_ =	swait.ge [sflag:s0], $0x1000  }
0x13b: {  	[sflag:s0] =	ssyncset.done $0x0  }
0x13c: {  	s20 =	sadd.s32 $0x100, s11;
	[sflag:s0] =	ssyncadd.s32 $0xFFFFF000  }
0x13d: {  	[tilespmem:s15], [sflag:$0x1] =	stream.indirect.gather [hbm4b:s4+s18], $0x80, s20, s18, $0xb8;
	[tilespmem:$0x1E800] =	vst v63  }
0x13e: {  	s20 =	sadd.s32 $0x120, s11  }
0x13f: {  	[tilespmem:s19], [sflag:$0x1] =	stream.indirect.gather [hbm4b:s4+s18], $0x80, s20, s18, $0xb8;
	[tilespmem:$0x1E800] =	vst v63  }
0x140: {  	s20 =	sadd.s32 $0x140, s11  }
0x141: {  	[tilespmem:s21], [sflag:$0x1] =	stream.indirect.gather [hbm4b:s4+s18], $0x80, s20, s18, $0xb8;
	[tilespmem:$0x1E800] =	vst v63  }
0x142: {  	s20 =	sadd.s32 $0x160, s11  }
0x143: {  	[tilespmem:s23], [sflag:$0x1] =	stream.indirect.gather [hbm4b:s4+s18], $0x80, s20, s18, $0xb8;
	[tilespmem:$0x1E800] =	vst v63  }
.Ltmp2:
0x144: {  	_ = 	snop;
	(pc) =	sbr.rel @p0 .LBB2_6-.Ltmp2, $4  }
0x145: {  	s11 =	sadd.s32 $0x1480, s11  }
0x146: {  	[spmem:s1] =	stream.indirect.scatter.add.f32 [tilespmem:s26], [sflag:$0x3], $0x80, s11, s31, $0xb8;
	[tilespmem:$0x1E800] =	vst v63  }
0x147: {  	_ =	swait.ge [sflag:s16], $0x4000  }
0x148: {  	[sflag:s16] =	ssyncset.done $0x0  }
0x149: {  	[sflag:s16] =	ssyncadd.s32 $0xFFFFC000  }
0x14a: {  	_ =	swait.ge [sflag:s25], $0x1000  }
0x14b: {  	[sflag:s25] =	ssyncset.done $0x0  }
0x14c: {  	[sflag:s25] =	ssyncadd.s32 $0xFFFFF000  }
0x14d: {  	_ =	swait.ge [sflag:s25], $0x1000  }
0x14e: {  	[sflag:s25] =	ssyncset.done $0x0  }
0x14f: {  	[sflag:s25] =	ssyncadd.s32 $0xFFFFF000  }
0x150: {  	_ =	swait.ge [sflag:s25], $0x1000  }
0x151: {  	[sflag:s25] =	ssyncset.done $0x0  }
0x152: {  	[sflag:s25] =	ssyncadd.s32 $0xFFFFF000  }
0x153: {  	_ =	swait.ge [sflag:s25], $0x1000  }
0x154: {  	[sflag:s25] =	ssyncset.done $0x0  }
0x155: {  	[sflag:s25] =	ssyncadd.s32 $0xFFFFF000  }
0x156: {  	[tilespmem:s26], [sflag:$0x2] =	stream.indirect.gather [hbm4b:s4+s18], $0x80, s3, s18, $0xb8;
	[tilespmem:$0x1E800] =	vst v63  }
0x157: {  	_ = 	snop  }
0x158: {  	[tilespmem:s28], [sflag:$0x2] =	stream.indirect.gather [hbm4b:s4+s18], $0x80, s6, s18, $0xb8;
	[tilespmem:$0x1E800] =	vst v63  }
0x159: {  	_ = 	snop  }
0x15a: {  	[tilespmem:s29], [sflag:$0x2] =	stream.indirect.gather [hbm4b:s4+s18], $0x80, s7, s18, $0xb8;
	[tilespmem:$0x1E800] =	vst v63  }
0x15b: {  	_ = 	snop  }
0x15c: {  	[tilespmem:s30], [sflag:$0x2] =	stream.indirect.gather [hbm4b:s4+s18], $0x80, s8, s18, $0xb8;
	[tilespmem:$0x1E800] =	vst v63  }
0x15d: {  	_ = 	snop  }
0x15e: {  	[spmem:s1] =	stream.indirect.scatter.add.f32 [tilespmem:s15], [sflag:$0x3], $0x80, s9, s31, $0xb8;
	[tilespmem:$0x1E800] =	vst v63  }
0x15f: {  	_ =	swait.ge [sflag:s16], $0x4000  }
0x160: {  	[sflag:s16] =	ssyncset.done $0x0  }
0x161: {  	[sflag:s16] =	ssyncadd.s32 $0xFFFFC000  }
0x162: {  	_ =	swait.ge [sflag:s0], $0x1000  }
0x163: {  	[sflag:s0] =	ssyncset.done $0x0  }
0x164: {  	[sflag:s0] =	ssyncadd.s32 $0xFFFFF000  }
0x165: {  	_ =	swait.ge [sflag:s0], $0x1000  }
0x166: {  	[sflag:s0] =	ssyncset.done $0x0  }
0x167: {  	[sflag:s0] =	ssyncadd.s32 $0xFFFFF000  }
0x168: {  	_ =	swait.ge [sflag:s0], $0x1000  }
0x169: {  	[sflag:s0] =	ssyncset.done $0x0  }
0x16a: {  	[sflag:s0] =	ssyncadd.s32 $0xFFFFF000  }
0x16b: {  	_ =	swait.ge [sflag:s0], $0x1000  }
0x16c: {  	[sflag:s0] =	ssyncset.done $0x0  }
0x16d: {  	[sflag:s0] =	ssyncadd.s32 $0xFFFFF000  }
0x16e: {  	[spmem:s1] =	stream.indirect.scatter.add.f32 [tilespmem:s26], [sflag:$0x3], $0x80, s17, s31, $0xb8;
	[tilespmem:$0x1E800] =	vst v63  }
0x16f: {  	_ =	swait.ge [sflag:s16], $0x4000  }
0x170: {  	s10 =	stileid.u32;
	[sflag:s16] =	ssyncset.done $0x0  }
0x171: {  	s10 =	sshll.u32 s10, $0x6;
	[sflag:s16] =	ssyncadd.s32 $0xFFFFC000  }
0x172: {  	s11 =	sshrl.u32 s5, $0x3;
	s10 =	sor.u32 $0x1C03, s10;
	[bflag:$0x0] =	sbarrier.arrive $0xFFFF  }
0x173: {  	[hbm:s24], [sflag:s10] =	dma.local [spmem:s11], $0x2800  }
0x174: {  	_ =	swait.ge [sflag:s16], $0x2800  }
0x175: {  	s2 =	sadd.s32 $0x1, s2;
	s20 =	rddreg [dreg:$0x7]  }
0x176: {  	p0 =	sne.s32 s2, s20  }
.Ltmp3:
0x177: {  	_ = 	snop;
	(pc) =	sbr.rel @p0 .LBB2_1-.Ltmp3, $3  }
0x178: {  	_ =	sdelay $0x1  }
0x179: {  	[sflag:s16] =	ssyncset.done $0x0  }
0x17a: {  	[sflag:s16] =	ssyncadd.s32 $0xFFFFD800  }
0x17b: {  	_ =	sfence.sel $0x180000  }
0x17c: {  	[bflag:$0x0] =	sbarrier.arrive $0xFFFF  }
0x17d: {  	_ =	strace $0x9000004D  }
0x17e: {  	s0 =	stileid.u32;
	[bflag:$0x2] =	sbarrier.arrive $0xFFFF  }
0x17f: {  	p0 =	sne.s32 s0, $0x0;
	s0 =	rddreg [dreg:$0x2]  }
0x180: {  	s0 =	sadd.s32 @!p0 $0x100000, s0  }
0x181: {  	[sflag:s0] =	ssyncadd.tile.s32 @!p0 $0x1;
	_ =	shalt  }
.Lfunc_end2:
_tile_overlayer_lowered:
.L_overlay_start_2:
0x182: {  	(tag) =	ssettag $0x2  }
0x183: {  	s0 =	rddreg [dreg:$0x0];
	s2 =	stileid.u32  }
0x184: {  	s1 =	rddreg [dreg:$0x1];
	p0 =	sne.s32 s2, $0x0  }
0x185: {  	s3 =	rddreg [dreg:$0x2];
	[bflag:$0x3] =	sbarrier.arrive $0xFFFF;
	s2 =	simm.s32 @!p0 $0x1C03  }
0x186: {  	[timem:s3], [sflag:s2] =	dma.local @!p0 [hbm:s0], s1  }
0x187: {  	s0 =	simm.s32 @!p0 $0x3  }
0x188: {  	_ =	swait.ge @!p0 [sflag:s0], s1  }
0x189: {  	s1 =	ssub.s32 @!p0 $0x0, s1;
	[sflag:s0] =	ssyncset.done @!p0 $0x0  }
0x18a: {  	[sflag:s0] =	ssyncadd.s32 @!p0 s1  }
0x18b: {  	[bflag:$0x3] =	sbarrier.arrive $0xFFFF  }
0x18c: {  	_ =	shalt  }

// kernel: kernel.9.cloned.1.call-start
scs
__scs_entry_jumppad:
0x0: {  	(pc) =	sbr.rel $0x88, $3  }
0x1: {  	(tag) =	ssettag $0x0;
	lr =	simm.s32 $0x1  }
0x2: {  	[smem:$0x3F97] =	sst lr;
	_ =	strace $0xD0000000  }
0x3: {  	_ = 	snop  }
0x4: {  	_ = 	snop  }
0x5: {  	_ = 	snop  }
0x6: {  	_ = 	snop  }
0x7: {  	_ = 	snop  }
__scs_overlays_trampoline_lowered:
0x8: {  	[smem:$0x3FA6] =	sst s0  }
0x9: {  	[smem:$0x3FA7] =	sst s1  }
0xa: {  	[smem:$0x3FA8] =	sst s2  }
0xb: {  	[smem:$0x3FA9] =	sst s3  }
0xc: {  	[smem:$0x3FAA] =	sst s4  }
0xd: {  	[smem:$0x3FAB] =	sst s5  }
0xe: {  	[smem:$0x3FAC] =	sst s6  }
0xf: {  	[smem:$0x3FAD] =	sst s7  }
0x10: {  	[smem:$0x3FAE] =	sst s8  }
0x11: {  	[smem:$0x3FAF] =	sst s9;
	s0 =	simm.s32 @!p0 $0x0  }
0x12: {  	s1 =	sld [smem:$0x3F95];
	s0 =	simm.s32 @p0 $0x1  }
0x13: {  	[smem:$0x3FB0] =	sst s0;
	s0 =	simm.s32 @!p1 $0x0  }
0x14: {  	s2 =	sld [smem:$0x3F94];
	s0 =	simm.s32 @p1 $0x1  }
0x15: {  	[smem:$0x3FB1] =	sst s0;
	s0 =	simm.s32 @!p2 $0x0  }
0x16: {  	s3 =	sld [smem:$0x3FDB];
	s0 =	simm.s32 @p2 $0x1  }
0x17: {  	s4 =	simm.s32 $0x1BF5;
	[smem:$0x3FB3] =	sst s0  }
0x18: {  	s0 =	sld [smem:$0x3F96];
	_ =	swait.ge [sflag:s4], $0x0  }
0x19: {  	s7 =	sld [smem:$0x3F97]  }
0x1a: {  	s8 =	sadd.s32 $0xFFFFE003, lr  }
0x1b: {  	s9 =	sadd.s32 $0xFFFFFEF7, lr;
	s5 =	simm.s32 $0xFFFFFFFF;
	p2 =	slt.u32 s8, $0xFFFFF086  }
0x1c: {  	p1 =	slt.u32 s9, $0xF7A;
	s5 =	simm.s32 @!p2 $0x0  }
0x1d: {  	s5 =	simm.s32 @p1 $0x1;
	p0 =	seq.s32 s7, s2  }
0x1e: {  	s7 =	smul.u32 @!p0 $0xF7A, s2;
	p2 =	seq.s32 @!p0 s5, $0x0  }
0x1f: {  	s9 =	smul.u32 $0xF7A, s1;
	s8 =	simm.s32 @!p0 $0x1BF5;
	p2 =	por !p2, p0  }
0x20: {  	[sflag:s8] =	ssyncset.s32 @!p0 $0xFFFFF086;
	s6 =	sadd.s32 @!p0 s3, s7;
	s7 =	simm.s32 @!p0 $0x108  }
0x21: {  	s3 =	sadd.s32 s3, s9;
	s6 =	sadd.s32 @!p0 $0x88, s6;
	s7 =	simm.s32 @p2 $0x1082  }
0x22: {  	[simem:s7], [sflag:s8] =	dma.local @!p0 [hbm:s6], $0xF7A  }
0x23: {  	s9 =	sor.u32 $0xD0000000, s2;
	s6 =	simm.s32 $0x108;
	_ =	swait.ge @!p0 [sflag:s8], $0x0  }
0x24: {  	s3 =	sadd.s32 $0x88, s3;
	s6 =	simm.s32 @!p1 $0x1082;
	[sflag:s4] =	ssyncset.s32 $0xFFFFF086  }
0x25: {  	[simem:s6], [sflag:s4] =	dma.local [hbm:s3], $0xF7A  }
0x26: {  	[smem:$0x3F97] =	sst s1;
	(tag) =	ssettag s2;
	_ =	strace s9  }
0x27: {  	s1 =	sld [smem:$0x3FA7]  }
0x28: {  	s2 =	sld [smem:$0x3FA8]  }
0x29: {  	s4 =	sld [smem:$0x3FAA]  }
0x2a: {  	p0 =	seq.s32 s5, $0x0;
	s5 =	sld [smem:$0x3FAB]  }
0x2b: {  	s6 =	sld [smem:$0x3FAC]  }
0x2c: {  	s7 =	sld [smem:$0x3FAD]  }
0x2d: {  	s3 =	simm.s32 $0x108;
	s8 =	sld [smem:$0x3FAE]  }
0x2e: {  	s3 =	simm.s32 @!p0 $0x1082;
	s9 =	sld [smem:$0x3FAF]  }
0x2f: {  	lr =	sadd.s32 s0, s3;
	s0 =	sld [smem:$0x3FA6]  }
0x30: {  	s3 =	sld [smem:$0x3FA9]  }
0x31: {  	[smem:$0x3FB2] =	sst s10  }
0x32: {  	s10 =	sld [smem:$0x3FB0];
	_ =	sdelay $0x3  }
0x33: {  	p0 =	seq.s32 s10, $0x1;
	s10 =	sld [smem:$0x3FB2];
	_ =	sdelay $0x3  }
0x34: {  	[smem:$0x3FB2] =	sst s10  }
0x35: {  	s10 =	sld [smem:$0x3FB1];
	_ =	sdelay $0x3  }
0x36: {  	p1 =	seq.s32 s10, $0x1;
	s10 =	sld [smem:$0x3FB2];
	_ =	sdelay $0x3  }
0x37: {  	[smem:$0x3FB2] =	sst s10  }
0x38: {  	s10 =	sld [smem:$0x3FB3]  }
0x39: {  	_ = 	snop;
	(pc) =	sbr.ind lr, $3  }
0x3a: {  	_ = 	snop  }
0x3b: {  	_ = 	snop  }
0x3c: {  	p2 =	seq.s32 s10, $0x1;
	s10 =	sld [smem:$0x3FB2]  }
0x3d: {  	_ =	shalt  }
0x3e: {  	_ =	shalt  }
0x3f: {  	_ =	shalt  }
0x40: {  	_ =	shalt  }
0x41: {  	_ =	shalt  }
0x42: {  	_ =	shalt  }
0x43: {  	_ =	shalt  }
0x44: {  	_ =	shalt  }
0x45: {  	_ =	shalt  }
0x46: {  	_ =	shalt  }
0x47: {  	_ =	shalt  }
0x48: {  	_ =	shalt  }
0x49: {  	_ =	shalt  }
0x4a: {  	_ =	shalt  }
0x4b: {  	_ =	shalt  }
0x4c: {  	_ =	shalt  }
0x4d: {  	_ =	shalt  }
0x4e: {  	_ =	shalt  }
0x4f: {  	_ =	shalt  }
0x50: {  	_ =	shalt  }
0x51: {  	_ =	shalt  }
0x52: {  	_ =	shalt  }
0x53: {  	_ =	shalt  }
0x54: {  	_ =	shalt  }
0x55: {  	_ =	shalt  }
0x56: {  	_ =	shalt  }
0x57: {  	_ =	shalt  }
0x58: {  	_ =	shalt  }
0x59: {  	_ =	shalt  }
0x5a: {  	_ =	shalt  }
0x5b: {  	_ =	shalt  }
0x5c: {  	_ =	shalt  }
0x5d: {  	_ =	shalt  }
0x5e: {  	_ =	shalt  }
0x5f: {  	_ =	shalt  }
0x60: {  	_ =	shalt  }
0x61: {  	_ =	shalt  }
0x62: {  	_ =	shalt  }
0x63: {  	_ =	shalt  }
0x64: {  	_ =	shalt  }
0x65: {  	_ =	shalt  }
0x66: {  	_ =	shalt  }
0x67: {  	_ =	shalt  }
0x68: {  	_ =	shalt  }
0x69: {  	_ =	shalt  }
0x6a: {  	_ =	shalt  }
0x6b: {  	_ =	shalt  }
0x6c: {  	_ =	shalt  }
0x6d: {  	_ =	shalt  }
0x6e: {  	_ =	shalt  }
0x6f: {  	_ =	shalt  }
0x70: {  	_ =	shalt  }
0x71: {  	_ =	shalt  }
0x72: {  	_ =	shalt  }
0x73: {  	_ =	shalt  }
0x74: {  	_ =	shalt  }
0x75: {  	_ =	shalt  }
0x76: {  	_ =	shalt  }
0x77: {  	_ =	shalt  }
0x78: {  	_ =	shalt  }
0x79: {  	_ =	shalt  }
0x7a: {  	_ =	shalt  }
0x7b: {  	_ =	shalt  }
0x7c: {  	_ =	shalt  }
0x7d: {  	_ =	shalt  }
0x7e: {  	_ =	shalt  }
0x7f: {  	_ =	shalt  }
0x80: {  	_ =	shalt  }
0x81: {  	_ =	shalt  }
0x82: {  	_ =	shalt  }
0x83: {  	_ =	shalt  }
0x84: {  	_ =	shalt  }
0x85: {  	_ =	shalt  }
0x86: {  	_ =	shalt  }
0x87: {  	_ =	shalt  }
.Lfunc_end0:
.L_simem_size_0:
called_computation_lowered:
.L_overlay_start_0:
0x88: {  	s2 =	sld [smem:$0x3FD9]  }
0x89: {  	s3 =	sld [smem:$0x3FFE];
	_ =	sdelay $0x1  }
0x8a: {  	s1 =	srdreg.scid  }
0x8b: {  	s0 =	sand.u32 $0x1, s1  }
0x8c: {  	s16 =	sshll.u32 s0, $0xA;
	s2 =	sadd.s32 s3, s2  }
0x8d: {  	s2 =	sadd.s32 s2, s16  }
0x8e: {  	[smem:$0x3FBE] =	sst s2  }
0x8f: {  	_ = 	snop  }
0x90: {  	(tm) =	ssettm $0x1  }
0x91: {  	s17 =	sld [smem:$0x3FFB];
	_ =	sdelay $0x3  }
0x92: {  	_ =	strace s17  }
0x93: {  	s2 =	sld [smem:$0x3FFC];
	_ =	sdelay $0x3  }
0x94: {  	_ =	strace s2  }
0x95: {  	s2 =	sld [smem:$0x3FFD];
	_ =	sdelay $0x3  }
0x96: {  	_ =	strace s2  }
0x97: {  	_ =	strace $0x8FFFFFFF  }
0x98: {  	s18 =	sld [smem:$0x3FDB];
	_ =	sdelay $0x1  }
0x99: {  	s19 =	simm.s32 $_scs_section_size  }
0x9a: {  	s4 =	simm.s32 $_size__tile_overlayer_lowered;
	s5 =	simm.s32 $_tile_overlayer_lowered  }
0x9b: {  	s22 =	simm.s32 $0x1BFF;
	s21 =	sshll.u32 s5, $0x1;
	s2 =	sadd.s32 s19, s18  }
0x9c: {  	s6 =	simm.s32 $0x0;
	s20 =	sshll.u32 s4, $0x1;
	s4 =	sadd.s32 s21, s2  }
0x9d: {  	[timem:s6], [sflag:s22] =	dma.local [hbm:s4], s20  }
0x9e: {  	_ =	swait.ge [sflag:s22], s20  }
0x9f: {  	s3 =	ssub.s32 $0x0, s20;
	[sflag:s22] =	ssyncset.done $0x0  }
0xa0: {  	[sflag:s22] =	ssyncadd.s32 s3;
	_ =	sdelay $0x1  }
0xa1: {  	s23 =	simm.s32 $0x1B8B  }
0xa2: {  	_ =	swait.ge [sflag:s23], $0x1  }
0xa3: {  	[sflag:s23] =	ssyncset.done $0x0  }
0xa4: {  	s25 =	simm.s32 $0x1B8E;
	s24 =	sld [smem:$0x3FFE];
	[sflag:s23] =	ssyncadd.s32 $0xFFFFFFFF  }
0xa5: {  	s26 =	simm.s32 $execute0_lowered;
	[smem:$0x3FD2] =	sst s25  }
0xa6: {  	s4 =	sshll.u32 s26, $0x1;
	_ =	strace $0x80000046;
	[dreg:$0x1] =	wrdreg $0xFFFFFFFF  }
0xa7: {  	s28 =	simm.s32 $_size_execute0_lowered;
	s2 =	sadd.s32 s2, s4;
	[dreg:$0x0] =	wrdreg $0x0  }
0xa8: {  	s4 =	sshll.u32 s28, $0x1;
	[dreg:$0x2] =	wrdreg s2  }
0xa9: {  	[dreg:$0x3] =	wrdreg s4  }
0xaa: {  	[dreg:$0x4] =	wrdreg $0xC0  }
0xab: {  	_ =	task [dreg:s6], $0x5FFFF  }
0xac: {  	[dreg:$0x1] =	wrdreg $0xFFFFFFFF  }
0xad: {  	[dreg:$0x0] =	wrdreg $0x60  }
0xae: {  	[dreg:$0x2] =	wrdreg s24  }
0xaf: {  	[dreg:$0x3] =	wrdreg $0x88000  }
0xb0: {  	[dreg:$0x4] =	wrdreg $0x9  }
0xb1: {  	_ =	task.clear_ibuf [dreg:s6], $0x5FFFF;
	_ =	strace $0x90000046  }
0xb2: {  	s29 =	simm.s32 $0x9;
	_ =	strace $0x80000048  }
0xb3: {  	_ =	swait.ge [sflag:s29], $0x1  }
0xb4: {  	[sflag:s29] =	ssyncadd.s32 $0xFFFFFFFF  }
0xb5: {  	_ =	strace $0x90000048  }
0xb6: {  	_ =	sfence  }
0xb7: {  	s30 =	sld [smem:$0x0];
	_ =	sdelay $0x2  }
0xb8: {  	s31 =	sshll.u32 s1, $0xD;
	s1 =	sshrl.u32 s1, $0x2  }
0xb9: {  	s3 =	sand.u32 $0x4000, s31;
	s1 =	sadd.s32 s1, s30  }
0xba: {  	s0 =	sor.u32 s3, s0;
	s1 =	sshll.u32 s1, $0x11  }
0xbb: {  	s0 =	sor.u32 s1, s0  }
0xbc: {  	s0 =	sadd.s32 $0x8F2B, s0  }
0xbd: {  	[sflag:s0] =	ssyncadd.remote.s32 $0x1  }
0xbe: {  	_ =	sfence.sel $0xFFFF  }
0xbf: {  	[dreg:$0x0] =	wrdreg $0xFFFFFFFF;
	(pc) =	sbr.abs _section_cstart, $3  }
0xc0: {  	[dreg:$0x1] =	wrdreg $0xFFFFFFFF  }
0xc1: {  	_ =	task.clear_ibuf [dreg:s6], $0x2FFFF;
	_ =	strace $0x9FFFFFFF  }
0xc2: {  	(tm) =	ssettm $0x7FFFFFFF  }
0xc3: {  	_ =	shalt  }
tec
execute0_lowered:
.L_overlay_start_1:
0x0: {  	(tag) =	ssettag $0x1  }
0x1: {  	s5 =	rddreg [dreg:$0x0]  }
0x2: {  	s0 =	srdreg.scid;
	s2 =	rddreg [dreg:$0x1]  }
0x3: {  	s3 =	simm.s32 $0x0;
	s16 =	simm.s32 $0x6800;
	s17 =	simm.s32 $0x1  }
0x4: {  	s18 =	simm.s32 $0x80;
	s4 =	sand.u32 $0x1, s0;
	s0 =	stileid.u32  }
0x5: {  	s19 =	simm.s32 $0x2800;
	[smem:$0x7FF] =	sst s3;
	s7 =	smul.u32 $0x50000, s0  }
0x6: {  	s1 =	sshll.u32 s4, $0x4;
	s8 =	smul.u32 $0x28000, s4;
	s4 =	ssub.s32 $0x2, s4  }
0x7: {  	s21 =	smul.u32 $0x2800, s0;
	s6 =	sor.u32 s0, s1;
	s1 =	rddreg [dreg:$0x2]  }
0x8: {  	_ =	strace $0x80000047;
	s9 =	sshrl.u32 s4, $0x1;
	s6 =	smul.u32 $0x500, s6  }
0x9: {  	s7 =	sshrl.u32 s7, $0x2;
	s8 =	sadd.s32 s8, s5;
	s9 =	ssub.s32 s4, s9  }
0xa: {  	s4 =	sadd.s32 s7, s2;
	s20 =	sadd.s32 $0x14800, s8;
	s6 =	sadd.s32 s6, s5  }
0xb: {  	s7 =	sadd.s32 $0x2000, s4;
	s8 =	sadd.s32 $0x4000, s4;
	s10 =	sadd.s32 $0x8000, s4  }
0xc: {  	s11 =	sadd.s32 $0xA000, s4;
	s12 =	sadd.s32 $0xC000, s4;
	s13 =	sadd.s32 $0xE000, s4  }
0xd: {  	s14 =	sadd.s32 $0x10000, s4;
	s15 =	sadd.s32 $0x12000, s4;
	s20 =	sadd.s32 s21, s20  }
0xe: {  	v0 =	vimm.f32 $1.000000000e+00;
	v1 =	vimm.f32 $0.0e+00;
	s5 =	sadd.s32 $0x800, s6;
	s6 =	smax.u32 s9, $0x1;
	s9 =	sadd.s32 $0x6000, s4  }
.LBB2_1:
0xf: {  	s21 =	simm.s32 $0x0  }
.LBB2_2:
0x10: {  	p0 =	sne.s32 s21, $0xFE00  }
.Ltmp0:
0x11: {  	_ = 	snop;
	(pc) =	sbr.rel @p0 .LBB2_2-.Ltmp0, $3  }
0x12: {  	_ =	sdelay $0x1  }
0x13: {  	s22 =	sshra.s32 s21, $0x2  }
0x14: {  	s21 =	sadd.s32 $0x200, s21;
	[tilespmem:s22+$0x2800] =	vst v0  }
0x15: {  	s21 =	simm.s32 $0x200;
	s22 =	simm.s32 $0x0  }
.LBB2_4:
0x16: {  	p0 =	sne.s32 s21, $0x7E00;
	[tilespmem:s22+$0x6800] =	vst v1;
	s22 =	smov.u32 s21;
	s21 =	sadd.s32 $0x200, s21  }
.Ltmp1:
0x17: {  	(pc) =	sbr.rel @p0 .LBB2_4-.Ltmp1, $2  }
0x18: {  	_ =	sdelay $0x2  }
0x19: {  	s22 =	sshra.s32 s22, $0x2  }
0x1a: {  	[tilespmem:s22+$0x6800] =	vst v1  }
0x1b: {  	[spmem:s4] =	stream.linear.scatter [tilespmem:s16], [sflag:$0x1], $0x2000, $0x38;
	[tilespmem:$0xB000] =	vst v63  }
0x1c: {  	_ =	swait.ge [sflag:s17], $0x2000  }
0x1d: {  	[sflag:s17] =	ssyncset.done $0x0  }
0x1e: {  	[sflag:s17] =	ssyncadd.s32 $0xFFFFE000  }
0x1f: {  	[spmem:s7] =	stream.linear.scatter [tilespmem:s16], [sflag:$0x1], $0x2000, $0x38;
	[tilespmem:$0xB000] =	vst v63  }
0x20: {  	_ =	swait.ge [sflag:s17], $0x2000  }
0x21: {  	[sflag:s17] =	ssyncset.done $0x0  }
0x22: {  	[sflag:s17] =	ssyncadd.s32 $0xFFFFE000  }
0x23: {  	[spmem:s8] =	stream.linear.scatter [tilespmem:s16], [sflag:$0x1], $0x2000, $0x38;
	[tilespmem:$0xB000] =	vst v63  }
0x24: {  	_ =	swait.ge [sflag:s17], $0x2000  }
0x25: {  	[sflag:s17] =	ssyncset.done $0x0  }
0x26: {  	[sflag:s17] =	ssyncadd.s32 $0xFFFFE000  }
0x27: {  	[spmem:s9] =	stream.linear.scatter [tilespmem:s16], [sflag:$0x1], $0x2000, $0x38;
	[tilespmem:$0xB000] =	vst v63  }
0x28: {  	_ =	swait.ge [sflag:s17], $0x2000  }
0x29: {  	[sflag:s17] =	ssyncset.done $0x0  }
0x2a: {  	[sflag:s17] =	ssyncadd.s32 $0xFFFFE000  }
0x2b: {  	[spmem:s10] =	stream.linear.scatter [tilespmem:s16], [sflag:$0x1], $0x2000, $0x38;
	[tilespmem:$0xB000] =	vst v63  }
0x2c: {  	_ =	swait.ge [sflag:s17], $0x2000  }
0x2d: {  	[sflag:s17] =	ssyncset.done $0x0  }
0x2e: {  	[sflag:s17] =	ssyncadd.s32 $0xFFFFE000  }
0x2f: {  	[spmem:s11] =	stream.linear.scatter [tilespmem:s16], [sflag:$0x1], $0x2000, $0x38;
	[tilespmem:$0xB000] =	vst v63  }
0x30: {  	_ =	swait.ge [sflag:s17], $0x2000  }
0x31: {  	[sflag:s17] =	ssyncset.done $0x0  }
0x32: {  	[sflag:s17] =	ssyncadd.s32 $0xFFFFE000  }
0x33: {  	[spmem:s12] =	stream.linear.scatter [tilespmem:s16], [sflag:$0x1], $0x2000, $0x38;
	[tilespmem:$0xB000] =	vst v63  }
0x34: {  	_ =	swait.ge [sflag:s17], $0x2000  }
0x35: {  	[sflag:s17] =	ssyncset.done $0x0  }
0x36: {  	[sflag:s17] =	ssyncadd.s32 $0xFFFFE000  }
0x37: {  	[spmem:s13] =	stream.linear.scatter [tilespmem:s16], [sflag:$0x1], $0x2000, $0x38;
	[tilespmem:$0xB000] =	vst v63  }
0x38: {  	_ =	swait.ge [sflag:s17], $0x2000  }
0x39: {  	[sflag:s17] =	ssyncset.done $0x0  }
0x3a: {  	[sflag:s17] =	ssyncadd.s32 $0xFFFFE000  }
0x3b: {  	[spmem:s14] =	stream.linear.scatter [tilespmem:s16], [sflag:$0x1], $0x2000, $0x38;
	[tilespmem:$0xB000] =	vst v63  }
0x3c: {  	_ =	swait.ge [sflag:s17], $0x2000  }
0x3d: {  	[sflag:s17] =	ssyncset.done $0x0  }
0x3e: {  	[sflag:s17] =	ssyncadd.s32 $0xFFFFE000  }
0x3f: {  	[spmem:s15] =	stream.linear.scatter [tilespmem:s16], [sflag:$0x1], $0x2000, $0x38;
	[tilespmem:$0xB000] =	vst v63  }
0x40: {  	_ =	swait.ge [sflag:s17], $0x2000  }
0x41: {  	[sflag:s17] =	ssyncset.done $0x0  }
0x42: {  	s21 =	simm.s32 $0x0;
	[sflag:s17] =	ssyncadd.s32 $0xFFFFE000  }
0x43: {  	[tilespmem:s21], [sflag:$0x1] =	stream.linear.gather [hbm4b:s5+s21], $0x2800, $0x38;
	[tilespmem:$0xB000] =	vst v63  }
0x44: {  	_ =	swait.ge [sflag:s17], $0x2800  }
0x45: {  	[sflag:s17] =	ssyncset.done $0x0  }
0x46: {  	[sflag:s17] =	ssyncadd.s32 $0xFFFFD800  }
0x47: {  	s31 =	simm.s32 $0x0;
	[bflag:$0x0] =	sbarrier.arrive $0xFFFF  }
0x48: {  	[spmem:s2] =	stream.indirect.scatter.add.f32 [tilespmem:s19], [sflag:$0x1], $0x10, s31, s18, $0xb8;
	[tilespmem:$0xB000] =	vst v63  }
0x49: {  	_ =	swait.ge [sflag:s17], $0x800  }
0x4a: {  	s21 =	simm.s32 $0x200;
	[sflag:s17] =	ssyncset.done $0x0  }
.LBB2_6:
0x4b: {  	s22 =	sshra.s32 s21, $0x2;
	[sflag:s17] =	ssyncadd.s32 $0xFFFFF800;
	p0 =	sne.s32 s21, $0x9E00  }
0x4c: {  	[spmem:s2] =	stream.indirect.scatter.add.f32 [tilespmem:s19], [sflag:$0x1], $0x10, s22, s18, $0xb8;
	[tilespmem:$0xB000] =	vst v63  }
.Ltmp2:
0x4d: {  	_ = 	snop;
	(pc) =	sbr.rel @p0 .LBB2_6-.Ltmp2, $4  }
0x4e: {  	_ = 	snop  }
0x4f: {  	s21 =	sadd.s32 $0x200, s21  }
0x50: {  	_ =	swait.ge [sflag:s17], $0x800  }
0x51: {  	[sflag:s17] =	ssyncset.done $0x0  }
0x52: {  	[sflag:s17] =	ssyncadd.s32 $0xFFFFF800;
	s3 =	sadd.s32 $0x1, s3  }
0x53: {  	s21 =	sshll.u32 s0, $0x6;
	s22 =	sshrl.u32 s4, $0x3;
	p0 =	sne.s32 s3, s6  }
.Ltmp3:
0x54: {  	[bflag:$0x0] =	sbarrier.arrive $0xFFFF;
	s21 =	sor.u32 $0x1C01, s21;
	(pc) =	sbr.rel @p0 .LBB2_1-.Ltmp3, $4  }
0x55: {  	[hbm:s20], [sflag:s21] =	dma.local [spmem:s22], $0x2800  }
0x56: {  	_ =	swait.ge [sflag:s17], $0x2800  }
0x57: {  	[sflag:s17] =	ssyncset.done $0x0  }
0x58: {  	[sflag:s17] =	ssyncadd.s32 $0xFFFFD800  }
0x59: {  	_ =	sfence.sel $0x180000  }
0x5a: {  	[bflag:$0x0] =	sbarrier.arrive $0xFFFF  }
0x5b: {  	p0 =	sne.s32 s0, $0x0;
	_ =	strace $0x90000047  }
0x5c: {  	s0 =	sadd.s32 @!p0 $0x100000, s1;
	[bflag:$0x2] =	sbarrier.arrive $0xFFFF  }
0x5d: {  	[sflag:s0] =	ssyncadd.tile.s32 @!p0 $0x1;
	_ =	shalt  }
.Lfunc_end2:
_tile_overlayer_lowered:
.L_overlay_start_2:
0x5e: {  	(tag) =	ssettag $0x2  }
0x5f: {  	s0 =	rddreg [dreg:$0x0];
	s2 =	stileid.u32  }
0x60: {  	s1 =	rddreg [dreg:$0x1];
	p0 =	sne.s32 s2, $0x0  }
0x61: {  	s3 =	rddreg [dreg:$0x2];
	[bflag:$0x3] =	sbarrier.arrive $0xFFFF;
	s2 =	simm.s32 @!p0 $0x1C01  }
0x62: {  	[timem:s3], [sflag:s2] =	dma.local @!p0 [hbm:s0], s1  }
0x63: {  	s0 =	simm.s32 @!p0 $0x1  }
0x64: {  	_ =	swait.ge @!p0 [sflag:s0], s1  }
0x65: {  	s1 =	ssub.s32 @!p0 $0x0, s1;
	[sflag:s0] =	ssyncset.done @!p0 $0x0  }
0x66: {  	[sflag:s0] =	ssyncadd.s32 @!p0 s1  }
0x67: {  	[bflag:$0x3] =	sbarrier.arrive $0xFFFF  }
0x68: {  	_ =	shalt  }

</sc_bundles>
